<compile_context>
chip_gen: v7x
topology: tpu7x:2x2x1
jax: 0.10.2.dev20260603
libtpu: 0.0.44.dev20260713+nightly
codegen_flags: <defaults>
</compile_context>

<pallas_src>
import functools

import jax
import jax.numpy as jnp
from jax import lax
from jax.experimental import pallas as pl
from jax.experimental.pallas import tpu as pltpu
from jax.experimental.pallas import tpu_sc as plsc

N = 10000
E = 320000
F = 128
NW = 32
CB = 100
DEG_N = 10240
DNCH = E // NW // CB

FH = F // 2
CC = 200
CHG = 10
GEDG = CC * CHG
NGRP = E // 16 // GEDG
NP = 10240
RPT = NP // 16

_mesh = plsc.VectorSubcoreMesh(core_axis_name="c", subcore_axis_name="s")


@functools.partial(
    pl.kernel,
    mesh=_mesh,
    out_type=jax.ShapeDtypeStruct((2, DEG_N), jnp.float32),
    compiler_params=pltpu.CompilerParams(use_tc_tiling_on_sc=False),
    scratch_types=[
        pltpu.VMEM((DNCH, CB), jnp.int32),
        pltpu.VMEM((128,), jnp.float32),
        pltpu.VMEM((DEG_N // 16,), jnp.float32),
        pltpu.VMEM_SHARED((DEG_N,), jnp.float32),
    ],
)
def _deg_kernel(dst_hbm, out_hbm, idx_v, ones_v, zero_v, acc_sh):
    c = lax.axis_index("c")
    s = lax.axis_index("s")
    w = NW + s * 2 + c
    for k in range(8):
        ones_v[pl.ds(k * 16, 16)] = jnp.ones((16,), jnp.float32)
    for k in range(DEG_N // 256):
        zero_v[pl.ds(k * 16, 16)] = jnp.zeros((16,), jnp.float32)
    pltpu.sync_copy(zero_v, acc_sh.at[pl.ds(s * (DEG_N // 16), DEG_N // 16)])
    plsc.subcore_barrier()
    pltpu.sync_copy(dst_hbm.at[w], idx_v)

    def chunk(j, carry):
        pltpu.sync_copy(ones_v.at[pl.ds(0, CB)], acc_sh.at[idx_v.at[j]],
                        add=True)
        return carry

    lax.fori_loop(0, DNCH, chunk, 0)
    plsc.subcore_barrier()
    pltpu.sync_copy(acc_sh.at[pl.ds(s * (DEG_N // 16), DEG_N // 16)],
                    out_hbm.at[c, pl.ds(s * (DEG_N // 16), DEG_N // 16)])


@functools.partial(
    pl.kernel,
    mesh=_mesh,
    out_type=jax.ShapeDtypeStruct((2, NP, FH), jnp.float32),
    compiler_params=pltpu.CompilerParams(use_tc_tiling_on_sc=False),
    scratch_types=[
        pltpu.VMEM((GEDG,), jnp.int32),
        pltpu.VMEM((GEDG,), jnp.int32),
        pltpu.VMEM((GEDG,), jnp.int32),
        pltpu.VMEM((GEDG,), jnp.int32),
        pltpu.VMEM((CC, FH), jnp.float32),
        pltpu.VMEM((CC, FH), jnp.float32),
        pltpu.VMEM_SHARED((NP, FH), jnp.float32),
        pltpu.SemaphoreType.DMA,
        pltpu.SemaphoreType.DMA,
        pltpu.SemaphoreType.DMA,
        pltpu.SemaphoreType.DMA,
    ],
)
def _msg_kernel(hs_hbm, ei_hbm, out_hbm,
                src_a, dst_a, src_b, dst_b, rows0, rows1, acc_sh,
                sem0, sem1, sem_ia, sem_ib):
    c = lax.axis_index("c")
    s = lax.axis_index("s")
    hs_c = hs_hbm.at[c]

    def zrow(i, carry):
        for k in range(FH // 16):
            rows0[i, pl.ds(k * 16, 16)] = jnp.zeros((16,), jnp.float32)
        return carry

    lax.fori_loop(0, CC, zrow, 0)
    for k in range(RPT // CC):
        pltpu.sync_copy(rows0, acc_sh.at[pl.ds(s * RPT + k * CC, CC)])
    pltpu.sync_copy(rows0.at[pl.ds(0, RPT % CC)],
                    acc_sh.at[pl.ds(s * RPT + (RPT // CC) * CC, RPT % CC)])
    plsc.subcore_barrier()

    bufs = (rows0, rows1)
    sems = (sem0, sem1)

    def run_group(sv, dv):
        pltpu.async_copy(hs_c.at[sv.at[pl.ds(0, CC)]], rows0, sem0)
        for j in range(CHG):
            if j + 1 < CHG:
                pltpu.async_copy(hs_c.at[sv.at[pl.ds((j + 1) * CC, CC)]],
                                 bufs[(j + 1) % 2], sems[(j + 1) % 2])
            pltpu.make_async_copy(hs_c.at[sv.at[pl.ds(j * CC, CC)]],
                                  bufs[j % 2], sems[j % 2]).wait()
            pltpu.sync_copy(bufs[j % 2],
                            acc_sh.at[dv.at[pl.ds(j * CC, CC)]], add=True)

    def idx_fetch(g, sb, db, sem):
        base = (s * NGRP + g) * GEDG
        pltpu.async_copy(ei_hbm.at[pl.ds(base, GEDG)], sb, sem)
        pltpu.async_copy(ei_hbm.at[pl.ds(E + base, GEDG)], db, sem)

    def idx_wait(g, sb, db, sem):
        base = (s * NGRP + g) * GEDG
        pltpu.make_async_copy(ei_hbm.at[pl.ds(base, GEDG)], sb, sem).wait()
        pltpu.make_async_copy(ei_hbm.at[pl.ds(E + base, GEDG)], db,
                              sem).wait()

    idx_fetch(0, src_a, dst_a, sem_ia)

    def pair(i, carry):
        g = 2 * i
        idx_wait(g, src_a, dst_a, sem_ia)
        idx_fetch(g + 1, src_b, dst_b, sem_ib)
        run_group(src_a, dst_a)
        idx_wait(g + 1, src_b, dst_b, sem_ib)

        @pl.when(g + 2 < NGRP)
        def _():
            idx_fetch(g + 2, src_a, dst_a, sem_ia)

        run_group(src_b, dst_b)
        return carry

    lax.fori_loop(0, NGRP // 2, pair, 0)
    plsc.subcore_barrier()
    pltpu.sync_copy(acc_sh.at[pl.ds(s * RPT, RPT)],
                    out_hbm.at[c, pl.ds(s * RPT, RPT)])


RB = 2000
NRB = N // RB


def _mm1_body(x_ref, w_ref, b_ref, d_ref, o_ref):
    h = jnp.dot(x_ref[...], w_ref[...], preferred_element_type=jnp.float32)
    h = h + b_ref[...]
    o_ref[0] = h[:, :FH] * d_ref[...]
    o_ref[1] = h[:, FH:] * d_ref[...]


def _relu_halves(p_ref, hs_ref, d_ref):
    tl = jnp.maximum((p_ref[0] + hs_ref[0]) * d_ref[...], 0.0)
    th = jnp.maximum((p_ref[1] + hs_ref[1]) * d_ref[...], 0.0)
    return tl, th


def _mm2_body(p_ref, hs_ref, d_ref, w_ref, b_ref, o_ref):
    tl, th = _relu_halves(p_ref, hs_ref, d_ref)
    h = jnp.dot(tl, w_ref[:FH], preferred_element_type=jnp.float32)
    h = h + jnp.dot(th, w_ref[FH:], preferred_element_type=jnp.float32)
    h = h + b_ref[...]
    o_ref[0] = h[:, :FH] * d_ref[...]
    o_ref[1] = h[:, FH:] * d_ref[...]


def _finlog_body(p_ref, hs_ref, d_ref, wh_ref, bh_ref, o_ref):
    tl, th = _relu_halves(p_ref, hs_ref, d_ref)
    logits = jnp.dot(tl, wh_ref[:FH], preferred_element_type=jnp.float32)
    logits = logits + jnp.dot(th, wh_ref[FH:],
                              preferred_element_type=jnp.float32)
    o_ref[...] = logits + bh_ref[...]


def _smax_body(l_ref, o_ref):
    logits = l_ref[...]
    m = jnp.max(logits)
    e = jnp.exp(logits - m)
    o_ref[...] = e / jnp.sum(e)


def kernel(x, ei, W1, b1, W2, b2, Wh, bh):
    ei_msg = ei.astype(jnp.int32).reshape(2 * E)
    ei_deg = ei_msg.reshape(2 * NW, DNCH, CB)

    degp = _deg_kernel(ei_deg)
    deg = degp[0, :N] + degp[1, :N] + 1.0
    dinvb = jnp.broadcast_to(lax.rsqrt(deg)[:, None], (N, FH))

    full = lambda shape: pl.BlockSpec(shape, lambda i: (0,) * len(shape))
    rows2 = pl.BlockSpec((RB, F), lambda i: (i, 0))
    rows_h = pl.BlockSpec((RB, FH), lambda i: (i, 0))
    rows3 = pl.BlockSpec((2, RB, FH), lambda i: (0, i, 0))

    hs1 = pl.pallas_call(
        _mm1_body,
        grid=(NRB,),
        in_specs=[rows2, full((F, F)), full((1, F)), rows_h],
        out_specs=rows3,
        out_shape=jax.ShapeDtypeStruct((2, N, FH), jnp.float32),
    )(x, W1, b1.reshape(1, F), dinvb)

    p1 = _msg_kernel(hs1, ei_msg)

    hs2 = pl.pallas_call(
        _mm2_body,
        grid=(NRB,),
        in_specs=[rows3, rows3, rows_h, full((F, F)), full((1, F))],
        out_specs=rows3,
        out_shape=jax.ShapeDtypeStruct((2, N, FH), jnp.float32),
    )(p1, hs1, dinvb, W2, b2.reshape(1, F))

    p2 = _msg_kernel(hs2, ei_msg)

    logits = pl.pallas_call(
        _finlog_body,
        grid=(NRB,),
        in_specs=[rows3, rows3, rows_h, full((F, 1)), full((1, 1))],
        out_specs=pl.BlockSpec((RB, 1), lambda i: (i, 0)),
        out_shape=jax.ShapeDtypeStruct((N, 1), jnp.float32),
    )(p2, hs2, dinvb, Wh, bh.reshape(1, 1))

    w = pl.pallas_call(
        _smax_body,
        out_shape=jax.ShapeDtypeStruct((N, 1), jnp.float32),
    )(logits)

    return w[:, 0]

# --- scband reference (transcript-rebuilt; emitter-appended) ---
"""Pipeline reference for scband-portfolio-gnn-67095979098791 (READ-ONLY COPY).

The authoritative reference and input builder live on the scoring server;
editing this copy changes nothing except your own understanding.
"""

import jax, jax.numpy as jnp
import numpy as np

N_NODES = 10000
N_EDGES = 320000
N_FEAT = 128
HIDDEN = 128


def setup_inputs(seed: int = 0) -> dict:
    key = jax.random.key(seed)
    ks = jax.random.split(key, 8)
    x = jax.random.normal(ks[0], (N_NODES, N_FEAT), dtype=jnp.float32)
    ei = jax.random.randint(ks[1], (2, N_EDGES), 0, N_NODES, dtype=jnp.int64)
    W1 = jax.random.normal(ks[2], (N_FEAT, HIDDEN), dtype=jnp.float32) * (1.0 / np.sqrt(N_FEAT))
    b1 = jnp.zeros((HIDDEN,), dtype=jnp.float32)
    W2 = jax.random.normal(ks[3], (HIDDEN, HIDDEN), dtype=jnp.float32) * (1.0 / np.sqrt(HIDDEN))
    b2 = jnp.zeros((HIDDEN,), dtype=jnp.float32)
    Wh = jax.random.normal(ks[4], (HIDDEN, 1), dtype=jnp.float32) * (1.0 / np.sqrt(HIDDEN))
    bh = jnp.zeros((1,), dtype=jnp.float32)
    return {"x": x, "ei": ei, "W1": W1, "b1": b1, "W2": W2, "b2": b2, "Wh": Wh, "bh": bh}


def _gcn_forward(h, ei, n):
    src, dst = ei[0], ei[1]
    loop = jnp.arange(n, dtype=ei.dtype)
    sa = jnp.concatenate([src, loop])
    da = jnp.concatenate([dst, loop])
    deg = jnp.zeros((n,), dtype=jnp.float32).at[da].add(1.0)
    norm = (deg[sa] * deg[da]) ** -0.5
    norm = jnp.where(jnp.isinf(norm), 0.0, norm)
    msg = h[sa] * norm[:, None]
    out = jnp.zeros((n, h.shape[1]), dtype=h.dtype).at[da].add(msg)
    return out


def reference(x, ei, W1, b1, W2, b2, Wh, bh):
    n = x.shape[0]
    h = jax.nn.relu(_gcn_forward(x @ W1 + b1, ei, n))
    h = jax.nn.relu(_gcn_forward(h @ W2 + b2, ei, n))
    logits = (h @ Wh + bh)[:, 0]
    weights = jax.nn.softmax(logits, axis=0)
    return weights

if __name__ == "__main__":
    import jax
    _d = setup_inputs()
    print(jax.jit(kernel)(*tuple(_d.values())))

</pallas_src>

<mosaic_0001>
#map = affine_map<(d0, d1) -> (0, 0, 0)>
#map1 = affine_map<(d0, d1) -> (0)>
module attributes {stable_mosaic.version = 14 : i64} {
  func.func @_msg_kernel(%arg0: i32, %arg1: i32, %arg2: memref<2x10000x64xf32, #tpu.memory_space<hbm>>, %arg3: memref<640000xi32, #tpu.memory_space<hbm>>, %arg4: memref<2x10240x64xf32, #tpu.memory_space<hbm>>, %arg5: memref<2000xi32, #tpu.memory_space<vmem>>, %arg6: memref<2000xi32, #tpu.memory_space<vmem>>, %arg7: memref<2000xi32, #tpu.memory_space<vmem>>, %arg8: memref<2000xi32, #tpu.memory_space<vmem>>, %arg9: memref<200x64xf32, #tpu.memory_space<vmem>>, %arg10: memref<200x64xf32, #tpu.memory_space<vmem>>, %arg11: memref<10240x64xf32, #tpu.memory_space<vmem_shared>>, %arg12: memref<!tpu.dma_semaphore, #tpu.memory_space<semaphore_mem>>, %arg13: memref<!tpu.dma_semaphore, #tpu.memory_space<semaphore_mem>>, %arg14: memref<!tpu.dma_semaphore, #tpu.memory_space<semaphore_mem>>, %arg15: memref<!tpu.dma_semaphore, #tpu.memory_space<semaphore_mem>>) attributes {dimension_semantics = [#tpu.dimension_semantics<core_parallel>, #tpu.dimension_semantics<subcore_parallel>], iteration_bounds = array<i64: 2, 16>, scalar_prefetch = 0 : i64, scratch_operands = 11 : i64, tpu.core_type = #tpu.core_type<sc_vector_subcore>, window_params = [{transform_indices = #map}, {transform_indices = #map1}, {transform_indices = #map}]} {
    %scan3A = arith.constant 0 : i32
    %scan3A_0 = arith.constant 0 : i32
    %scan3A_1 = arith.constant 200 : i32
    %scan3A_2 = arith.addi %scan3A_0, %scan3A_1 : i32
    %scan3A_3 = arith.constant 1 : i32
    scf.for %scan3A_41 = %scan3A_0 to %scan3A_2 step %scan3A_3  : i32 {
      %broadcast_in_dim3A = arith.constant 0.000000e+00 : f32
      %broadcast_in_dim3A_42 = vector.broadcast %broadcast_in_dim3A : f32 to vector<16xf32>
      %swap3A = arith.index_cast %scan3A_41 : i32 to index
      %swap3A_43 = arith.constant 0 : index
      %swap3A_44 = tpu.vector_load %arg9[%swap3A, %swap3A_43] {strides = array<i32>} : memref<200x64xf32, #tpu.memory_space<vmem>>, vector<1x16xf32>,
      %swap3A_45 = vector.shape_cast %swap3A_44 : vector<1x16xf32> to vector<16xf32>
      %swap3A_46 = vector.shape_cast %broadcast_in_dim3A_42 : vector<16xf32> to vector<1x16xf32>
      tpu.vector_store %arg9[%swap3A, %swap3A_43], %swap3A_46 {strides = array<i32>} : memref<200x64xf32, #tpu.memory_space<vmem>>, vector<1x16xf32>,
      %broadcast_in_dim3A_47 = arith.constant 0.000000e+00 : f32
      %broadcast_in_dim3A_48 = vector.broadcast %broadcast_in_dim3A_47 : f32 to vector<16xf32>
      %swap3A_49 = arith.index_cast %scan3A_41 : i32 to index
      %swap3A_50 = arith.constant 16 : index
      %swap3A_51 = tpu.vector_load %arg9[%swap3A_49, %swap3A_50] {strides = array<i32>} : memref<200x64xf32, #tpu.memory_space<vmem>>, vector<1x16xf32>,
      %swap3A_52 = vector.shape_cast %swap3A_51 : vector<1x16xf32> to vector<16xf32>
      %swap3A_53 = vector.shape_cast %broadcast_in_dim3A_48 : vector<16xf32> to vector<1x16xf32>
      tpu.vector_store %arg9[%swap3A_49, %swap3A_50], %swap3A_53 {strides = array<i32>} : memref<200x64xf32, #tpu.memory_space<vmem>>, vector<1x16xf32>,
      %broadcast_in_dim3A_54 = arith.constant 0.000000e+00 : f32
      %broadcast_in_dim3A_55 = vector.broadcast %broadcast_in_dim3A_54 : f32 to vector<16xf32>
      %swap3A_56 = arith.index_cast %scan3A_41 : i32 to index
      %swap3A_57 = arith.constant 32 : index
      %swap3A_58 = tpu.vector_load %arg9[%swap3A_56, %swap3A_57] {strides = array<i32>} : memref<200x64xf32, #tpu.memory_space<vmem>>, vector<1x16xf32>,
      %swap3A_59 = vector.shape_cast %swap3A_58 : vector<1x16xf32> to vector<16xf32>
      %swap3A_60 = vector.shape_cast %broadcast_in_dim3A_55 : vector<16xf32> to vector<1x16xf32>
      tpu.vector_store %arg9[%swap3A_56, %swap3A_57], %swap3A_60 {strides = array<i32>} : memref<200x64xf32, #tpu.memory_space<vmem>>, vector<1x16xf32>,
      %broadcast_in_dim3A_61 = arith.constant 0.000000e+00 : f32
      %broadcast_in_dim3A_62 = vector.broadcast %broadcast_in_dim3A_61 : f32 to vector<16xf32>
      %swap3A_63 = arith.index_cast %scan3A_41 : i32 to index
      %swap3A_64 = arith.constant 48 : index
      %swap3A_65 = tpu.vector_load %arg9[%swap3A_63, %swap3A_64] {strides = array<i32>} : memref<200x64xf32, #tpu.memory_space<vmem>>, vector<1x16xf32>,
      %swap3A_66 = vector.shape_cast %swap3A_65 : vector<1x16xf32> to vector<16xf32>
      %swap3A_67 = vector.shape_cast %broadcast_in_dim3A_62 : vector<16xf32> to vector<1x16xf32>
      tpu.vector_store %arg9[%swap3A_63, %swap3A_64], %swap3A_67 {strides = array<i32>} : memref<200x64xf32, #tpu.memory_space<vmem>>, vector<1x16xf32>,
    }
    %scan3A_4 = arith.constant 200 : i32
    %mul3A = arith.constant 640 : i32
    %mul3A_5 = arith.muli %arg1, %mul3A : i32
    %add3A = arith.constant 0 : i32
    %add3A_6 = arith.addi %mul3A_5, %add3A : i32
    "tpu.region"() ({
      %run_scoped3A = tpu.sem_alloc : memref<!tpu.dma_semaphore, #tpu.memory_space<semaphore_mem>>
      %dma_start3A_41 = arith.constant 0 : i32
      %dma_start3A_42 = tpu.memref_slice %arg11[%add3A_6, %dma_start3A_41] : memref<10240x64xf32, #tpu.memory_space<vmem_shared>> -> memref<200x64xf32, #tpu.memory_space<vmem_shared>>
      %dma_start3A_43 = arith.constant 0 : i32
      %dma_start3A_44 = tpu.memref_slice %arg11[%add3A_6, %dma_start3A_43] : memref<10240x64xf32, #tpu.memory_space<vmem_shared>> -> memref<200x64xf32, #tpu.memory_space<vmem_shared>>
      tpu.enqueue_dma source(%arg9 : memref<200x64xf32, #tpu.memory_space<vmem>>) target(%dma_start3A_44 : memref<200x64xf32, #tpu.memory_space<vmem_shared>>) target_semaphore(%run_scoped3A : memref<!tpu.dma_semaphore, #tpu.memory_space<semaphore_mem>>)
      %dma_wait3A = arith.constant 0 : i32
      %dma_wait3A_45 = tpu.memref_slice %arg11[%add3A_6, %dma_wait3A] : memref<10240x64xf32, #tpu.memory_space<vmem_shared>> -> memref<200x64xf32, #tpu.memory_space<vmem_shared>>
      %dma_wait3A_46 = arith.constant 0 : i32
      %dma_wait3A_47 = tpu.memref_slice %arg11[%add3A_6, %dma_wait3A_46] : memref<10240x64xf32, #tpu.memory_space<vmem_shared>> -> memref<200x64xf32, #tpu.memory_space<vmem_shared>>
      tpu.wait_dma2 semaphore(%run_scoped3A : memref<!tpu.dma_semaphore, #tpu.memory_space<semaphore_mem>>) src(%arg9 : memref<200x64xf32, #tpu.memory_space<vmem>>) dst(%dma_wait3A_47 : memref<200x64xf32, #tpu.memory_space<vmem_shared>>)
      tpu.yield
    }) : () -> ()
    %mul3A_7 = arith.constant 640 : i32
    %mul3A_8 = arith.muli %arg1, %mul3A_7 : i32
    %add3A_9 = arith.constant 200 : i32
    %add3A_10 = arith.addi %mul3A_8, %add3A_9 : i32
    "tpu.region"() ({
      %run_scoped3A = tpu.sem_alloc : memref<!tpu.dma_semaphore, #tpu.memory_space<semaphore_mem>>
      %dma_start3A_41 = arith.constant 0 : i32
      %dma_start3A_42 = tpu.memref_slice %arg11[%add3A_10, %dma_start3A_41] : memref<10240x64xf32, #tpu.memory_space<vmem_shared>> -> memref<200x64xf32, #tpu.memory_space<vmem_shared>>
      %dma_start3A_43 = arith.constant 0 : i32
      %dma_start3A_44 = tpu.memref_slice %arg11[%add3A_10, %dma_start3A_43] : memref<10240x64xf32, #tpu.memory_space<vmem_shared>> -> memref<200x64xf32, #tpu.memory_space<vmem_shared>>
      tpu.enqueue_dma source(%arg9 : memref<200x64xf32, #tpu.memory_space<vmem>>) target(%dma_start3A_44 : memref<200x64xf32, #tpu.memory_space<vmem_shared>>) target_semaphore(%run_scoped3A : memref<!tpu.dma_semaphore, #tpu.memory_space<semaphore_mem>>)
      %dma_wait3A = arith.constant 0 : i32
      %dma_wait3A_45 = tpu.memref_slice %arg11[%add3A_10, %dma_wait3A] : memref<10240x64xf32, #tpu.memory_space<vmem_shared>> -> memref<200x64xf32, #tpu.memory_space<vmem_shared>>
      %dma_wait3A_46 = arith.constant 0 : i32
      %dma_wait3A_47 = tpu.memref_slice %arg11[%add3A_10, %dma_wait3A_46] : memref<10240x64xf32, #tpu.memory_space<vmem_shared>> -> memref<200x64xf32, #tpu.memory_space<vmem_shared>>
      tpu.wait_dma2 semaphore(%run_scoped3A : memref<!tpu.dma_semaphore, #tpu.memory_space<semaphore_mem>>) src(%arg9 : memref<200x64xf32, #tpu.memory_space<vmem>>) dst(%dma_wait3A_47 : memref<200x64xf32, #tpu.memory_space<vmem_shared>>)
      tpu.yield
    }) : () -> ()
    %mul3A_11 = arith.constant 640 : i32
    %mul3A_12 = arith.muli %arg1, %mul3A_11 : i32
    %add3A_13 = arith.constant 400 : i32
    %add3A_14 = arith.addi %mul3A_12, %add3A_13 : i32
    "tpu.region"() ({
      %run_scoped3A = tpu.sem_alloc : memref<!tpu.dma_semaphore, #tpu.memory_space<semaphore_mem>>
      %dma_start3A_41 = arith.constant 0 : i32
      %dma_start3A_42 = tpu.memref_slice %arg11[%add3A_14, %dma_start3A_41] : memref<10240x64xf32, #tpu.memory_space<vmem_shared>> -> memref<200x64xf32, #tpu.memory_space<vmem_shared>>
      %dma_start3A_43 = arith.constant 0 : i32
      %dma_start3A_44 = tpu.memref_slice %arg11[%add3A_14, %dma_start3A_43] : memref<10240x64xf32, #tpu.memory_space<vmem_shared>> -> memref<200x64xf32, #tpu.memory_space<vmem_shared>>
      tpu.enqueue_dma source(%arg9 : memref<200x64xf32, #tpu.memory_space<vmem>>) target(%dma_start3A_44 : memref<200x64xf32, #tpu.memory_space<vmem_shared>>) target_semaphore(%run_scoped3A : memref<!tpu.dma_semaphore, #tpu.memory_space<semaphore_mem>>)
      %dma_wait3A = arith.constant 0 : i32
      %dma_wait3A_45 = tpu.memref_slice %arg11[%add3A_14, %dma_wait3A] : memref<10240x64xf32, #tpu.memory_space<vmem_shared>> -> memref<200x64xf32, #tpu.memory_space<vmem_shared>>
      %dma_wait3A_46 = arith.constant 0 : i32
      %dma_wait3A_47 = tpu.memref_slice %arg11[%add3A_14, %dma_wait3A_46] : memref<10240x64xf32, #tpu.memory_space<vmem_shared>> -> memref<200x64xf32, #tpu.memory_space<vmem_shared>>
      tpu.wait_dma2 semaphore(%run_scoped3A : memref<!tpu.dma_semaphore, #tpu.memory_space<semaphore_mem>>) src(%arg9 : memref<200x64xf32, #tpu.memory_space<vmem>>) dst(%dma_wait3A_47 : memref<200x64xf32, #tpu.memory_space<vmem_shared>>)
      tpu.yield
    }) : () -> ()
    %mul3A_15 = arith.constant 640 : i32
    %mul3A_16 = arith.muli %arg1, %mul3A_15 : i32
    %add3A_17 = arith.constant 600 : i32
    %add3A_18 = arith.addi %mul3A_16, %add3A_17 : i32
    "tpu.region"() ({
      %run_scoped3A = tpu.sem_alloc : memref<!tpu.dma_semaphore, #tpu.memory_space<semaphore_mem>>
      %dma_start3A_41 = arith.constant 0 : i32
      %dma_start3A_42 = arith.constant 0 : i32
      %dma_start3A_43 = tpu.memref_slice %arg9[%dma_start3A_41, %dma_start3A_42] : memref<200x64xf32, #tpu.memory_space<vmem>> -> memref<40x64xf32, #tpu.memory_space<vmem>>
      %dma_start3A_44 = arith.constant 0 : i32
      %dma_start3A_45 = tpu.memref_slice %arg11[%add3A_18, %dma_start3A_44] : memref<10240x64xf32, #tpu.memory_space<vmem_shared>> -> memref<40x64xf32, #tpu.memory_space<vmem_shared>>
      %dma_start3A_46 = arith.constant 0 : i32
      %dma_start3A_47 = tpu.memref_slice %arg11[%add3A_18, %dma_start3A_46] : memref<10240x64xf32, #tpu.memory_space<vmem_shared>> -> memref<40x64xf32, #tpu.memory_space<vmem_shared>>
      %dma_start3A_48 = arith.constant 0 : i32
      %dma_start3A_49 = arith.constant 0 : i32
      %dma_start3A_50 = tpu.memref_slice %arg9[%dma_start3A_48, %dma_start3A_49] : memref<200x64xf32, #tpu.memory_space<vmem>> -> memref<40x64xf32, #tpu.memory_space<vmem>>
      tpu.enqueue_dma source(%dma_start3A_50 : memref<40x64xf32, #tpu.memory_space<vmem>>) target(%dma_start3A_47 : memref<40x64xf32, #tpu.memory_space<vmem_shared>>) target_semaphore(%run_scoped3A : memref<!tpu.dma_semaphore, #tpu.memory_space<semaphore_mem>>)
      %dma_wait3A = arith.constant 0 : i32
      %dma_wait3A_51 = arith.constant 0 : i32
      %dma_wait3A_52 = tpu.memref_slice %arg9[%dma_wait3A, %dma_wait3A_51] : memref<200x64xf32, #tpu.memory_space<vmem>> -> memref<40x64xf32, #tpu.memory_space<vmem>>
      %dma_wait3A_53 = arith.constant 0 : i32
      %dma_wait3A_54 = tpu.memref_slice %arg11[%add3A_18, %dma_wait3A_53] : memref<10240x64xf32, #tpu.memory_space<vmem_shared>> -> memref<40x64xf32, #tpu.memory_space<vmem_shared>>
      %dma_wait3A_55 = arith.constant 0 : i32
      %dma_wait3A_56 = tpu.memref_slice %arg11[%add3A_18, %dma_wait3A_55] : memref<10240x64xf32, #tpu.memory_space<vmem_shared>> -> memref<40x64xf32, #tpu.memory_space<vmem_shared>>
      %dma_wait3A_57 = arith.constant 0 : i32
      %dma_wait3A_58 = arith.constant 0 : i32
      %dma_wait3A_59 = tpu.memref_slice %arg9[%dma_wait3A_57, %dma_wait3A_58] : memref<200x64xf32, #tpu.memory_space<vmem>> -> memref<40x64xf32, #tpu.memory_space<vmem>>
      tpu.wait_dma2 semaphore(%run_scoped3A : memref<!tpu.dma_semaphore, #tpu.memory_space<semaphore_mem>>) src(%dma_wait3A_59 : memref<40x64xf32, #tpu.memory_space<vmem>>) dst(%dma_wait3A_56 : memref<40x64xf32, #tpu.memory_space<vmem_shared>>)
      tpu.yield
    }) : () -> ()
    %barrier3A = arith.constant 0 : index
    tpu.barrier barrier_id(%barrier3A)
    %mul3A_19 = arith.constant 10 : i32
    %mul3A_20 = arith.muli %arg1, %mul3A_19 : i32
    %add3A_21 = arith.constant 0 : i32
    %add3A_22 = arith.addi %mul3A_20, %add3A_21 : i32
    %mul3A_23 = arith.constant 2000 : i32
    %mul3A_24 = arith.muli %add3A_22, %mul3A_23 : i32
    %dma_start3A = tpu.memref_slice %arg3[%mul3A_24] : memref<640000xi32, #tpu.memory_space<hbm>> -> memref<2000xi32, #tpu.memory_space<hbm>>
    %dma_start3A_25 = tpu.memref_slice %arg3[%mul3A_24] : memref<640000xi32, #tpu.memory_space<hbm>> -> memref<2000xi32, #tpu.memory_space<hbm>>
    tpu.enqueue_dma source(%dma_start3A_25 : memref<2000xi32, #tpu.memory_space<hbm>>) target(%arg5 : memref<2000xi32, #tpu.memory_space<vmem>>) target_semaphore(%arg14 : memref<!tpu.dma_semaphore, #tpu.memory_space<semaphore_mem>>)
    %add3A_26 = arith.constant 320000 : i32
    %add3A_27 = arith.addi %add3A_26, %mul3A_24 : i32
    %dma_start3A_28 = tpu.memref_slice %arg3[%add3A_27] : memref<640000xi32, #tpu.memory_space<hbm>> -> memref<2000xi32, #tpu.memory_space<hbm>>
    %dma_start3A_29 = tpu.memref_slice %arg3[%add3A_27] : memref<640000xi32, #tpu.memory_space<hbm>> -> memref<2000xi32, #tpu.memory_space<hbm>>
    tpu.enqueue_dma source(%dma_start3A_29 : memref<2000xi32, #tpu.memory_space<hbm>>) target(%arg6 : memref<2000xi32, #tpu.memory_space<vmem>>) target_semaphore(%arg14 : memref<!tpu.dma_semaphore, #tpu.memory_space<semaphore_mem>>)
    %scan3A_30 = arith.constant 0 : i32
    %scan3A_31 = arith.constant 0 : i32
    %scan3A_32 = arith.constant 5 : i32
    %scan3A_33 = arith.addi %scan3A_31, %scan3A_32 : i32
    %scan3A_34 = arith.constant 1 : i32
    scf.for %scan3A_41 = %scan3A_31 to %scan3A_33 step %scan3A_34  : i32 {
      %mul3A_42 = arith.constant 2 : i32
      %mul3A_43 = arith.muli %mul3A_42, %scan3A_41 : i32
      %mul3A_44 = arith.constant 10 : i32
      %mul3A_45 = arith.muli %arg1, %mul3A_44 : i32
      %add3A_46 = arith.addi %mul3A_45, %mul3A_43 : i32
      %mul3A_47 = arith.constant 2000 : i32
      %mul3A_48 = arith.muli %add3A_46, %mul3A_47 : i32
      %dma_wait3A = tpu.memref_slice %arg3[%mul3A_48] : memref<640000xi32, #tpu.memory_space<hbm>> -> memref<2000xi32, #tpu.memory_space<hbm>>
      %dma_wait3A_49 = tpu.memref_slice %arg3[%mul3A_48] : memref<640000xi32, #tpu.memory_space<hbm>> -> memref<2000xi32, #tpu.memory_space<hbm>>
      tpu.wait_dma2 semaphore(%arg14 : memref<!tpu.dma_semaphore, #tpu.memory_space<semaphore_mem>>) src(%dma_wait3A_49 : memref<2000xi32, #tpu.memory_space<hbm>>) dst(%arg5 : memref<2000xi32, #tpu.memory_space<vmem>>)
      %add3A_50 = arith.constant 320000 : i32
      %add3A_51 = arith.addi %add3A_50, %mul3A_48 : i32
      %dma_wait3A_52 = tpu.memref_slice %arg3[%add3A_51] : memref<640000xi32, #tpu.memory_space<hbm>> -> memref<2000xi32, #tpu.memory_space<hbm>>
      %dma_wait3A_53 = tpu.memref_slice %arg3[%add3A_51] : memref<640000xi32, #tpu.memory_space<hbm>> -> memref<2000xi32, #tpu.memory_space<hbm>>
      tpu.wait_dma2 semaphore(%arg14 : memref<!tpu.dma_semaphore, #tpu.memory_space<semaphore_mem>>) src(%dma_wait3A_53 : memref<2000xi32, #tpu.memory_space<hbm>>) dst(%arg6 : memref<2000xi32, #tpu.memory_space<vmem>>)
      %add3A_54 = arith.constant 1 : i32
      %add3A_55 = arith.addi %mul3A_43, %add3A_54 : i32
      %mul3A_56 = arith.constant 10 : i32
      %mul3A_57 = arith.muli %arg1, %mul3A_56 : i32
      %add3A_58 = arith.addi %mul3A_57, %add3A_55 : i32
      %mul3A_59 = arith.constant 2000 : i32
      %mul3A_60 = arith.muli %add3A_58, %mul3A_59 : i32
      %dma_start3A_61 = tpu.memref_slice %arg3[%mul3A_60] : memref<640000xi32, #tpu.memory_space<hbm>> -> memref<2000xi32, #tpu.memory_space<hbm>>
      %dma_start3A_62 = tpu.memref_slice %arg3[%mul3A_60] : memref<640000xi32, #tpu.memory_space<hbm>> -> memref<2000xi32, #tpu.memory_space<hbm>>
      tpu.enqueue_dma source(%dma_start3A_62 : memref<2000xi32, #tpu.memory_space<hbm>>) target(%arg7 : memref<2000xi32, #tpu.memory_space<vmem>>) target_semaphore(%arg15 : memref<!tpu.dma_semaphore, #tpu.memory_space<semaphore_mem>>)
      %add3A_63 = arith.constant 320000 : i32
      %add3A_64 = arith.addi %add3A_63, %mul3A_60 : i32
      %dma_start3A_65 = tpu.memref_slice %arg3[%add3A_64] : memref<640000xi32, #tpu.memory_space<hbm>> -> memref<2000xi32, #tpu.memory_space<hbm>>
      %dma_start3A_66 = tpu.memref_slice %arg3[%add3A_64] : memref<640000xi32, #tpu.memory_space<hbm>> -> memref<2000xi32, #tpu.memory_space<hbm>>
      tpu.enqueue_dma source(%dma_start3A_66 : memref<2000xi32, #tpu.memory_space<hbm>>) target(%arg8 : memref<2000xi32, #tpu.memory_space<vmem>>) target_semaphore(%arg15 : memref<!tpu.dma_semaphore, #tpu.memory_space<semaphore_mem>>)
      %dma_start3A_67 = arith.constant 0 : i32
      %dma_start3A_68 = tpu.memref_slice %arg5[%dma_start3A_67] : memref<2000xi32, #tpu.memory_space<vmem>> -> memref<200xi32, #tpu.memory_space<vmem>>
      %dma_start3A_69 = arith.constant 0 : i32
      %dma_start3A_70 = arith.constant 0 : i32
      %dma_start3A_71 = tpu.memref_slice %arg2[%arg0, %dma_start3A_69, %dma_start3A_70] : memref<2x10000x64xf32, #tpu.memory_space<hbm>> -> memref<1x10000x64xf32, #tpu.memory_space<hbm>>
      %dma_start3A_72 = tpu.memref_squeeze %dma_start3A_71 : memref<1x10000x64xf32, #tpu.memory_space<hbm>> -> memref<10000x64xf32, #tpu.memory_space<hbm>>
      %dma_start3A_73 = arith.constant 0 : i32
      %dma_start3A_74 = arith.constant 0 : i32
      %dma_start3A_75 = tpu.memref_slice %dma_start3A_72[%dma_start3A_73, %dma_start3A_74] : memref<10000x64xf32, #tpu.memory_space<hbm>> -> memref<10000x64xf32, #tpu.memory_space<hbm>>
      tpu.enqueue_indirect_dma source(%dma_start3A_75 : memref<10000x64xf32, #tpu.memory_space<hbm>>) target(%arg9 : memref<200x64xf32, #tpu.memory_space<vmem>>) offsets(%dma_start3A_68 : memref<200xi32, #tpu.memory_space<vmem>>) semaphore(%arg12 : memref<!tpu.dma_semaphore, #tpu.memory_space<semaphore_mem>>)
      %dma_start3A_76 = arith.constant 200 : i32
      %dma_start3A_77 = tpu.memref_slice %arg5[%dma_start3A_76] : memref<2000xi32, #tpu.memory_space<vmem>> -> memref<200xi32, #tpu.memory_space<vmem>>
      %dma_start3A_78 = arith.constant 0 : i32
      %dma_start3A_79 = arith.constant 0 : i32
      %dma_start3A_80 = tpu.memref_slice %arg2[%arg0, %dma_start3A_78, %dma_start3A_79] : memref<2x10000x64xf32, #tpu.memory_space<hbm>> -> memref<1x10000x64xf32, #tpu.memory_space<hbm>>
      %dma_start3A_81 = tpu.memref_squeeze %dma_start3A_80 : memref<1x10000x64xf32, #tpu.memory_space<hbm>> -> memref<10000x64xf32, #tpu.memory_space<hbm>>
      %dma_start3A_82 = arith.constant 0 : i32
      %dma_start3A_83 = arith.constant 0 : i32
      %dma_start3A_84 = tpu.memref_slice %dma_start3A_81[%dma_start3A_82, %dma_start3A_83] : memref<10000x64xf32, #tpu.memory_space<hbm>> -> memref<10000x64xf32, #tpu.memory_space<hbm>>
      tpu.enqueue_indirect_dma source(%dma_start3A_84 : memref<10000x64xf32, #tpu.memory_space<hbm>>) target(%arg10 : memref<200x64xf32, #tpu.memory_space<vmem>>) offsets(%dma_start3A_77 : memref<200xi32, #tpu.memory_space<vmem>>) semaphore(%arg13 : memref<!tpu.dma_semaphore, #tpu.memory_space<semaphore_mem>>)
      %dma_wait3A_85 = arith.constant 0 : i32
      %dma_wait3A_86 = tpu.memref_slice %arg5[%dma_wait3A_85] : memref<2000xi32, #tpu.memory_space<vmem>> -> memref<200xi32, #tpu.memory_space<vmem>>
      %dma_wait3A_87 = arith.constant 0 : i32
      %dma_wait3A_88 = arith.constant 0 : i32
      %dma_wait3A_89 = tpu.memref_slice %arg2[%arg0, %dma_wait3A_87, %dma_wait3A_88] : memref<2x10000x64xf32, #tpu.memory_space<hbm>> -> memref<1x10000x64xf32, #tpu.memory_space<hbm>>
      %dma_wait3A_90 = tpu.memref_squeeze %dma_wait3A_89 : memref<1x10000x64xf32, #tpu.memory_space<hbm>> -> memref<10000x64xf32, #tpu.memory_space<hbm>>
      %dma_wait3A_91 = arith.constant 0 : i32
      %dma_wait3A_92 = arith.constant 0 : i32
      %dma_wait3A_93 = tpu.memref_slice %dma_wait3A_90[%dma_wait3A_91, %dma_wait3A_92] : memref<10000x64xf32, #tpu.memory_space<hbm>> -> memref<10000x64xf32, #tpu.memory_space<hbm>>
      tpu.wait_indirect_dma semaphore(%arg12 : memref<!tpu.dma_semaphore, #tpu.memory_space<semaphore_mem>>) src(%dma_wait3A_93 : memref<10000x64xf32, #tpu.memory_space<hbm>>) dst(%arg9 : memref<200x64xf32, #tpu.memory_space<vmem>>)
      "tpu.region"() ({
        %run_scoped3A = tpu.sem_alloc : memref<!tpu.dma_semaphore, #tpu.memory_space<semaphore_mem>>
        %dma_start3A_444 = arith.constant 0 : i32
        %dma_start3A_445 = tpu.memref_slice %arg6[%dma_start3A_444] : memref<2000xi32, #tpu.memory_space<vmem>> -> memref<200xi32, #tpu.memory_space<vmem>>
        %dma_start3A_446 = arith.constant 0 : i32
        %dma_start3A_447 = arith.constant 0 : i32
        %dma_start3A_448 = tpu.memref_slice %arg11[%dma_start3A_446, %dma_start3A_447] : memref<10240x64xf32, #tpu.memory_space<vmem_shared>> -> memref<10240x64xf32, #tpu.memory_space<vmem_shared>>
        tpu.enqueue_indirect_dma source(%arg9 : memref<200x64xf32, #tpu.memory_space<vmem>>) target(%dma_start3A_448 : memref<10240x64xf32, #tpu.memory_space<vmem_shared>>) offsets(%dma_start3A_445 : memref<200xi32, #tpu.memory_space<vmem>>) semaphore(%run_scoped3A : memref<!tpu.dma_semaphore, #tpu.memory_space<semaphore_mem>>) {add = true}
        %dma_wait3A_449 = arith.constant 0 : i32
        %dma_wait3A_450 = tpu.memref_slice %arg6[%dma_wait3A_449] : memref<2000xi32, #tpu.memory_space<vmem>> -> memref<200xi32, #tpu.memory_space<vmem>>
        %dma_wait3A_451 = arith.constant 0 : i32
        %dma_wait3A_452 = arith.constant 0 : i32
        %dma_wait3A_453 = tpu.memref_slice %arg11[%dma_wait3A_451, %dma_wait3A_452] : memref<10240x64xf32, #tpu.memory_space<vmem_shared>> -> memref<10240x64xf32, #tpu.memory_space<vmem_shared>>
        tpu.wait_indirect_dma semaphore(%run_scoped3A : memref<!tpu.dma_semaphore, #tpu.memory_space<semaphore_mem>>) src(%arg9 : memref<200x64xf32, #tpu.memory_space<vmem>>) dst(%dma_wait3A_453 : memref<10240x64xf32, #tpu.memory_space<vmem_shared>>)
        tpu.yield
      }) : () -> ()
      %dma_start3A_94 = arith.constant 400 : i32
      %dma_start3A_95 = tpu.memref_slice %arg5[%dma_start3A_94] : memref<2000xi32, #tpu.memory_space<vmem>> -> memref<200xi32, #tpu.memory_space<vmem>>
      %dma_start3A_96 = arith.constant 0 : i32
      %dma_start3A_97 = arith.constant 0 : i32
      %dma_start3A_98 = tpu.memref_slice %arg2[%arg0, %dma_start3A_96, %dma_start3A_97] : memref<2x10000x64xf32, #tpu.memory_space<hbm>> -> memref<1x10000x64xf32, #tpu.memory_space<hbm>>
      %dma_start3A_99 = tpu.memref_squeeze %dma_start3A_98 : memref<1x10000x64xf32, #tpu.memory_space<hbm>> -> memref<10000x64xf32, #tpu.memory_space<hbm>>
      %dma_start3A_100 = arith.constant 0 : i32
      %dma_start3A_101 = arith.constant 0 : i32
      %dma_start3A_102 = tpu.memref_slice %dma_start3A_99[%dma_start3A_100, %dma_start3A_101] : memref<10000x64xf32, #tpu.memory_space<hbm>> -> memref<10000x64xf32, #tpu.memory_space<hbm>>
      tpu.enqueue_indirect_dma source(%dma_start3A_102 : memref<10000x64xf32, #tpu.memory_space<hbm>>) target(%arg9 : memref<200x64xf32, #tpu.memory_space<vmem>>) offsets(%dma_start3A_95 : memref<200xi32, #tpu.memory_space<vmem>>) semaphore(%arg12 : memref<!tpu.dma_semaphore, #tpu.memory_space<semaphore_mem>>)
      %dma_wait3A_103 = arith.constant 200 : i32
      %dma_wait3A_104 = tpu.memref_slice %arg5[%dma_wait3A_103] : memref<2000xi32, #tpu.memory_space<vmem>> -> memref<200xi32, #tpu.memory_space<vmem>>
      %dma_wait3A_105 = arith.constant 0 : i32
      %dma_wait3A_106 = arith.constant 0 : i32
      %dma_wait3A_107 = tpu.memref_slice %arg2[%arg0, %dma_wait3A_105, %dma_wait3A_106] : memref<2x10000x64xf32, #tpu.memory_space<hbm>> -> memref<1x10000x64xf32, #tpu.memory_space<hbm>>
      %dma_wait3A_108 = tpu.memref_squeeze %dma_wait3A_107 : memref<1x10000x64xf32, #tpu.memory_space<hbm>> -> memref<10000x64xf32, #tpu.memory_space<hbm>>
      %dma_wait3A_109 = arith.constant 0 : i32
      %dma_wait3A_110 = arith.constant 0 : i32
      %dma_wait3A_111 = tpu.memref_slice %dma_wait3A_108[%dma_wait3A_109, %dma_wait3A_110] : memref<10000x64xf32, #tpu.memory_space<hbm>> -> memref<10000x64xf32, #tpu.memory_space<hbm>>
      tpu.wait_indirect_dma semaphore(%arg13 : memref<!tpu.dma_semaphore, #tpu.memory_space<semaphore_mem>>) src(%dma_wait3A_111 : memref<10000x64xf32, #tpu.memory_space<hbm>>) dst(%arg10 : memref<200x64xf32, #tpu.memory_space<vmem>>)
      "tpu.region"() ({
        %run_scoped3A = tpu.sem_alloc : memref<!tpu.dma_semaphore, #tpu.memory_space<semaphore_mem>>
        %dma_start3A_444 = arith.constant 200 : i32
        %dma_start3A_445 = tpu.memref_slice %arg6[%dma_start3A_444] : memref<2000xi32, #tpu.memory_space<vmem>> -> memref<200xi32, #tpu.memory_space<vmem>>
        %dma_start3A_446 = arith.constant 0 : i32
        %dma_start3A_447 = arith.constant 0 : i32
        %dma_start3A_448 = tpu.memref_slice %arg11[%dma_start3A_446, %dma_start3A_447] : memref<10240x64xf32, #tpu.memory_space<vmem_shared>> -> memref<10240x64xf32, #tpu.memory_space<vmem_shared>>
        tpu.enqueue_indirect_dma source(%arg10 : memref<200x64xf32, #tpu.memory_space<vmem>>) target(%dma_start3A_448 : memref<10240x64xf32, #tpu.memory_space<vmem_shared>>) offsets(%dma_start3A_445 : memref<200xi32, #tpu.memory_space<vmem>>) semaphore(%run_scoped3A : memref<!tpu.dma_semaphore, #tpu.memory_space<semaphore_mem>>) {add = true}
        %dma_wait3A_449 = arith.constant 200 : i32
        %dma_wait3A_450 = tpu.memref_slice %arg6[%dma_wait3A_449] : memref<2000xi32, #tpu.memory_space<vmem>> -> memref<200xi32, #tpu.memory_space<vmem>>
        %dma_wait3A_451 = arith.constant 0 : i32
        %dma_wait3A_452 = arith.constant 0 : i32
        %dma_wait3A_453 = tpu.memref_slice %arg11[%dma_wait3A_451, %dma_wait3A_452] : memref<10240x64xf32, #tpu.memory_space<vmem_shared>> -> memref<10240x64xf32, #tpu.memory_space<vmem_shared>>
        tpu.wait_indirect_dma semaphore(%run_scoped3A : memref<!tpu.dma_semaphore, #tpu.memory_space<semaphore_mem>>) src(%arg10 : memref<200x64xf32, #tpu.memory_space<vmem>>) dst(%dma_wait3A_453 : memref<10240x64xf32, #tpu.memory_space<vmem_shared>>)
        tpu.yield
      }) : () -> ()
      %dma_start3A_112 = arith.constant 600 : i32
      %dma_start3A_113 = tpu.memref_slice %arg5[%dma_start3A_112] : memref<2000xi32, #tpu.memory_space<vmem>> -> memref<200xi32, #tpu.memory_space<vmem>>
      %dma_start3A_114 = arith.constant 0 : i32
      %dma_start3A_115 = arith.constant 0 : i32
      %dma_start3A_116 = tpu.memref_slice %arg2[%arg0, %dma_start3A_114, %dma_start3A_115] : memref<2x10000x64xf32, #tpu.memory_space<hbm>> -> memref<1x10000x64xf32, #tpu.memory_space<hbm>>
      %dma_start3A_117 = tpu.memref_squeeze %dma_start3A_116 : memref<1x10000x64xf32, #tpu.memory_space<hbm>> -> memref<10000x64xf32, #tpu.memory_space<hbm>>
      %dma_start3A_118 = arith.constant 0 : i32
      %dma_start3A_119 = arith.constant 0 : i32
      %dma_start3A_120 = tpu.memref_slice %dma_start3A_117[%dma_start3A_118, %dma_start3A_119] : memref<10000x64xf32, #tpu.memory_space<hbm>> -> memref<10000x64xf32, #tpu.memory_space<hbm>>
      tpu.enqueue_indirect_dma source(%dma_start3A_120 : memref<10000x64xf32, #tpu.memory_space<hbm>>) target(%arg10 : memref<200x64xf32, #tpu.memory_space<vmem>>) offsets(%dma_start3A_113 : memref<200xi32, #tpu.memory_space<vmem>>) semaphore(%arg13 : memref<!tpu.dma_semaphore, #tpu.memory_space<semaphore_mem>>)
      %dma_wait3A_121 = arith.constant 400 : i32
      %dma_wait3A_122 = tpu.memref_slice %arg5[%dma_wait3A_121] : memref<2000xi32, #tpu.memory_space<vmem>> -> memref<200xi32, #tpu.memory_space<vmem>>
      %dma_wait3A_123 = arith.constant 0 : i32
      %dma_wait3A_124 = arith.constant 0 : i32
      %dma_wait3A_125 = tpu.memref_slice %arg2[%arg0, %dma_wait3A_123, %dma_wait3A_124] : memref<2x10000x64xf32, #tpu.memory_space<hbm>> -> memref<1x10000x64xf32, #tpu.memory_space<hbm>>
      %dma_wait3A_126 = tpu.memref_squeeze %dma_wait3A_125 : memref<1x10000x64xf32, #tpu.memory_space<hbm>> -> memref<10000x64xf32, #tpu.memory_space<hbm>>
      %dma_wait3A_127 = arith.constant 0 : i32
      %dma_wait3A_128 = arith.constant 0 : i32
      %dma_wait3A_129 = tpu.memref_slice %dma_wait3A_126[%dma_wait3A_127, %dma_wait3A_128] : memref<10000x64xf32, #tpu.memory_space<hbm>> -> memref<10000x64xf32, #tpu.memory_space<hbm>>
      tpu.wait_indirect_dma semaphore(%arg12 : memref<!tpu.dma_semaphore, #tpu.memory_space<semaphore_mem>>) src(%dma_wait3A_129 : memref<10000x64xf32, #tpu.memory_space<hbm>>) dst(%arg9 : memref<200x64xf32, #tpu.memory_space<vmem>>)
      "tpu.region"() ({
        %run_scoped3A = tpu.sem_alloc : memref<!tpu.dma_semaphore, #tpu.memory_space<semaphore_mem>>
        %dma_start3A_444 = arith.constant 400 : i32
        %dma_start3A_445 = tpu.memref_slice %arg6[%dma_start3A_444] : memref<2000xi32, #tpu.memory_space<vmem>> -> memref<200xi32, #tpu.memory_space<vmem>>
        %dma_start3A_446 = arith.constant 0 : i32
        %dma_start3A_447 = arith.constant 0 : i32
        %dma_start3A_448 = tpu.memref_slice %arg11[%dma_start3A_446, %dma_start3A_447] : memref<10240x64xf32, #tpu.memory_space<vmem_shared>> -> memref<10240x64xf32, #tpu.memory_space<vmem_shared>>
        tpu.enqueue_indirect_dma source(%arg9 : memref<200x64xf32, #tpu.memory_space<vmem>>) target(%dma_start3A_448 : memref<10240x64xf32, #tpu.memory_space<vmem_shared>>) offsets(%dma_start3A_445 : memref<200xi32, #tpu.memory_space<vmem>>) semaphore(%run_scoped3A : memref<!tpu.dma_semaphore, #tpu.memory_space<semaphore_mem>>) {add = true}
        %dma_wait3A_449 = arith.constant 400 : i32
        %dma_wait3A_450 = tpu.memref_slice %arg6[%dma_wait3A_449] : memref<2000xi32, #tpu.memory_space<vmem>> -> memref<200xi32, #tpu.memory_space<vmem>>
        %dma_wait3A_451 = arith.constant 0 : i32
        %dma_wait3A_452 = arith.constant 0 : i32
        %dma_wait3A_453 = tpu.memref_slice %arg11[%dma_wait3A_451, %dma_wait3A_452] : memref<10240x64xf32, #tpu.memory_space<vmem_shared>> -> memref<10240x64xf32, #tpu.memory_space<vmem_shared>>
        tpu.wait_indirect_dma semaphore(%run_scoped3A : memref<!tpu.dma_semaphore, #tpu.memory_space<semaphore_mem>>) src(%arg9 : memref<200x64xf32, #tpu.memory_space<vmem>>) dst(%dma_wait3A_453 : memref<10240x64xf32, #tpu.memory_space<vmem_shared>>)
        tpu.yield
      }) : () -> ()
      %dma_start3A_130 = arith.constant 800 : i32
      %dma_start3A_131 = tpu.memref_slice %arg5[%dma_start3A_130] : memref<2000xi32, #tpu.memory_space<vmem>> -> memref<200xi32, #tpu.memory_space<vmem>>
      %dma_start3A_132 = arith.constant 0 : i32
      %dma_start3A_133 = arith.constant 0 : i32
      %dma_start3A_134 = tpu.memref_slice %arg2[%arg0, %dma_start3A_132, %dma_start3A_133] : memref<2x10000x64xf32, #tpu.memory_space<hbm>> -> memref<1x10000x64xf32, #tpu.memory_space<hbm>>
      %dma_start3A_135 = tpu.memref_squeeze %dma_start3A_134 : memref<1x10000x64xf32, #tpu.memory_space<hbm>> -> memref<10000x64xf32, #tpu.memory_space<hbm>>
      %dma_start3A_136 = arith.constant 0 : i32
      %dma_start3A_137 = arith.constant 0 : i32
      %dma_start3A_138 = tpu.memref_slice %dma_start3A_135[%dma_start3A_136, %dma_start3A_137] : memref<10000x64xf32, #tpu.memory_space<hbm>> -> memref<10000x64xf32, #tpu.memory_space<hbm>>
      tpu.enqueue_indirect_dma source(%dma_start3A_138 : memref<10000x64xf32, #tpu.memory_space<hbm>>) target(%arg9 : memref<200x64xf32, #tpu.memory_space<vmem>>) offsets(%dma_start3A_131 : memref<200xi32, #tpu.memory_space<vmem>>) semaphore(%arg12 : memref<!tpu.dma_semaphore, #tpu.memory_space<semaphore_mem>>)
      %dma_wait3A_139 = arith.constant 600 : i32
      %dma_wait3A_140 = tpu.memref_slice %arg5[%dma_wait3A_139] : memref<2000xi32, #tpu.memory_space<vmem>> -> memref<200xi32, #tpu.memory_space<vmem>>
      %dma_wait3A_141 = arith.constant 0 : i32
      %dma_wait3A_142 = arith.constant 0 : i32
      %dma_wait3A_143 = tpu.memref_slice %arg2[%arg0, %dma_wait3A_141, %dma_wait3A_142] : memref<2x10000x64xf32, #tpu.memory_space<hbm>> -> memref<1x10000x64xf32, #tpu.memory_space<hbm>>
      %dma_wait3A_144 = tpu.memref_squeeze %dma_wait3A_143 : memref<1x10000x64xf32, #tpu.memory_space<hbm>> -> memref<10000x64xf32, #tpu.memory_space<hbm>>
      %dma_wait3A_145 = arith.constant 0 : i32
      %dma_wait3A_146 = arith.constant 0 : i32
      %dma_wait3A_147 = tpu.memref_slice %dma_wait3A_144[%dma_wait3A_145, %dma_wait3A_146] : memref<10000x64xf32, #tpu.memory_space<hbm>> -> memref<10000x64xf32, #tpu.memory_space<hbm>>
      tpu.wait_indirect_dma semaphore(%arg13 : memref<!tpu.dma_semaphore, #tpu.memory_space<semaphore_mem>>) src(%dma_wait3A_147 : memref<10000x64xf32, #tpu.memory_space<hbm>>) dst(%arg10 : memref<200x64xf32, #tpu.memory_space<vmem>>)
      "tpu.region"() ({
        %run_scoped3A = tpu.sem_alloc : memref<!tpu.dma_semaphore, #tpu.memory_space<semaphore_mem>>
        %dma_start3A_444 = arith.constant 600 : i32
        %dma_start3A_445 = tpu.memref_slice %arg6[%dma_start3A_444] : memref<2000xi32, #tpu.memory_space<vmem>> -> memref<200xi32, #tpu.memory_space<vmem>>
        %dma_start3A_446 = arith.constant 0 : i32
        %dma_start3A_447 = arith.constant 0 : i32
        %dma_start3A_448 = tpu.memref_slice %arg11[%dma_start3A_446, %dma_start3A_447] : memref<10240x64xf32, #tpu.memory_space<vmem_shared>> -> memref<10240x64xf32, #tpu.memory_space<vmem_shared>>
        tpu.enqueue_indirect_dma source(%arg10 : memref<200x64xf32, #tpu.memory_space<vmem>>) target(%dma_start3A_448 : memref<10240x64xf32, #tpu.memory_space<vmem_shared>>) offsets(%dma_start3A_445 : memref<200xi32, #tpu.memory_space<vmem>>) semaphore(%run_scoped3A : memref<!tpu.dma_semaphore, #tpu.memory_space<semaphore_mem>>) {add = true}
        %dma_wait3A_449 = arith.constant 600 : i32
        %dma_wait3A_450 = tpu.memref_slice %arg6[%dma_wait3A_449] : memref<2000xi32, #tpu.memory_space<vmem>> -> memref<200xi32, #tpu.memory_space<vmem>>
        %dma_wait3A_451 = arith.constant 0 : i32
        %dma_wait3A_452 = arith.constant 0 : i32
        %dma_wait3A_453 = tpu.memref_slice %arg11[%dma_wait3A_451, %dma_wait3A_452] : memref<10240x64xf32, #tpu.memory_space<vmem_shared>> -> memref<10240x64xf32, #tpu.memory_space<vmem_shared>>
        tpu.wait_indirect_dma semaphore(%run_scoped3A : memref<!tpu.dma_semaphore, #tpu.memory_space<semaphore_mem>>) src(%arg10 : memref<200x64xf32, #tpu.memory_space<vmem>>) dst(%dma_wait3A_453 : memref<10240x64xf32, #tpu.memory_space<vmem_shared>>)
        tpu.yield
      }) : () -> ()
      %dma_start3A_148 = arith.constant 1000 : i32
      %dma_start3A_149 = tpu.memref_slice %arg5[%dma_start3A_148] : memref<2000xi32, #tpu.memory_space<vmem>> -> memref<200xi32, #tpu.memory_space<vmem>>
      %dma_start3A_150 = arith.constant 0 : i32
      %dma_start3A_151 = arith.constant 0 : i32
      %dma_start3A_152 = tpu.memref_slice %arg2[%arg0, %dma_start3A_150, %dma_start3A_151] : memref<2x10000x64xf32, #tpu.memory_space<hbm>> -> memref<1x10000x64xf32, #tpu.memory_space<hbm>>
      %dma_start3A_153 = tpu.memref_squeeze %dma_start3A_152 : memref<1x10000x64xf32, #tpu.memory_space<hbm>> -> memref<10000x64xf32, #tpu.memory_space<hbm>>
      %dma_start3A_154 = arith.constant 0 : i32
      %dma_start3A_155 = arith.constant 0 : i32
      %dma_start3A_156 = tpu.memref_slice %dma_start3A_153[%dma_start3A_154, %dma_start3A_155] : memref<10000x64xf32, #tpu.memory_space<hbm>> -> memref<10000x64xf32, #tpu.memory_space<hbm>>
      tpu.enqueue_indirect_dma source(%dma_start3A_156 : memref<10000x64xf32, #tpu.memory_space<hbm>>) target(%arg10 : memref<200x64xf32, #tpu.memory_space<vmem>>) offsets(%dma_start3A_149 : memref<200xi32, #tpu.memory_space<vmem>>) semaphore(%arg13 : memref<!tpu.dma_semaphore, #tpu.memory_space<semaphore_mem>>)
      %dma_wait3A_157 = arith.constant 800 : i32
      %dma_wait3A_158 = tpu.memref_slice %arg5[%dma_wait3A_157] : memref<2000xi32, #tpu.memory_space<vmem>> -> memref<200xi32, #tpu.memory_space<vmem>>
      %dma_wait3A_159 = arith.constant 0 : i32
      %dma_wait3A_160 = arith.constant 0 : i32
      %dma_wait3A_161 = tpu.memref_slice %arg2[%arg0, %dma_wait3A_159, %dma_wait3A_160] : memref<2x10000x64xf32, #tpu.memory_space<hbm>> -> memref<1x10000x64xf32, #tpu.memory_space<hbm>>
      %dma_wait3A_162 = tpu.memref_squeeze %dma_wait3A_161 : memref<1x10000x64xf32, #tpu.memory_space<hbm>> -> memref<10000x64xf32, #tpu.memory_space<hbm>>
      %dma_wait3A_163 = arith.constant 0 : i32
      %dma_wait3A_164 = arith.constant 0 : i32
      %dma_wait3A_165 = tpu.memref_slice %dma_wait3A_162[%dma_wait3A_163, %dma_wait3A_164] : memref<10000x64xf32, #tpu.memory_space<hbm>> -> memref<10000x64xf32, #tpu.memory_space<hbm>>
      tpu.wait_indirect_dma semaphore(%arg12 : memref<!tpu.dma_semaphore, #tpu.memory_space<semaphore_mem>>) src(%dma_wait3A_165 : memref<10000x64xf32, #tpu.memory_space<hbm>>) dst(%arg9 : memref<200x64xf32, #tpu.memory_space<vmem>>)
      "tpu.region"() ({
        %run_scoped3A = tpu.sem_alloc : memref<!tpu.dma_semaphore, #tpu.memory_space<semaphore_mem>>
        %dma_start3A_444 = arith.constant 800 : i32
        %dma_start3A_445 = tpu.memref_slice %arg6[%dma_start3A_444] : memref<2000xi32, #tpu.memory_space<vmem>> -> memref<200xi32, #tpu.memory_space<vmem>>
        %dma_start3A_446 = arith.constant 0 : i32
        %dma_start3A_447 = arith.constant 0 : i32
        %dma_start3A_448 = tpu.memref_slice %arg11[%dma_start3A_446, %dma_start3A_447] : memref<10240x64xf32, #tpu.memory_space<vmem_shared>> -> memref<10240x64xf32, #tpu.memory_space<vmem_shared>>
        tpu.enqueue_indirect_dma source(%arg9 : memref<200x64xf32, #tpu.memory_space<vmem>>) target(%dma_start3A_448 : memref<10240x64xf32, #tpu.memory_space<vmem_shared>>) offsets(%dma_start3A_445 : memref<200xi32, #tpu.memory_space<vmem>>) semaphore(%run_scoped3A : memref<!tpu.dma_semaphore, #tpu.memory_space<semaphore_mem>>) {add = true}
        %dma_wait3A_449 = arith.constant 800 : i32
        %dma_wait3A_450 = tpu.memref_slice %arg6[%dma_wait3A_449] : memref<2000xi32, #tpu.memory_space<vmem>> -> memref<200xi32, #tpu.memory_space<vmem>>
        %dma_wait3A_451 = arith.constant 0 : i32
        %dma_wait3A_452 = arith.constant 0 : i32
        %dma_wait3A_453 = tpu.memref_slice %arg11[%dma_wait3A_451, %dma_wait3A_452] : memref<10240x64xf32, #tpu.memory_space<vmem_shared>> -> memref<10240x64xf32, #tpu.memory_space<vmem_shared>>
        tpu.wait_indirect_dma semaphore(%run_scoped3A : memref<!tpu.dma_semaphore, #tpu.memory_space<semaphore_mem>>) src(%arg9 : memref<200x64xf32, #tpu.memory_space<vmem>>) dst(%dma_wait3A_453 : memref<10240x64xf32, #tpu.memory_space<vmem_shared>>)
        tpu.yield
      }) : () -> ()
      %dma_start3A_166 = arith.constant 1200 : i32
      %dma_start3A_167 = tpu.memref_slice %arg5[%dma_start3A_166] : memref<2000xi32, #tpu.memory_space<vmem>> -> memref<200xi32, #tpu.memory_space<vmem>>
      %dma_start3A_168 = arith.constant 0 : i32
      %dma_start3A_169 = arith.constant 0 : i32
      %dma_start3A_170 = tpu.memref_slice %arg2[%arg0, %dma_start3A_168, %dma_start3A_169] : memref<2x10000x64xf32, #tpu.memory_space<hbm>> -> memref<1x10000x64xf32, #tpu.memory_space<hbm>>
      %dma_start3A_171 = tpu.memref_squeeze %dma_start3A_170 : memref<1x10000x64xf32, #tpu.memory_space<hbm>> -> memref<10000x64xf32, #tpu.memory_space<hbm>>
      %dma_start3A_172 = arith.constant 0 : i32
      %dma_start3A_173 = arith.constant 0 : i32
      %dma_start3A_174 = tpu.memref_slice %dma_start3A_171[%dma_start3A_172, %dma_start3A_173] : memref<10000x64xf32, #tpu.memory_space<hbm>> -> memref<10000x64xf32, #tpu.memory_space<hbm>>
      tpu.enqueue_indirect_dma source(%dma_start3A_174 : memref<10000x64xf32, #tpu.memory_space<hbm>>) target(%arg9 : memref<200x64xf32, #tpu.memory_space<vmem>>) offsets(%dma_start3A_167 : memref<200xi32, #tpu.memory_space<vmem>>) semaphore(%arg12 : memref<!tpu.dma_semaphore, #tpu.memory_space<semaphore_mem>>)
      %dma_wait3A_175 = arith.constant 1000 : i32
      %dma_wait3A_176 = tpu.memref_slice %arg5[%dma_wait3A_175] : memref<2000xi32, #tpu.memory_space<vmem>> -> memref<200xi32, #tpu.memory_space<vmem>>
      %dma_wait3A_177 = arith.constant 0 : i32
      %dma_wait3A_178 = arith.constant 0 : i32
      %dma_wait3A_179 = tpu.memref_slice %arg2[%arg0, %dma_wait3A_177, %dma_wait3A_178] : memref<2x10000x64xf32, #tpu.memory_space<hbm>> -> memref<1x10000x64xf32, #tpu.memory_space<hbm>>
      %dma_wait3A_180 = tpu.memref_squeeze %dma_wait3A_179 : memref<1x10000x64xf32, #tpu.memory_space<hbm>> -> memref<10000x64xf32, #tpu.memory_space<hbm>>
      %dma_wait3A_181 = arith.constant 0 : i32
      %dma_wait3A_182 = arith.constant 0 : i32
      %dma_wait3A_183 = tpu.memref_slice %dma_wait3A_180[%dma_wait3A_181, %dma_wait3A_182] : memref<10000x64xf32, #tpu.memory_space<hbm>> -> memref<10000x64xf32, #tpu.memory_space<hbm>>
      tpu.wait_indirect_dma semaphore(%arg13 : memref<!tpu.dma_semaphore, #tpu.memory_space<semaphore_mem>>) src(%dma_wait3A_183 : memref<10000x64xf32, #tpu.memory_space<hbm>>) dst(%arg10 : memref<200x64xf32, #tpu.memory_space<vmem>>)
      "tpu.region"() ({
        %run_scoped3A = tpu.sem_alloc : memref<!tpu.dma_semaphore, #tpu.memory_space<semaphore_mem>>
        %dma_start3A_444 = arith.constant 1000 : i32
        %dma_start3A_445 = tpu.memref_slice %arg6[%dma_start3A_444] : memref<2000xi32, #tpu.memory_space<vmem>> -> memref<200xi32, #tpu.memory_space<vmem>>
        %dma_start3A_446 = arith.constant 0 : i32
        %dma_start3A_447 = arith.constant 0 : i32
        %dma_start3A_448 = tpu.memref_slice %arg11[%dma_start3A_446, %dma_start3A_447] : memref<10240x64xf32, #tpu.memory_space<vmem_shared>> -> memref<10240x64xf32, #tpu.memory_space<vmem_shared>>
        tpu.enqueue_indirect_dma source(%arg10 : memref<200x64xf32, #tpu.memory_space<vmem>>) target(%dma_start3A_448 : memref<10240x64xf32, #tpu.memory_space<vmem_shared>>) offsets(%dma_start3A_445 : memref<200xi32, #tpu.memory_space<vmem>>) semaphore(%run_scoped3A : memref<!tpu.dma_semaphore, #tpu.memory_space<semaphore_mem>>) {add = true}
        %dma_wait3A_449 = arith.constant 1000 : i32
        %dma_wait3A_450 = tpu.memref_slice %arg6[%dma_wait3A_449] : memref<2000xi32, #tpu.memory_space<vmem>> -> memref<200xi32, #tpu.memory_space<vmem>>
        %dma_wait3A_451 = arith.constant 0 : i32
        %dma_wait3A_452 = arith.constant 0 : i32
        %dma_wait3A_453 = tpu.memref_slice %arg11[%dma_wait3A_451, %dma_wait3A_452] : memref<10240x64xf32, #tpu.memory_space<vmem_shared>> -> memref<10240x64xf32, #tpu.memory_space<vmem_shared>>
        tpu.wait_indirect_dma semaphore(%run_scoped3A : memref<!tpu.dma_semaphore, #tpu.memory_space<semaphore_mem>>) src(%arg10 : memref<200x64xf32, #tpu.memory_space<vmem>>) dst(%dma_wait3A_453 : memref<10240x64xf32, #tpu.memory_space<vmem_shared>>)
        tpu.yield
      }) : () -> ()
      %dma_start3A_184 = arith.constant 1400 : i32
      %dma_start3A_185 = tpu.memref_slice %arg5[%dma_start3A_184] : memref<2000xi32, #tpu.memory_space<vmem>> -> memref<200xi32, #tpu.memory_space<vmem>>
      %dma_start3A_186 = arith.constant 0 : i32
      %dma_start3A_187 = arith.constant 0 : i32
      %dma_start3A_188 = tpu.memref_slice %arg2[%arg0, %dma_start3A_186, %dma_start3A_187] : memref<2x10000x64xf32, #tpu.memory_space<hbm>> -> memref<1x10000x64xf32, #tpu.memory_space<hbm>>
      %dma_start3A_189 = tpu.memref_squeeze %dma_start3A_188 : memref<1x10000x64xf32, #tpu.memory_space<hbm>> -> memref<10000x64xf32, #tpu.memory_space<hbm>>
      %dma_start3A_190 = arith.constant 0 : i32
      %dma_start3A_191 = arith.constant 0 : i32
      %dma_start3A_192 = tpu.memref_slice %dma_start3A_189[%dma_start3A_190, %dma_start3A_191] : memref<10000x64xf32, #tpu.memory_space<hbm>> -> memref<10000x64xf32, #tpu.memory_space<hbm>>
      tpu.enqueue_indirect_dma source(%dma_start3A_192 : memref<10000x64xf32, #tpu.memory_space<hbm>>) target(%arg10 : memref<200x64xf32, #tpu.memory_space<vmem>>) offsets(%dma_start3A_185 : memref<200xi32, #tpu.memory_space<vmem>>) semaphore(%arg13 : memref<!tpu.dma_semaphore, #tpu.memory_space<semaphore_mem>>)
      %dma_wait3A_193 = arith.constant 1200 : i32
      %dma_wait3A_194 = tpu.memref_slice %arg5[%dma_wait3A_193] : memref<2000xi32, #tpu.memory_space<vmem>> -> memref<200xi32, #tpu.memory_space<vmem>>
      %dma_wait3A_195 = arith.constant 0 : i32
      %dma_wait3A_196 = arith.constant 0 : i32
      %dma_wait3A_197 = tpu.memref_slice %arg2[%arg0, %dma_wait3A_195, %dma_wait3A_196] : memref<2x10000x64xf32, #tpu.memory_space<hbm>> -> memref<1x10000x64xf32, #tpu.memory_space<hbm>>
      %dma_wait3A_198 = tpu.memref_squeeze %dma_wait3A_197 : memref<1x10000x64xf32, #tpu.memory_space<hbm>> -> memref<10000x64xf32, #tpu.memory_space<hbm>>
      %dma_wait3A_199 = arith.constant 0 : i32
      %dma_wait3A_200 = arith.constant 0 : i32
      %dma_wait3A_201 = tpu.memref_slice %dma_wait3A_198[%dma_wait3A_199, %dma_wait3A_200] : memref<10000x64xf32, #tpu.memory_space<hbm>> -> memref<10000x64xf32, #tpu.memory_space<hbm>>
      tpu.wait_indirect_dma semaphore(%arg12 : memref<!tpu.dma_semaphore, #tpu.memory_space<semaphore_mem>>) src(%dma_wait3A_201 : memref<10000x64xf32, #tpu.memory_space<hbm>>) dst(%arg9 : memref<200x64xf32, #tpu.memory_space<vmem>>)
      "tpu.region"() ({
        %run_scoped3A = tpu.sem_alloc : memref<!tpu.dma_semaphore, #tpu.memory_space<semaphore_mem>>
        %dma_start3A_444 = arith.constant 1200 : i32
        %dma_start3A_445 = tpu.memref_slice %arg6[%dma_start3A_444] : memref<2000xi32, #tpu.memory_space<vmem>> -> memref<200xi32, #tpu.memory_space<vmem>>
        %dma_start3A_446 = arith.constant 0 : i32
        %dma_start3A_447 = arith.constant 0 : i32
        %dma_start3A_448 = tpu.memref_slice %arg11[%dma_start3A_446, %dma_start3A_447] : memref<10240x64xf32, #tpu.memory_space<vmem_shared>> -> memref<10240x64xf32, #tpu.memory_space<vmem_shared>>
        tpu.enqueue_indirect_dma source(%arg9 : memref<200x64xf32, #tpu.memory_space<vmem>>) target(%dma_start3A_448 : memref<10240x64xf32, #tpu.memory_space<vmem_shared>>) offsets(%dma_start3A_445 : memref<200xi32, #tpu.memory_space<vmem>>) semaphore(%run_scoped3A : memref<!tpu.dma_semaphore, #tpu.memory_space<semaphore_mem>>) {add = true}
        %dma_wait3A_449 = arith.constant 1200 : i32
        %dma_wait3A_450 = tpu.memref_slice %arg6[%dma_wait3A_449] : memref<2000xi32, #tpu.memory_space<vmem>> -> memref<200xi32, #tpu.memory_space<vmem>>
        %dma_wait3A_451 = arith.constant 0 : i32
        %dma_wait3A_452 = arith.constant 0 : i32
        %dma_wait3A_453 = tpu.memref_slice %arg11[%dma_wait3A_451, %dma_wait3A_452] : memref<10240x64xf32, #tpu.memory_space<vmem_shared>> -> memref<10240x64xf32, #tpu.memory_space<vmem_shared>>
        tpu.wait_indirect_dma semaphore(%run_scoped3A : memref<!tpu.dma_semaphore, #tpu.memory_space<semaphore_mem>>) src(%arg9 : memref<200x64xf32, #tpu.memory_space<vmem>>) dst(%dma_wait3A_453 : memref<10240x64xf32, #tpu.memory_space<vmem_shared>>)
        tpu.yield
      }) : () -> ()
      %dma_start3A_202 = arith.constant 1600 : i32
      %dma_start3A_203 = tpu.memref_slice %arg5[%dma_start3A_202] : memref<2000xi32, #tpu.memory_space<vmem>> -> memref<200xi32, #tpu.memory_space<vmem>>
      %dma_start3A_204 = arith.constant 0 : i32
      %dma_start3A_205 = arith.constant 0 : i32
      %dma_start3A_206 = tpu.memref_slice %arg2[%arg0, %dma_start3A_204, %dma_start3A_205] : memref<2x10000x64xf32, #tpu.memory_space<hbm>> -> memref<1x10000x64xf32, #tpu.memory_space<hbm>>
      %dma_start3A_207 = tpu.memref_squeeze %dma_start3A_206 : memref<1x10000x64xf32, #tpu.memory_space<hbm>> -> memref<10000x64xf32, #tpu.memory_space<hbm>>
      %dma_start3A_208 = arith.constant 0 : i32
      %dma_start3A_209 = arith.constant 0 : i32
      %dma_start3A_210 = tpu.memref_slice %dma_start3A_207[%dma_start3A_208, %dma_start3A_209] : memref<10000x64xf32, #tpu.memory_space<hbm>> -> memref<10000x64xf32, #tpu.memory_space<hbm>>
      tpu.enqueue_indirect_dma source(%dma_start3A_210 : memref<10000x64xf32, #tpu.memory_space<hbm>>) target(%arg9 : memref<200x64xf32, #tpu.memory_space<vmem>>) offsets(%dma_start3A_203 : memref<200xi32, #tpu.memory_space<vmem>>) semaphore(%arg12 : memref<!tpu.dma_semaphore, #tpu.memory_space<semaphore_mem>>)
      %dma_wait3A_211 = arith.constant 1400 : i32
      %dma_wait3A_212 = tpu.memref_slice %arg5[%dma_wait3A_211] : memref<2000xi32, #tpu.memory_space<vmem>> -> memref<200xi32, #tpu.memory_space<vmem>>
      %dma_wait3A_213 = arith.constant 0 : i32
      %dma_wait3A_214 = arith.constant 0 : i32
      %dma_wait3A_215 = tpu.memref_slice %arg2[%arg0, %dma_wait3A_213, %dma_wait3A_214] : memref<2x10000x64xf32, #tpu.memory_space<hbm>> -> memref<1x10000x64xf32, #tpu.memory_space<hbm>>
      %dma_wait3A_216 = tpu.memref_squeeze %dma_wait3A_215 : memref<1x10000x64xf32, #tpu.memory_space<hbm>> -> memref<10000x64xf32, #tpu.memory_space<hbm>>
      %dma_wait3A_217 = arith.constant 0 : i32
      %dma_wait3A_218 = arith.constant 0 : i32
      %dma_wait3A_219 = tpu.memref_slice %dma_wait3A_216[%dma_wait3A_217, %dma_wait3A_218] : memref<10000x64xf32, #tpu.memory_space<hbm>> -> memref<10000x64xf32, #tpu.memory_space<hbm>>
      tpu.wait_indirect_dma semaphore(%arg13 : memref<!tpu.dma_semaphore, #tpu.memory_space<semaphore_mem>>) src(%dma_wait3A_219 : memref<10000x64xf32, #tpu.memory_space<hbm>>) dst(%arg10 : memref<200x64xf32, #tpu.memory_space<vmem>>)
      "tpu.region"() ({
        %run_scoped3A = tpu.sem_alloc : memref<!tpu.dma_semaphore, #tpu.memory_space<semaphore_mem>>
        %dma_start3A_444 = arith.constant 1400 : i32
        %dma_start3A_445 = tpu.memref_slice %arg6[%dma_start3A_444] : memref<2000xi32, #tpu.memory_space<vmem>> -> memref<200xi32, #tpu.memory_space<vmem>>
        %dma_start3A_446 = arith.constant 0 : i32
        %dma_start3A_447 = arith.constant 0 : i32
        %dma_start3A_448 = tpu.memref_slice %arg11[%dma_start3A_446, %dma_start3A_447] : memref<10240x64xf32, #tpu.memory_space<vmem_shared>> -> memref<10240x64xf32, #tpu.memory_space<vmem_shared>>
        tpu.enqueue_indirect_dma source(%arg10 : memref<200x64xf32, #tpu.memory_space<vmem>>) target(%dma_start3A_448 : memref<10240x64xf32, #tpu.memory_space<vmem_shared>>) offsets(%dma_start3A_445 : memref<200xi32, #tpu.memory_space<vmem>>) semaphore(%run_scoped3A : memref<!tpu.dma_semaphore, #tpu.memory_space<semaphore_mem>>) {add = true}
        %dma_wait3A_449 = arith.constant 1400 : i32
        %dma_wait3A_450 = tpu.memref_slice %arg6[%dma_wait3A_449] : memref<2000xi32, #tpu.memory_space<vmem>> -> memref<200xi32, #tpu.memory_space<vmem>>
        %dma_wait3A_451 = arith.constant 0 : i32
        %dma_wait3A_452 = arith.constant 0 : i32
        %dma_wait3A_453 = tpu.memref_slice %arg11[%dma_wait3A_451, %dma_wait3A_452] : memref<10240x64xf32, #tpu.memory_space<vmem_shared>> -> memref<10240x64xf32, #tpu.memory_space<vmem_shared>>
        tpu.wait_indirect_dma semaphore(%run_scoped3A : memref<!tpu.dma_semaphore, #tpu.memory_space<semaphore_mem>>) src(%arg10 : memref<200x64xf32, #tpu.memory_space<vmem>>) dst(%dma_wait3A_453 : memref<10240x64xf32, #tpu.memory_space<vmem_shared>>)
        tpu.yield
      }) : () -> ()
      %dma_start3A_220 = arith.constant 1800 : i32
      %dma_start3A_221 = tpu.memref_slice %arg5[%dma_start3A_220] : memref<2000xi32, #tpu.memory_space<vmem>> -> memref<200xi32, #tpu.memory_space<vmem>>
      %dma_start3A_222 = arith.constant 0 : i32
      %dma_start3A_223 = arith.constant 0 : i32
      %dma_start3A_224 = tpu.memref_slice %arg2[%arg0, %dma_start3A_222, %dma_start3A_223] : memref<2x10000x64xf32, #tpu.memory_space<hbm>> -> memref<1x10000x64xf32, #tpu.memory_space<hbm>>
      %dma_start3A_225 = tpu.memref_squeeze %dma_start3A_224 : memref<1x10000x64xf32, #tpu.memory_space<hbm>> -> memref<10000x64xf32, #tpu.memory_space<hbm>>
      %dma_start3A_226 = arith.constant 0 : i32
      %dma_start3A_227 = arith.constant 0 : i32
      %dma_start3A_228 = tpu.memref_slice %dma_start3A_225[%dma_start3A_226, %dma_start3A_227] : memref<10000x64xf32, #tpu.memory_space<hbm>> -> memref<10000x64xf32, #tpu.memory_space<hbm>>
      tpu.enqueue_indirect_dma source(%dma_start3A_228 : memref<10000x64xf32, #tpu.memory_space<hbm>>) target(%arg10 : memref<200x64xf32, #tpu.memory_space<vmem>>) offsets(%dma_start3A_221 : memref<200xi32, #tpu.memory_space<vmem>>) semaphore(%arg13 : memref<!tpu.dma_semaphore, #tpu.memory_space<semaphore_mem>>)
      %dma_wait3A_229 = arith.constant 1600 : i32
      %dma_wait3A_230 = tpu.memref_slice %arg5[%dma_wait3A_229] : memref<2000xi32, #tpu.memory_space<vmem>> -> memref<200xi32, #tpu.memory_space<vmem>>
      %dma_wait3A_231 = arith.constant 0 : i32
      %dma_wait3A_232 = arith.constant 0 : i32
      %dma_wait3A_233 = tpu.memref_slice %arg2[%arg0, %dma_wait3A_231, %dma_wait3A_232] : memref<2x10000x64xf32, #tpu.memory_space<hbm>> -> memref<1x10000x64xf32, #tpu.memory_space<hbm>>
      %dma_wait3A_234 = tpu.memref_squeeze %dma_wait3A_233 : memref<1x10000x64xf32, #tpu.memory_space<hbm>> -> memref<10000x64xf32, #tpu.memory_space<hbm>>
      %dma_wait3A_235 = arith.constant 0 : i32
      %dma_wait3A_236 = arith.constant 0 : i32
      %dma_wait3A_237 = tpu.memref_slice %dma_wait3A_234[%dma_wait3A_235, %dma_wait3A_236] : memref<10000x64xf32, #tpu.memory_space<hbm>> -> memref<10000x64xf32, #tpu.memory_space<hbm>>
      tpu.wait_indirect_dma semaphore(%arg12 : memref<!tpu.dma_semaphore, #tpu.memory_space<semaphore_mem>>) src(%dma_wait3A_237 : memref<10000x64xf32, #tpu.memory_space<hbm>>) dst(%arg9 : memref<200x64xf32, #tpu.memory_space<vmem>>)
      "tpu.region"() ({
        %run_scoped3A = tpu.sem_alloc : memref<!tpu.dma_semaphore, #tpu.memory_space<semaphore_mem>>
        %dma_start3A_444 = arith.constant 1600 : i32
        %dma_start3A_445 = tpu.memref_slice %arg6[%dma_start3A_444] : memref<2000xi32, #tpu.memory_space<vmem>> -> memref<200xi32, #tpu.memory_space<vmem>>
        %dma_start3A_446 = arith.constant 0 : i32
        %dma_start3A_447 = arith.constant 0 : i32
        %dma_start3A_448 = tpu.memref_slice %arg11[%dma_start3A_446, %dma_start3A_447] : memref<10240x64xf32, #tpu.memory_space<vmem_shared>> -> memref<10240x64xf32, #tpu.memory_space<vmem_shared>>
        tpu.enqueue_indirect_dma source(%arg9 : memref<200x64xf32, #tpu.memory_space<vmem>>) target(%dma_start3A_448 : memref<10240x64xf32, #tpu.memory_space<vmem_shared>>) offsets(%dma_start3A_445 : memref<200xi32, #tpu.memory_space<vmem>>) semaphore(%run_scoped3A : memref<!tpu.dma_semaphore, #tpu.memory_space<semaphore_mem>>) {add = true}
        %dma_wait3A_449 = arith.constant 1600 : i32
        %dma_wait3A_450 = tpu.memref_slice %arg6[%dma_wait3A_449] : memref<2000xi32, #tpu.memory_space<vmem>> -> memref<200xi32, #tpu.memory_space<vmem>>
        %dma_wait3A_451 = arith.constant 0 : i32
        %dma_wait3A_452 = arith.constant 0 : i32
        %dma_wait3A_453 = tpu.memref_slice %arg11[%dma_wait3A_451, %dma_wait3A_452] : memref<10240x64xf32, #tpu.memory_space<vmem_shared>> -> memref<10240x64xf32, #tpu.memory_space<vmem_shared>>
        tpu.wait_indirect_dma semaphore(%run_scoped3A : memref<!tpu.dma_semaphore, #tpu.memory_space<semaphore_mem>>) src(%arg9 : memref<200x64xf32, #tpu.memory_space<vmem>>) dst(%dma_wait3A_453 : memref<10240x64xf32, #tpu.memory_space<vmem_shared>>)
        tpu.yield
      }) : () -> ()
      %dma_wait3A_238 = arith.constant 1800 : i32
      %dma_wait3A_239 = tpu.memref_slice %arg5[%dma_wait3A_238] : memref<2000xi32, #tpu.memory_space<vmem>> -> memref<200xi32, #tpu.memory_space<vmem>>
      %dma_wait3A_240 = arith.constant 0 : i32
      %dma_wait3A_241 = arith.constant 0 : i32
      %dma_wait3A_242 = tpu.memref_slice %arg2[%arg0, %dma_wait3A_240, %dma_wait3A_241] : memref<2x10000x64xf32, #tpu.memory_space<hbm>> -> memref<1x10000x64xf32, #tpu.memory_space<hbm>>
      %dma_wait3A_243 = tpu.memref_squeeze %dma_wait3A_242 : memref<1x10000x64xf32, #tpu.memory_space<hbm>> -> memref<10000x64xf32, #tpu.memory_space<hbm>>
      %dma_wait3A_244 = arith.constant 0 : i32
      %dma_wait3A_245 = arith.constant 0 : i32
      %dma_wait3A_246 = tpu.memref_slice %dma_wait3A_243[%dma_wait3A_244, %dma_wait3A_245] : memref<10000x64xf32, #tpu.memory_space<hbm>> -> memref<10000x64xf32, #tpu.memory_space<hbm>>
      tpu.wait_indirect_dma semaphore(%arg13 : memref<!tpu.dma_semaphore, #tpu.memory_space<semaphore_mem>>) src(%dma_wait3A_246 : memref<10000x64xf32, #tpu.memory_space<hbm>>) dst(%arg10 : memref<200x64xf32, #tpu.memory_space<vmem>>)
      "tpu.region"() ({
        %run_scoped3A = tpu.sem_alloc : memref<!tpu.dma_semaphore, #tpu.memory_space<semaphore_mem>>
        %dma_start3A_444 = arith.constant 1800 : i32
        %dma_start3A_445 = tpu.memref_slice %arg6[%dma_start3A_444] : memref<2000xi32, #tpu.memory_space<vmem>> -> memref<200xi32, #tpu.memory_space<vmem>>
        %dma_start3A_446 = arith.constant 0 : i32
        %dma_start3A_447 = arith.constant 0 : i32
        %dma_start3A_448 = tpu.memref_slice %arg11[%dma_start3A_446, %dma_start3A_447] : memref<10240x64xf32, #tpu.memory_space<vmem_shared>> -> memref<10240x64xf32, #tpu.memory_space<vmem_shared>>
        tpu.enqueue_indirect_dma source(%arg10 : memref<200x64xf32, #tpu.memory_space<vmem>>) target(%dma_start3A_448 : memref<10240x64xf32, #tpu.memory_space<vmem_shared>>) offsets(%dma_start3A_445 : memref<200xi32, #tpu.memory_space<vmem>>) semaphore(%run_scoped3A : memref<!tpu.dma_semaphore, #tpu.memory_space<semaphore_mem>>) {add = true}
        %dma_wait3A_449 = arith.constant 1800 : i32
        %dma_wait3A_450 = tpu.memref_slice %arg6[%dma_wait3A_449] : memref<2000xi32, #tpu.memory_space<vmem>> -> memref<200xi32, #tpu.memory_space<vmem>>
        %dma_wait3A_451 = arith.constant 0 : i32
        %dma_wait3A_452 = arith.constant 0 : i32
        %dma_wait3A_453 = tpu.memref_slice %arg11[%dma_wait3A_451, %dma_wait3A_452] : memref<10240x64xf32, #tpu.memory_space<vmem_shared>> -> memref<10240x64xf32, #tpu.memory_space<vmem_shared>>
        tpu.wait_indirect_dma semaphore(%run_scoped3A : memref<!tpu.dma_semaphore, #tpu.memory_space<semaphore_mem>>) src(%arg10 : memref<200x64xf32, #tpu.memory_space<vmem>>) dst(%dma_wait3A_453 : memref<10240x64xf32, #tpu.memory_space<vmem_shared>>)
        tpu.yield
      }) : () -> ()
      %add3A_247 = arith.constant 1 : i32
      %add3A_248 = arith.addi %mul3A_43, %add3A_247 : i32
      %mul3A_249 = arith.constant 10 : i32
      %mul3A_250 = arith.muli %arg1, %mul3A_249 : i32
      %add3A_251 = arith.addi %mul3A_250, %add3A_248 : i32
      %mul3A_252 = arith.constant 2000 : i32
      %mul3A_253 = arith.muli %add3A_251, %mul3A_252 : i32
      %dma_wait3A_254 = tpu.memref_slice %arg3[%mul3A_253] : memref<640000xi32, #tpu.memory_space<hbm>> -> memref<2000xi32, #tpu.memory_space<hbm>>
      %dma_wait3A_255 = tpu.memref_slice %arg3[%mul3A_253] : memref<640000xi32, #tpu.memory_space<hbm>> -> memref<2000xi32, #tpu.memory_space<hbm>>
      tpu.wait_dma2 semaphore(%arg15 : memref<!tpu.dma_semaphore, #tpu.memory_space<semaphore_mem>>) src(%dma_wait3A_255 : memref<2000xi32, #tpu.memory_space<hbm>>) dst(%arg7 : memref<2000xi32, #tpu.memory_space<vmem>>)
      %add3A_256 = arith.constant 320000 : i32
      %add3A_257 = arith.addi %add3A_256, %mul3A_253 : i32
      %dma_wait3A_258 = tpu.memref_slice %arg3[%add3A_257] : memref<640000xi32, #tpu.memory_space<hbm>> -> memref<2000xi32, #tpu.memory_space<hbm>>
      %dma_wait3A_259 = tpu.memref_slice %arg3[%add3A_257] : memref<640000xi32, #tpu.memory_space<hbm>> -> memref<2000xi32, #tpu.memory_space<hbm>>
      tpu.wait_dma2 semaphore(%arg15 : memref<!tpu.dma_semaphore, #tpu.memory_space<semaphore_mem>>) src(%dma_wait3A_259 : memref<2000xi32, #tpu.memory_space<hbm>>) dst(%arg8 : memref<2000xi32, #tpu.memory_space<vmem>>)
      %add3A_260 = arith.constant 2 : i32
      %add3A_261 = arith.addi %mul3A_43, %add3A_260 : i32
      %lt3A = arith.constant 10 : i32
      %lt3A_262 = arith.cmpi slt, %add3A_261, %lt3A : i32
      %convert_element_type3A = arith.extui %lt3A_262 : i1 to i32
      %cond3A = arith.constant 0 : i32
      %cond3A_263 = arith.cmpi ne, %convert_element_type3A, %cond3A : i32
      scf.if %cond3A_263 {
        %add3A_444 = arith.constant 2 : i32
        %add3A_445 = arith.addi %mul3A_43, %add3A_444 : i32
        %mul3A_446 = arith.constant 10 : i32
        %mul3A_447 = arith.muli %arg1, %mul3A_446 : i32
        %add3A_448 = arith.addi %mul3A_447, %add3A_445 : i32
        %mul3A_449 = arith.constant 2000 : i32
        %mul3A_450 = arith.muli %add3A_448, %mul3A_449 : i32
        %dma_start3A_451 = tpu.memref_slice %arg3[%mul3A_450] : memref<640000xi32, #tpu.memory_space<hbm>> -> memref<2000xi32, #tpu.memory_space<hbm>>
        %dma_start3A_452 = tpu.memref_slice %arg3[%mul3A_450] : memref<640000xi32, #tpu.memory_space<hbm>> -> memref<2000xi32, #tpu.memory_space<hbm>>
        tpu.enqueue_dma source(%dma_start3A_452 : memref<2000xi32, #tpu.memory_space<hbm>>) target(%arg5 : memref<2000xi32, #tpu.memory_space<vmem>>) target_semaphore(%arg14 : memref<!tpu.dma_semaphore, #tpu.memory_space<semaphore_mem>>)
        %add3A_453 = arith.constant 320000 : i32
        %add3A_454 = arith.addi %add3A_453, %mul3A_450 : i32
        %dma_start3A_455 = tpu.memref_slice %arg3[%add3A_454] : memref<640000xi32, #tpu.memory_space<hbm>> -> memref<2000xi32, #tpu.memory_space<hbm>>
        %dma_start3A_456 = tpu.memref_slice %arg3[%add3A_454] : memref<640000xi32, #tpu.memory_space<hbm>> -> memref<2000xi32, #tpu.memory_space<hbm>>
        tpu.enqueue_dma source(%dma_start3A_456 : memref<2000xi32, #tpu.memory_space<hbm>>) target(%arg6 : memref<2000xi32, #tpu.memory_space<vmem>>) target_semaphore(%arg14 : memref<!tpu.dma_semaphore, #tpu.memory_space<semaphore_mem>>)
      } else {
      }
      %dma_start3A_264 = arith.constant 0 : i32
      %dma_start3A_265 = tpu.memref_slice %arg7[%dma_start3A_264] : memref<2000xi32, #tpu.memory_space<vmem>> -> memref<200xi32, #tpu.memory_space<vmem>>
      %dma_start3A_266 = arith.constant 0 : i32
      %dma_start3A_267 = arith.constant 0 : i32
      %dma_start3A_268 = tpu.memref_slice %arg2[%arg0, %dma_start3A_266, %dma_start3A_267] : memref<2x10000x64xf32, #tpu.memory_space<hbm>> -> memref<1x10000x64xf32, #tpu.memory_space<hbm>>
      %dma_start3A_269 = tpu.memref_squeeze %dma_start3A_268 : memref<1x10000x64xf32, #tpu.memory_space<hbm>> -> memref<10000x64xf32, #tpu.memory_space<hbm>>
      %dma_start3A_270 = arith.constant 0 : i32
      %dma_start3A_271 = arith.constant 0 : i32
      %dma_start3A_272 = tpu.memref_slice %dma_start3A_269[%dma_start3A_270, %dma_start3A_271] : memref<10000x64xf32, #tpu.memory_space<hbm>> -> memref<10000x64xf32, #tpu.memory_space<hbm>>
      tpu.enqueue_indirect_dma source(%dma_start3A_272 : memref<10000x64xf32, #tpu.memory_space<hbm>>) target(%arg9 : memref<200x64xf32, #tpu.memory_space<vmem>>) offsets(%dma_start3A_265 : memref<200xi32, #tpu.memory_space<vmem>>) semaphore(%arg12 : memref<!tpu.dma_semaphore, #tpu.memory_space<semaphore_mem>>)
      %dma_start3A_273 = arith.constant 200 : i32
      %dma_start3A_274 = tpu.memref_slice %arg7[%dma_start3A_273] : memref<2000xi32, #tpu.memory_space<vmem>> -> memref<200xi32, #tpu.memory_space<vmem>>
      %dma_start3A_275 = arith.constant 0 : i32
      %dma_start3A_276 = arith.constant 0 : i32
      %dma_start3A_277 = tpu.memref_slice %arg2[%arg0, %dma_start3A_275, %dma_start3A_276] : memref<2x10000x64xf32, #tpu.memory_space<hbm>> -> memref<1x10000x64xf32, #tpu.memory_space<hbm>>
      %dma_start3A_278 = tpu.memref_squeeze %dma_start3A_277 : memref<1x10000x64xf32, #tpu.memory_space<hbm>> -> memref<10000x64xf32, #tpu.memory_space<hbm>>
      %dma_start3A_279 = arith.constant 0 : i32
      %dma_start3A_280 = arith.constant 0 : i32
      %dma_start3A_281 = tpu.memref_slice %dma_start3A_278[%dma_start3A_279, %dma_start3A_280] : memref<10000x64xf32, #tpu.memory_space<hbm>> -> memref<10000x64xf32, #tpu.memory_space<hbm>>
      tpu.enqueue_indirect_dma source(%dma_start3A_281 : memref<10000x64xf32, #tpu.memory_space<hbm>>) target(%arg10 : memref<200x64xf32, #tpu.memory_space<vmem>>) offsets(%dma_start3A_274 : memref<200xi32, #tpu.memory_space<vmem>>) semaphore(%arg13 : memref<!tpu.dma_semaphore, #tpu.memory_space<semaphore_mem>>)
      %dma_wait3A_282 = arith.constant 0 : i32
      %dma_wait3A_283 = tpu.memref_slice %arg7[%dma_wait3A_282] : memref<2000xi32, #tpu.memory_space<vmem>> -> memref<200xi32, #tpu.memory_space<vmem>>
      %dma_wait3A_284 = arith.constant 0 : i32
      %dma_wait3A_285 = arith.constant 0 : i32
      %dma_wait3A_286 = tpu.memref_slice %arg2[%arg0, %dma_wait3A_284, %dma_wait3A_285] : memref<2x10000x64xf32, #tpu.memory_space<hbm>> -> memref<1x10000x64xf32, #tpu.memory_space<hbm>>
      %dma_wait3A_287 = tpu.memref_squeeze %dma_wait3A_286 : memref<1x10000x64xf32, #tpu.memory_space<hbm>> -> memref<10000x64xf32, #tpu.memory_space<hbm>>
      %dma_wait3A_288 = arith.constant 0 : i32
      %dma_wait3A_289 = arith.constant 0 : i32
      %dma_wait3A_290 = tpu.memref_slice %dma_wait3A_287[%dma_wait3A_288, %dma_wait3A_289] : memref<10000x64xf32, #tpu.memory_space<hbm>> -> memref<10000x64xf32, #tpu.memory_space<hbm>>
      tpu.wait_indirect_dma semaphore(%arg12 : memref<!tpu.dma_semaphore, #tpu.memory_space<semaphore_mem>>) src(%dma_wait3A_290 : memref<10000x64xf32, #tpu.memory_space<hbm>>) dst(%arg9 : memref<200x64xf32, #tpu.memory_space<vmem>>)
      "tpu.region"() ({
        %run_scoped3A = tpu.sem_alloc : memref<!tpu.dma_semaphore, #tpu.memory_space<semaphore_mem>>
        %dma_start3A_444 = arith.constant 0 : i32
        %dma_start3A_445 = tpu.memref_slice %arg8[%dma_start3A_444] : memref<2000xi32, #tpu.memory_space<vmem>> -> memref<200xi32, #tpu.memory_space<vmem>>
        %dma_start3A_446 = arith.constant 0 : i32
        %dma_start3A_447 = arith.constant 0 : i32
        %dma_start3A_448 = tpu.memref_slice %arg11[%dma_start3A_446, %dma_start3A_447] : memref<10240x64xf32, #tpu.memory_space<vmem_shared>> -> memref<10240x64xf32, #tpu.memory_space<vmem_shared>>
        tpu.enqueue_indirect_dma source(%arg9 : memref<200x64xf32, #tpu.memory_space<vmem>>) target(%dma_start3A_448 : memref<10240x64xf32, #tpu.memory_space<vmem_shared>>) offsets(%dma_start3A_445 : memref<200xi32, #tpu.memory_space<vmem>>) semaphore(%run_scoped3A : memref<!tpu.dma_semaphore, #tpu.memory_space<semaphore_mem>>) {add = true}
        %dma_wait3A_449 = arith.constant 0 : i32
        %dma_wait3A_450 = tpu.memref_slice %arg8[%dma_wait3A_449] : memref<2000xi32, #tpu.memory_space<vmem>> -> memref<200xi32, #tpu.memory_space<vmem>>
        %dma_wait3A_451 = arith.constant 0 : i32
        %dma_wait3A_452 = arith.constant 0 : i32
        %dma_wait3A_453 = tpu.memref_slice %arg11[%dma_wait3A_451, %dma_wait3A_452] : memref<10240x64xf32, #tpu.memory_space<vmem_shared>> -> memref<10240x64xf32, #tpu.memory_space<vmem_shared>>
        tpu.wait_indirect_dma semaphore(%run_scoped3A : memref<!tpu.dma_semaphore, #tpu.memory_space<semaphore_mem>>) src(%arg9 : memref<200x64xf32, #tpu.memory_space<vmem>>) dst(%dma_wait3A_453 : memref<10240x64xf32, #tpu.memory_space<vmem_shared>>)
        tpu.yield
      }) : () -> ()
      %dma_start3A_291 = arith.constant 400 : i32
      %dma_start3A_292 = tpu.memref_slice %arg7[%dma_start3A_291] : memref<2000xi32, #tpu.memory_space<vmem>> -> memref<200xi32, #tpu.memory_space<vmem>>
      %dma_start3A_293 = arith.constant 0 : i32
      %dma_start3A_294 = arith.constant 0 : i32
      %dma_start3A_295 = tpu.memref_slice %arg2[%arg0, %dma_start3A_293, %dma_start3A_294] : memref<2x10000x64xf32, #tpu.memory_space<hbm>> -> memref<1x10000x64xf32, #tpu.memory_space<hbm>>
      %dma_start3A_296 = tpu.memref_squeeze %dma_start3A_295 : memref<1x10000x64xf32, #tpu.memory_space<hbm>> -> memref<10000x64xf32, #tpu.memory_space<hbm>>
      %dma_start3A_297 = arith.constant 0 : i32
      %dma_start3A_298 = arith.constant 0 : i32
      %dma_start3A_299 = tpu.memref_slice %dma_start3A_296[%dma_start3A_297, %dma_start3A_298] : memref<10000x64xf32, #tpu.memory_space<hbm>> -> memref<10000x64xf32, #tpu.memory_space<hbm>>
      tpu.enqueue_indirect_dma source(%dma_start3A_299 : memref<10000x64xf32, #tpu.memory_space<hbm>>) target(%arg9 : memref<200x64xf32, #tpu.memory_space<vmem>>) offsets(%dma_start3A_292 : memref<200xi32, #tpu.memory_space<vmem>>) semaphore(%arg12 : memref<!tpu.dma_semaphore, #tpu.memory_space<semaphore_mem>>)
      %dma_wait3A_300 = arith.constant 200 : i32
      %dma_wait3A_301 = tpu.memref_slice %arg7[%dma_wait3A_300] : memref<2000xi32, #tpu.memory_space<vmem>> -> memref<200xi32, #tpu.memory_space<vmem>>
      %dma_wait3A_302 = arith.constant 0 : i32
      %dma_wait3A_303 = arith.constant 0 : i32
      %dma_wait3A_304 = tpu.memref_slice %arg2[%arg0, %dma_wait3A_302, %dma_wait3A_303] : memref<2x10000x64xf32, #tpu.memory_space<hbm>> -> memref<1x10000x64xf32, #tpu.memory_space<hbm>>
      %dma_wait3A_305 = tpu.memref_squeeze %dma_wait3A_304 : memref<1x10000x64xf32, #tpu.memory_space<hbm>> -> memref<10000x64xf32, #tpu.memory_space<hbm>>
      %dma_wait3A_306 = arith.constant 0 : i32
      %dma_wait3A_307 = arith.constant 0 : i32
      %dma_wait3A_308 = tpu.memref_slice %dma_wait3A_305[%dma_wait3A_306, %dma_wait3A_307] : memref<10000x64xf32, #tpu.memory_space<hbm>> -> memref<10000x64xf32, #tpu.memory_space<hbm>>
      tpu.wait_indirect_dma semaphore(%arg13 : memref<!tpu.dma_semaphore, #tpu.memory_space<semaphore_mem>>) src(%dma_wait3A_308 : memref<10000x64xf32, #tpu.memory_space<hbm>>) dst(%arg10 : memref<200x64xf32, #tpu.memory_space<vmem>>)
      "tpu.region"() ({
        %run_scoped3A = tpu.sem_alloc : memref<!tpu.dma_semaphore, #tpu.memory_space<semaphore_mem>>
        %dma_start3A_444 = arith.constant 200 : i32
        %dma_start3A_445 = tpu.memref_slice %arg8[%dma_start3A_444] : memref<2000xi32, #tpu.memory_space<vmem>> -> memref<200xi32, #tpu.memory_space<vmem>>
        %dma_start3A_446 = arith.constant 0 : i32
        %dma_start3A_447 = arith.constant 0 : i32
        %dma_start3A_448 = tpu.memref_slice %arg11[%dma_start3A_446, %dma_start3A_447] : memref<10240x64xf32, #tpu.memory_space<vmem_shared>> -> memref<10240x64xf32, #tpu.memory_space<vmem_shared>>
        tpu.enqueue_indirect_dma source(%arg10 : memref<200x64xf32, #tpu.memory_space<vmem>>) target(%dma_start3A_448 : memref<10240x64xf32, #tpu.memory_space<vmem_shared>>) offsets(%dma_start3A_445 : memref<200xi32, #tpu.memory_space<vmem>>) semaphore(%run_scoped3A : memref<!tpu.dma_semaphore, #tpu.memory_space<semaphore_mem>>) {add = true}
        %dma_wait3A_449 = arith.constant 200 : i32
        %dma_wait3A_450 = tpu.memref_slice %arg8[%dma_wait3A_449] : memref<2000xi32, #tpu.memory_space<vmem>> -> memref<200xi32, #tpu.memory_space<vmem>>
        %dma_wait3A_451 = arith.constant 0 : i32
        %dma_wait3A_452 = arith.constant 0 : i32
        %dma_wait3A_453 = tpu.memref_slice %arg11[%dma_wait3A_451, %dma_wait3A_452] : memref<10240x64xf32, #tpu.memory_space<vmem_shared>> -> memref<10240x64xf32, #tpu.memory_space<vmem_shared>>
        tpu.wait_indirect_dma semaphore(%run_scoped3A : memref<!tpu.dma_semaphore, #tpu.memory_space<semaphore_mem>>) src(%arg10 : memref<200x64xf32, #tpu.memory_space<vmem>>) dst(%dma_wait3A_453 : memref<10240x64xf32, #tpu.memory_space<vmem_shared>>)
        tpu.yield
      }) : () -> ()
      %dma_start3A_309 = arith.constant 600 : i32
      %dma_start3A_310 = tpu.memref_slice %arg7[%dma_start3A_309] : memref<2000xi32, #tpu.memory_space<vmem>> -> memref<200xi32, #tpu.memory_space<vmem>>
      %dma_start3A_311 = arith.constant 0 : i32
      %dma_start3A_312 = arith.constant 0 : i32
      %dma_start3A_313 = tpu.memref_slice %arg2[%arg0, %dma_start3A_311, %dma_start3A_312] : memref<2x10000x64xf32, #tpu.memory_space<hbm>> -> memref<1x10000x64xf32, #tpu.memory_space<hbm>>
      %dma_start3A_314 = tpu.memref_squeeze %dma_start3A_313 : memref<1x10000x64xf32, #tpu.memory_space<hbm>> -> memref<10000x64xf32, #tpu.memory_space<hbm>>
      %dma_start3A_315 = arith.constant 0 : i32
      %dma_start3A_316 = arith.constant 0 : i32
      %dma_start3A_317 = tpu.memref_slice %dma_start3A_314[%dma_start3A_315, %dma_start3A_316] : memref<10000x64xf32, #tpu.memory_space<hbm>> -> memref<10000x64xf32, #tpu.memory_space<hbm>>
      tpu.enqueue_indirect_dma source(%dma_start3A_317 : memref<10000x64xf32, #tpu.memory_space<hbm>>) target(%arg10 : memref<200x64xf32, #tpu.memory_space<vmem>>) offsets(%dma_start3A_310 : memref<200xi32, #tpu.memory_space<vmem>>) semaphore(%arg13 : memref<!tpu.dma_semaphore, #tpu.memory_space<semaphore_mem>>)
      %dma_wait3A_318 = arith.constant 400 : i32
      %dma_wait3A_319 = tpu.memref_slice %arg7[%dma_wait3A_318] : memref<2000xi32, #tpu.memory_space<vmem>> -> memref<200xi32, #tpu.memory_space<vmem>>
      %dma_wait3A_320 = arith.constant 0 : i32
      %dma_wait3A_321 = arith.constant 0 : i32
      %dma_wait3A_322 = tpu.memref_slice %arg2[%arg0, %dma_wait3A_320, %dma_wait3A_321] : memref<2x10000x64xf32, #tpu.memory_space<hbm>> -> memref<1x10000x64xf32, #tpu.memory_space<hbm>>
      %dma_wait3A_323 = tpu.memref_squeeze %dma_wait3A_322 : memref<1x10000x64xf32, #tpu.memory_space<hbm>> -> memref<10000x64xf32, #tpu.memory_space<hbm>>
      %dma_wait3A_324 = arith.constant 0 : i32
      %dma_wait3A_325 = arith.constant 0 : i32
      %dma_wait3A_326 = tpu.memref_slice %dma_wait3A_323[%dma_wait3A_324, %dma_wait3A_325] : memref<10000x64xf32, #tpu.memory_space<hbm>> -> memref<10000x64xf32, #tpu.memory_space<hbm>>
      tpu.wait_indirect_dma semaphore(%arg12 : memref<!tpu.dma_semaphore, #tpu.memory_space<semaphore_mem>>) src(%dma_wait3A_326 : memref<10000x64xf32, #tpu.memory_space<hbm>>) dst(%arg9 : memref<200x64xf32, #tpu.memory_space<vmem>>)
      "tpu.region"() ({
        %run_scoped3A = tpu.sem_alloc : memref<!tpu.dma_semaphore, #tpu.memory_space<semaphore_mem>>
        %dma_start3A_444 = arith.constant 400 : i32
        %dma_start3A_445 = tpu.memref_slice %arg8[%dma_start3A_444] : memref<2000xi32, #tpu.memory_space<vmem>> -> memref<200xi32, #tpu.memory_space<vmem>>
        %dma_start3A_446 = arith.constant 0 : i32
        %dma_start3A_447 = arith.constant 0 : i32
        %dma_start3A_448 = tpu.memref_slice %arg11[%dma_start3A_446, %dma_start3A_447] : memref<10240x64xf32, #tpu.memory_space<vmem_shared>> -> memref<10240x64xf32, #tpu.memory_space<vmem_shared>>
        tpu.enqueue_indirect_dma source(%arg9 : memref<200x64xf32, #tpu.memory_space<vmem>>) target(%dma_start3A_448 : memref<10240x64xf32, #tpu.memory_space<vmem_shared>>) offsets(%dma_start3A_445 : memref<200xi32, #tpu.memory_space<vmem>>) semaphore(%run_scoped3A : memref<!tpu.dma_semaphore, #tpu.memory_space<semaphore_mem>>) {add = true}
        %dma_wait3A_449 = arith.constant 400 : i32
        %dma_wait3A_450 = tpu.memref_slice %arg8[%dma_wait3A_449] : memref<2000xi32, #tpu.memory_space<vmem>> -> memref<200xi32, #tpu.memory_space<vmem>>
        %dma_wait3A_451 = arith.constant 0 : i32
        %dma_wait3A_452 = arith.constant 0 : i32
        %dma_wait3A_453 = tpu.memref_slice %arg11[%dma_wait3A_451, %dma_wait3A_452] : memref<10240x64xf32, #tpu.memory_space<vmem_shared>> -> memref<10240x64xf32, #tpu.memory_space<vmem_shared>>
        tpu.wait_indirect_dma semaphore(%run_scoped3A : memref<!tpu.dma_semaphore, #tpu.memory_space<semaphore_mem>>) src(%arg9 : memref<200x64xf32, #tpu.memory_space<vmem>>) dst(%dma_wait3A_453 : memref<10240x64xf32, #tpu.memory_space<vmem_shared>>)
        tpu.yield
      }) : () -> ()
      %dma_start3A_327 = arith.constant 800 : i32
      %dma_start3A_328 = tpu.memref_slice %arg7[%dma_start3A_327] : memref<2000xi32, #tpu.memory_space<vmem>> -> memref<200xi32, #tpu.memory_space<vmem>>
      %dma_start3A_329 = arith.constant 0 : i32
      %dma_start3A_330 = arith.constant 0 : i32
      %dma_start3A_331 = tpu.memref_slice %arg2[%arg0, %dma_start3A_329, %dma_start3A_330] : memref<2x10000x64xf32, #tpu.memory_space<hbm>> -> memref<1x10000x64xf32, #tpu.memory_space<hbm>>
      %dma_start3A_332 = tpu.memref_squeeze %dma_start3A_331 : memref<1x10000x64xf32, #tpu.memory_space<hbm>> -> memref<10000x64xf32, #tpu.memory_space<hbm>>
      %dma_start3A_333 = arith.constant 0 : i32
      %dma_start3A_334 = arith.constant 0 : i32
      %dma_start3A_335 = tpu.memref_slice %dma_start3A_332[%dma_start3A_333, %dma_start3A_334] : memref<10000x64xf32, #tpu.memory_space<hbm>> -> memref<10000x64xf32, #tpu.memory_space<hbm>>
      tpu.enqueue_indirect_dma source(%dma_start3A_335 : memref<10000x64xf32, #tpu.memory_space<hbm>>) target(%arg9 : memref<200x64xf32, #tpu.memory_space<vmem>>) offsets(%dma_start3A_328 : memref<200xi32, #tpu.memory_space<vmem>>) semaphore(%arg12 : memref<!tpu.dma_semaphore, #tpu.memory_space<semaphore_mem>>)
      %dma_wait3A_336 = arith.constant 600 : i32
      %dma_wait3A_337 = tpu.memref_slice %arg7[%dma_wait3A_336] : memref<2000xi32, #tpu.memory_space<vmem>> -> memref<200xi32, #tpu.memory_space<vmem>>
      %dma_wait3A_338 = arith.constant 0 : i32
      %dma_wait3A_339 = arith.constant 0 : i32
      %dma_wait3A_340 = tpu.memref_slice %arg2[%arg0, %dma_wait3A_338, %dma_wait3A_339] : memref<2x10000x64xf32, #tpu.memory_space<hbm>> -> memref<1x10000x64xf32, #tpu.memory_space<hbm>>
      %dma_wait3A_341 = tpu.memref_squeeze %dma_wait3A_340 : memref<1x10000x64xf32, #tpu.memory_space<hbm>> -> memref<10000x64xf32, #tpu.memory_space<hbm>>
      %dma_wait3A_342 = arith.constant 0 : i32
      %dma_wait3A_343 = arith.constant 0 : i32
      %dma_wait3A_344 = tpu.memref_slice %dma_wait3A_341[%dma_wait3A_342, %dma_wait3A_343] : memref<10000x64xf32, #tpu.memory_space<hbm>> -> memref<10000x64xf32, #tpu.memory_space<hbm>>
      tpu.wait_indirect_dma semaphore(%arg13 : memref<!tpu.dma_semaphore, #tpu.memory_space<semaphore_mem>>) src(%dma_wait3A_344 : memref<10000x64xf32, #tpu.memory_space<hbm>>) dst(%arg10 : memref<200x64xf32, #tpu.memory_space<vmem>>)
      "tpu.region"() ({
        %run_scoped3A = tpu.sem_alloc : memref<!tpu.dma_semaphore, #tpu.memory_space<semaphore_mem>>
        %dma_start3A_444 = arith.constant 600 : i32
        %dma_start3A_445 = tpu.memref_slice %arg8[%dma_start3A_444] : memref<2000xi32, #tpu.memory_space<vmem>> -> memref<200xi32, #tpu.memory_space<vmem>>
        %dma_start3A_446 = arith.constant 0 : i32
        %dma_start3A_447 = arith.constant 0 : i32
        %dma_start3A_448 = tpu.memref_slice %arg11[%dma_start3A_446, %dma_start3A_447] : memref<10240x64xf32, #tpu.memory_space<vmem_shared>> -> memref<10240x64xf32, #tpu.memory_space<vmem_shared>>
        tpu.enqueue_indirect_dma source(%arg10 : memref<200x64xf32, #tpu.memory_space<vmem>>) target(%dma_start3A_448 : memref<10240x64xf32, #tpu.memory_space<vmem_shared>>) offsets(%dma_start3A_445 : memref<200xi32, #tpu.memory_space<vmem>>) semaphore(%run_scoped3A : memref<!tpu.dma_semaphore, #tpu.memory_space<semaphore_mem>>) {add = true}
        %dma_wait3A_449 = arith.constant 600 : i32
        %dma_wait3A_450 = tpu.memref_slice %arg8[%dma_wait3A_449] : memref<2000xi32, #tpu.memory_space<vmem>> -> memref<200xi32, #tpu.memory_space<vmem>>
        %dma_wait3A_451 = arith.constant 0 : i32
        %dma_wait3A_452 = arith.constant 0 : i32
        %dma_wait3A_453 = tpu.memref_slice %arg11[%dma_wait3A_451, %dma_wait3A_452] : memref<10240x64xf32, #tpu.memory_space<vmem_shared>> -> memref<10240x64xf32, #tpu.memory_space<vmem_shared>>
        tpu.wait_indirect_dma semaphore(%run_scoped3A : memref<!tpu.dma_semaphore, #tpu.memory_space<semaphore_mem>>) src(%arg10 : memref<200x64xf32, #tpu.memory_space<vmem>>) dst(%dma_wait3A_453 : memref<10240x64xf32, #tpu.memory_space<vmem_shared>>)
        tpu.yield
      }) : () -> ()
      %dma_start3A_345 = arith.constant 1000 : i32
      %dma_start3A_346 = tpu.memref_slice %arg7[%dma_start3A_345] : memref<2000xi32, #tpu.memory_space<vmem>> -> memref<200xi32, #tpu.memory_space<vmem>>
      %dma_start3A_347 = arith.constant 0 : i32
      %dma_start3A_348 = arith.constant 0 : i32
      %dma_start3A_349 = tpu.memref_slice %arg2[%arg0, %dma_start3A_347, %dma_start3A_348] : memref<2x10000x64xf32, #tpu.memory_space<hbm>> -> memref<1x10000x64xf32, #tpu.memory_space<hbm>>
      %dma_start3A_350 = tpu.memref_squeeze %dma_start3A_349 : memref<1x10000x64xf32, #tpu.memory_space<hbm>> -> memref<10000x64xf32, #tpu.memory_space<hbm>>
      %dma_start3A_351 = arith.constant 0 : i32
      %dma_start3A_352 = arith.constant 0 : i32
      %dma_start3A_353 = tpu.memref_slice %dma_start3A_350[%dma_start3A_351, %dma_start3A_352] : memref<10000x64xf32, #tpu.memory_space<hbm>> -> memref<10000x64xf32, #tpu.memory_space<hbm>>
      tpu.enqueue_indirect_dma source(%dma_start3A_353 : memref<10000x64xf32, #tpu.memory_space<hbm>>) target(%arg10 : memref<200x64xf32, #tpu.memory_space<vmem>>) offsets(%dma_start3A_346 : memref<200xi32, #tpu.memory_space<vmem>>) semaphore(%arg13 : memref<!tpu.dma_semaphore, #tpu.memory_space<semaphore_mem>>)
      %dma_wait3A_354 = arith.constant 800 : i32
      %dma_wait3A_355 = tpu.memref_slice %arg7[%dma_wait3A_354] : memref<2000xi32, #tpu.memory_space<vmem>> -> memref<200xi32, #tpu.memory_space<vmem>>
      %dma_wait3A_356 = arith.constant 0 : i32
      %dma_wait3A_357 = arith.constant 0 : i32
      %dma_wait3A_358 = tpu.memref_slice %arg2[%arg0, %dma_wait3A_356, %dma_wait3A_357] : memref<2x10000x64xf32, #tpu.memory_space<hbm>> -> memref<1x10000x64xf32, #tpu.memory_space<hbm>>
      %dma_wait3A_359 = tpu.memref_squeeze %dma_wait3A_358 : memref<1x10000x64xf32, #tpu.memory_space<hbm>> -> memref<10000x64xf32, #tpu.memory_space<hbm>>
      %dma_wait3A_360 = arith.constant 0 : i32
      %dma_wait3A_361 = arith.constant 0 : i32
      %dma_wait3A_362 = tpu.memref_slice %dma_wait3A_359[%dma_wait3A_360, %dma_wait3A_361] : memref<10000x64xf32, #tpu.memory_space<hbm>> -> memref<10000x64xf32, #tpu.memory_space<hbm>>
      tpu.wait_indirect_dma semaphore(%arg12 : memref<!tpu.dma_semaphore, #tpu.memory_space<semaphore_mem>>) src(%dma_wait3A_362 : memref<10000x64xf32, #tpu.memory_space<hbm>>) dst(%arg9 : memref<200x64xf32, #tpu.memory_space<vmem>>)
      "tpu.region"() ({
        %run_scoped3A = tpu.sem_alloc : memref<!tpu.dma_semaphore, #tpu.memory_space<semaphore_mem>>
        %dma_start3A_444 = arith.constant 800 : i32
        %dma_start3A_445 = tpu.memref_slice %arg8[%dma_start3A_444] : memref<2000xi32, #tpu.memory_space<vmem>> -> memref<200xi32, #tpu.memory_space<vmem>>
        %dma_start3A_446 = arith.constant 0 : i32
        %dma_start3A_447 = arith.constant 0 : i32
        %dma_start3A_448 = tpu.memref_slice %arg11[%dma_start3A_446, %dma_start3A_447] : memref<10240x64xf32, #tpu.memory_space<vmem_shared>> -> memref<10240x64xf32, #tpu.memory_space<vmem_shared>>
        tpu.enqueue_indirect_dma source(%arg9 : memref<200x64xf32, #tpu.memory_space<vmem>>) target(%dma_start3A_448 : memref<10240x64xf32, #tpu.memory_space<vmem_shared>>) offsets(%dma_start3A_445 : memref<200xi32, #tpu.memory_space<vmem>>) semaphore(%run_scoped3A : memref<!tpu.dma_semaphore, #tpu.memory_space<semaphore_mem>>) {add = true}
        %dma_wait3A_449 = arith.constant 800 : i32
        %dma_wait3A_450 = tpu.memref_slice %arg8[%dma_wait3A_449] : memref<2000xi32, #tpu.memory_space<vmem>> -> memref<200xi32, #tpu.memory_space<vmem>>
        %dma_wait3A_451 = arith.constant 0 : i32
        %dma_wait3A_452 = arith.constant 0 : i32
        %dma_wait3A_453 = tpu.memref_slice %arg11[%dma_wait3A_451, %dma_wait3A_452] : memref<10240x64xf32, #tpu.memory_space<vmem_shared>> -> memref<10240x64xf32, #tpu.memory_space<vmem_shared>>
        tpu.wait_indirect_dma semaphore(%run_scoped3A : memref<!tpu.dma_semaphore, #tpu.memory_space<semaphore_mem>>) src(%arg9 : memref<200x64xf32, #tpu.memory_space<vmem>>) dst(%dma_wait3A_453 : memref<10240x64xf32, #tpu.memory_space<vmem_shared>>)
        tpu.yield
      }) : () -> ()
      %dma_start3A_363 = arith.constant 1200 : i32
      %dma_start3A_364 = tpu.memref_slice %arg7[%dma_start3A_363] : memref<2000xi32, #tpu.memory_space<vmem>> -> memref<200xi32, #tpu.memory_space<vmem>>
      %dma_start3A_365 = arith.constant 0 : i32
      %dma_start3A_366 = arith.constant 0 : i32
      %dma_start3A_367 = tpu.memref_slice %arg2[%arg0, %dma_start3A_365, %dma_start3A_366] : memref<2x10000x64xf32, #tpu.memory_space<hbm>> -> memref<1x10000x64xf32, #tpu.memory_space<hbm>>
      %dma_start3A_368 = tpu.memref_squeeze %dma_start3A_367 : memref<1x10000x64xf32, #tpu.memory_space<hbm>> -> memref<10000x64xf32, #tpu.memory_space<hbm>>
      %dma_start3A_369 = arith.constant 0 : i32
      %dma_start3A_370 = arith.constant 0 : i32
      %dma_start3A_371 = tpu.memref_slice %dma_start3A_368[%dma_start3A_369, %dma_start3A_370] : memref<10000x64xf32, #tpu.memory_space<hbm>> -> memref<10000x64xf32, #tpu.memory_space<hbm>>
      tpu.enqueue_indirect_dma source(%dma_start3A_371 : memref<10000x64xf32, #tpu.memory_space<hbm>>) target(%arg9 : memref<200x64xf32, #tpu.memory_space<vmem>>) offsets(%dma_start3A_364 : memref<200xi32, #tpu.memory_space<vmem>>) semaphore(%arg12 : memref<!tpu.dma_semaphore, #tpu.memory_space<semaphore_mem>>)
      %dma_wait3A_372 = arith.constant 1000 : i32
      %dma_wait3A_373 = tpu.memref_slice %arg7[%dma_wait3A_372] : memref<2000xi32, #tpu.memory_space<vmem>> -> memref<200xi32, #tpu.memory_space<vmem>>
      %dma_wait3A_374 = arith.constant 0 : i32
      %dma_wait3A_375 = arith.constant 0 : i32
      %dma_wait3A_376 = tpu.memref_slice %arg2[%arg0, %dma_wait3A_374, %dma_wait3A_375] : memref<2x10000x64xf32, #tpu.memory_space<hbm>> -> memref<1x10000x64xf32, #tpu.memory_space<hbm>>
      %dma_wait3A_377 = tpu.memref_squeeze %dma_wait3A_376 : memref<1x10000x64xf32, #tpu.memory_space<hbm>> -> memref<10000x64xf32, #tpu.memory_space<hbm>>
      %dma_wait3A_378 = arith.constant 0 : i32
      %dma_wait3A_379 = arith.constant 0 : i32
      %dma_wait3A_380 = tpu.memref_slice %dma_wait3A_377[%dma_wait3A_378, %dma_wait3A_379] : memref<10000x64xf32, #tpu.memory_space<hbm>> -> memref<10000x64xf32, #tpu.memory_space<hbm>>
      tpu.wait_indirect_dma semaphore(%arg13 : memref<!tpu.dma_semaphore, #tpu.memory_space<semaphore_mem>>) src(%dma_wait3A_380 : memref<10000x64xf32, #tpu.memory_space<hbm>>) dst(%arg10 : memref<200x64xf32, #tpu.memory_space<vmem>>)
      "tpu.region"() ({
        %run_scoped3A = tpu.sem_alloc : memref<!tpu.dma_semaphore, #tpu.memory_space<semaphore_mem>>
        %dma_start3A_444 = arith.constant 1000 : i32
        %dma_start3A_445 = tpu.memref_slice %arg8[%dma_start3A_444] : memref<2000xi32, #tpu.memory_space<vmem>> -> memref<200xi32, #tpu.memory_space<vmem>>
        %dma_start3A_446 = arith.constant 0 : i32
        %dma_start3A_447 = arith.constant 0 : i32
        %dma_start3A_448 = tpu.memref_slice %arg11[%dma_start3A_446, %dma_start3A_447] : memref<10240x64xf32, #tpu.memory_space<vmem_shared>> -> memref<10240x64xf32, #tpu.memory_space<vmem_shared>>
        tpu.enqueue_indirect_dma source(%arg10 : memref<200x64xf32, #tpu.memory_space<vmem>>) target(%dma_start3A_448 : memref<10240x64xf32, #tpu.memory_space<vmem_shared>>) offsets(%dma_start3A_445 : memref<200xi32, #tpu.memory_space<vmem>>) semaphore(%run_scoped3A : memref<!tpu.dma_semaphore, #tpu.memory_space<semaphore_mem>>) {add = true}
        %dma_wait3A_449 = arith.constant 1000 : i32
        %dma_wait3A_450 = tpu.memref_slice %arg8[%dma_wait3A_449] : memref<2000xi32, #tpu.memory_space<vmem>> -> memref<200xi32, #tpu.memory_space<vmem>>
        %dma_wait3A_451 = arith.constant 0 : i32
        %dma_wait3A_452 = arith.constant 0 : i32
        %dma_wait3A_453 = tpu.memref_slice %arg11[%dma_wait3A_451, %dma_wait3A_452] : memref<10240x64xf32, #tpu.memory_space<vmem_shared>> -> memref<10240x64xf32, #tpu.memory_space<vmem_shared>>
        tpu.wait_indirect_dma semaphore(%run_scoped3A : memref<!tpu.dma_semaphore, #tpu.memory_space<semaphore_mem>>) src(%arg10 : memref<200x64xf32, #tpu.memory_space<vmem>>) dst(%dma_wait3A_453 : memref<10240x64xf32, #tpu.memory_space<vmem_shared>>)
        tpu.yield
      }) : () -> ()
      %dma_start3A_381 = arith.constant 1400 : i32
      %dma_start3A_382 = tpu.memref_slice %arg7[%dma_start3A_381] : memref<2000xi32, #tpu.memory_space<vmem>> -> memref<200xi32, #tpu.memory_space<vmem>>
      %dma_start3A_383 = arith.constant 0 : i32
      %dma_start3A_384 = arith.constant 0 : i32
      %dma_start3A_385 = tpu.memref_slice %arg2[%arg0, %dma_start3A_383, %dma_start3A_384] : memref<2x10000x64xf32, #tpu.memory_space<hbm>> -> memref<1x10000x64xf32, #tpu.memory_space<hbm>>
      %dma_start3A_386 = tpu.memref_squeeze %dma_start3A_385 : memref<1x10000x64xf32, #tpu.memory_space<hbm>> -> memref<10000x64xf32, #tpu.memory_space<hbm>>
      %dma_start3A_387 = arith.constant 0 : i32
      %dma_start3A_388 = arith.constant 0 : i32
      %dma_start3A_389 = tpu.memref_slice %dma_start3A_386[%dma_start3A_387, %dma_start3A_388] : memref<10000x64xf32, #tpu.memory_space<hbm>> -> memref<10000x64xf32, #tpu.memory_space<hbm>>
      tpu.enqueue_indirect_dma source(%dma_start3A_389 : memref<10000x64xf32, #tpu.memory_space<hbm>>) target(%arg10 : memref<200x64xf32, #tpu.memory_space<vmem>>) offsets(%dma_start3A_382 : memref<200xi32, #tpu.memory_space<vmem>>) semaphore(%arg13 : memref<!tpu.dma_semaphore, #tpu.memory_space<semaphore_mem>>)
      %dma_wait3A_390 = arith.constant 1200 : i32
      %dma_wait3A_391 = tpu.memref_slice %arg7[%dma_wait3A_390] : memref<2000xi32, #tpu.memory_space<vmem>> -> memref<200xi32, #tpu.memory_space<vmem>>
      %dma_wait3A_392 = arith.constant 0 : i32
      %dma_wait3A_393 = arith.constant 0 : i32
      %dma_wait3A_394 = tpu.memref_slice %arg2[%arg0, %dma_wait3A_392, %dma_wait3A_393] : memref<2x10000x64xf32, #tpu.memory_space<hbm>> -> memref<1x10000x64xf32, #tpu.memory_space<hbm>>
      %dma_wait3A_395 = tpu.memref_squeeze %dma_wait3A_394 : memref<1x10000x64xf32, #tpu.memory_space<hbm>> -> memref<10000x64xf32, #tpu.memory_space<hbm>>
      %dma_wait3A_396 = arith.constant 0 : i32
      %dma_wait3A_397 = arith.constant 0 : i32
      %dma_wait3A_398 = tpu.memref_slice %dma_wait3A_395[%dma_wait3A_396, %dma_wait3A_397] : memref<10000x64xf32, #tpu.memory_space<hbm>> -> memref<10000x64xf32, #tpu.memory_space<hbm>>
      tpu.wait_indirect_dma semaphore(%arg12 : memref<!tpu.dma_semaphore, #tpu.memory_space<semaphore_mem>>) src(%dma_wait3A_398 : memref<10000x64xf32, #tpu.memory_space<hbm>>) dst(%arg9 : memref<200x64xf32, #tpu.memory_space<vmem>>)
      "tpu.region"() ({
        %run_scoped3A = tpu.sem_alloc : memref<!tpu.dma_semaphore, #tpu.memory_space<semaphore_mem>>
        %dma_start3A_444 = arith.constant 1200 : i32
        %dma_start3A_445 = tpu.memref_slice %arg8[%dma_start3A_444] : memref<2000xi32, #tpu.memory_space<vmem>> -> memref<200xi32, #tpu.memory_space<vmem>>
        %dma_start3A_446 = arith.constant 0 : i32
        %dma_start3A_447 = arith.constant 0 : i32
        %dma_start3A_448 = tpu.memref_slice %arg11[%dma_start3A_446, %dma_start3A_447] : memref<10240x64xf32, #tpu.memory_space<vmem_shared>> -> memref<10240x64xf32, #tpu.memory_space<vmem_shared>>
        tpu.enqueue_indirect_dma source(%arg9 : memref<200x64xf32, #tpu.memory_space<vmem>>) target(%dma_start3A_448 : memref<10240x64xf32, #tpu.memory_space<vmem_shared>>) offsets(%dma_start3A_445 : memref<200xi32, #tpu.memory_space<vmem>>) semaphore(%run_scoped3A : memref<!tpu.dma_semaphore, #tpu.memory_space<semaphore_mem>>) {add = true}
        %dma_wait3A_449 = arith.constant 1200 : i32
        %dma_wait3A_450 = tpu.memref_slice %arg8[%dma_wait3A_449] : memref<2000xi32, #tpu.memory_space<vmem>> -> memref<200xi32, #tpu.memory_space<vmem>>
        %dma_wait3A_451 = arith.constant 0 : i32
        %dma_wait3A_452 = arith.constant 0 : i32
        %dma_wait3A_453 = tpu.memref_slice %arg11[%dma_wait3A_451, %dma_wait3A_452] : memref<10240x64xf32, #tpu.memory_space<vmem_shared>> -> memref<10240x64xf32, #tpu.memory_space<vmem_shared>>
        tpu.wait_indirect_dma semaphore(%run_scoped3A : memref<!tpu.dma_semaphore, #tpu.memory_space<semaphore_mem>>) src(%arg9 : memref<200x64xf32, #tpu.memory_space<vmem>>) dst(%dma_wait3A_453 : memref<10240x64xf32, #tpu.memory_space<vmem_shared>>)
        tpu.yield
      }) : () -> ()
      %dma_start3A_399 = arith.constant 1600 : i32
      %dma_start3A_400 = tpu.memref_slice %arg7[%dma_start3A_399] : memref<2000xi32, #tpu.memory_space<vmem>> -> memref<200xi32, #tpu.memory_space<vmem>>
      %dma_start3A_401 = arith.constant 0 : i32
      %dma_start3A_402 = arith.constant 0 : i32
      %dma_start3A_403 = tpu.memref_slice %arg2[%arg0, %dma_start3A_401, %dma_start3A_402] : memref<2x10000x64xf32, #tpu.memory_space<hbm>> -> memref<1x10000x64xf32, #tpu.memory_space<hbm>>
      %dma_start3A_404 = tpu.memref_squeeze %dma_start3A_403 : memref<1x10000x64xf32, #tpu.memory_space<hbm>> -> memref<10000x64xf32, #tpu.memory_space<hbm>>
      %dma_start3A_405 = arith.constant 0 : i32
      %dma_start3A_406 = arith.constant 0 : i32
      %dma_start3A_407 = tpu.memref_slice %dma_start3A_404[%dma_start3A_405, %dma_start3A_406] : memref<10000x64xf32, #tpu.memory_space<hbm>> -> memref<10000x64xf32, #tpu.memory_space<hbm>>
      tpu.enqueue_indirect_dma source(%dma_start3A_407 : memref<10000x64xf32, #tpu.memory_space<hbm>>) target(%arg9 : memref<200x64xf32, #tpu.memory_space<vmem>>) offsets(%dma_start3A_400 : memref<200xi32, #tpu.memory_space<vmem>>) semaphore(%arg12 : memref<!tpu.dma_semaphore, #tpu.memory_space<semaphore_mem>>)
      %dma_wait3A_408 = arith.constant 1400 : i32
      %dma_wait3A_409 = tpu.memref_slice %arg7[%dma_wait3A_408] : memref<2000xi32, #tpu.memory_space<vmem>> -> memref<200xi32, #tpu.memory_space<vmem>>
      %dma_wait3A_410 = arith.constant 0 : i32
      %dma_wait3A_411 = arith.constant 0 : i32
      %dma_wait3A_412 = tpu.memref_slice %arg2[%arg0, %dma_wait3A_410, %dma_wait3A_411] : memref<2x10000x64xf32, #tpu.memory_space<hbm>> -> memref<1x10000x64xf32, #tpu.memory_space<hbm>>
      %dma_wait3A_413 = tpu.memref_squeeze %dma_wait3A_412 : memref<1x10000x64xf32, #tpu.memory_space<hbm>> -> memref<10000x64xf32, #tpu.memory_space<hbm>>
      %dma_wait3A_414 = arith.constant 0 : i32
      %dma_wait3A_415 = arith.constant 0 : i32
      %dma_wait3A_416 = tpu.memref_slice %dma_wait3A_413[%dma_wait3A_414, %dma_wait3A_415] : memref<10000x64xf32, #tpu.memory_space<hbm>> -> memref<10000x64xf32, #tpu.memory_space<hbm>>
      tpu.wait_indirect_dma semaphore(%arg13 : memref<!tpu.dma_semaphore, #tpu.memory_space<semaphore_mem>>) src(%dma_wait3A_416 : memref<10000x64xf32, #tpu.memory_space<hbm>>) dst(%arg10 : memref<200x64xf32, #tpu.memory_space<vmem>>)
      "tpu.region"() ({
        %run_scoped3A = tpu.sem_alloc : memref<!tpu.dma_semaphore, #tpu.memory_space<semaphore_mem>>
        %dma_start3A_444 = arith.constant 1400 : i32
        %dma_start3A_445 = tpu.memref_slice %arg8[%dma_start3A_444] : memref<2000xi32, #tpu.memory_space<vmem>> -> memref<200xi32, #tpu.memory_space<vmem>>
        %dma_start3A_446 = arith.constant 0 : i32
        %dma_start3A_447 = arith.constant 0 : i32
        %dma_start3A_448 = tpu.memref_slice %arg11[%dma_start3A_446, %dma_start3A_447] : memref<10240x64xf32, #tpu.memory_space<vmem_shared>> -> memref<10240x64xf32, #tpu.memory_space<vmem_shared>>
        tpu.enqueue_indirect_dma source(%arg10 : memref<200x64xf32, #tpu.memory_space<vmem>>) target(%dma_start3A_448 : memref<10240x64xf32, #tpu.memory_space<vmem_shared>>) offsets(%dma_start3A_445 : memref<200xi32, #tpu.memory_space<vmem>>) semaphore(%run_scoped3A : memref<!tpu.dma_semaphore, #tpu.memory_space<semaphore_mem>>) {add = true}
        %dma_wait3A_449 = arith.constant 1400 : i32
        %dma_wait3A_450 = tpu.memref_slice %arg8[%dma_wait3A_449] : memref<2000xi32, #tpu.memory_space<vmem>> -> memref<200xi32, #tpu.memory_space<vmem>>
        %dma_wait3A_451 = arith.constant 0 : i32
        %dma_wait3A_452 = arith.constant 0 : i32
        %dma_wait3A_453 = tpu.memref_slice %arg11[%dma_wait3A_451, %dma_wait3A_452] : memref<10240x64xf32, #tpu.memory_space<vmem_shared>> -> memref<10240x64xf32, #tpu.memory_space<vmem_shared>>
        tpu.wait_indirect_dma semaphore(%run_scoped3A : memref<!tpu.dma_semaphore, #tpu.memory_space<semaphore_mem>>) src(%arg10 : memref<200x64xf32, #tpu.memory_space<vmem>>) dst(%dma_wait3A_453 : memref<10240x64xf32, #tpu.memory_space<vmem_shared>>)
        tpu.yield
      }) : () -> ()
      %dma_start3A_417 = arith.constant 1800 : i32
      %dma_start3A_418 = tpu.memref_slice %arg7[%dma_start3A_417] : memref<2000xi32, #tpu.memory_space<vmem>> -> memref<200xi32, #tpu.memory_space<vmem>>
      %dma_start3A_419 = arith.constant 0 : i32
      %dma_start3A_420 = arith.constant 0 : i32
      %dma_start3A_421 = tpu.memref_slice %arg2[%arg0, %dma_start3A_419, %dma_start3A_420] : memref<2x10000x64xf32, #tpu.memory_space<hbm>> -> memref<1x10000x64xf32, #tpu.memory_space<hbm>>
      %dma_start3A_422 = tpu.memref_squeeze %dma_start3A_421 : memref<1x10000x64xf32, #tpu.memory_space<hbm>> -> memref<10000x64xf32, #tpu.memory_space<hbm>>
      %dma_start3A_423 = arith.constant 0 : i32
      %dma_start3A_424 = arith.constant 0 : i32
      %dma_start3A_425 = tpu.memref_slice %dma_start3A_422[%dma_start3A_423, %dma_start3A_424] : memref<10000x64xf32, #tpu.memory_space<hbm>> -> memref<10000x64xf32, #tpu.memory_space<hbm>>
      tpu.enqueue_indirect_dma source(%dma_start3A_425 : memref<10000x64xf32, #tpu.memory_space<hbm>>) target(%arg10 : memref<200x64xf32, #tpu.memory_space<vmem>>) offsets(%dma_start3A_418 : memref<200xi32, #tpu.memory_space<vmem>>) semaphore(%arg13 : memref<!tpu.dma_semaphore, #tpu.memory_space<semaphore_mem>>)
      %dma_wait3A_426 = arith.constant 1600 : i32
      %dma_wait3A_427 = tpu.memref_slice %arg7[%dma_wait3A_426] : memref<2000xi32, #tpu.memory_space<vmem>> -> memref<200xi32, #tpu.memory_space<vmem>>
      %dma_wait3A_428 = arith.constant 0 : i32
      %dma_wait3A_429 = arith.constant 0 : i32
      %dma_wait3A_430 = tpu.memref_slice %arg2[%arg0, %dma_wait3A_428, %dma_wait3A_429] : memref<2x10000x64xf32, #tpu.memory_space<hbm>> -> memref<1x10000x64xf32, #tpu.memory_space<hbm>>
      %dma_wait3A_431 = tpu.memref_squeeze %dma_wait3A_430 : memref<1x10000x64xf32, #tpu.memory_space<hbm>> -> memref<10000x64xf32, #tpu.memory_space<hbm>>
      %dma_wait3A_432 = arith.constant 0 : i32
      %dma_wait3A_433 = arith.constant 0 : i32
      %dma_wait3A_434 = tpu.memref_slice %dma_wait3A_431[%dma_wait3A_432, %dma_wait3A_433] : memref<10000x64xf32, #tpu.memory_space<hbm>> -> memref<10000x64xf32, #tpu.memory_space<hbm>>
      tpu.wait_indirect_dma semaphore(%arg12 : memref<!tpu.dma_semaphore, #tpu.memory_space<semaphore_mem>>) src(%dma_wait3A_434 : memref<10000x64xf32, #tpu.memory_space<hbm>>) dst(%arg9 : memref<200x64xf32, #tpu.memory_space<vmem>>)
      "tpu.region"() ({
        %run_scoped3A = tpu.sem_alloc : memref<!tpu.dma_semaphore, #tpu.memory_space<semaphore_mem>>
        %dma_start3A_444 = arith.constant 1600 : i32
        %dma_start3A_445 = tpu.memref_slice %arg8[%dma_start3A_444] : memref<2000xi32, #tpu.memory_space<vmem>> -> memref<200xi32, #tpu.memory_space<vmem>>
        %dma_start3A_446 = arith.constant 0 : i32
        %dma_start3A_447 = arith.constant 0 : i32
        %dma_start3A_448 = tpu.memref_slice %arg11[%dma_start3A_446, %dma_start3A_447] : memref<10240x64xf32, #tpu.memory_space<vmem_shared>> -> memref<10240x64xf32, #tpu.memory_space<vmem_shared>>
        tpu.enqueue_indirect_dma source(%arg9 : memref<200x64xf32, #tpu.memory_space<vmem>>) target(%dma_start3A_448 : memref<10240x64xf32, #tpu.memory_space<vmem_shared>>) offsets(%dma_start3A_445 : memref<200xi32, #tpu.memory_space<vmem>>) semaphore(%run_scoped3A : memref<!tpu.dma_semaphore, #tpu.memory_space<semaphore_mem>>) {add = true}
        %dma_wait3A_449 = arith.constant 1600 : i32
        %dma_wait3A_450 = tpu.memref_slice %arg8[%dma_wait3A_449] : memref<2000xi32, #tpu.memory_space<vmem>> -> memref<200xi32, #tpu.memory_space<vmem>>
        %dma_wait3A_451 = arith.constant 0 : i32
        %dma_wait3A_452 = arith.constant 0 : i32
        %dma_wait3A_453 = tpu.memref_slice %arg11[%dma_wait3A_451, %dma_wait3A_452] : memref<10240x64xf32, #tpu.memory_space<vmem_shared>> -> memref<10240x64xf32, #tpu.memory_space<vmem_shared>>
        tpu.wait_indirect_dma semaphore(%run_scoped3A : memref<!tpu.dma_semaphore, #tpu.memory_space<semaphore_mem>>) src(%arg9 : memref<200x64xf32, #tpu.memory_space<vmem>>) dst(%dma_wait3A_453 : memref<10240x64xf32, #tpu.memory_space<vmem_shared>>)
        tpu.yield
      }) : () -> ()
      %dma_wait3A_435 = arith.constant 1800 : i32
      %dma_wait3A_436 = tpu.memref_slice %arg7[%dma_wait3A_435] : memref<2000xi32, #tpu.memory_space<vmem>> -> memref<200xi32, #tpu.memory_space<vmem>>
      %dma_wait3A_437 = arith.constant 0 : i32
      %dma_wait3A_438 = arith.constant 0 : i32
      %dma_wait3A_439 = tpu.memref_slice %arg2[%arg0, %dma_wait3A_437, %dma_wait3A_438] : memref<2x10000x64xf32, #tpu.memory_space<hbm>> -> memref<1x10000x64xf32, #tpu.memory_space<hbm>>
      %dma_wait3A_440 = tpu.memref_squeeze %dma_wait3A_439 : memref<1x10000x64xf32, #tpu.memory_space<hbm>> -> memref<10000x64xf32, #tpu.memory_space<hbm>>
      %dma_wait3A_441 = arith.constant 0 : i32
      %dma_wait3A_442 = arith.constant 0 : i32
      %dma_wait3A_443 = tpu.memref_slice %dma_wait3A_440[%dma_wait3A_441, %dma_wait3A_442] : memref<10000x64xf32, #tpu.memory_space<hbm>> -> memref<10000x64xf32, #tpu.memory_space<hbm>>
      tpu.wait_indirect_dma semaphore(%arg13 : memref<!tpu.dma_semaphore, #tpu.memory_space<semaphore_mem>>) src(%dma_wait3A_443 : memref<10000x64xf32, #tpu.memory_space<hbm>>) dst(%arg10 : memref<200x64xf32, #tpu.memory_space<vmem>>)
      "tpu.region"() ({
        %run_scoped3A = tpu.sem_alloc : memref<!tpu.dma_semaphore, #tpu.memory_space<semaphore_mem>>
        %dma_start3A_444 = arith.constant 1800 : i32
        %dma_start3A_445 = tpu.memref_slice %arg8[%dma_start3A_444] : memref<2000xi32, #tpu.memory_space<vmem>> -> memref<200xi32, #tpu.memory_space<vmem>>
        %dma_start3A_446 = arith.constant 0 : i32
        %dma_start3A_447 = arith.constant 0 : i32
        %dma_start3A_448 = tpu.memref_slice %arg11[%dma_start3A_446, %dma_start3A_447] : memref<10240x64xf32, #tpu.memory_space<vmem_shared>> -> memref<10240x64xf32, #tpu.memory_space<vmem_shared>>
        tpu.enqueue_indirect_dma source(%arg10 : memref<200x64xf32, #tpu.memory_space<vmem>>) target(%dma_start3A_448 : memref<10240x64xf32, #tpu.memory_space<vmem_shared>>) offsets(%dma_start3A_445 : memref<200xi32, #tpu.memory_space<vmem>>) semaphore(%run_scoped3A : memref<!tpu.dma_semaphore, #tpu.memory_space<semaphore_mem>>) {add = true}
        %dma_wait3A_449 = arith.constant 1800 : i32
        %dma_wait3A_450 = tpu.memref_slice %arg8[%dma_wait3A_449] : memref<2000xi32, #tpu.memory_space<vmem>> -> memref<200xi32, #tpu.memory_space<vmem>>
        %dma_wait3A_451 = arith.constant 0 : i32
        %dma_wait3A_452 = arith.constant 0 : i32
        %dma_wait3A_453 = tpu.memref_slice %arg11[%dma_wait3A_451, %dma_wait3A_452] : memref<10240x64xf32, #tpu.memory_space<vmem_shared>> -> memref<10240x64xf32, #tpu.memory_space<vmem_shared>>
        tpu.wait_indirect_dma semaphore(%run_scoped3A : memref<!tpu.dma_semaphore, #tpu.memory_space<semaphore_mem>>) src(%arg10 : memref<200x64xf32, #tpu.memory_space<vmem>>) dst(%dma_wait3A_453 : memref<10240x64xf32, #tpu.memory_space<vmem_shared>>)
        tpu.yield
      }) : () -> ()
    }
    %scan3A_35 = arith.constant 5 : i32
    %barrier3A_36 = arith.constant 0 : index
    tpu.barrier barrier_id(%barrier3A_36)
    %mul3A_37 = arith.constant 640 : i32
    %mul3A_38 = arith.muli %arg1, %mul3A_37 : i32
    %mul3A_39 = arith.constant 640 : i32
    %mul3A_40 = arith.muli %arg1, %mul3A_39 : i32
    "tpu.region"() ({
      %run_scoped3A = tpu.sem_alloc : memref<!tpu.dma_semaphore, #tpu.memory_space<semaphore_mem>>
      %dma_start3A_41 = arith.constant 0 : i32
      %dma_start3A_42 = tpu.memref_slice %arg4[%arg0, %mul3A_40, %dma_start3A_41] : memref<2x10240x64xf32, #tpu.memory_space<hbm>> -> memref<1x640x64xf32, #tpu.memory_space<hbm>>
      %dma_start3A_43 = tpu.memref_squeeze %dma_start3A_42 : memref<1x640x64xf32, #tpu.memory_space<hbm>> -> memref<640x64xf32, #tpu.memory_space<hbm>>
      %dma_start3A_44 = arith.constant 0 : i32
      %dma_start3A_45 = tpu.memref_slice %arg11[%mul3A_38, %dma_start3A_44] : memref<10240x64xf32, #tpu.memory_space<vmem_shared>> -> memref<640x64xf32, #tpu.memory_space<vmem_shared>>
      tpu.enqueue_dma source(%dma_start3A_45 : memref<640x64xf32, #tpu.memory_space<vmem_shared>>) target(%dma_start3A_43 : memref<640x64xf32, #tpu.memory_space<hbm>>) target_semaphore(%run_scoped3A : memref<!tpu.dma_semaphore, #tpu.memory_space<semaphore_mem>>)
      %dma_wait3A = arith.constant 0 : i32
      %dma_wait3A_46 = tpu.memref_slice %arg4[%arg0, %mul3A_40, %dma_wait3A] : memref<2x10240x64xf32, #tpu.memory_space<hbm>> -> memref<1x640x64xf32, #tpu.memory_space<hbm>>
      %dma_wait3A_47 = tpu.memref_squeeze %dma_wait3A_46 : memref<1x640x64xf32, #tpu.memory_space<hbm>> -> memref<640x64xf32, #tpu.memory_space<hbm>>
      %dma_wait3A_48 = arith.constant 0 : i32
      %dma_wait3A_49 = tpu.memref_slice %arg11[%mul3A_38, %dma_wait3A_48] : memref<10240x64xf32, #tpu.memory_space<vmem_shared>> -> memref<640x64xf32, #tpu.memory_space<vmem_shared>>
      tpu.wait_dma2 semaphore(%run_scoped3A : memref<!tpu.dma_semaphore, #tpu.memory_space<semaphore_mem>>) src(%dma_wait3A_49 : memref<640x64xf32, #tpu.memory_space<vmem_shared>>) dst(%dma_wait3A_47 : memref<640x64xf32, #tpu.memory_space<hbm>>)
      tpu.yield
    }) : () -> ()
    return
  }
}

#map = affine_map<(d0, d1) -> (0, 0, 0)>
#map1 = affine_map<(d0, d1) -> (0, 0)>
module attributes {stable_mosaic.version = 14 : i64} {
  func.func @_deg_kernel(%arg0: i32, %arg1: i32, %arg2: memref<64x100x100xi32, #tpu.memory_space<hbm>>, %arg3: memref<2x10240xf32, #tpu.memory_space<hbm>>, %arg4: memref<100x100xi32, #tpu.memory_space<vmem>>, %arg5: memref<128xf32, #tpu.memory_space<vmem>>, %arg6: memref<640xf32, #tpu.memory_space<vmem>>, %arg7: memref<10240xf32, #tpu.memory_space<vmem_shared>>) attributes {dimension_semantics = [#tpu.dimension_semantics<core_parallel>, #tpu.dimension_semantics<subcore_parallel>], iteration_bounds = array<i64: 2, 16>, scalar_prefetch = 0 : i64, scratch_operands = 4 : i64, tpu.core_type = #tpu.core_type<sc_vector_subcore>, window_params = [{transform_indices = #map}, {transform_indices = #map1}]} {
    %mul3A = arith.constant 2 : i32
    %mul3A_0 = arith.muli %arg1, %mul3A : i32
    %add3A = arith.constant 32 : i32
    %add3A_1 = arith.addi %add3A, %mul3A_0 : i32
    %add3A_2 = arith.addi %add3A_1, %arg0 : i32
    %broadcast_in_dim3A = arith.constant 1.000000e+00 : f32
    %broadcast_in_dim3A_3 = vector.broadcast %broadcast_in_dim3A : f32 to vector<16xf32>
    %swap3A = arith.constant 0 : index
    %swap3A_4 = tpu.vector_load %arg5[%swap3A] {strides = array<i32>} : memref<128xf32, #tpu.memory_space<vmem>>, vector<16xf32>,
    %swap3A_5 = vector.shape_cast %swap3A_4 : vector<16xf32> to vector<16xf32>
    %swap3A_6 = vector.shape_cast %broadcast_in_dim3A_3 : vector<16xf32> to vector<16xf32>
    tpu.vector_store %arg5[%swap3A], %swap3A_6 {strides = array<i32>} : memref<128xf32, #tpu.memory_space<vmem>>, vector<16xf32>,
    %broadcast_in_dim3A_7 = arith.constant 1.000000e+00 : f32
    %broadcast_in_dim3A_8 = vector.broadcast %broadcast_in_dim3A_7 : f32 to vector<16xf32>
    %swap3A_9 = arith.constant 16 : index
    %swap3A_10 = tpu.vector_load %arg5[%swap3A_9] {strides = array<i32>} : memref<128xf32, #tpu.memory_space<vmem>>, vector<16xf32>,
    %swap3A_11 = vector.shape_cast %swap3A_10 : vector<16xf32> to vector<16xf32>
    %swap3A_12 = vector.shape_cast %broadcast_in_dim3A_8 : vector<16xf32> to vector<16xf32>
    tpu.vector_store %arg5[%swap3A_9], %swap3A_12 {strides = array<i32>} : memref<128xf32, #tpu.memory_space<vmem>>, vector<16xf32>,
    %broadcast_in_dim3A_13 = arith.constant 1.000000e+00 : f32
    %broadcast_in_dim3A_14 = vector.broadcast %broadcast_in_dim3A_13 : f32 to vector<16xf32>
    %swap3A_15 = arith.constant 32 : index
    %swap3A_16 = tpu.vector_load %arg5[%swap3A_15] {strides = array<i32>} : memref<128xf32, #tpu.memory_space<vmem>>, vector<16xf32>,
    %swap3A_17 = vector.shape_cast %swap3A_16 : vector<16xf32> to vector<16xf32>
    %swap3A_18 = vector.shape_cast %broadcast_in_dim3A_14 : vector<16xf32> to vector<16xf32>
    tpu.vector_store %arg5[%swap3A_15], %swap3A_18 {strides = array<i32>} : memref<128xf32, #tpu.memory_space<vmem>>, vector<16xf32>,
    %broadcast_in_dim3A_19 = arith.constant 1.000000e+00 : f32
    %broadcast_in_dim3A_20 = vector.broadcast %broadcast_in_dim3A_19 : f32 to vector<16xf32>
    %swap3A_21 = arith.constant 48 : index
    %swap3A_22 = tpu.vector_load %arg5[%swap3A_21] {strides = array<i32>} : memref<128xf32, #tpu.memory_space<vmem>>, vector<16xf32>,
    %swap3A_23 = vector.shape_cast %swap3A_22 : vector<16xf32> to vector<16xf32>
    %swap3A_24 = vector.shape_cast %broadcast_in_dim3A_20 : vector<16xf32> to vector<16xf32>
    tpu.vector_store %arg5[%swap3A_21], %swap3A_24 {strides = array<i32>} : memref<128xf32, #tpu.memory_space<vmem>>, vector<16xf32>,
    %broadcast_in_dim3A_25 = arith.constant 1.000000e+00 : f32
    %broadcast_in_dim3A_26 = vector.broadcast %broadcast_in_dim3A_25 : f32 to vector<16xf32>
    %swap3A_27 = arith.constant 64 : index
    %swap3A_28 = tpu.vector_load %arg5[%swap3A_27] {strides = array<i32>} : memref<128xf32, #tpu.memory_space<vmem>>, vector<16xf32>,
    %swap3A_29 = vector.shape_cast %swap3A_28 : vector<16xf32> to vector<16xf32>
    %swap3A_30 = vector.shape_cast %broadcast_in_dim3A_26 : vector<16xf32> to vector<16xf32>
    tpu.vector_store %arg5[%swap3A_27], %swap3A_30 {strides = array<i32>} : memref<128xf32, #tpu.memory_space<vmem>>, vector<16xf32>,
    %broadcast_in_dim3A_31 = arith.constant 1.000000e+00 : f32
    %broadcast_in_dim3A_32 = vector.broadcast %broadcast_in_dim3A_31 : f32 to vector<16xf32>
    %swap3A_33 = arith.constant 80 : index
    %swap3A_34 = tpu.vector_load %arg5[%swap3A_33] {strides = array<i32>} : memref<128xf32, #tpu.memory_space<vmem>>, vector<16xf32>,
    %swap3A_35 = vector.shape_cast %swap3A_34 : vector<16xf32> to vector<16xf32>
    %swap3A_36 = vector.shape_cast %broadcast_in_dim3A_32 : vector<16xf32> to vector<16xf32>
    tpu.vector_store %arg5[%swap3A_33], %swap3A_36 {strides = array<i32>} : memref<128xf32, #tpu.memory_space<vmem>>, vector<16xf32>,
    %broadcast_in_dim3A_37 = arith.constant 1.000000e+00 : f32
    %broadcast_in_dim3A_38 = vector.broadcast %broadcast_in_dim3A_37 : f32 to vector<16xf32>
    %swap3A_39 = arith.constant 96 : index
    %swap3A_40 = tpu.vector_load %arg5[%swap3A_39] {strides = array<i32>} : memref<128xf32, #tpu.memory_space<vmem>>, vector<16xf32>,
    %swap3A_41 = vector.shape_cast %swap3A_40 : vector<16xf32> to vector<16xf32>
    %swap3A_42 = vector.shape_cast %broadcast_in_dim3A_38 : vector<16xf32> to vector<16xf32>
    tpu.vector_store %arg5[%swap3A_39], %swap3A_42 {strides = array<i32>} : memref<128xf32, #tpu.memory_space<vmem>>, vector<16xf32>,
    %broadcast_in_dim3A_43 = arith.constant 1.000000e+00 : f32
    %broadcast_in_dim3A_44 = vector.broadcast %broadcast_in_dim3A_43 : f32 to vector<16xf32>
    %swap3A_45 = arith.constant 112 : index
    %swap3A_46 = tpu.vector_load %arg5[%swap3A_45] {strides = array<i32>} : memref<128xf32, #tpu.memory_space<vmem>>, vector<16xf32>,
    %swap3A_47 = vector.shape_cast %swap3A_46 : vector<16xf32> to vector<16xf32>
    %swap3A_48 = vector.shape_cast %broadcast_in_dim3A_44 : vector<16xf32> to vector<16xf32>
    tpu.vector_store %arg5[%swap3A_45], %swap3A_48 {strides = array<i32>} : memref<128xf32, #tpu.memory_space<vmem>>, vector<16xf32>,
    %broadcast_in_dim3A_49 = arith.constant 0.000000e+00 : f32
    %broadcast_in_dim3A_50 = vector.broadcast %broadcast_in_dim3A_49 : f32 to vector<16xf32>
    %swap3A_51 = arith.constant 0 : index
    %swap3A_52 = tpu.vector_load %arg6[%swap3A_51] {strides = array<i32>} : memref<640xf32, #tpu.memory_space<vmem>>, vector<16xf32>,
    %swap3A_53 = vector.shape_cast %swap3A_52 : vector<16xf32> to vector<16xf32>
    %swap3A_54 = vector.shape_cast %broadcast_in_dim3A_50 : vector<16xf32> to vector<16xf32>
    tpu.vector_store %arg6[%swap3A_51], %swap3A_54 {strides = array<i32>} : memref<640xf32, #tpu.memory_space<vmem>>, vector<16xf32>,
    %broadcast_in_dim3A_55 = arith.constant 0.000000e+00 : f32
    %broadcast_in_dim3A_56 = vector.broadcast %broadcast_in_dim3A_55 : f32 to vector<16xf32>
    %swap3A_57 = arith.constant 16 : index
    %swap3A_58 = tpu.vector_load %arg6[%swap3A_57] {strides = array<i32>} : memref<640xf32, #tpu.memory_space<vmem>>, vector<16xf32>,
    %swap3A_59 = vector.shape_cast %swap3A_58 : vector<16xf32> to vector<16xf32>
    %swap3A_60 = vector.shape_cast %broadcast_in_dim3A_56 : vector<16xf32> to vector<16xf32>
    tpu.vector_store %arg6[%swap3A_57], %swap3A_60 {strides = array<i32>} : memref<640xf32, #tpu.memory_space<vmem>>, vector<16xf32>,
    %broadcast_in_dim3A_61 = arith.constant 0.000000e+00 : f32
    %broadcast_in_dim3A_62 = vector.broadcast %broadcast_in_dim3A_61 : f32 to vector<16xf32>
    %swap3A_63 = arith.constant 32 : index
    %swap3A_64 = tpu.vector_load %arg6[%swap3A_63] {strides = array<i32>} : memref<640xf32, #tpu.memory_space<vmem>>, vector<16xf32>,
    %swap3A_65 = vector.shape_cast %swap3A_64 : vector<16xf32> to vector<16xf32>
    %swap3A_66 = vector.shape_cast %broadcast_in_dim3A_62 : vector<16xf32> to vector<16xf32>
    tpu.vector_store %arg6[%swap3A_63], %swap3A_66 {strides = array<i32>} : memref<640xf32, #tpu.memory_space<vmem>>, vector<16xf32>,
    %broadcast_in_dim3A_67 = arith.constant 0.000000e+00 : f32
    %broadcast_in_dim3A_68 = vector.broadcast %broadcast_in_dim3A_67 : f32 to vector<16xf32>
    %swap3A_69 = arith.constant 48 : index
    %swap3A_70 = tpu.vector_load %arg6[%swap3A_69] {strides = array<i32>} : memref<640xf32, #tpu.memory_space<vmem>>, vector<16xf32>,
    %swap3A_71 = vector.shape_cast %swap3A_70 : vector<16xf32> to vector<16xf32>
    %swap3A_72 = vector.shape_cast %broadcast_in_dim3A_68 : vector<16xf32> to vector<16xf32>
    tpu.vector_store %arg6[%swap3A_69], %swap3A_72 {strides = array<i32>} : memref<640xf32, #tpu.memory_space<vmem>>, vector<16xf32>,
    %broadcast_in_dim3A_73 = arith.constant 0.000000e+00 : f32
    %broadcast_in_dim3A_74 = vector.broadcast %broadcast_in_dim3A_73 : f32 to vector<16xf32>
    %swap3A_75 = arith.constant 64 : index
    %swap3A_76 = tpu.vector_load %arg6[%swap3A_75] {strides = array<i32>} : memref<640xf32, #tpu.memory_space<vmem>>, vector<16xf32>,
    %swap3A_77 = vector.shape_cast %swap3A_76 : vector<16xf32> to vector<16xf32>
    %swap3A_78 = vector.shape_cast %broadcast_in_dim3A_74 : vector<16xf32> to vector<16xf32>
    tpu.vector_store %arg6[%swap3A_75], %swap3A_78 {strides = array<i32>} : memref<640xf32, #tpu.memory_space<vmem>>, vector<16xf32>,
    %broadcast_in_dim3A_79 = arith.constant 0.000000e+00 : f32
    %broadcast_in_dim3A_80 = vector.broadcast %broadcast_in_dim3A_79 : f32 to vector<16xf32>
    %swap3A_81 = arith.constant 80 : index
    %swap3A_82 = tpu.vector_load %arg6[%swap3A_81] {strides = array<i32>} : memref<640xf32, #tpu.memory_space<vmem>>, vector<16xf32>,
    %swap3A_83 = vector.shape_cast %swap3A_82 : vector<16xf32> to vector<16xf32>
    %swap3A_84 = vector.shape_cast %broadcast_in_dim3A_80 : vector<16xf32> to vector<16xf32>
    tpu.vector_store %arg6[%swap3A_81], %swap3A_84 {strides = array<i32>} : memref<640xf32, #tpu.memory_space<vmem>>, vector<16xf32>,
    %broadcast_in_dim3A_85 = arith.constant 0.000000e+00 : f32
    %broadcast_in_dim3A_86 = vector.broadcast %broadcast_in_dim3A_85 : f32 to vector<16xf32>
    %swap3A_87 = arith.constant 96 : index
    %swap3A_88 = tpu.vector_load %arg6[%swap3A_87] {strides = array<i32>} : memref<640xf32, #tpu.memory_space<vmem>>, vector<16xf32>,
    %swap3A_89 = vector.shape_cast %swap3A_88 : vector<16xf32> to vector<16xf32>
    %swap3A_90 = vector.shape_cast %broadcast_in_dim3A_86 : vector<16xf32> to vector<16xf32>
    tpu.vector_store %arg6[%swap3A_87], %swap3A_90 {strides = array<i32>} : memref<640xf32, #tpu.memory_space<vmem>>, vector<16xf32>,
    %broadcast_in_dim3A_91 = arith.constant 0.000000e+00 : f32
    %broadcast_in_dim3A_92 = vector.broadcast %broadcast_in_dim3A_91 : f32 to vector<16xf32>
    %swap3A_93 = arith.constant 112 : index
    %swap3A_94 = tpu.vector_load %arg6[%swap3A_93] {strides = array<i32>} : memref<640xf32, #tpu.memory_space<vmem>>, vector<16xf32>,
    %swap3A_95 = vector.shape_cast %swap3A_94 : vector<16xf32> to vector<16xf32>
    %swap3A_96 = vector.shape_cast %broadcast_in_dim3A_92 : vector<16xf32> to vector<16xf32>
    tpu.vector_store %arg6[%swap3A_93], %swap3A_96 {strides = array<i32>} : memref<640xf32, #tpu.memory_space<vmem>>, vector<16xf32>,
    %broadcast_in_dim3A_97 = arith.constant 0.000000e+00 : f32
    %broadcast_in_dim3A_98 = vector.broadcast %broadcast_in_dim3A_97 : f32 to vector<16xf32>
    %swap3A_99 = arith.constant 128 : index
    %swap3A_100 = tpu.vector_load %arg6[%swap3A_99] {strides = array<i32>} : memref<640xf32, #tpu.memory_space<vmem>>, vector<16xf32>,
    %swap3A_101 = vector.shape_cast %swap3A_100 : vector<16xf32> to vector<16xf32>
    %swap3A_102 = vector.shape_cast %broadcast_in_dim3A_98 : vector<16xf32> to vector<16xf32>
    tpu.vector_store %arg6[%swap3A_99], %swap3A_102 {strides = array<i32>} : memref<640xf32, #tpu.memory_space<vmem>>, vector<16xf32>,
    %broadcast_in_dim3A_103 = arith.constant 0.000000e+00 : f32
    %broadcast_in_dim3A_104 = vector.broadcast %broadcast_in_dim3A_103 : f32 to vector<16xf32>
    %swap3A_105 = arith.constant 144 : index
    %swap3A_106 = tpu.vector_load %arg6[%swap3A_105] {strides = array<i32>} : memref<640xf32, #tpu.memory_space<vmem>>, vector<16xf32>,
    %swap3A_107 = vector.shape_cast %swap3A_106 : vector<16xf32> to vector<16xf32>
    %swap3A_108 = vector.shape_cast %broadcast_in_dim3A_104 : vector<16xf32> to vector<16xf32>
    tpu.vector_store %arg6[%swap3A_105], %swap3A_108 {strides = array<i32>} : memref<640xf32, #tpu.memory_space<vmem>>, vector<16xf32>,
    %broadcast_in_dim3A_109 = arith.constant 0.000000e+00 : f32
    %broadcast_in_dim3A_110 = vector.broadcast %broadcast_in_dim3A_109 : f32 to vector<16xf32>
    %swap3A_111 = arith.constant 160 : index
    %swap3A_112 = tpu.vector_load %arg6[%swap3A_111] {strides = array<i32>} : memref<640xf32, #tpu.memory_space<vmem>>, vector<16xf32>,
    %swap3A_113 = vector.shape_cast %swap3A_112 : vector<16xf32> to vector<16xf32>
    %swap3A_114 = vector.shape_cast %broadcast_in_dim3A_110 : vector<16xf32> to vector<16xf32>
    tpu.vector_store %arg6[%swap3A_111], %swap3A_114 {strides = array<i32>} : memref<640xf32, #tpu.memory_space<vmem>>, vector<16xf32>,
    %broadcast_in_dim3A_115 = arith.constant 0.000000e+00 : f32
    %broadcast_in_dim3A_116 = vector.broadcast %broadcast_in_dim3A_115 : f32 to vector<16xf32>
    %swap3A_117 = arith.constant 176 : index
    %swap3A_118 = tpu.vector_load %arg6[%swap3A_117] {strides = array<i32>} : memref<640xf32, #tpu.memory_space<vmem>>, vector<16xf32>,
    %swap3A_119 = vector.shape_cast %swap3A_118 : vector<16xf32> to vector<16xf32>
    %swap3A_120 = vector.shape_cast %broadcast_in_dim3A_116 : vector<16xf32> to vector<16xf32>
    tpu.vector_store %arg6[%swap3A_117], %swap3A_120 {strides = array<i32>} : memref<640xf32, #tpu.memory_space<vmem>>, vector<16xf32>,
    %broadcast_in_dim3A_121 = arith.constant 0.000000e+00 : f32
    %broadcast_in_dim3A_122 = vector.broadcast %broadcast_in_dim3A_121 : f32 to vector<16xf32>
    %swap3A_123 = arith.constant 192 : index
    %swap3A_124 = tpu.vector_load %arg6[%swap3A_123] {strides = array<i32>} : memref<640xf32, #tpu.memory_space<vmem>>, vector<16xf32>,
    %swap3A_125 = vector.shape_cast %swap3A_124 : vector<16xf32> to vector<16xf32>
    %swap3A_126 = vector.shape_cast %broadcast_in_dim3A_122 : vector<16xf32> to vector<16xf32>
    tpu.vector_store %arg6[%swap3A_123], %swap3A_126 {strides = array<i32>} : memref<640xf32, #tpu.memory_space<vmem>>, vector<16xf32>,
    %broadcast_in_dim3A_127 = arith.constant 0.000000e+00 : f32
    %broadcast_in_dim3A_128 = vector.broadcast %broadcast_in_dim3A_127 : f32 to vector<16xf32>
    %swap3A_129 = arith.constant 208 : index
    %swap3A_130 = tpu.vector_load %arg6[%swap3A_129] {strides = array<i32>} : memref<640xf32, #tpu.memory_space<vmem>>, vector<16xf32>,
    %swap3A_131 = vector.shape_cast %swap3A_130 : vector<16xf32> to vector<16xf32>
    %swap3A_132 = vector.shape_cast %broadcast_in_dim3A_128 : vector<16xf32> to vector<16xf32>
    tpu.vector_store %arg6[%swap3A_129], %swap3A_132 {strides = array<i32>} : memref<640xf32, #tpu.memory_space<vmem>>, vector<16xf32>,
    %broadcast_in_dim3A_133 = arith.constant 0.000000e+00 : f32
    %broadcast_in_dim3A_134 = vector.broadcast %broadcast_in_dim3A_133 : f32 to vector<16xf32>
    %swap3A_135 = arith.constant 224 : index
    %swap3A_136 = tpu.vector_load %arg6[%swap3A_135] {strides = array<i32>} : memref<640xf32, #tpu.memory_space<vmem>>, vector<16xf32>,
    %swap3A_137 = vector.shape_cast %swap3A_136 : vector<16xf32> to vector<16xf32>
    %swap3A_138 = vector.shape_cast %broadcast_in_dim3A_134 : vector<16xf32> to vector<16xf32>
    tpu.vector_store %arg6[%swap3A_135], %swap3A_138 {strides = array<i32>} : memref<640xf32, #tpu.memory_space<vmem>>, vector<16xf32>,
    %broadcast_in_dim3A_139 = arith.constant 0.000000e+00 : f32
    %broadcast_in_dim3A_140 = vector.broadcast %broadcast_in_dim3A_139 : f32 to vector<16xf32>
    %swap3A_141 = arith.constant 240 : index
    %swap3A_142 = tpu.vector_load %arg6[%swap3A_141] {strides = array<i32>} : memref<640xf32, #tpu.memory_space<vmem>>, vector<16xf32>,
    %swap3A_143 = vector.shape_cast %swap3A_142 : vector<16xf32> to vector<16xf32>
    %swap3A_144 = vector.shape_cast %broadcast_in_dim3A_140 : vector<16xf32> to vector<16xf32>
    tpu.vector_store %arg6[%swap3A_141], %swap3A_144 {strides = array<i32>} : memref<640xf32, #tpu.memory_space<vmem>>, vector<16xf32>,
    %broadcast_in_dim3A_145 = arith.constant 0.000000e+00 : f32
    %broadcast_in_dim3A_146 = vector.broadcast %broadcast_in_dim3A_145 : f32 to vector<16xf32>
    %swap3A_147 = arith.constant 256 : index
    %swap3A_148 = tpu.vector_load %arg6[%swap3A_147] {strides = array<i32>} : memref<640xf32, #tpu.memory_space<vmem>>, vector<16xf32>,
    %swap3A_149 = vector.shape_cast %swap3A_148 : vector<16xf32> to vector<16xf32>
    %swap3A_150 = vector.shape_cast %broadcast_in_dim3A_146 : vector<16xf32> to vector<16xf32>
    tpu.vector_store %arg6[%swap3A_147], %swap3A_150 {strides = array<i32>} : memref<640xf32, #tpu.memory_space<vmem>>, vector<16xf32>,
    %broadcast_in_dim3A_151 = arith.constant 0.000000e+00 : f32
    %broadcast_in_dim3A_152 = vector.broadcast %broadcast_in_dim3A_151 : f32 to vector<16xf32>
    %swap3A_153 = arith.constant 272 : index
    %swap3A_154 = tpu.vector_load %arg6[%swap3A_153] {strides = array<i32>} : memref<640xf32, #tpu.memory_space<vmem>>, vector<16xf32>,
    %swap3A_155 = vector.shape_cast %swap3A_154 : vector<16xf32> to vector<16xf32>
    %swap3A_156 = vector.shape_cast %broadcast_in_dim3A_152 : vector<16xf32> to vector<16xf32>
    tpu.vector_store %arg6[%swap3A_153], %swap3A_156 {strides = array<i32>} : memref<640xf32, #tpu.memory_space<vmem>>, vector<16xf32>,
    %broadcast_in_dim3A_157 = arith.constant 0.000000e+00 : f32
    %broadcast_in_dim3A_158 = vector.broadcast %broadcast_in_dim3A_157 : f32 to vector<16xf32>
    %swap3A_159 = arith.constant 288 : index
    %swap3A_160 = tpu.vector_load %arg6[%swap3A_159] {strides = array<i32>} : memref<640xf32, #tpu.memory_space<vmem>>, vector<16xf32>,
    %swap3A_161 = vector.shape_cast %swap3A_160 : vector<16xf32> to vector<16xf32>
    %swap3A_162 = vector.shape_cast %broadcast_in_dim3A_158 : vector<16xf32> to vector<16xf32>
    tpu.vector_store %arg6[%swap3A_159], %swap3A_162 {strides = array<i32>} : memref<640xf32, #tpu.memory_space<vmem>>, vector<16xf32>,
    %broadcast_in_dim3A_163 = arith.constant 0.000000e+00 : f32
    %broadcast_in_dim3A_164 = vector.broadcast %broadcast_in_dim3A_163 : f32 to vector<16xf32>
    %swap3A_165 = arith.constant 304 : index
    %swap3A_166 = tpu.vector_load %arg6[%swap3A_165] {strides = array<i32>} : memref<640xf32, #tpu.memory_space<vmem>>, vector<16xf32>,
    %swap3A_167 = vector.shape_cast %swap3A_166 : vector<16xf32> to vector<16xf32>
    %swap3A_168 = vector.shape_cast %broadcast_in_dim3A_164 : vector<16xf32> to vector<16xf32>
    tpu.vector_store %arg6[%swap3A_165], %swap3A_168 {strides = array<i32>} : memref<640xf32, #tpu.memory_space<vmem>>, vector<16xf32>,
    %broadcast_in_dim3A_169 = arith.constant 0.000000e+00 : f32
    %broadcast_in_dim3A_170 = vector.broadcast %broadcast_in_dim3A_169 : f32 to vector<16xf32>
    %swap3A_171 = arith.constant 320 : index
    %swap3A_172 = tpu.vector_load %arg6[%swap3A_171] {strides = array<i32>} : memref<640xf32, #tpu.memory_space<vmem>>, vector<16xf32>,
    %swap3A_173 = vector.shape_cast %swap3A_172 : vector<16xf32> to vector<16xf32>
    %swap3A_174 = vector.shape_cast %broadcast_in_dim3A_170 : vector<16xf32> to vector<16xf32>
    tpu.vector_store %arg6[%swap3A_171], %swap3A_174 {strides = array<i32>} : memref<640xf32, #tpu.memory_space<vmem>>, vector<16xf32>,
    %broadcast_in_dim3A_175 = arith.constant 0.000000e+00 : f32
    %broadcast_in_dim3A_176 = vector.broadcast %broadcast_in_dim3A_175 : f32 to vector<16xf32>
    %swap3A_177 = arith.constant 336 : index
    %swap3A_178 = tpu.vector_load %arg6[%swap3A_177] {strides = array<i32>} : memref<640xf32, #tpu.memory_space<vmem>>, vector<16xf32>,
    %swap3A_179 = vector.shape_cast %swap3A_178 : vector<16xf32> to vector<16xf32>
    %swap3A_180 = vector.shape_cast %broadcast_in_dim3A_176 : vector<16xf32> to vector<16xf32>
    tpu.vector_store %arg6[%swap3A_177], %swap3A_180 {strides = array<i32>} : memref<640xf32, #tpu.memory_space<vmem>>, vector<16xf32>,
    %broadcast_in_dim3A_181 = arith.constant 0.000000e+00 : f32
    %broadcast_in_dim3A_182 = vector.broadcast %broadcast_in_dim3A_181 : f32 to vector<16xf32>
    %swap3A_183 = arith.constant 352 : index
    %swap3A_184 = tpu.vector_load %arg6[%swap3A_183] {strides = array<i32>} : memref<640xf32, #tpu.memory_space<vmem>>, vector<16xf32>,
    %swap3A_185 = vector.shape_cast %swap3A_184 : vector<16xf32> to vector<16xf32>
    %swap3A_186 = vector.shape_cast %broadcast_in_dim3A_182 : vector<16xf32> to vector<16xf32>
    tpu.vector_store %arg6[%swap3A_183], %swap3A_186 {strides = array<i32>} : memref<640xf32, #tpu.memory_space<vmem>>, vector<16xf32>,
    %broadcast_in_dim3A_187 = arith.constant 0.000000e+00 : f32
    %broadcast_in_dim3A_188 = vector.broadcast %broadcast_in_dim3A_187 : f32 to vector<16xf32>
    %swap3A_189 = arith.constant 368 : index
    %swap3A_190 = tpu.vector_load %arg6[%swap3A_189] {strides = array<i32>} : memref<640xf32, #tpu.memory_space<vmem>>, vector<16xf32>,
    %swap3A_191 = vector.shape_cast %swap3A_190 : vector<16xf32> to vector<16xf32>
    %swap3A_192 = vector.shape_cast %broadcast_in_dim3A_188 : vector<16xf32> to vector<16xf32>
    tpu.vector_store %arg6[%swap3A_189], %swap3A_192 {strides = array<i32>} : memref<640xf32, #tpu.memory_space<vmem>>, vector<16xf32>,
    %broadcast_in_dim3A_193 = arith.constant 0.000000e+00 : f32
    %broadcast_in_dim3A_194 = vector.broadcast %broadcast_in_dim3A_193 : f32 to vector<16xf32>
    %swap3A_195 = arith.constant 384 : index
    %swap3A_196 = tpu.vector_load %arg6[%swap3A_195] {strides = array<i32>} : memref<640xf32, #tpu.memory_space<vmem>>, vector<16xf32>,
    %swap3A_197 = vector.shape_cast %swap3A_196 : vector<16xf32> to vector<16xf32>
    %swap3A_198 = vector.shape_cast %broadcast_in_dim3A_194 : vector<16xf32> to vector<16xf32>
    tpu.vector_store %arg6[%swap3A_195], %swap3A_198 {strides = array<i32>} : memref<640xf32, #tpu.memory_space<vmem>>, vector<16xf32>,
    %broadcast_in_dim3A_199 = arith.constant 0.000000e+00 : f32
    %broadcast_in_dim3A_200 = vector.broadcast %broadcast_in_dim3A_199 : f32 to vector<16xf32>
    %swap3A_201 = arith.constant 400 : index
    %swap3A_202 = tpu.vector_load %arg6[%swap3A_201] {strides = array<i32>} : memref<640xf32, #tpu.memory_space<vmem>>, vector<16xf32>,
    %swap3A_203 = vector.shape_cast %swap3A_202 : vector<16xf32> to vector<16xf32>
    %swap3A_204 = vector.shape_cast %broadcast_in_dim3A_200 : vector<16xf32> to vector<16xf32>
    tpu.vector_store %arg6[%swap3A_201], %swap3A_204 {strides = array<i32>} : memref<640xf32, #tpu.memory_space<vmem>>, vector<16xf32>,
    %broadcast_in_dim3A_205 = arith.constant 0.000000e+00 : f32
    %broadcast_in_dim3A_206 = vector.broadcast %broadcast_in_dim3A_205 : f32 to vector<16xf32>
    %swap3A_207 = arith.constant 416 : index
    %swap3A_208 = tpu.vector_load %arg6[%swap3A_207] {strides = array<i32>} : memref<640xf32, #tpu.memory_space<vmem>>, vector<16xf32>,
    %swap3A_209 = vector.shape_cast %swap3A_208 : vector<16xf32> to vector<16xf32>
    %swap3A_210 = vector.shape_cast %broadcast_in_dim3A_206 : vector<16xf32> to vector<16xf32>
    tpu.vector_store %arg6[%swap3A_207], %swap3A_210 {strides = array<i32>} : memref<640xf32, #tpu.memory_space<vmem>>, vector<16xf32>,
    %broadcast_in_dim3A_211 = arith.constant 0.000000e+00 : f32
    %broadcast_in_dim3A_212 = vector.broadcast %broadcast_in_dim3A_211 : f32 to vector<16xf32>
    %swap3A_213 = arith.constant 432 : index
    %swap3A_214 = tpu.vector_load %arg6[%swap3A_213] {strides = array<i32>} : memref<640xf32, #tpu.memory_space<vmem>>, vector<16xf32>,
    %swap3A_215 = vector.shape_cast %swap3A_214 : vector<16xf32> to vector<16xf32>
    %swap3A_216 = vector.shape_cast %broadcast_in_dim3A_212 : vector<16xf32> to vector<16xf32>
    tpu.vector_store %arg6[%swap3A_213], %swap3A_216 {strides = array<i32>} : memref<640xf32, #tpu.memory_space<vmem>>, vector<16xf32>,
    %broadcast_in_dim3A_217 = arith.constant 0.000000e+00 : f32
    %broadcast_in_dim3A_218 = vector.broadcast %broadcast_in_dim3A_217 : f32 to vector<16xf32>
    %swap3A_219 = arith.constant 448 : index
    %swap3A_220 = tpu.vector_load %arg6[%swap3A_219] {strides = array<i32>} : memref<640xf32, #tpu.memory_space<vmem>>, vector<16xf32>,
    %swap3A_221 = vector.shape_cast %swap3A_220 : vector<16xf32> to vector<16xf32>
    %swap3A_222 = vector.shape_cast %broadcast_in_dim3A_218 : vector<16xf32> to vector<16xf32>
    tpu.vector_store %arg6[%swap3A_219], %swap3A_222 {strides = array<i32>} : memref<640xf32, #tpu.memory_space<vmem>>, vector<16xf32>,
    %broadcast_in_dim3A_223 = arith.constant 0.000000e+00 : f32
    %broadcast_in_dim3A_224 = vector.broadcast %broadcast_in_dim3A_223 : f32 to vector<16xf32>
    %swap3A_225 = arith.constant 464 : index
    %swap3A_226 = tpu.vector_load %arg6[%swap3A_225] {strides = array<i32>} : memref<640xf32, #tpu.memory_space<vmem>>, vector<16xf32>,
    %swap3A_227 = vector.shape_cast %swap3A_226 : vector<16xf32> to vector<16xf32>
    %swap3A_228 = vector.shape_cast %broadcast_in_dim3A_224 : vector<16xf32> to vector<16xf32>
    tpu.vector_store %arg6[%swap3A_225], %swap3A_228 {strides = array<i32>} : memref<640xf32, #tpu.memory_space<vmem>>, vector<16xf32>,
    %broadcast_in_dim3A_229 = arith.constant 0.000000e+00 : f32
    %broadcast_in_dim3A_230 = vector.broadcast %broadcast_in_dim3A_229 : f32 to vector<16xf32>
    %swap3A_231 = arith.constant 480 : index
    %swap3A_232 = tpu.vector_load %arg6[%swap3A_231] {strides = array<i32>} : memref<640xf32, #tpu.memory_space<vmem>>, vector<16xf32>,
    %swap3A_233 = vector.shape_cast %swap3A_232 : vector<16xf32> to vector<16xf32>
    %swap3A_234 = vector.shape_cast %broadcast_in_dim3A_230 : vector<16xf32> to vector<16xf32>
    tpu.vector_store %arg6[%swap3A_231], %swap3A_234 {strides = array<i32>} : memref<640xf32, #tpu.memory_space<vmem>>, vector<16xf32>,
    %broadcast_in_dim3A_235 = arith.constant 0.000000e+00 : f32
    %broadcast_in_dim3A_236 = vector.broadcast %broadcast_in_dim3A_235 : f32 to vector<16xf32>
    %swap3A_237 = arith.constant 496 : index
    %swap3A_238 = tpu.vector_load %arg6[%swap3A_237] {strides = array<i32>} : memref<640xf32, #tpu.memory_space<vmem>>, vector<16xf32>,
    %swap3A_239 = vector.shape_cast %swap3A_238 : vector<16xf32> to vector<16xf32>
    %swap3A_240 = vector.shape_cast %broadcast_in_dim3A_236 : vector<16xf32> to vector<16xf32>
    tpu.vector_store %arg6[%swap3A_237], %swap3A_240 {strides = array<i32>} : memref<640xf32, #tpu.memory_space<vmem>>, vector<16xf32>,
    %broadcast_in_dim3A_241 = arith.constant 0.000000e+00 : f32
    %broadcast_in_dim3A_242 = vector.broadcast %broadcast_in_dim3A_241 : f32 to vector<16xf32>
    %swap3A_243 = arith.constant 512 : index
    %swap3A_244 = tpu.vector_load %arg6[%swap3A_243] {strides = array<i32>} : memref<640xf32, #tpu.memory_space<vmem>>, vector<16xf32>,
    %swap3A_245 = vector.shape_cast %swap3A_244 : vector<16xf32> to vector<16xf32>
    %swap3A_246 = vector.shape_cast %broadcast_in_dim3A_242 : vector<16xf32> to vector<16xf32>
    tpu.vector_store %arg6[%swap3A_243], %swap3A_246 {strides = array<i32>} : memref<640xf32, #tpu.memory_space<vmem>>, vector<16xf32>,
    %broadcast_in_dim3A_247 = arith.constant 0.000000e+00 : f32
    %broadcast_in_dim3A_248 = vector.broadcast %broadcast_in_dim3A_247 : f32 to vector<16xf32>
    %swap3A_249 = arith.constant 528 : index
    %swap3A_250 = tpu.vector_load %arg6[%swap3A_249] {strides = array<i32>} : memref<640xf32, #tpu.memory_space<vmem>>, vector<16xf32>,
    %swap3A_251 = vector.shape_cast %swap3A_250 : vector<16xf32> to vector<16xf32>
    %swap3A_252 = vector.shape_cast %broadcast_in_dim3A_248 : vector<16xf32> to vector<16xf32>
    tpu.vector_store %arg6[%swap3A_249], %swap3A_252 {strides = array<i32>} : memref<640xf32, #tpu.memory_space<vmem>>, vector<16xf32>,
    %broadcast_in_dim3A_253 = arith.constant 0.000000e+00 : f32
    %broadcast_in_dim3A_254 = vector.broadcast %broadcast_in_dim3A_253 : f32 to vector<16xf32>
    %swap3A_255 = arith.constant 544 : index
    %swap3A_256 = tpu.vector_load %arg6[%swap3A_255] {strides = array<i32>} : memref<640xf32, #tpu.memory_space<vmem>>, vector<16xf32>,
    %swap3A_257 = vector.shape_cast %swap3A_256 : vector<16xf32> to vector<16xf32>
    %swap3A_258 = vector.shape_cast %broadcast_in_dim3A_254 : vector<16xf32> to vector<16xf32>
    tpu.vector_store %arg6[%swap3A_255], %swap3A_258 {strides = array<i32>} : memref<640xf32, #tpu.memory_space<vmem>>, vector<16xf32>,
    %broadcast_in_dim3A_259 = arith.constant 0.000000e+00 : f32
    %broadcast_in_dim3A_260 = vector.broadcast %broadcast_in_dim3A_259 : f32 to vector<16xf32>
    %swap3A_261 = arith.constant 560 : index
    %swap3A_262 = tpu.vector_load %arg6[%swap3A_261] {strides = array<i32>} : memref<640xf32, #tpu.memory_space<vmem>>, vector<16xf32>,
    %swap3A_263 = vector.shape_cast %swap3A_262 : vector<16xf32> to vector<16xf32>
    %swap3A_264 = vector.shape_cast %broadcast_in_dim3A_260 : vector<16xf32> to vector<16xf32>
    tpu.vector_store %arg6[%swap3A_261], %swap3A_264 {strides = array<i32>} : memref<640xf32, #tpu.memory_space<vmem>>, vector<16xf32>,
    %broadcast_in_dim3A_265 = arith.constant 0.000000e+00 : f32
    %broadcast_in_dim3A_266 = vector.broadcast %broadcast_in_dim3A_265 : f32 to vector<16xf32>
    %swap3A_267 = arith.constant 576 : index
    %swap3A_268 = tpu.vector_load %arg6[%swap3A_267] {strides = array<i32>} : memref<640xf32, #tpu.memory_space<vmem>>, vector<16xf32>,
    %swap3A_269 = vector.shape_cast %swap3A_268 : vector<16xf32> to vector<16xf32>
    %swap3A_270 = vector.shape_cast %broadcast_in_dim3A_266 : vector<16xf32> to vector<16xf32>
    tpu.vector_store %arg6[%swap3A_267], %swap3A_270 {strides = array<i32>} : memref<640xf32, #tpu.memory_space<vmem>>, vector<16xf32>,
    %broadcast_in_dim3A_271 = arith.constant 0.000000e+00 : f32
    %broadcast_in_dim3A_272 = vector.broadcast %broadcast_in_dim3A_271 : f32 to vector<16xf32>
    %swap3A_273 = arith.constant 592 : index
    %swap3A_274 = tpu.vector_load %arg6[%swap3A_273] {strides = array<i32>} : memref<640xf32, #tpu.memory_space<vmem>>, vector<16xf32>,
    %swap3A_275 = vector.shape_cast %swap3A_274 : vector<16xf32> to vector<16xf32>
    %swap3A_276 = vector.shape_cast %broadcast_in_dim3A_272 : vector<16xf32> to vector<16xf32>
    tpu.vector_store %arg6[%swap3A_273], %swap3A_276 {strides = array<i32>} : memref<640xf32, #tpu.memory_space<vmem>>, vector<16xf32>,
    %broadcast_in_dim3A_277 = arith.constant 0.000000e+00 : f32
    %broadcast_in_dim3A_278 = vector.broadcast %broadcast_in_dim3A_277 : f32 to vector<16xf32>
    %swap3A_279 = arith.constant 608 : index
    %swap3A_280 = tpu.vector_load %arg6[%swap3A_279] {strides = array<i32>} : memref<640xf32, #tpu.memory_space<vmem>>, vector<16xf32>,
    %swap3A_281 = vector.shape_cast %swap3A_280 : vector<16xf32> to vector<16xf32>
    %swap3A_282 = vector.shape_cast %broadcast_in_dim3A_278 : vector<16xf32> to vector<16xf32>
    tpu.vector_store %arg6[%swap3A_279], %swap3A_282 {strides = array<i32>} : memref<640xf32, #tpu.memory_space<vmem>>, vector<16xf32>,
    %broadcast_in_dim3A_283 = arith.constant 0.000000e+00 : f32
    %broadcast_in_dim3A_284 = vector.broadcast %broadcast_in_dim3A_283 : f32 to vector<16xf32>
    %swap3A_285 = arith.constant 624 : index
    %swap3A_286 = tpu.vector_load %arg6[%swap3A_285] {strides = array<i32>} : memref<640xf32, #tpu.memory_space<vmem>>, vector<16xf32>,
    %swap3A_287 = vector.shape_cast %swap3A_286 : vector<16xf32> to vector<16xf32>
    %swap3A_288 = vector.shape_cast %broadcast_in_dim3A_284 : vector<16xf32> to vector<16xf32>
    tpu.vector_store %arg6[%swap3A_285], %swap3A_288 {strides = array<i32>} : memref<640xf32, #tpu.memory_space<vmem>>, vector<16xf32>,
    %mul3A_289 = arith.constant 640 : i32
    %mul3A_290 = arith.muli %arg1, %mul3A_289 : i32
    "tpu.region"() ({
      %run_scoped3A = tpu.sem_alloc : memref<!tpu.dma_semaphore, #tpu.memory_space<semaphore_mem>>
      %dma_start3A = tpu.memref_slice %arg7[%mul3A_290] : memref<10240xf32, #tpu.memory_space<vmem_shared>> -> memref<640xf32, #tpu.memory_space<vmem_shared>>
      %dma_start3A_301 = tpu.memref_slice %arg7[%mul3A_290] : memref<10240xf32, #tpu.memory_space<vmem_shared>> -> memref<640xf32, #tpu.memory_space<vmem_shared>>
      tpu.enqueue_dma source(%arg6 : memref<640xf32, #tpu.memory_space<vmem>>) target(%dma_start3A_301 : memref<640xf32, #tpu.memory_space<vmem_shared>>) target_semaphore(%run_scoped3A : memref<!tpu.dma_semaphore, #tpu.memory_space<semaphore_mem>>)
      %dma_wait3A = tpu.memref_slice %arg7[%mul3A_290] : memref<10240xf32, #tpu.memory_space<vmem_shared>> -> memref<640xf32, #tpu.memory_space<vmem_shared>>
      %dma_wait3A_302 = tpu.memref_slice %arg7[%mul3A_290] : memref<10240xf32, #tpu.memory_space<vmem_shared>> -> memref<640xf32, #tpu.memory_space<vmem_shared>>
      tpu.wait_dma2 semaphore(%run_scoped3A : memref<!tpu.dma_semaphore, #tpu.memory_space<semaphore_mem>>) src(%arg6 : memref<640xf32, #tpu.memory_space<vmem>>) dst(%dma_wait3A_302 : memref<640xf32, #tpu.memory_space<vmem_shared>>)
      tpu.yield
    }) : () -> ()
    %barrier3A = arith.constant 0 : index
    tpu.barrier barrier_id(%barrier3A)
    "tpu.region"() ({
      %run_scoped3A = tpu.sem_alloc : memref<!tpu.dma_semaphore, #tpu.memory_space<semaphore_mem>>
      %dma_start3A = arith.constant 0 : i32
      %dma_start3A_301 = arith.constant 0 : i32
      %dma_start3A_302 = tpu.memref_slice %arg2[%add3A_2, %dma_start3A, %dma_start3A_301] : memref<64x100x100xi32, #tpu.memory_space<hbm>> -> memref<1x100x100xi32, #tpu.memory_space<hbm>>
      %dma_start3A_303 = tpu.memref_squeeze %dma_start3A_302 : memref<1x100x100xi32, #tpu.memory_space<hbm>> -> memref<100x100xi32, #tpu.memory_space<hbm>>
      %dma_start3A_304 = arith.constant 0 : i32
      %dma_start3A_305 = arith.constant 0 : i32
      %dma_start3A_306 = tpu.memref_slice %arg2[%add3A_2, %dma_start3A_304, %dma_start3A_305] : memref<64x100x100xi32, #tpu.memory_space<hbm>> -> memref<1x100x100xi32, #tpu.memory_space<hbm>>
      %dma_start3A_307 = tpu.memref_squeeze %dma_start3A_306 : memref<1x100x100xi32, #tpu.memory_space<hbm>> -> memref<100x100xi32, #tpu.memory_space<hbm>>
      tpu.enqueue_dma source(%dma_start3A_307 : memref<100x100xi32, #tpu.memory_space<hbm>>) target(%arg4 : memref<100x100xi32, #tpu.memory_space<vmem>>) target_semaphore(%run_scoped3A : memref<!tpu.dma_semaphore, #tpu.memory_space<semaphore_mem>>)
      %dma_wait3A = arith.constant 0 : i32
      %dma_wait3A_308 = arith.constant 0 : i32
      %dma_wait3A_309 = tpu.memref_slice %arg2[%add3A_2, %dma_wait3A, %dma_wait3A_308] : memref<64x100x100xi32, #tpu.memory_space<hbm>> -> memref<1x100x100xi32, #tpu.memory_space<hbm>>
      %dma_wait3A_310 = tpu.memref_squeeze %dma_wait3A_309 : memref<1x100x100xi32, #tpu.memory_space<hbm>> -> memref<100x100xi32, #tpu.memory_space<hbm>>
      %dma_wait3A_311 = arith.constant 0 : i32
      %dma_wait3A_312 = arith.constant 0 : i32
      %dma_wait3A_313 = tpu.memref_slice %arg2[%add3A_2, %dma_wait3A_311, %dma_wait3A_312] : memref<64x100x100xi32, #tpu.memory_space<hbm>> -> memref<1x100x100xi32, #tpu.memory_space<hbm>>
      %dma_wait3A_314 = tpu.memref_squeeze %dma_wait3A_313 : memref<1x100x100xi32, #tpu.memory_space<hbm>> -> memref<100x100xi32, #tpu.memory_space<hbm>>
      tpu.wait_dma2 semaphore(%run_scoped3A : memref<!tpu.dma_semaphore, #tpu.memory_space<semaphore_mem>>) src(%dma_wait3A_314 : memref<100x100xi32, #tpu.memory_space<hbm>>) dst(%arg4 : memref<100x100xi32, #tpu.memory_space<vmem>>)
      tpu.yield
    }) : () -> ()
    %scan3A = arith.constant 0 : i32
    %scan3A_291 = arith.constant 0 : i32
    %scan3A_292 = arith.constant 100 : i32
    %scan3A_293 = arith.addi %scan3A_291, %scan3A_292 : i32
    %scan3A_294 = arith.constant 1 : i32
    scf.for %scan3A_301 = %scan3A_291 to %scan3A_293 step %scan3A_294  : i32 {
      "tpu.region"() ({
        %run_scoped3A = tpu.sem_alloc : memref<!tpu.dma_semaphore, #tpu.memory_space<semaphore_mem>>
        %dma_start3A = arith.constant 0 : i32
        %dma_start3A_302 = tpu.memref_slice %arg5[%dma_start3A] : memref<128xf32, #tpu.memory_space<vmem>> -> memref<100xf32, #tpu.memory_space<vmem>>
        %dma_start3A_303 = arith.constant 0 : i32
        %dma_start3A_304 = tpu.memref_slice %arg4[%scan3A_301, %dma_start3A_303] : memref<100x100xi32, #tpu.memory_space<vmem>> -> memref<1x100xi32, #tpu.memory_space<vmem>>
        %dma_start3A_305 = tpu.memref_squeeze %dma_start3A_304 : memref<1x100xi32, #tpu.memory_space<vmem>> -> memref<100xi32, #tpu.memory_space<vmem>>
        %dma_start3A_306 = arith.constant 0 : i32
        %dma_start3A_307 = tpu.memref_slice %arg7[%dma_start3A_306] : memref<10240xf32, #tpu.memory_space<vmem_shared>> -> memref<10240xf32, #tpu.memory_space<vmem_shared>>
        tpu.enqueue_indirect_dma source(%dma_start3A_302 : memref<100xf32, #tpu.memory_space<vmem>>) target(%dma_start3A_307 : memref<10240xf32, #tpu.memory_space<vmem_shared>>) offsets(%dma_start3A_305 : memref<100xi32, #tpu.memory_space<vmem>>) semaphore(%run_scoped3A : memref<!tpu.dma_semaphore, #tpu.memory_space<semaphore_mem>>) {add = true}
        %dma_wait3A = arith.constant 0 : i32
        %dma_wait3A_308 = tpu.memref_slice %arg5[%dma_wait3A] : memref<128xf32, #tpu.memory_space<vmem>> -> memref<100xf32, #tpu.memory_space<vmem>>
        %dma_wait3A_309 = arith.constant 0 : i32
        %dma_wait3A_310 = tpu.memref_slice %arg4[%scan3A_301, %dma_wait3A_309] : memref<100x100xi32, #tpu.memory_space<vmem>> -> memref<1x100xi32, #tpu.memory_space<vmem>>
        %dma_wait3A_311 = tpu.memref_squeeze %dma_wait3A_310 : memref<1x100xi32, #tpu.memory_space<vmem>> -> memref<100xi32, #tpu.memory_space<vmem>>
        %dma_wait3A_312 = arith.constant 0 : i32
        %dma_wait3A_313 = tpu.memref_slice %arg7[%dma_wait3A_312] : memref<10240xf32, #tpu.memory_space<vmem_shared>> -> memref<10240xf32, #tpu.memory_space<vmem_shared>>
        tpu.wait_indirect_dma semaphore(%run_scoped3A : memref<!tpu.dma_semaphore, #tpu.memory_space<semaphore_mem>>) src(%dma_wait3A_308 : memref<100xf32, #tpu.memory_space<vmem>>) dst(%dma_wait3A_313 : memref<10240xf32, #tpu.memory_space<vmem_shared>>)
        tpu.yield
      }) : () -> ()
    }
    %scan3A_295 = arith.constant 100 : i32
    %barrier3A_296 = arith.constant 0 : index
    tpu.barrier barrier_id(%barrier3A_296)
    %mul3A_297 = arith.constant 640 : i32
    %mul3A_298 = arith.muli %arg1, %mul3A_297 : i32
    %mul3A_299 = arith.constant 640 : i32
    %mul3A_300 = arith.muli %arg1, %mul3A_299 : i32
    "tpu.region"() ({
      %run_scoped3A = tpu.sem_alloc : memref<!tpu.dma_semaphore, #tpu.memory_space<semaphore_mem>>
      %dma_start3A = tpu.memref_slice %arg3[%arg0, %mul3A_300] : memref<2x10240xf32, #tpu.memory_space<hbm>> -> memref<1x640xf32, #tpu.memory_space<hbm>>
      %dma_start3A_301 = tpu.memref_squeeze %dma_start3A : memref<1x640xf32, #tpu.memory_space<hbm>> -> memref<640xf32, #tpu.memory_space<hbm>>
      %dma_start3A_302 = tpu.memref_slice %arg7[%mul3A_298] : memref<10240xf32, #tpu.memory_space<vmem_shared>> -> memref<640xf32, #tpu.memory_space<vmem_shared>>
      tpu.enqueue_dma source(%dma_start3A_302 : memref<640xf32, #tpu.memory_space<vmem_shared>>) target(%dma_start3A_301 : memref<640xf32, #tpu.memory_space<hbm>>) target_semaphore(%run_scoped3A : memref<!tpu.dma_semaphore, #tpu.memory_space<semaphore_mem>>)
      %dma_wait3A = tpu.memref_slice %arg3[%arg0, %mul3A_300] : memref<2x10240xf32, #tpu.memory_space<hbm>> -> memref<1x640xf32, #tpu.memory_space<hbm>>
      %dma_wait3A_303 = tpu.memref_squeeze %dma_wait3A : memref<1x640xf32, #tpu.memory_space<hbm>> -> memref<640xf32, #tpu.memory_space<hbm>>
      %dma_wait3A_304 = tpu.memref_slice %arg7[%mul3A_298] : memref<10240xf32, #tpu.memory_space<vmem_shared>> -> memref<640xf32, #tpu.memory_space<vmem_shared>>
      tpu.wait_dma2 semaphore(%run_scoped3A : memref<!tpu.dma_semaphore, #tpu.memory_space<semaphore_mem>>) src(%dma_wait3A_304 : memref<640xf32, #tpu.memory_space<vmem_shared>>) dst(%dma_wait3A_303 : memref<640xf32, #tpu.memory_space<hbm>>)
      tpu.yield
    }) : () -> ()
    return
  }
}

#map = affine_map<(d0, d1) -> (0, 0, 0)>
#map1 = affine_map<(d0, d1) -> (0)>
module attributes {stable_mosaic.version = 14 : i64} {
  func.func @_msg_kernel(%arg0: i32, %arg1: i32, %arg2: memref<2x10000x64xf32, #tpu.memory_space<hbm>>, %arg3: memref<640000xi32, #tpu.memory_space<hbm>>, %arg4: memref<2x10240x64xf32, #tpu.memory_space<hbm>>, %arg5: memref<2000xi32, #tpu.memory_space<vmem>>, %arg6: memref<2000xi32, #tpu.memory_space<vmem>>, %arg7: memref<2000xi32, #tpu.memory_space<vmem>>, %arg8: memref<2000xi32, #tpu.memory_space<vmem>>, %arg9: memref<200x64xf32, #tpu.memory_space<vmem>>, %arg10: memref<200x64xf32, #tpu.memory_space<vmem>>, %arg11: memref<10240x64xf32, #tpu.memory_space<vmem_shared>>, %arg12: memref<!tpu.dma_semaphore, #tpu.memory_space<semaphore_mem>>, %arg13: memref<!tpu.dma_semaphore, #tpu.memory_space<semaphore_mem>>, %arg14: memref<!tpu.dma_semaphore, #tpu.memory_space<semaphore_mem>>, %arg15: memref<!tpu.dma_semaphore, #tpu.memory_space<semaphore_mem>>) attributes {dimension_semantics = [#tpu.dimension_semantics<core_parallel>, #tpu.dimension_semantics<subcore_parallel>], iteration_bounds = array<i64: 2, 16>, scalar_prefetch = 0 : i64, scratch_operands = 11 : i64, tpu.core_type = #tpu.core_type<sc_vector_subcore>, window_params = [{transform_indices = #map}, {transform_indices = #map1}, {transform_indices = #map}]} {
    %scan3A = arith.constant 0 : i32
    %scan3A_0 = arith.constant 0 : i32
    %scan3A_1 = arith.constant 200 : i32
    %scan3A_2 = arith.addi %scan3A_0, %scan3A_1 : i32
    %scan3A_3 = arith.constant 1 : i32
    scf.for %scan3A_41 = %scan3A_0 to %scan3A_2 step %scan3A_3  : i32 {
      %broadcast_in_dim3A = arith.constant 0.000000e+00 : f32
      %broadcast_in_dim3A_42 = vector.broadcast %broadcast_in_dim3A : f32 to vector<16xf32>
      %swap3A = arith.index_cast %scan3A_41 : i32 to index
      %swap3A_43 = arith.constant 0 : index
      %swap3A_44 = tpu.vector_load %arg9[%swap3A, %swap3A_43] {strides = array<i32>} : memref<200x64xf32, #tpu.memory_space<vmem>>, vector<1x16xf32>,
      %swap3A_45 = vector.shape_cast %swap3A_44 : vector<1x16xf32> to vector<16xf32>
      %swap3A_46 = vector.shape_cast %broadcast_in_dim3A_42 : vector<16xf32> to vector<1x16xf32>
      tpu.vector_store %arg9[%swap3A, %swap3A_43], %swap3A_46 {strides = array<i32>} : memref<200x64xf32, #tpu.memory_space<vmem>>, vector<1x16xf32>,
      %broadcast_in_dim3A_47 = arith.constant 0.000000e+00 : f32
      %broadcast_in_dim3A_48 = vector.broadcast %broadcast_in_dim3A_47 : f32 to vector<16xf32>
      %swap3A_49 = arith.index_cast %scan3A_41 : i32 to index
      %swap3A_50 = arith.constant 16 : index
      %swap3A_51 = tpu.vector_load %arg9[%swap3A_49, %swap3A_50] {strides = array<i32>} : memref<200x64xf32, #tpu.memory_space<vmem>>, vector<1x16xf32>,
      %swap3A_52 = vector.shape_cast %swap3A_51 : vector<1x16xf32> to vector<16xf32>
      %swap3A_53 = vector.shape_cast %broadcast_in_dim3A_48 : vector<16xf32> to vector<1x16xf32>
      tpu.vector_store %arg9[%swap3A_49, %swap3A_50], %swap3A_53 {strides = array<i32>} : memref<200x64xf32, #tpu.memory_space<vmem>>, vector<1x16xf32>,
      %broadcast_in_dim3A_54 = arith.constant 0.000000e+00 : f32
      %broadcast_in_dim3A_55 = vector.broadcast %broadcast_in_dim3A_54 : f32 to vector<16xf32>
      %swap3A_56 = arith.index_cast %scan3A_41 : i32 to index
      %swap3A_57 = arith.constant 32 : index
      %swap3A_58 = tpu.vector_load %arg9[%swap3A_56, %swap3A_57] {strides = array<i32>} : memref<200x64xf32, #tpu.memory_space<vmem>>, vector<1x16xf32>,
      %swap3A_59 = vector.shape_cast %swap3A_58 : vector<1x16xf32> to vector<16xf32>
      %swap3A_60 = vector.shape_cast %broadcast_in_dim3A_55 : vector<16xf32> to vector<1x16xf32>
      tpu.vector_store %arg9[%swap3A_56, %swap3A_57], %swap3A_60 {strides = array<i32>} : memref<200x64xf32, #tpu.memory_space<vmem>>, vector<1x16xf32>,
      %broadcast_in_dim3A_61 = arith.constant 0.000000e+00 : f32
      %broadcast_in_dim3A_62 = vector.broadcast %broadcast_in_dim3A_61 : f32 to vector<16xf32>
      %swap3A_63 = arith.index_cast %scan3A_41 : i32 to index
      %swap3A_64 = arith.constant 48 : index
      %swap3A_65 = tpu.vector_load %arg9[%swap3A_63, %swap3A_64] {strides = array<i32>} : memref<200x64xf32, #tpu.memory_space<vmem>>, vector<1x16xf32>,
      %swap3A_66 = vector.shape_cast %swap3A_65 : vector<1x16xf32> to vector<16xf32>
      %swap3A_67 = vector.shape_cast %broadcast_in_dim3A_62 : vector<16xf32> to vector<1x16xf32>
      tpu.vector_store %arg9[%swap3A_63, %swap3A_64], %swap3A_67 {strides = array<i32>} : memref<200x64xf32, #tpu.memory_space<vmem>>, vector<1x16xf32>,
    }
    %scan3A_4 = arith.constant 200 : i32
    %mul3A = arith.constant 640 : i32
    %mul3A_5 = arith.muli %arg1, %mul3A : i32
    %add3A = arith.constant 0 : i32
    %add3A_6 = arith.addi %mul3A_5, %add3A : i32
    "tpu.region"() ({
      %run_scoped3A = tpu.sem_alloc : memref<!tpu.dma_semaphore, #tpu.memory_space<semaphore_mem>>
      %dma_start3A_41 = arith.constant 0 : i32
      %dma_start3A_42 = tpu.memref_slice %arg11[%add3A_6, %dma_start3A_41] : memref<10240x64xf32, #tpu.memory_space<vmem_shared>> -> memref<200x64xf32, #tpu.memory_space<vmem_shared>>
      %dma_start3A_43 = arith.constant 0 : i32
      %dma_start3A_44 = tpu.memref_slice %arg11[%add3A_6, %dma_start3A_43] : memref<10240x64xf32, #tpu.memory_space<vmem_shared>> -> memref<200x64xf32, #tpu.memory_space<vmem_shared>>
      tpu.enqueue_dma source(%arg9 : memref<200x64xf32, #tpu.memory_space<vmem>>) target(%dma_start3A_44 : memref<200x64xf32, #tpu.memory_space<vmem_shared>>) target_semaphore(%run_scoped3A : memref<!tpu.dma_semaphore, #tpu.memory_space<semaphore_mem>>)
      %dma_wait3A = arith.constant 0 : i32
      %dma_wait3A_45 = tpu.memref_slice %arg11[%add3A_6, %dma_wait3A] : memref<10240x64xf32, #tpu.memory_space<vmem_shared>> -> memref<200x64xf32, #tpu.memory_space<vmem_shared>>
      %dma_wait3A_46 = arith.constant 0 : i32
      %dma_wait3A_47 = tpu.memref_slice %arg11[%add3A_6, %dma_wait3A_46] : memref<10240x64xf32, #tpu.memory_space<vmem_shared>> -> memref<200x64xf32, #tpu.memory_space<vmem_shared>>
      tpu.wait_dma2 semaphore(%run_scoped3A : memref<!tpu.dma_semaphore, #tpu.memory_space<semaphore_mem>>) src(%arg9 : memref<200x64xf32, #tpu.memory_space<vmem>>) dst(%dma_wait3A_47 : memref<200x64xf32, #tpu.memory_space<vmem_shared>>)
      tpu.yield
    }) : () -> ()
    %mul3A_7 = arith.constant 640 : i32
    %mul3A_8 = arith.muli %arg1, %mul3A_7 : i32
    %add3A_9 = arith.constant 200 : i32
    %add3A_10 = arith.addi %mul3A_8, %add3A_9 : i32
    "tpu.region"() ({
      %run_scoped3A = tpu.sem_alloc : memref<!tpu.dma_semaphore, #tpu.memory_space<semaphore_mem>>
      %dma_start3A_41 = arith.constant 0 : i32
      %dma_start3A_42 = tpu.memref_slice %arg11[%add3A_10, %dma_start3A_41] : memref<10240x64xf32, #tpu.memory_space<vmem_shared>> -> memref<200x64xf32, #tpu.memory_space<vmem_shared>>
      %dma_start3A_43 = arith.constant 0 : i32
      %dma_start3A_44 = tpu.memref_slice %arg11[%add3A_10, %dma_start3A_43] : memref<10240x64xf32, #tpu.memory_space<vmem_shared>> -> memref<200x64xf32, #tpu.memory_space<vmem_shared>>
      tpu.enqueue_dma source(%arg9 : memref<200x64xf32, #tpu.memory_space<vmem>>) target(%dma_start3A_44 : memref<200x64xf32, #tpu.memory_space<vmem_shared>>) target_semaphore(%run_scoped3A : memref<!tpu.dma_semaphore, #tpu.memory_space<semaphore_mem>>)
      %dma_wait3A = arith.constant 0 : i32
      %dma_wait3A_45 = tpu.memref_slice %arg11[%add3A_10, %dma_wait3A] : memref<10240x64xf32, #tpu.memory_space<vmem_shared>> -> memref<200x64xf32, #tpu.memory_space<vmem_shared>>
      %dma_wait3A_46 = arith.constant 0 : i32
      %dma_wait3A_47 = tpu.memref_slice %arg11[%add3A_10, %dma_wait3A_46] : memref<10240x64xf32, #tpu.memory_space<vmem_shared>> -> memref<200x64xf32, #tpu.memory_space<vmem_shared>>
      tpu.wait_dma2 semaphore(%run_scoped3A : memref<!tpu.dma_semaphore, #tpu.memory_space<semaphore_mem>>) src(%arg9 : memref<200x64xf32, #tpu.memory_space<vmem>>) dst(%dma_wait3A_47 : memref<200x64xf32, #tpu.memory_space<vmem_shared>>)
      tpu.yield
    }) : () -> ()
    %mul3A_11 = arith.constant 640 : i32
    %mul3A_12 = arith.muli %arg1, %mul3A_11 : i32
    %add3A_13 = arith.constant 400 : i32
    %add3A_14 = arith.addi %mul3A_12, %add3A_13 : i32
    "tpu.region"() ({
      %run_scoped3A = tpu.sem_alloc : memref<!tpu.dma_semaphore, #tpu.memory_space<semaphore_mem>>
      %dma_start3A_41 = arith.constant 0 : i32
      %dma_start3A_42 = tpu.memref_slice %arg11[%add3A_14, %dma_start3A_41] : memref<10240x64xf32, #tpu.memory_space<vmem_shared>> -> memref<200x64xf32, #tpu.memory_space<vmem_shared>>
      %dma_start3A_43 = arith.constant 0 : i32
      %dma_start3A_44 = tpu.memref_slice %arg11[%add3A_14, %dma_start3A_43] : memref<10240x64xf32, #tpu.memory_space<vmem_shared>> -> memref<200x64xf32, #tpu.memory_space<vmem_shared>>
      tpu.enqueue_dma source(%arg9 : memref<200x64xf32, #tpu.memory_space<vmem>>) target(%dma_start3A_44 : memref<200x64xf32, #tpu.memory_space<vmem_shared>>) target_semaphore(%run_scoped3A : memref<!tpu.dma_semaphore, #tpu.memory_space<semaphore_mem>>)
      %dma_wait3A = arith.constant 0 : i32
      %dma_wait3A_45 = tpu.memref_slice %arg11[%add3A_14, %dma_wait3A] : memref<10240x64xf32, #tpu.memory_space<vmem_shared>> -> memref<200x64xf32, #tpu.memory_space<vmem_shared>>
      %dma_wait3A_46 = arith.constant 0 : i32
      %dma_wait3A_47 = tpu.memref_slice %arg11[%add3A_14, %dma_wait3A_46] : memref<10240x64xf32, #tpu.memory_space<vmem_shared>> -> memref<200x64xf32, #tpu.memory_space<vmem_shared>>
      tpu.wait_dma2 semaphore(%run_scoped3A : memref<!tpu.dma_semaphore, #tpu.memory_space<semaphore_mem>>) src(%arg9 : memref<200x64xf32, #tpu.memory_space<vmem>>) dst(%dma_wait3A_47 : memref<200x64xf32, #tpu.memory_space<vmem_shared>>)
      tpu.yield
    }) : () -> ()
    %mul3A_15 = arith.constant 640 : i32
    %mul3A_16 = arith.muli %arg1, %mul3A_15 : i32
    %add3A_17 = arith.constant 600 : i32
    %add3A_18 = arith.addi %mul3A_16, %add3A_17 : i32
    "tpu.region"() ({
      %run_scoped3A = tpu.sem_alloc : memref<!tpu.dma_semaphore, #tpu.memory_space<semaphore_mem>>
      %dma_start3A_41 = arith.constant 0 : i32
      %dma_start3A_42 = arith.constant 0 : i32
      %dma_start3A_43 = tpu.memref_slice %arg9[%dma_start3A_41, %dma_start3A_42] : memref<200x64xf32, #tpu.memory_space<vmem>> -> memref<40x64xf32, #tpu.memory_space<vmem>>
      %dma_start3A_44 = arith.constant 0 : i32
      %dma_start3A_45 = tpu.memref_slice %arg11[%add3A_18, %dma_start3A_44] : memref<10240x64xf32, #tpu.memory_space<vmem_shared>> -> memref<40x64xf32, #tpu.memory_space<vmem_shared>>
      %dma_start3A_46 = arith.constant 0 : i32
      %dma_start3A_47 = tpu.memref_slice %arg11[%add3A_18, %dma_start3A_46] : memref<10240x64xf32, #tpu.memory_space<vmem_shared>> -> memref<40x64xf32, #tpu.memory_space<vmem_shared>>
      %dma_start3A_48 = arith.constant 0 : i32
      %dma_start3A_49 = arith.constant 0 : i32
      %dma_start3A_50 = tpu.memref_slice %arg9[%dma_start3A_48, %dma_start3A_49] : memref<200x64xf32, #tpu.memory_space<vmem>> -> memref<40x64xf32, #tpu.memory_space<vmem>>
      tpu.enqueue_dma source(%dma_start3A_50 : memref<40x64xf32, #tpu.memory_space<vmem>>) target(%dma_start3A_47 : memref<40x64xf32, #tpu.memory_space<vmem_shared>>) target_semaphore(%run_scoped3A : memref<!tpu.dma_semaphore, #tpu.memory_space<semaphore_mem>>)
      %dma_wait3A = arith.constant 0 : i32
      %dma_wait3A_51 = arith.constant 0 : i32
      %dma_wait3A_52 = tpu.memref_slice %arg9[%dma_wait3A, %dma_wait3A_51] : memref<200x64xf32, #tpu.memory_space<vmem>> -> memref<40x64xf32, #tpu.memory_space<vmem>>
      %dma_wait3A_53 = arith.constant 0 : i32
      %dma_wait3A_54 = tpu.memref_slice %arg11[%add3A_18, %dma_wait3A_53] : memref<10240x64xf32, #tpu.memory_space<vmem_shared>> -> memref<40x64xf32, #tpu.memory_space<vmem_shared>>
      %dma_wait3A_55 = arith.constant 0 : i32
      %dma_wait3A_56 = tpu.memref_slice %arg11[%add3A_18, %dma_wait3A_55] : memref<10240x64xf32, #tpu.memory_space<vmem_shared>> -> memref<40x64xf32, #tpu.memory_space<vmem_shared>>
      %dma_wait3A_57 = arith.constant 0 : i32
      %dma_wait3A_58 = arith.constant 0 : i32
      %dma_wait3A_59 = tpu.memref_slice %arg9[%dma_wait3A_57, %dma_wait3A_58] : memref<200x64xf32, #tpu.memory_space<vmem>> -> memref<40x64xf32, #tpu.memory_space<vmem>>
      tpu.wait_dma2 semaphore(%run_scoped3A : memref<!tpu.dma_semaphore, #tpu.memory_space<semaphore_mem>>) src(%dma_wait3A_59 : memref<40x64xf32, #tpu.memory_space<vmem>>) dst(%dma_wait3A_56 : memref<40x64xf32, #tpu.memory_space<vmem_shared>>)
      tpu.yield
    }) : () -> ()
    %barrier3A = arith.constant 0 : index
    tpu.barrier barrier_id(%barrier3A)
    %mul3A_19 = arith.constant 10 : i32
    %mul3A_20 = arith.muli %arg1, %mul3A_19 : i32
    %add3A_21 = arith.constant 0 : i32
    %add3A_22 = arith.addi %mul3A_20, %add3A_21 : i32
    %mul3A_23 = arith.constant 2000 : i32
    %mul3A_24 = arith.muli %add3A_22, %mul3A_23 : i32
    %dma_start3A = tpu.memref_slice %arg3[%mul3A_24] : memref<640000xi32, #tpu.memory_space<hbm>> -> memref<2000xi32, #tpu.memory_space<hbm>>
    %dma_start3A_25 = tpu.memref_slice %arg3[%mul3A_24] : memref<640000xi32, #tpu.memory_space<hbm>> -> memref<2000xi32, #tpu.memory_space<hbm>>
    tpu.enqueue_dma source(%dma_start3A_25 : memref<2000xi32, #tpu.memory_space<hbm>>) target(%arg5 : memref<2000xi32, #tpu.memory_space<vmem>>) target_semaphore(%arg14 : memref<!tpu.dma_semaphore, #tpu.memory_space<semaphore_mem>>)
    %add3A_26 = arith.constant 320000 : i32
    %add3A_27 = arith.addi %add3A_26, %mul3A_24 : i32
    %dma_start3A_28 = tpu.memref_slice %arg3[%add3A_27] : memref<640000xi32, #tpu.memory_space<hbm>> -> memref<2000xi32, #tpu.memory_space<hbm>>
    %dma_start3A_29 = tpu.memref_slice %arg3[%add3A_27] : memref<640000xi32, #tpu.memory_space<hbm>> -> memref<2000xi32, #tpu.memory_space<hbm>>
    tpu.enqueue_dma source(%dma_start3A_29 : memref<2000xi32, #tpu.memory_space<hbm>>) target(%arg6 : memref<2000xi32, #tpu.memory_space<vmem>>) target_semaphore(%arg14 : memref<!tpu.dma_semaphore, #tpu.memory_space<semaphore_mem>>)
    %scan3A_30 = arith.constant 0 : i32
    %scan3A_31 = arith.constant 0 : i32
    %scan3A_32 = arith.constant 5 : i32
    %scan3A_33 = arith.addi %scan3A_31, %scan3A_32 : i32
    %scan3A_34 = arith.constant 1 : i32
    scf.for %scan3A_41 = %scan3A_31 to %scan3A_33 step %scan3A_34  : i32 {
      %mul3A_42 = arith.constant 2 : i32
      %mul3A_43 = arith.muli %mul3A_42, %scan3A_41 : i32
      %mul3A_44 = arith.constant 10 : i32
      %mul3A_45 = arith.muli %arg1, %mul3A_44 : i32
      %add3A_46 = arith.addi %mul3A_45, %mul3A_43 : i32
      %mul3A_47 = arith.constant 2000 : i32
      %mul3A_48 = arith.muli %add3A_46, %mul3A_47 : i32
      %dma_wait3A = tpu.memref_slice %arg3[%mul3A_48] : memref<640000xi32, #tpu.memory_space<hbm>> -> memref<2000xi32, #tpu.memory_space<hbm>>
      %dma_wait3A_49 = tpu.memref_slice %arg3[%mul3A_48] : memref<640000xi32, #tpu.memory_space<hbm>> -> memref<2000xi32, #tpu.memory_space<hbm>>
      tpu.wait_dma2 semaphore(%arg14 : memref<!tpu.dma_semaphore, #tpu.memory_space<semaphore_mem>>) src(%dma_wait3A_49 : memref<2000xi32, #tpu.memory_space<hbm>>) dst(%arg5 : memref<2000xi32, #tpu.memory_space<vmem>>)
      %add3A_50 = arith.constant 320000 : i32
      %add3A_51 = arith.addi %add3A_50, %mul3A_48 : i32
      %dma_wait3A_52 = tpu.memref_slice %arg3[%add3A_51] : memref<640000xi32, #tpu.memory_space<hbm>> -> memref<2000xi32, #tpu.memory_space<hbm>>
      %dma_wait3A_53 = tpu.memref_slice %arg3[%add3A_51] : memref<640000xi32, #tpu.memory_space<hbm>> -> memref<2000xi32, #tpu.memory_space<hbm>>
      tpu.wait_dma2 semaphore(%arg14 : memref<!tpu.dma_semaphore, #tpu.memory_space<semaphore_mem>>) src(%dma_wait3A_53 : memref<2000xi32, #tpu.memory_space<hbm>>) dst(%arg6 : memref<2000xi32, #tpu.memory_space<vmem>>)
      %add3A_54 = arith.constant 1 : i32
      %add3A_55 = arith.addi %mul3A_43, %add3A_54 : i32
      %mul3A_56 = arith.constant 10 : i32
      %mul3A_57 = arith.muli %arg1, %mul3A_56 : i32
      %add3A_58 = arith.addi %mul3A_57, %add3A_55 : i32
      %mul3A_59 = arith.constant 2000 : i32
      %mul3A_60 = arith.muli %add3A_58, %mul3A_59 : i32
      %dma_start3A_61 = tpu.memref_slice %arg3[%mul3A_60] : memref<640000xi32, #tpu.memory_space<hbm>> -> memref<2000xi32, #tpu.memory_space<hbm>>
      %dma_start3A_62 = tpu.memref_slice %arg3[%mul3A_60] : memref<640000xi32, #tpu.memory_space<hbm>> -> memref<2000xi32, #tpu.memory_space<hbm>>
      tpu.enqueue_dma source(%dma_start3A_62 : memref<2000xi32, #tpu.memory_space<hbm>>) target(%arg7 : memref<2000xi32, #tpu.memory_space<vmem>>) target_semaphore(%arg15 : memref<!tpu.dma_semaphore, #tpu.memory_space<semaphore_mem>>)
      %add3A_63 = arith.constant 320000 : i32
      %add3A_64 = arith.addi %add3A_63, %mul3A_60 : i32
      %dma_start3A_65 = tpu.memref_slice %arg3[%add3A_64] : memref<640000xi32, #tpu.memory_space<hbm>> -> memref<2000xi32, #tpu.memory_space<hbm>>
      %dma_start3A_66 = tpu.memref_slice %arg3[%add3A_64] : memref<640000xi32, #tpu.memory_space<hbm>> -> memref<2000xi32, #tpu.memory_space<hbm>>
      tpu.enqueue_dma source(%dma_start3A_66 : memref<2000xi32, #tpu.memory_space<hbm>>) target(%arg8 : memref<2000xi32, #tpu.memory_space<vmem>>) target_semaphore(%arg15 : memref<!tpu.dma_semaphore, #tpu.memory_space<semaphore_mem>>)
      %dma_start3A_67 = arith.constant 0 : i32
      %dma_start3A_68 = tpu.memref_slice %arg5[%dma_start3A_67] : memref<2000xi32, #tpu.memory_space<vmem>> -> memref<200xi32, #tpu.memory_space<vmem>>
      %dma_start3A_69 = arith.constant 0 : i32
      %dma_start3A_70 = arith.constant 0 : i32
      %dma_start3A_71 = tpu.memref_slice %arg2[%arg0, %dma_start3A_69, %dma_start3A_70] : memref<2x10000x64xf32, #tpu.memory_space<hbm>> -> memref<1x10000x64xf32, #tpu.memory_space<hbm>>
      %dma_start3A_72 = tpu.memref_squeeze %dma_start3A_71 : memref<1x10000x64xf32, #tpu.memory_space<hbm>> -> memref<10000x64xf32, #tpu.memory_space<hbm>>
      %dma_start3A_73 = arith.constant 0 : i32
      %dma_start3A_74 = arith.constant 0 : i32
      %dma_start3A_75 = tpu.memref_slice %dma_start3A_72[%dma_start3A_73, %dma_start3A_74] : memref<10000x64xf32, #tpu.memory_space<hbm>> -> memref<10000x64xf32, #tpu.memory_space<hbm>>
      tpu.enqueue_indirect_dma source(%dma_start3A_75 : memref<10000x64xf32, #tpu.memory_space<hbm>>) target(%arg9 : memref<200x64xf32, #tpu.memory_space<vmem>>) offsets(%dma_start3A_68 : memref<200xi32, #tpu.memory_space<vmem>>) semaphore(%arg12 : memref<!tpu.dma_semaphore, #tpu.memory_space<semaphore_mem>>)
      %dma_start3A_76 = arith.constant 200 : i32
      %dma_start3A_77 = tpu.memref_slice %arg5[%dma_start3A_76] : memref<2000xi32, #tpu.memory_space<vmem>> -> memref<200xi32, #tpu.memory_space<vmem>>
      %dma_start3A_78 = arith.constant 0 : i32
      %dma_start3A_79 = arith.constant 0 : i32
      %dma_start3A_80 = tpu.memref_slice %arg2[%arg0, %dma_start3A_78, %dma_start3A_79] : memref<2x10000x64xf32, #tpu.memory_space<hbm>> -> memref<1x10000x64xf32, #tpu.memory_space<hbm>>
      %dma_start3A_81 = tpu.memref_squeeze %dma_start3A_80 : memref<1x10000x64xf32, #tpu.memory_space<hbm>> -> memref<10000x64xf32, #tpu.memory_space<hbm>>
      %dma_start3A_82 = arith.constant 0 : i32
      %dma_start3A_83 = arith.constant 0 : i32
      %dma_start3A_84 = tpu.memref_slice %dma_start3A_81[%dma_start3A_82, %dma_start3A_83] : memref<10000x64xf32, #tpu.memory_space<hbm>> -> memref<10000x64xf32, #tpu.memory_space<hbm>>
      tpu.enqueue_indirect_dma source(%dma_start3A_84 : memref<10000x64xf32, #tpu.memory_space<hbm>>) target(%arg10 : memref<200x64xf32, #tpu.memory_space<vmem>>) offsets(%dma_start3A_77 : memref<200xi32, #tpu.memory_space<vmem>>) semaphore(%arg13 : memref<!tpu.dma_semaphore, #tpu.memory_space<semaphore_mem>>)
      %dma_wait3A_85 = arith.constant 0 : i32
      %dma_wait3A_86 = tpu.memref_slice %arg5[%dma_wait3A_85] : memref<2000xi32, #tpu.memory_space<vmem>> -> memref<200xi32, #tpu.memory_space<vmem>>
      %dma_wait3A_87 = arith.constant 0 : i32
      %dma_wait3A_88 = arith.constant 0 : i32
      %dma_wait3A_89 = tpu.memref_slice %arg2[%arg0, %dma_wait3A_87, %dma_wait3A_88] : memref<2x10000x64xf32, #tpu.memory_space<hbm>> -> memref<1x10000x64xf32, #tpu.memory_space<hbm>>
      %dma_wait3A_90 = tpu.memref_squeeze %dma_wait3A_89 : memref<1x10000x64xf32, #tpu.memory_space<hbm>> -> memref<10000x64xf32, #tpu.memory_space<hbm>>
      %dma_wait3A_91 = arith.constant 0 : i32
      %dma_wait3A_92 = arith.constant 0 : i32
      %dma_wait3A_93 = tpu.memref_slice %dma_wait3A_90[%dma_wait3A_91, %dma_wait3A_92] : memref<10000x64xf32, #tpu.memory_space<hbm>> -> memref<10000x64xf32, #tpu.memory_space<hbm>>
      tpu.wait_indirect_dma semaphore(%arg12 : memref<!tpu.dma_semaphore, #tpu.memory_space<semaphore_mem>>) src(%dma_wait3A_93 : memref<10000x64xf32, #tpu.memory_space<hbm>>) dst(%arg9 : memref<200x64xf32, #tpu.memory_space<vmem>>)
      "tpu.region"() ({
        %run_scoped3A = tpu.sem_alloc : memref<!tpu.dma_semaphore, #tpu.memory_space<semaphore_mem>>
        %dma_start3A_444 = arith.constant 0 : i32
        %dma_start3A_445 = tpu.memref_slice %arg6[%dma_start3A_444] : memref<2000xi32, #tpu.memory_space<vmem>> -> memref<200xi32, #tpu.memory_space<vmem>>
        %dma_start3A_446 = arith.constant 0 : i32
        %dma_start3A_447 = arith.constant 0 : i32
        %dma_start3A_448 = tpu.memref_slice %arg11[%dma_start3A_446, %dma_start3A_447] : memref<10240x64xf32, #tpu.memory_space<vmem_shared>> -> memref<10240x64xf32, #tpu.memory_space<vmem_shared>>
        tpu.enqueue_indirect_dma source(%arg9 : memref<200x64xf32, #tpu.memory_space<vmem>>) target(%dma_start3A_448 : memref<10240x64xf32, #tpu.memory_space<vmem_shared>>) offsets(%dma_start3A_445 : memref<200xi32, #tpu.memory_space<vmem>>) semaphore(%run_scoped3A : memref<!tpu.dma_semaphore, #tpu.memory_space<semaphore_mem>>) {add = true}
        %dma_wait3A_449 = arith.constant 0 : i32
        %dma_wait3A_450 = tpu.memref_slice %arg6[%dma_wait3A_449] : memref<2000xi32, #tpu.memory_space<vmem>> -> memref<200xi32, #tpu.memory_space<vmem>>
        %dma_wait3A_451 = arith.constant 0 : i32
        %dma_wait3A_452 = arith.constant 0 : i32
        %dma_wait3A_453 = tpu.memref_slice %arg11[%dma_wait3A_451, %dma_wait3A_452] : memref<10240x64xf32, #tpu.memory_space<vmem_shared>> -> memref<10240x64xf32, #tpu.memory_space<vmem_shared>>
        tpu.wait_indirect_dma semaphore(%run_scoped3A : memref<!tpu.dma_semaphore, #tpu.memory_space<semaphore_mem>>) src(%arg9 : memref<200x64xf32, #tpu.memory_space<vmem>>) dst(%dma_wait3A_453 : memref<10240x64xf32, #tpu.memory_space<vmem_shared>>)
        tpu.yield
      }) : () -> ()
      %dma_start3A_94 = arith.constant 400 : i32
      %dma_start3A_95 = tpu.memref_slice %arg5[%dma_start3A_94] : memref<2000xi32, #tpu.memory_space<vmem>> -> memref<200xi32, #tpu.memory_space<vmem>>
      %dma_start3A_96 = arith.constant 0 : i32
      %dma_start3A_97 = arith.constant 0 : i32
      %dma_start3A_98 = tpu.memref_slice %arg2[%arg0, %dma_start3A_96, %dma_start3A_97] : memref<2x10000x64xf32, #tpu.memory_space<hbm>> -> memref<1x10000x64xf32, #tpu.memory_space<hbm>>
      %dma_start3A_99 = tpu.memref_squeeze %dma_start3A_98 : memref<1x10000x64xf32, #tpu.memory_space<hbm>> -> memref<10000x64xf32, #tpu.memory_space<hbm>>
      %dma_start3A_100 = arith.constant 0 : i32
      %dma_start3A_101 = arith.constant 0 : i32
      %dma_start3A_102 = tpu.memref_slice %dma_start3A_99[%dma_start3A_100, %dma_start3A_101] : memref<10000x64xf32, #tpu.memory_space<hbm>> -> memref<10000x64xf32, #tpu.memory_space<hbm>>
      tpu.enqueue_indirect_dma source(%dma_start3A_102 : memref<10000x64xf32, #tpu.memory_space<hbm>>) target(%arg9 : memref<200x64xf32, #tpu.memory_space<vmem>>) offsets(%dma_start3A_95 : memref<200xi32, #tpu.memory_space<vmem>>) semaphore(%arg12 : memref<!tpu.dma_semaphore, #tpu.memory_space<semaphore_mem>>)
      %dma_wait3A_103 = arith.constant 200 : i32
      %dma_wait3A_104 = tpu.memref_slice %arg5[%dma_wait3A_103] : memref<2000xi32, #tpu.memory_space<vmem>> -> memref<200xi32, #tpu.memory_space<vmem>>
      %dma_wait3A_105 = arith.constant 0 : i32
      %dma_wait3A_106 = arith.constant 0 : i32
      %dma_wait3A_107 = tpu.memref_slice %arg2[%arg0, %dma_wait3A_105, %dma_wait3A_106] : memref<2x10000x64xf32, #tpu.memory_space<hbm>> -> memref<1x10000x64xf32, #tpu.memory_space<hbm>>
      %dma_wait3A_108 = tpu.memref_squeeze %dma_wait3A_107 : memref<1x10000x64xf32, #tpu.memory_space<hbm>> -> memref<10000x64xf32, #tpu.memory_space<hbm>>
      %dma_wait3A_109 = arith.constant 0 : i32
      %dma_wait3A_110 = arith.constant 0 : i32
      %dma_wait3A_111 = tpu.memref_slice %dma_wait3A_108[%dma_wait3A_109, %dma_wait3A_110] : memref<10000x64xf32, #tpu.memory_space<hbm>> -> memref<10000x64xf32, #tpu.memory_space<hbm>>
      tpu.wait_indirect_dma semaphore(%arg13 : memref<!tpu.dma_semaphore, #tpu.memory_space<semaphore_mem>>) src(%dma_wait3A_111 : memref<10000x64xf32, #tpu.memory_space<hbm>>) dst(%arg10 : memref<200x64xf32, #tpu.memory_space<vmem>>)
      "tpu.region"() ({
        %run_scoped3A = tpu.sem_alloc : memref<!tpu.dma_semaphore, #tpu.memory_space<semaphore_mem>>
        %dma_start3A_444 = arith.constant 200 : i32
        %dma_start3A_445 = tpu.memref_slice %arg6[%dma_start3A_444] : memref<2000xi32, #tpu.memory_space<vmem>> -> memref<200xi32, #tpu.memory_space<vmem>>
        %dma_start3A_446 = arith.constant 0 : i32
        %dma_start3A_447 = arith.constant 0 : i32
        %dma_start3A_448 = tpu.memref_slice %arg11[%dma_start3A_446, %dma_start3A_447] : memref<10240x64xf32, #tpu.memory_space<vmem_shared>> -> memref<10240x64xf32, #tpu.memory_space<vmem_shared>>
        tpu.enqueue_indirect_dma source(%arg10 : memref<200x64xf32, #tpu.memory_space<vmem>>) target(%dma_start3A_448 : memref<10240x64xf32, #tpu.memory_space<vmem_shared>>) offsets(%dma_start3A_445 : memref<200xi32, #tpu.memory_space<vmem>>) semaphore(%run_scoped3A : memref<!tpu.dma_semaphore, #tpu.memory_space<semaphore_mem>>) {add = true}
        %dma_wait3A_449 = arith.constant 200 : i32
        %dma_wait3A_450 = tpu.memref_slice %arg6[%dma_wait3A_449] : memref<2000xi32, #tpu.memory_space<vmem>> -> memref<200xi32, #tpu.memory_space<vmem>>
        %dma_wait3A_451 = arith.constant 0 : i32
        %dma_wait3A_452 = arith.constant 0 : i32
        %dma_wait3A_453 = tpu.memref_slice %arg11[%dma_wait3A_451, %dma_wait3A_452] : memref<10240x64xf32, #tpu.memory_space<vmem_shared>> -> memref<10240x64xf32, #tpu.memory_space<vmem_shared>>
        tpu.wait_indirect_dma semaphore(%run_scoped3A : memref<!tpu.dma_semaphore, #tpu.memory_space<semaphore_mem>>) src(%arg10 : memref<200x64xf32, #tpu.memory_space<vmem>>) dst(%dma_wait3A_453 : memref<10240x64xf32, #tpu.memory_space<vmem_shared>>)
        tpu.yield
      }) : () -> ()
      %dma_start3A_112 = arith.constant 600 : i32
      %dma_start3A_113 = tpu.memref_slice %arg5[%dma_start3A_112] : memref<2000xi32, #tpu.memory_space<vmem>> -> memref<200xi32, #tpu.memory_space<vmem>>
      %dma_start3A_114 = arith.constant 0 : i32
      %dma_start3A_115 = arith.constant 0 : i32
      %dma_start3A_116 = tpu.memref_slice %arg2[%arg0, %dma_start3A_114, %dma_start3A_115] : memref<2x10000x64xf32, #tpu.memory_space<hbm>> -> memref<1x10000x64xf32, #tpu.memory_space<hbm>>
      %dma_start3A_117 = tpu.memref_squeeze %dma_start3A_116 : memref<1x10000x64xf32, #tpu.memory_space<hbm>> -> memref<10000x64xf32, #tpu.memory_space<hbm>>
      %dma_start3A_118 = arith.constant 0 : i32
      %dma_start3A_119 = arith.constant 0 : i32
      %dma_start3A_120 = tpu.memref_slice %dma_start3A_117[%dma_start3A_118, %dma_start3A_119] : memref<10000x64xf32, #tpu.memory_space<hbm>> -> memref<10000x64xf32, #tpu.memory_space<hbm>>
      tpu.enqueue_indirect_dma source(%dma_start3A_120 : memref<10000x64xf32, #tpu.memory_space<hbm>>) target(%arg10 : memref<200x64xf32, #tpu.memory_space<vmem>>) offsets(%dma_start3A_113 : memref<200xi32, #tpu.memory_space<vmem>>) semaphore(%arg13 : memref<!tpu.dma_semaphore, #tpu.memory_space<semaphore_mem>>)
      %dma_wait3A_121 = arith.constant 400 : i32
      %dma_wait3A_122 = tpu.memref_slice %arg5[%dma_wait3A_121] : memref<2000xi32, #tpu.memory_space<vmem>> -> memref<200xi32, #tpu.memory_space<vmem>>
      %dma_wait3A_123 = arith.constant 0 : i32
      %dma_wait3A_124 = arith.constant 0 : i32
      %dma_wait3A_125 = tpu.memref_slice %arg2[%arg0, %dma_wait3A_123, %dma_wait3A_124] : memref<2x10000x64xf32, #tpu.memory_space<hbm>> -> memref<1x10000x64xf32, #tpu.memory_space<hbm>>
      %dma_wait3A_126 = tpu.memref_squeeze %dma_wait3A_125 : memref<1x10000x64xf32, #tpu.memory_space<hbm>> -> memref<10000x64xf32, #tpu.memory_space<hbm>>
      %dma_wait3A_127 = arith.constant 0 : i32
      %dma_wait3A_128 = arith.constant 0 : i32
      %dma_wait3A_129 = tpu.memref_slice %dma_wait3A_126[%dma_wait3A_127, %dma_wait3A_128] : memref<10000x64xf32, #tpu.memory_space<hbm>> -> memref<10000x64xf32, #tpu.memory_space<hbm>>
      tpu.wait_indirect_dma semaphore(%arg12 : memref<!tpu.dma_semaphore, #tpu.memory_space<semaphore_mem>>) src(%dma_wait3A_129 : memref<10000x64xf32, #tpu.memory_space<hbm>>) dst(%arg9 : memref<200x64xf32, #tpu.memory_space<vmem>>)
      "tpu.region"() ({
        %run_scoped3A = tpu.sem_alloc : memref<!tpu.dma_semaphore, #tpu.memory_space<semaphore_mem>>
        %dma_start3A_444 = arith.constant 400 : i32
        %dma_start3A_445 = tpu.memref_slice %arg6[%dma_start3A_444] : memref<2000xi32, #tpu.memory_space<vmem>> -> memref<200xi32, #tpu.memory_space<vmem>>
        %dma_start3A_446 = arith.constant 0 : i32
        %dma_start3A_447 = arith.constant 0 : i32
        %dma_start3A_448 = tpu.memref_slice %arg11[%dma_start3A_446, %dma_start3A_447] : memref<10240x64xf32, #tpu.memory_space<vmem_shared>> -> memref<10240x64xf32, #tpu.memory_space<vmem_shared>>
        tpu.enqueue_indirect_dma source(%arg9 : memref<200x64xf32, #tpu.memory_space<vmem>>) target(%dma_start3A_448 : memref<10240x64xf32, #tpu.memory_space<vmem_shared>>) offsets(%dma_start3A_445 : memref<200xi32, #tpu.memory_space<vmem>>) semaphore(%run_scoped3A : memref<!tpu.dma_semaphore, #tpu.memory_space<semaphore_mem>>) {add = true}
        %dma_wait3A_449 = arith.constant 400 : i32
        %dma_wait3A_450 = tpu.memref_slice %arg6[%dma_wait3A_449] : memref<2000xi32, #tpu.memory_space<vmem>> -> memref<200xi32, #tpu.memory_space<vmem>>
        %dma_wait3A_451 = arith.constant 0 : i32
        %dma_wait3A_452 = arith.constant 0 : i32
        %dma_wait3A_453 = tpu.memref_slice %arg11[%dma_wait3A_451, %dma_wait3A_452] : memref<10240x64xf32, #tpu.memory_space<vmem_shared>> -> memref<10240x64xf32, #tpu.memory_space<vmem_shared>>
        tpu.wait_indirect_dma semaphore(%run_scoped3A : memref<!tpu.dma_semaphore, #tpu.memory_space<semaphore_mem>>) src(%arg9 : memref<200x64xf32, #tpu.memory_space<vmem>>) dst(%dma_wait3A_453 : memref<10240x64xf32, #tpu.memory_space<vmem_shared>>)
        tpu.yield
      }) : () -> ()
      %dma_start3A_130 = arith.constant 800 : i32
      %dma_start3A_131 = tpu.memref_slice %arg5[%dma_start3A_130] : memref<2000xi32, #tpu.memory_space<vmem>> -> memref<200xi32, #tpu.memory_space<vmem>>
      %dma_start3A_132 = arith.constant 0 : i32
      %dma_start3A_133 = arith.constant 0 : i32
      %dma_start3A_134 = tpu.memref_slice %arg2[%arg0, %dma_start3A_132, %dma_start3A_133] : memref<2x10000x64xf32, #tpu.memory_space<hbm>> -> memref<1x10000x64xf32, #tpu.memory_space<hbm>>
      %dma_start3A_135 = tpu.memref_squeeze %dma_start3A_134 : memref<1x10000x64xf32, #tpu.memory_space<hbm>> -> memref<10000x64xf32, #tpu.memory_space<hbm>>
      %dma_start3A_136 = arith.constant 0 : i32
      %dma_start3A_137 = arith.constant 0 : i32
      %dma_start3A_138 = tpu.memref_slice %dma_start3A_135[%dma_start3A_136, %dma_start3A_137] : memref<10000x64xf32, #tpu.memory_space<hbm>> -> memref<10000x64xf32, #tpu.memory_space<hbm>>
      tpu.enqueue_indirect_dma source(%dma_start3A_138 : memref<10000x64xf32, #tpu.memory_space<hbm>>) target(%arg9 : memref<200x64xf32, #tpu.memory_space<vmem>>) offsets(%dma_start3A_131 : memref<200xi32, #tpu.memory_space<vmem>>) semaphore(%arg12 : memref<!tpu.dma_semaphore, #tpu.memory_space<semaphore_mem>>)
      %dma_wait3A_139 = arith.constant 600 : i32
      %dma_wait3A_140 = tpu.memref_slice %arg5[%dma_wait3A_139] : memref<2000xi32, #tpu.memory_space<vmem>> -> memref<200xi32, #tpu.memory_space<vmem>>
      %dma_wait3A_141 = arith.constant 0 : i32
      %dma_wait3A_142 = arith.constant 0 : i32
      %dma_wait3A_143 = tpu.memref_slice %arg2[%arg0, %dma_wait3A_141, %dma_wait3A_142] : memref<2x10000x64xf32, #tpu.memory_space<hbm>> -> memref<1x10000x64xf32, #tpu.memory_space<hbm>>
      %dma_wait3A_144 = tpu.memref_squeeze %dma_wait3A_143 : memref<1x10000x64xf32, #tpu.memory_space<hbm>> -> memref<10000x64xf32, #tpu.memory_space<hbm>>
      %dma_wait3A_145 = arith.constant 0 : i32
      %dma_wait3A_146 = arith.constant 0 : i32
      %dma_wait3A_147 = tpu.memref_slice %dma_wait3A_144[%dma_wait3A_145, %dma_wait3A_146] : memref<10000x64xf32, #tpu.memory_space<hbm>> -> memref<10000x64xf32, #tpu.memory_space<hbm>>
      tpu.wait_indirect_dma semaphore(%arg13 : memref<!tpu.dma_semaphore, #tpu.memory_space<semaphore_mem>>) src(%dma_wait3A_147 : memref<10000x64xf32, #tpu.memory_space<hbm>>) dst(%arg10 : memref<200x64xf32, #tpu.memory_space<vmem>>)
      "tpu.region"() ({
        %run_scoped3A = tpu.sem_alloc : memref<!tpu.dma_semaphore, #tpu.memory_space<semaphore_mem>>
        %dma_start3A_444 = arith.constant 600 : i32
        %dma_start3A_445 = tpu.memref_slice %arg6[%dma_start3A_444] : memref<2000xi32, #tpu.memory_space<vmem>> -> memref<200xi32, #tpu.memory_space<vmem>>
        %dma_start3A_446 = arith.constant 0 : i32
        %dma_start3A_447 = arith.constant 0 : i32
        %dma_start3A_448 = tpu.memref_slice %arg11[%dma_start3A_446, %dma_start3A_447] : memref<10240x64xf32, #tpu.memory_space<vmem_shared>> -> memref<10240x64xf32, #tpu.memory_space<vmem_shared>>
        tpu.enqueue_indirect_dma source(%arg10 : memref<200x64xf32, #tpu.memory_space<vmem>>) target(%dma_start3A_448 : memref<10240x64xf32, #tpu.memory_space<vmem_shared>>) offsets(%dma_start3A_445 : memref<200xi32, #tpu.memory_space<vmem>>) semaphore(%run_scoped3A : memref<!tpu.dma_semaphore, #tpu.memory_space<semaphore_mem>>) {add = true}
        %dma_wait3A_449 = arith.constant 600 : i32
        %dma_wait3A_450 = tpu.memref_slice %arg6[%dma_wait3A_449] : memref<2000xi32, #tpu.memory_space<vmem>> -> memref<200xi32, #tpu.memory_space<vmem>>
        %dma_wait3A_451 = arith.constant 0 : i32
        %dma_wait3A_452 = arith.constant 0 : i32
        %dma_wait3A_453 = tpu.memref_slice %arg11[%dma_wait3A_451, %dma_wait3A_452] : memref<10240x64xf32, #tpu.memory_space<vmem_shared>> -> memref<10240x64xf32, #tpu.memory_space<vmem_shared>>
        tpu.wait_indirect_dma semaphore(%run_scoped3A : memref<!tpu.dma_semaphore, #tpu.memory_space<semaphore_mem>>) src(%arg10 : memref<200x64xf32, #tpu.memory_space<vmem>>) dst(%dma_wait3A_453 : memref<10240x64xf32, #tpu.memory_space<vmem_shared>>)
        tpu.yield
      }) : () -> ()
      %dma_start3A_148 = arith.constant 1000 : i32
      %dma_start3A_149 = tpu.memref_slice %arg5[%dma_start3A_148] : memref<2000xi32, #tpu.memory_space<vmem>> -> memref<200xi32, #tpu.memory_space<vmem>>
      %dma_start3A_150 = arith.constant 0 : i32
      %dma_start3A_151 = arith.constant 0 : i32
      %dma_start3A_152 = tpu.memref_slice %arg2[%arg0, %dma_start3A_150, %dma_start3A_151] : memref<2x10000x64xf32, #tpu.memory_space<hbm>> -> memref<1x10000x64xf32, #tpu.memory_space<hbm>>
      %dma_start3A_153 = tpu.memref_squeeze %dma_start3A_152 : memref<1x10000x64xf32, #tpu.memory_space<hbm>> -> memref<10000x64xf32, #tpu.memory_space<hbm>>
      %dma_start3A_154 = arith.constant 0 : i32
      %dma_start3A_155 = arith.constant 0 : i32
      %dma_start3A_156 = tpu.memref_slice %dma_start3A_153[%dma_start3A_154, %dma_start3A_155] : memref<10000x64xf32, #tpu.memory_space<hbm>> -> memref<10000x64xf32, #tpu.memory_space<hbm>>
      tpu.enqueue_indirect_dma source(%dma_start3A_156 : memref<10000x64xf32, #tpu.memory_space<hbm>>) target(%arg10 : memref<200x64xf32, #tpu.memory_space<vmem>>) offsets(%dma_start3A_149 : memref<200xi32, #tpu.memory_space<vmem>>) semaphore(%arg13 : memref<!tpu.dma_semaphore, #tpu.memory_space<semaphore_mem>>)
      %dma_wait3A_157 = arith.constant 800 : i32
      %dma_wait3A_158 = tpu.memref_slice %arg5[%dma_wait3A_157] : memref<2000xi32, #tpu.memory_space<vmem>> -> memref<200xi32, #tpu.memory_space<vmem>>
      %dma_wait3A_159 = arith.constant 0 : i32
      %dma_wait3A_160 = arith.constant 0 : i32
      %dma_wait3A_161 = tpu.memref_slice %arg2[%arg0, %dma_wait3A_159, %dma_wait3A_160] : memref<2x10000x64xf32, #tpu.memory_space<hbm>> -> memref<1x10000x64xf32, #tpu.memory_space<hbm>>
      %dma_wait3A_162 = tpu.memref_squeeze %dma_wait3A_161 : memref<1x10000x64xf32, #tpu.memory_space<hbm>> -> memref<10000x64xf32, #tpu.memory_space<hbm>>
      %dma_wait3A_163 = arith.constant 0 : i32
      %dma_wait3A_164 = arith.constant 0 : i32
      %dma_wait3A_165 = tpu.memref_slice %dma_wait3A_162[%dma_wait3A_163, %dma_wait3A_164] : memref<10000x64xf32, #tpu.memory_space<hbm>> -> memref<10000x64xf32, #tpu.memory_space<hbm>>
      tpu.wait_indirect_dma semaphore(%arg12 : memref<!tpu.dma_semaphore, #tpu.memory_space<semaphore_mem>>) src(%dma_wait3A_165 : memref<10000x64xf32, #tpu.memory_space<hbm>>) dst(%arg9 : memref<200x64xf32, #tpu.memory_space<vmem>>)
      "tpu.region"() ({
        %run_scoped3A = tpu.sem_alloc : memref<!tpu.dma_semaphore, #tpu.memory_space<semaphore_mem>>
        %dma_start3A_444 = arith.constant 800 : i32
        %dma_start3A_445 = tpu.memref_slice %arg6[%dma_start3A_444] : memref<2000xi32, #tpu.memory_space<vmem>> -> memref<200xi32, #tpu.memory_space<vmem>>
        %dma_start3A_446 = arith.constant 0 : i32
        %dma_start3A_447 = arith.constant 0 : i32
        %dma_start3A_448 = tpu.memref_slice %arg11[%dma_start3A_446, %dma_start3A_447] : memref<10240x64xf32, #tpu.memory_space<vmem_shared>> -> memref<10240x64xf32, #tpu.memory_space<vmem_shared>>
        tpu.enqueue_indirect_dma source(%arg9 : memref<200x64xf32, #tpu.memory_space<vmem>>) target(%dma_start3A_448 : memref<10240x64xf32, #tpu.memory_space<vmem_shared>>) offsets(%dma_start3A_445 : memref<200xi32, #tpu.memory_space<vmem>>) semaphore(%run_scoped3A : memref<!tpu.dma_semaphore, #tpu.memory_space<semaphore_mem>>) {add = true}
        %dma_wait3A_449 = arith.constant 800 : i32
        %dma_wait3A_450 = tpu.memref_slice %arg6[%dma_wait3A_449] : memref<2000xi32, #tpu.memory_space<vmem>> -> memref<200xi32, #tpu.memory_space<vmem>>
        %dma_wait3A_451 = arith.constant 0 : i32
        %dma_wait3A_452 = arith.constant 0 : i32
        %dma_wait3A_453 = tpu.memref_slice %arg11[%dma_wait3A_451, %dma_wait3A_452] : memref<10240x64xf32, #tpu.memory_space<vmem_shared>> -> memref<10240x64xf32, #tpu.memory_space<vmem_shared>>
        tpu.wait_indirect_dma semaphore(%run_scoped3A : memref<!tpu.dma_semaphore, #tpu.memory_space<semaphore_mem>>) src(%arg9 : memref<200x64xf32, #tpu.memory_space<vmem>>) dst(%dma_wait3A_453 : memref<10240x64xf32, #tpu.memory_space<vmem_shared>>)
        tpu.yield
      }) : () -> ()
      %dma_start3A_166 = arith.constant 1200 : i32
      %dma_start3A_167 = tpu.memref_slice %arg5[%dma_start3A_166] : memref<2000xi32, #tpu.memory_space<vmem>> -> memref<200xi32, #tpu.memory_space<vmem>>
      %dma_start3A_168 = arith.constant 0 : i32
      %dma_start3A_169 = arith.constant 0 : i32
      %dma_start3A_170 = tpu.memref_slice %arg2[%arg0, %dma_start3A_168, %dma_start3A_169] : memref<2x10000x64xf32, #tpu.memory_space<hbm>> -> memref<1x10000x64xf32, #tpu.memory_space<hbm>>
      %dma_start3A_171 = tpu.memref_squeeze %dma_start3A_170 : memref<1x10000x64xf32, #tpu.memory_space<hbm>> -> memref<10000x64xf32, #tpu.memory_space<hbm>>
      %dma_start3A_172 = arith.constant 0 : i32
      %dma_start3A_173 = arith.constant 0 : i32
      %dma_start3A_174 = tpu.memref_slice %dma_start3A_171[%dma_start3A_172, %dma_start3A_173] : memref<10000x64xf32, #tpu.memory_space<hbm>> -> memref<10000x64xf32, #tpu.memory_space<hbm>>
      tpu.enqueue_indirect_dma source(%dma_start3A_174 : memref<10000x64xf32, #tpu.memory_space<hbm>>) target(%arg9 : memref<200x64xf32, #tpu.memory_space<vmem>>) offsets(%dma_start3A_167 : memref<200xi32, #tpu.memory_space<vmem>>) semaphore(%arg12 : memref<!tpu.dma_semaphore, #tpu.memory_space<semaphore_mem>>)
      %dma_wait3A_175 = arith.constant 1000 : i32
      %dma_wait3A_176 = tpu.memref_slice %arg5[%dma_wait3A_175] : memref<2000xi32, #tpu.memory_space<vmem>> -> memref<200xi32, #tpu.memory_space<vmem>>
      %dma_wait3A_177 = arith.constant 0 : i32
      %dma_wait3A_178 = arith.constant 0 : i32
      %dma_wait3A_179 = tpu.memref_slice %arg2[%arg0, %dma_wait3A_177, %dma_wait3A_178] : memref<2x10000x64xf32, #tpu.memory_space<hbm>> -> memref<1x10000x64xf32, #tpu.memory_space<hbm>>
      %dma_wait3A_180 = tpu.memref_squeeze %dma_wait3A_179 : memref<1x10000x64xf32, #tpu.memory_space<hbm>> -> memref<10000x64xf32, #tpu.memory_space<hbm>>
      %dma_wait3A_181 = arith.constant 0 : i32
      %dma_wait3A_182 = arith.constant 0 : i32
      %dma_wait3A_183 = tpu.memref_slice %dma_wait3A_180[%dma_wait3A_181, %dma_wait3A_182] : memref<10000x64xf32, #tpu.memory_space<hbm>> -> memref<10000x64xf32, #tpu.memory_space<hbm>>
      tpu.wait_indirect_dma semaphore(%arg13 : memref<!tpu.dma_semaphore, #tpu.memory_space<semaphore_mem>>) src(%dma_wait3A_183 : memref<10000x64xf32, #tpu.memory_space<hbm>>) dst(%arg10 : memref<200x64xf32, #tpu.memory_space<vmem>>)
      "tpu.region"() ({
        %run_scoped3A = tpu.sem_alloc : memref<!tpu.dma_semaphore, #tpu.memory_space<semaphore_mem>>
        %dma_start3A_444 = arith.constant 1000 : i32
        %dma_start3A_445 = tpu.memref_slice %arg6[%dma_start3A_444] : memref<2000xi32, #tpu.memory_space<vmem>> -> memref<200xi32, #tpu.memory_space<vmem>>
        %dma_start3A_446 = arith.constant 0 : i32
        %dma_start3A_447 = arith.constant 0 : i32
        %dma_start3A_448 = tpu.memref_slice %arg11[%dma_start3A_446, %dma_start3A_447] : memref<10240x64xf32, #tpu.memory_space<vmem_shared>> -> memref<10240x64xf32, #tpu.memory_space<vmem_shared>>
        tpu.enqueue_indirect_dma source(%arg10 : memref<200x64xf32, #tpu.memory_space<vmem>>) target(%dma_start3A_448 : memref<10240x64xf32, #tpu.memory_space<vmem_shared>>) offsets(%dma_start3A_445 : memref<200xi32, #tpu.memory_space<vmem>>) semaphore(%run_scoped3A : memref<!tpu.dma_semaphore, #tpu.memory_space<semaphore_mem>>) {add = true}
        %dma_wait3A_449 = arith.constant 1000 : i32
        %dma_wait3A_450 = tpu.memref_slice %arg6[%dma_wait3A_449] : memref<2000xi32, #tpu.memory_space<vmem>> -> memref<200xi32, #tpu.memory_space<vmem>>
        %dma_wait3A_451 = arith.constant 0 : i32
        %dma_wait3A_452 = arith.constant 0 : i32
        %dma_wait3A_453 = tpu.memref_slice %arg11[%dma_wait3A_451, %dma_wait3A_452] : memref<10240x64xf32, #tpu.memory_space<vmem_shared>> -> memref<10240x64xf32, #tpu.memory_space<vmem_shared>>
        tpu.wait_indirect_dma semaphore(%run_scoped3A : memref<!tpu.dma_semaphore, #tpu.memory_space<semaphore_mem>>) src(%arg10 : memref<200x64xf32, #tpu.memory_space<vmem>>) dst(%dma_wait3A_453 : memref<10240x64xf32, #tpu.memory_space<vmem_shared>>)
        tpu.yield
      }) : () -> ()
      %dma_start3A_184 = arith.constant 1400 : i32
      %dma_start3A_185 = tpu.memref_slice %arg5[%dma_start3A_184] : memref<2000xi32, #tpu.memory_space<vmem>> -> memref<200xi32, #tpu.memory_space<vmem>>
      %dma_start3A_186 = arith.constant 0 : i32
      %dma_start3A_187 = arith.constant 0 : i32
      %dma_start3A_188 = tpu.memref_slice %arg2[%arg0, %dma_start3A_186, %dma_start3A_187] : memref<2x10000x64xf32, #tpu.memory_space<hbm>> -> memref<1x10000x64xf32, #tpu.memory_space<hbm>>
      %dma_start3A_189 = tpu.memref_squeeze %dma_start3A_188 : memref<1x10000x64xf32, #tpu.memory_space<hbm>> -> memref<10000x64xf32, #tpu.memory_space<hbm>>
      %dma_start3A_190 = arith.constant 0 : i32
      %dma_start3A_191 = arith.constant 0 : i32
      %dma_start3A_192 = tpu.memref_slice %dma_start3A_189[%dma_start3A_190, %dma_start3A_191] : memref<10000x64xf32, #tpu.memory_space<hbm>> -> memref<10000x64xf32, #tpu.memory_space<hbm>>
      tpu.enqueue_indirect_dma source(%dma_start3A_192 : memref<10000x64xf32, #tpu.memory_space<hbm>>) target(%arg10 : memref<200x64xf32, #tpu.memory_space<vmem>>) offsets(%dma_start3A_185 : memref<200xi32, #tpu.memory_space<vmem>>) semaphore(%arg13 : memref<!tpu.dma_semaphore, #tpu.memory_space<semaphore_mem>>)
      %dma_wait3A_193 = arith.constant 1200 : i32
      %dma_wait3A_194 = tpu.memref_slice %arg5[%dma_wait3A_193] : memref<2000xi32, #tpu.memory_space<vmem>> -> memref<200xi32, #tpu.memory_space<vmem>>
      %dma_wait3A_195 = arith.constant 0 : i32
      %dma_wait3A_196 = arith.constant 0 : i32
      %dma_wait3A_197 = tpu.memref_slice %arg2[%arg0, %dma_wait3A_195, %dma_wait3A_196] : memref<2x10000x64xf32, #tpu.memory_space<hbm>> -> memref<1x10000x64xf32, #tpu.memory_space<hbm>>
      %dma_wait3A_198 = tpu.memref_squeeze %dma_wait3A_197 : memref<1x10000x64xf32, #tpu.memory_space<hbm>> -> memref<10000x64xf32, #tpu.memory_space<hbm>>
      %dma_wait3A_199 = arith.constant 0 : i32
      %dma_wait3A_200 = arith.constant 0 : i32
      %dma_wait3A_201 = tpu.memref_slice %dma_wait3A_198[%dma_wait3A_199, %dma_wait3A_200] : memref<10000x64xf32, #tpu.memory_space<hbm>> -> memref<10000x64xf32, #tpu.memory_space<hbm>>
      tpu.wait_indirect_dma semaphore(%arg12 : memref<!tpu.dma_semaphore, #tpu.memory_space<semaphore_mem>>) src(%dma_wait3A_201 : memref<10000x64xf32, #tpu.memory_space<hbm>>) dst(%arg9 : memref<200x64xf32, #tpu.memory_space<vmem>>)
      "tpu.region"() ({
        %run_scoped3A = tpu.sem_alloc : memref<!tpu.dma_semaphore, #tpu.memory_space<semaphore_mem>>
        %dma_start3A_444 = arith.constant 1200 : i32
        %dma_start3A_445 = tpu.memref_slice %arg6[%dma_start3A_444] : memref<2000xi32, #tpu.memory_space<vmem>> -> memref<200xi32, #tpu.memory_space<vmem>>
        %dma_start3A_446 = arith.constant 0 : i32
        %dma_start3A_447 = arith.constant 0 : i32
        %dma_start3A_448 = tpu.memref_slice %arg11[%dma_start3A_446, %dma_start3A_447] : memref<10240x64xf32, #tpu.memory_space<vmem_shared>> -> memref<10240x64xf32, #tpu.memory_space<vmem_shared>>
        tpu.enqueue_indirect_dma source(%arg9 : memref<200x64xf32, #tpu.memory_space<vmem>>) target(%dma_start3A_448 : memref<10240x64xf32, #tpu.memory_space<vmem_shared>>) offsets(%dma_start3A_445 : memref<200xi32, #tpu.memory_space<vmem>>) semaphore(%run_scoped3A : memref<!tpu.dma_semaphore, #tpu.memory_space<semaphore_mem>>) {add = true}
        %dma_wait3A_449 = arith.constant 1200 : i32
        %dma_wait3A_450 = tpu.memref_slice %arg6[%dma_wait3A_449] : memref<2000xi32, #tpu.memory_space<vmem>> -> memref<200xi32, #tpu.memory_space<vmem>>
        %dma_wait3A_451 = arith.constant 0 : i32
        %dma_wait3A_452 = arith.constant 0 : i32
        %dma_wait3A_453 = tpu.memref_slice %arg11[%dma_wait3A_451, %dma_wait3A_452] : memref<10240x64xf32, #tpu.memory_space<vmem_shared>> -> memref<10240x64xf32, #tpu.memory_space<vmem_shared>>
        tpu.wait_indirect_dma semaphore(%run_scoped3A : memref<!tpu.dma_semaphore, #tpu.memory_space<semaphore_mem>>) src(%arg9 : memref<200x64xf32, #tpu.memory_space<vmem>>) dst(%dma_wait3A_453 : memref<10240x64xf32, #tpu.memory_space<vmem_shared>>)
        tpu.yield
      }) : () -> ()
      %dma_start3A_202 = arith.constant 1600 : i32
      %dma_start3A_203 = tpu.memref_slice %arg5[%dma_start3A_202] : memref<2000xi32, #tpu.memory_space<vmem>> -> memref<200xi32, #tpu.memory_space<vmem>>
      %dma_start3A_204 = arith.constant 0 : i32
      %dma_start3A_205 = arith.constant 0 : i32
      %dma_start3A_206 = tpu.memref_slice %arg2[%arg0, %dma_start3A_204, %dma_start3A_205] : memref<2x10000x64xf32, #tpu.memory_space<hbm>> -> memref<1x10000x64xf32, #tpu.memory_space<hbm>>
      %dma_start3A_207 = tpu.memref_squeeze %dma_start3A_206 : memref<1x10000x64xf32, #tpu.memory_space<hbm>> -> memref<10000x64xf32, #tpu.memory_space<hbm>>
      %dma_start3A_208 = arith.constant 0 : i32
      %dma_start3A_209 = arith.constant 0 : i32
      %dma_start3A_210 = tpu.memref_slice %dma_start3A_207[%dma_start3A_208, %dma_start3A_209] : memref<10000x64xf32, #tpu.memory_space<hbm>> -> memref<10000x64xf32, #tpu.memory_space<hbm>>
      tpu.enqueue_indirect_dma source(%dma_start3A_210 : memref<10000x64xf32, #tpu.memory_space<hbm>>) target(%arg9 : memref<200x64xf32, #tpu.memory_space<vmem>>) offsets(%dma_start3A_203 : memref<200xi32, #tpu.memory_space<vmem>>) semaphore(%arg12 : memref<!tpu.dma_semaphore, #tpu.memory_space<semaphore_mem>>)
      %dma_wait3A_211 = arith.constant 1400 : i32
      %dma_wait3A_212 = tpu.memref_slice %arg5[%dma_wait3A_211] : memref<2000xi32, #tpu.memory_space<vmem>> -> memref<200xi32, #tpu.memory_space<vmem>>
      %dma_wait3A_213 = arith.constant 0 : i32
      %dma_wait3A_214 = arith.constant 0 : i32
      %dma_wait3A_215 = tpu.memref_slice %arg2[%arg0, %dma_wait3A_213, %dma_wait3A_214] : memref<2x10000x64xf32, #tpu.memory_space<hbm>> -> memref<1x10000x64xf32, #tpu.memory_space<hbm>>
      %dma_wait3A_216 = tpu.memref_squeeze %dma_wait3A_215 : memref<1x10000x64xf32, #tpu.memory_space<hbm>> -> memref<10000x64xf32, #tpu.memory_space<hbm>>
      %dma_wait3A_217 = arith.constant 0 : i32
      %dma_wait3A_218 = arith.constant 0 : i32
      %dma_wait3A_219 = tpu.memref_slice %dma_wait3A_216[%dma_wait3A_217, %dma_wait3A_218] : memref<10000x64xf32, #tpu.memory_space<hbm>> -> memref<10000x64xf32, #tpu.memory_space<hbm>>
      tpu.wait_indirect_dma semaphore(%arg13 : memref<!tpu.dma_semaphore, #tpu.memory_space<semaphore_mem>>) src(%dma_wait3A_219 : memref<10000x64xf32, #tpu.memory_space<hbm>>) dst(%arg10 : memref<200x64xf32, #tpu.memory_space<vmem>>)
      "tpu.region"() ({
        %run_scoped3A = tpu.sem_alloc : memref<!tpu.dma_semaphore, #tpu.memory_space<semaphore_mem>>
        %dma_start3A_444 = arith.constant 1400 : i32
        %dma_start3A_445 = tpu.memref_slice %arg6[%dma_start3A_444] : memref<2000xi32, #tpu.memory_space<vmem>> -> memref<200xi32, #tpu.memory_space<vmem>>
        %dma_start3A_446 = arith.constant 0 : i32
        %dma_start3A_447 = arith.constant 0 : i32
        %dma_start3A_448 = tpu.memref_slice %arg11[%dma_start3A_446, %dma_start3A_447] : memref<10240x64xf32, #tpu.memory_space<vmem_shared>> -> memref<10240x64xf32, #tpu.memory_space<vmem_shared>>
        tpu.enqueue_indirect_dma source(%arg10 : memref<200x64xf32, #tpu.memory_space<vmem>>) target(%dma_start3A_448 : memref<10240x64xf32, #tpu.memory_space<vmem_shared>>) offsets(%dma_start3A_445 : memref<200xi32, #tpu.memory_space<vmem>>) semaphore(%run_scoped3A : memref<!tpu.dma_semaphore, #tpu.memory_space<semaphore_mem>>) {add = true}
        %dma_wait3A_449 = arith.constant 1400 : i32
        %dma_wait3A_450 = tpu.memref_slice %arg6[%dma_wait3A_449] : memref<2000xi32, #tpu.memory_space<vmem>> -> memref<200xi32, #tpu.memory_space<vmem>>
        %dma_wait3A_451 = arith.constant 0 : i32
        %dma_wait3A_452 = arith.constant 0 : i32
        %dma_wait3A_453 = tpu.memref_slice %arg11[%dma_wait3A_451, %dma_wait3A_452] : memref<10240x64xf32, #tpu.memory_space<vmem_shared>> -> memref<10240x64xf32, #tpu.memory_space<vmem_shared>>
        tpu.wait_indirect_dma semaphore(%run_scoped3A : memref<!tpu.dma_semaphore, #tpu.memory_space<semaphore_mem>>) src(%arg10 : memref<200x64xf32, #tpu.memory_space<vmem>>) dst(%dma_wait3A_453 : memref<10240x64xf32, #tpu.memory_space<vmem_shared>>)
        tpu.yield
      }) : () -> ()
      %dma_start3A_220 = arith.constant 1800 : i32
      %dma_start3A_221 = tpu.memref_slice %arg5[%dma_start3A_220] : memref<2000xi32, #tpu.memory_space<vmem>> -> memref<200xi32, #tpu.memory_space<vmem>>
      %dma_start3A_222 = arith.constant 0 : i32
      %dma_start3A_223 = arith.constant 0 : i32
      %dma_start3A_224 = tpu.memref_slice %arg2[%arg0, %dma_start3A_222, %dma_start3A_223] : memref<2x10000x64xf32, #tpu.memory_space<hbm>> -> memref<1x10000x64xf32, #tpu.memory_space<hbm>>
      %dma_start3A_225 = tpu.memref_squeeze %dma_start3A_224 : memref<1x10000x64xf32, #tpu.memory_space<hbm>> -> memref<10000x64xf32, #tpu.memory_space<hbm>>
      %dma_start3A_226 = arith.constant 0 : i32
      %dma_start3A_227 = arith.constant 0 : i32
      %dma_start3A_228 = tpu.memref_slice %dma_start3A_225[%dma_start3A_226, %dma_start3A_227] : memref<10000x64xf32, #tpu.memory_space<hbm>> -> memref<10000x64xf32, #tpu.memory_space<hbm>>
      tpu.enqueue_indirect_dma source(%dma_start3A_228 : memref<10000x64xf32, #tpu.memory_space<hbm>>) target(%arg10 : memref<200x64xf32, #tpu.memory_space<vmem>>) offsets(%dma_start3A_221 : memref<200xi32, #tpu.memory_space<vmem>>) semaphore(%arg13 : memref<!tpu.dma_semaphore, #tpu.memory_space<semaphore_mem>>)
      %dma_wait3A_229 = arith.constant 1600 : i32
      %dma_wait3A_230 = tpu.memref_slice %arg5[%dma_wait3A_229] : memref<2000xi32, #tpu.memory_space<vmem>> -> memref<200xi32, #tpu.memory_space<vmem>>
      %dma_wait3A_231 = arith.constant 0 : i32
      %dma_wait3A_232 = arith.constant 0 : i32
      %dma_wait3A_233 = tpu.memref_slice %arg2[%arg0, %dma_wait3A_231, %dma_wait3A_232] : memref<2x10000x64xf32, #tpu.memory_space<hbm>> -> memref<1x10000x64xf32, #tpu.memory_space<hbm>>
      %dma_wait3A_234 = tpu.memref_squeeze %dma_wait3A_233 : memref<1x10000x64xf32, #tpu.memory_space<hbm>> -> memref<10000x64xf32, #tpu.memory_space<hbm>>
      %dma_wait3A_235 = arith.constant 0 : i32
      %dma_wait3A_236 = arith.constant 0 : i32
      %dma_wait3A_237 = tpu.memref_slice %dma_wait3A_234[%dma_wait3A_235, %dma_wait3A_236] : memref<10000x64xf32, #tpu.memory_space<hbm>> -> memref<10000x64xf32, #tpu.memory_space<hbm>>
      tpu.wait_indirect_dma semaphore(%arg12 : memref<!tpu.dma_semaphore, #tpu.memory_space<semaphore_mem>>) src(%dma_wait3A_237 : memref<10000x64xf32, #tpu.memory_space<hbm>>) dst(%arg9 : memref<200x64xf32, #tpu.memory_space<vmem>>)
      "tpu.region"() ({
        %run_scoped3A = tpu.sem_alloc : memref<!tpu.dma_semaphore, #tpu.memory_space<semaphore_mem>>
        %dma_start3A_444 = arith.constant 1600 : i32
        %dma_start3A_445 = tpu.memref_slice %arg6[%dma_start3A_444] : memref<2000xi32, #tpu.memory_space<vmem>> -> memref<200xi32, #tpu.memory_space<vmem>>
        %dma_start3A_446 = arith.constant 0 : i32
        %dma_start3A_447 = arith.constant 0 : i32
        %dma_start3A_448 = tpu.memref_slice %arg11[%dma_start3A_446, %dma_start3A_447] : memref<10240x64xf32, #tpu.memory_space<vmem_shared>> -> memref<10240x64xf32, #tpu.memory_space<vmem_shared>>
        tpu.enqueue_indirect_dma source(%arg9 : memref<200x64xf32, #tpu.memory_space<vmem>>) target(%dma_start3A_448 : memref<10240x64xf32, #tpu.memory_space<vmem_shared>>) offsets(%dma_start3A_445 : memref<200xi32, #tpu.memory_space<vmem>>) semaphore(%run_scoped3A : memref<!tpu.dma_semaphore, #tpu.memory_space<semaphore_mem>>) {add = true}
        %dma_wait3A_449 = arith.constant 1600 : i32
        %dma_wait3A_450 = tpu.memref_slice %arg6[%dma_wait3A_449] : memref<2000xi32, #tpu.memory_space<vmem>> -> memref<200xi32, #tpu.memory_space<vmem>>
        %dma_wait3A_451 = arith.constant 0 : i32
        %dma_wait3A_452 = arith.constant 0 : i32
        %dma_wait3A_453 = tpu.memref_slice %arg11[%dma_wait3A_451, %dma_wait3A_452] : memref<10240x64xf32, #tpu.memory_space<vmem_shared>> -> memref<10240x64xf32, #tpu.memory_space<vmem_shared>>
        tpu.wait_indirect_dma semaphore(%run_scoped3A : memref<!tpu.dma_semaphore, #tpu.memory_space<semaphore_mem>>) src(%arg9 : memref<200x64xf32, #tpu.memory_space<vmem>>) dst(%dma_wait3A_453 : memref<10240x64xf32, #tpu.memory_space<vmem_shared>>)
        tpu.yield
      }) : () -> ()
      %dma_wait3A_238 = arith.constant 1800 : i32
      %dma_wait3A_239 = tpu.memref_slice %arg5[%dma_wait3A_238] : memref<2000xi32, #tpu.memory_space<vmem>> -> memref<200xi32, #tpu.memory_space<vmem>>
      %dma_wait3A_240 = arith.constant 0 : i32
      %dma_wait3A_241 = arith.constant 0 : i32
      %dma_wait3A_242 = tpu.memref_slice %arg2[%arg0, %dma_wait3A_240, %dma_wait3A_241] : memref<2x10000x64xf32, #tpu.memory_space<hbm>> -> memref<1x10000x64xf32, #tpu.memory_space<hbm>>
      %dma_wait3A_243 = tpu.memref_squeeze %dma_wait3A_242 : memref<1x10000x64xf32, #tpu.memory_space<hbm>> -> memref<10000x64xf32, #tpu.memory_space<hbm>>
      %dma_wait3A_244 = arith.constant 0 : i32
      %dma_wait3A_245 = arith.constant 0 : i32
      %dma_wait3A_246 = tpu.memref_slice %dma_wait3A_243[%dma_wait3A_244, %dma_wait3A_245] : memref<10000x64xf32, #tpu.memory_space<hbm>> -> memref<10000x64xf32, #tpu.memory_space<hbm>>
      tpu.wait_indirect_dma semaphore(%arg13 : memref<!tpu.dma_semaphore, #tpu.memory_space<semaphore_mem>>) src(%dma_wait3A_246 : memref<10000x64xf32, #tpu.memory_space<hbm>>) dst(%arg10 : memref<200x64xf32, #tpu.memory_space<vmem>>)
      "tpu.region"() ({
        %run_scoped3A = tpu.sem_alloc : memref<!tpu.dma_semaphore, #tpu.memory_space<semaphore_mem>>
        %dma_start3A_444 = arith.constant 1800 : i32
        %dma_start3A_445 = tpu.memref_slice %arg6[%dma_start3A_444] : memref<2000xi32, #tpu.memory_space<vmem>> -> memref<200xi32, #tpu.memory_space<vmem>>
        %dma_start3A_446 = arith.constant 0 : i32
        %dma_start3A_447 = arith.constant 0 : i32
        %dma_start3A_448 = tpu.memref_slice %arg11[%dma_start3A_446, %dma_start3A_447] : memref<10240x64xf32, #tpu.memory_space<vmem_shared>> -> memref<10240x64xf32, #tpu.memory_space<vmem_shared>>
        tpu.enqueue_indirect_dma source(%arg10 : memref<200x64xf32, #tpu.memory_space<vmem>>) target(%dma_start3A_448 : memref<10240x64xf32, #tpu.memory_space<vmem_shared>>) offsets(%dma_start3A_445 : memref<200xi32, #tpu.memory_space<vmem>>) semaphore(%run_scoped3A : memref<!tpu.dma_semaphore, #tpu.memory_space<semaphore_mem>>) {add = true}
        %dma_wait3A_449 = arith.constant 1800 : i32
        %dma_wait3A_450 = tpu.memref_slice %arg6[%dma_wait3A_449] : memref<2000xi32, #tpu.memory_space<vmem>> -> memref<200xi32, #tpu.memory_space<vmem>>
        %dma_wait3A_451 = arith.constant 0 : i32
        %dma_wait3A_452 = arith.constant 0 : i32
        %dma_wait3A_453 = tpu.memref_slice %arg11[%dma_wait3A_451, %dma_wait3A_452] : memref<10240x64xf32, #tpu.memory_space<vmem_shared>> -> memref<10240x64xf32, #tpu.memory_space<vmem_shared>>
        tpu.wait_indirect_dma semaphore(%run_scoped3A : memref<!tpu.dma_semaphore, #tpu.memory_space<semaphore_mem>>) src(%arg10 : memref<200x64xf32, #tpu.memory_space<vmem>>) dst(%dma_wait3A_453 : memref<10240x64xf32, #tpu.memory_space<vmem_shared>>)
        tpu.yield
      }) : () -> ()
      %add3A_247 = arith.constant 1 : i32
      %add3A_248 = arith.addi %mul3A_43, %add3A_247 : i32
      %mul3A_249 = arith.constant 10 : i32
      %mul3A_250 = arith.muli %arg1, %mul3A_249 : i32
      %add3A_251 = arith.addi %mul3A_250, %add3A_248 : i32
      %mul3A_252 = arith.constant 2000 : i32
      %mul3A_253 = arith.muli %add3A_251, %mul3A_252 : i32
      %dma_wait3A_254 = tpu.memref_slice %arg3[%mul3A_253] : memref<640000xi32, #tpu.memory_space<hbm>> -> memref<2000xi32, #tpu.memory_space<hbm>>
      %dma_wait3A_255 = tpu.memref_slice %arg3[%mul3A_253] : memref<640000xi32, #tpu.memory_space<hbm>> -> memref<2000xi32, #tpu.memory_space<hbm>>
      tpu.wait_dma2 semaphore(%arg15 : memref<!tpu.dma_semaphore, #tpu.memory_space<semaphore_mem>>) src(%dma_wait3A_255 : memref<2000xi32, #tpu.memory_space<hbm>>) dst(%arg7 : memref<2000xi32, #tpu.memory_space<vmem>>)
      %add3A_256 = arith.constant 320000 : i32
      %add3A_257 = arith.addi %add3A_256, %mul3A_253 : i32
      %dma_wait3A_258 = tpu.memref_slice %arg3[%add3A_257] : memref<640000xi32, #tpu.memory_space<hbm>> -> memref<2000xi32, #tpu.memory_space<hbm>>
      %dma_wait3A_259 = tpu.memref_slice %arg3[%add3A_257] : memref<640000xi32, #tpu.memory_space<hbm>> -> memref<2000xi32, #tpu.memory_space<hbm>>
      tpu.wait_dma2 semaphore(%arg15 : memref<!tpu.dma_semaphore, #tpu.memory_space<semaphore_mem>>) src(%dma_wait3A_259 : memref<2000xi32, #tpu.memory_space<hbm>>) dst(%arg8 : memref<2000xi32, #tpu.memory_space<vmem>>)
      %add3A_260 = arith.constant 2 : i32
      %add3A_261 = arith.addi %mul3A_43, %add3A_260 : i32
      %lt3A = arith.constant 10 : i32
      %lt3A_262 = arith.cmpi slt, %add3A_261, %lt3A : i32
      %convert_element_type3A = arith.extui %lt3A_262 : i1 to i32
      %cond3A = arith.constant 0 : i32
      %cond3A_263 = arith.cmpi ne, %convert_element_type3A, %cond3A : i32
      scf.if %cond3A_263 {
        %add3A_444 = arith.constant 2 : i32
        %add3A_445 = arith.addi %mul3A_43, %add3A_444 : i32
        %mul3A_446 = arith.constant 10 : i32
        %mul3A_447 = arith.muli %arg1, %mul3A_446 : i32
        %add3A_448 = arith.addi %mul3A_447, %add3A_445 : i32
        %mul3A_449 = arith.constant 2000 : i32
        %mul3A_450 = arith.muli %add3A_448, %mul3A_449 : i32
        %dma_start3A_451 = tpu.memref_slice %arg3[%mul3A_450] : memref<640000xi32, #tpu.memory_space<hbm>> -> memref<2000xi32, #tpu.memory_space<hbm>>
        %dma_start3A_452 = tpu.memref_slice %arg3[%mul3A_450] : memref<640000xi32, #tpu.memory_space<hbm>> -> memref<2000xi32, #tpu.memory_space<hbm>>
        tpu.enqueue_dma source(%dma_start3A_452 : memref<2000xi32, #tpu.memory_space<hbm>>) target(%arg5 : memref<2000xi32, #tpu.memory_space<vmem>>) target_semaphore(%arg14 : memref<!tpu.dma_semaphore, #tpu.memory_space<semaphore_mem>>)
        %add3A_453 = arith.constant 320000 : i32
        %add3A_454 = arith.addi %add3A_453, %mul3A_450 : i32
        %dma_start3A_455 = tpu.memref_slice %arg3[%add3A_454] : memref<640000xi32, #tpu.memory_space<hbm>> -> memref<2000xi32, #tpu.memory_space<hbm>>
        %dma_start3A_456 = tpu.memref_slice %arg3[%add3A_454] : memref<640000xi32, #tpu.memory_space<hbm>> -> memref<2000xi32, #tpu.memory_space<hbm>>
        tpu.enqueue_dma source(%dma_start3A_456 : memref<2000xi32, #tpu.memory_space<hbm>>) target(%arg6 : memref<2000xi32, #tpu.memory_space<vmem>>) target_semaphore(%arg14 : memref<!tpu.dma_semaphore, #tpu.memory_space<semaphore_mem>>)
      } else {
      }
      %dma_start3A_264 = arith.constant 0 : i32
      %dma_start3A_265 = tpu.memref_slice %arg7[%dma_start3A_264] : memref<2000xi32, #tpu.memory_space<vmem>> -> memref<200xi32, #tpu.memory_space<vmem>>
      %dma_start3A_266 = arith.constant 0 : i32
      %dma_start3A_267 = arith.constant 0 : i32
      %dma_start3A_268 = tpu.memref_slice %arg2[%arg0, %dma_start3A_266, %dma_start3A_267] : memref<2x10000x64xf32, #tpu.memory_space<hbm>> -> memref<1x10000x64xf32, #tpu.memory_space<hbm>>
      %dma_start3A_269 = tpu.memref_squeeze %dma_start3A_268 : memref<1x10000x64xf32, #tpu.memory_space<hbm>> -> memref<10000x64xf32, #tpu.memory_space<hbm>>
      %dma_start3A_270 = arith.constant 0 : i32
      %dma_start3A_271 = arith.constant 0 : i32
      %dma_start3A_272 = tpu.memref_slice %dma_start3A_269[%dma_start3A_270, %dma_start3A_271] : memref<10000x64xf32, #tpu.memory_space<hbm>> -> memref<10000x64xf32, #tpu.memory_space<hbm>>
      tpu.enqueue_indirect_dma source(%dma_start3A_272 : memref<10000x64xf32, #tpu.memory_space<hbm>>) target(%arg9 : memref<200x64xf32, #tpu.memory_space<vmem>>) offsets(%dma_start3A_265 : memref<200xi32, #tpu.memory_space<vmem>>) semaphore(%arg12 : memref<!tpu.dma_semaphore, #tpu.memory_space<semaphore_mem>>)
      %dma_start3A_273 = arith.constant 200 : i32
      %dma_start3A_274 = tpu.memref_slice %arg7[%dma_start3A_273] : memref<2000xi32, #tpu.memory_space<vmem>> -> memref<200xi32, #tpu.memory_space<vmem>>
      %dma_start3A_275 = arith.constant 0 : i32
      %dma_start3A_276 = arith.constant 0 : i32
      %dma_start3A_277 = tpu.memref_slice %arg2[%arg0, %dma_start3A_275, %dma_start3A_276] : memref<2x10000x64xf32, #tpu.memory_space<hbm>> -> memref<1x10000x64xf32, #tpu.memory_space<hbm>>
      %dma_start3A_278 = tpu.memref_squeeze %dma_start3A_277 : memref<1x10000x64xf32, #tpu.memory_space<hbm>> -> memref<10000x64xf32, #tpu.memory_space<hbm>>
      %dma_start3A_279 = arith.constant 0 : i32
      %dma_start3A_280 = arith.constant 0 : i32
      %dma_start3A_281 = tpu.memref_slice %dma_start3A_278[%dma_start3A_279, %dma_start3A_280] : memref<10000x64xf32, #tpu.memory_space<hbm>> -> memref<10000x64xf32, #tpu.memory_space<hbm>>
      tpu.enqueue_indirect_dma source(%dma_start3A_281 : memref<10000x64xf32, #tpu.memory_space<hbm>>) target(%arg10 : memref<200x64xf32, #tpu.memory_space<vmem>>) offsets(%dma_start3A_274 : memref<200xi32, #tpu.memory_space<vmem>>) semaphore(%arg13 : memref<!tpu.dma_semaphore, #tpu.memory_space<semaphore_mem>>)
      %dma_wait3A_282 = arith.constant 0 : i32
      %dma_wait3A_283 = tpu.memref_slice %arg7[%dma_wait3A_282] : memref<2000xi32, #tpu.memory_space<vmem>> -> memref<200xi32, #tpu.memory_space<vmem>>
      %dma_wait3A_284 = arith.constant 0 : i32
      %dma_wait3A_285 = arith.constant 0 : i32
      %dma_wait3A_286 = tpu.memref_slice %arg2[%arg0, %dma_wait3A_284, %dma_wait3A_285] : memref<2x10000x64xf32, #tpu.memory_space<hbm>> -> memref<1x10000x64xf32, #tpu.memory_space<hbm>>
      %dma_wait3A_287 = tpu.memref_squeeze %dma_wait3A_286 : memref<1x10000x64xf32, #tpu.memory_space<hbm>> -> memref<10000x64xf32, #tpu.memory_space<hbm>>
      %dma_wait3A_288 = arith.constant 0 : i32
      %dma_wait3A_289 = arith.constant 0 : i32
      %dma_wait3A_290 = tpu.memref_slice %dma_wait3A_287[%dma_wait3A_288, %dma_wait3A_289] : memref<10000x64xf32, #tpu.memory_space<hbm>> -> memref<10000x64xf32, #tpu.memory_space<hbm>>
      tpu.wait_indirect_dma semaphore(%arg12 : memref<!tpu.dma_semaphore, #tpu.memory_space<semaphore_mem>>) src(%dma_wait3A_290 : memref<10000x64xf32, #tpu.memory_space<hbm>>) dst(%arg9 : memref<200x64xf32, #tpu.memory_space<vmem>>)
      "tpu.region"() ({
        %run_scoped3A = tpu.sem_alloc : memref<!tpu.dma_semaphore, #tpu.memory_space<semaphore_mem>>
        %dma_start3A_444 = arith.constant 0 : i32
        %dma_start3A_445 = tpu.memref_slice %arg8[%dma_start3A_444] : memref<2000xi32, #tpu.memory_space<vmem>> -> memref<200xi32, #tpu.memory_space<vmem>>
        %dma_start3A_446 = arith.constant 0 : i32
        %dma_start3A_447 = arith.constant 0 : i32
        %dma_start3A_448 = tpu.memref_slice %arg11[%dma_start3A_446, %dma_start3A_447] : memref<10240x64xf32, #tpu.memory_space<vmem_shared>> -> memref<10240x64xf32, #tpu.memory_space<vmem_shared>>
        tpu.enqueue_indirect_dma source(%arg9 : memref<200x64xf32, #tpu.memory_space<vmem>>) target(%dma_start3A_448 : memref<10240x64xf32, #tpu.memory_space<vmem_shared>>) offsets(%dma_start3A_445 : memref<200xi32, #tpu.memory_space<vmem>>) semaphore(%run_scoped3A : memref<!tpu.dma_semaphore, #tpu.memory_space<semaphore_mem>>) {add = true}
        %dma_wait3A_449 = arith.constant 0 : i32
        %dma_wait3A_450 = tpu.memref_slice %arg8[%dma_wait3A_449] : memref<2000xi32, #tpu.memory_space<vmem>> -> memref<200xi32, #tpu.memory_space<vmem>>
        %dma_wait3A_451 = arith.constant 0 : i32
        %dma_wait3A_452 = arith.constant 0 : i32
        %dma_wait3A_453 = tpu.memref_slice %arg11[%dma_wait3A_451, %dma_wait3A_452] : memref<10240x64xf32, #tpu.memory_space<vmem_shared>> -> memref<10240x64xf32, #tpu.memory_space<vmem_shared>>
        tpu.wait_indirect_dma semaphore(%run_scoped3A : memref<!tpu.dma_semaphore, #tpu.memory_space<semaphore_mem>>) src(%arg9 : memref<200x64xf32, #tpu.memory_space<vmem>>) dst(%dma_wait3A_453 : memref<10240x64xf32, #tpu.memory_space<vmem_shared>>)
        tpu.yield
      }) : () -> ()
      %dma_start3A_291 = arith.constant 400 : i32
      %dma_start3A_292 = tpu.memref_slice %arg7[%dma_start3A_291] : memref<2000xi32, #tpu.memory_space<vmem>> -> memref<200xi32, #tpu.memory_space<vmem>>
      %dma_start3A_293 = arith.constant 0 : i32
      %dma_start3A_294 = arith.constant 0 : i32
      %dma_start3A_295 = tpu.memref_slice %arg2[%arg0, %dma_start3A_293, %dma_start3A_294] : memref<2x10000x64xf32, #tpu.memory_space<hbm>> -> memref<1x10000x64xf32, #tpu.memory_space<hbm>>
      %dma_start3A_296 = tpu.memref_squeeze %dma_start3A_295 : memref<1x10000x64xf32, #tpu.memory_space<hbm>> -> memref<10000x64xf32, #tpu.memory_space<hbm>>
      %dma_start3A_297 = arith.constant 0 : i32
      %dma_start3A_298 = arith.constant 0 : i32
      %dma_start3A_299 = tpu.memref_slice %dma_start3A_296[%dma_start3A_297, %dma_start3A_298] : memref<10000x64xf32, #tpu.memory_space<hbm>> -> memref<10000x64xf32, #tpu.memory_space<hbm>>
      tpu.enqueue_indirect_dma source(%dma_start3A_299 : memref<10000x64xf32, #tpu.memory_space<hbm>>) target(%arg9 : memref<200x64xf32, #tpu.memory_space<vmem>>) offsets(%dma_start3A_292 : memref<200xi32, #tpu.memory_space<vmem>>) semaphore(%arg12 : memref<!tpu.dma_semaphore, #tpu.memory_space<semaphore_mem>>)
      %dma_wait3A_300 = arith.constant 200 : i32
      %dma_wait3A_301 = tpu.memref_slice %arg7[%dma_wait3A_300] : memref<2000xi32, #tpu.memory_space<vmem>> -> memref<200xi32, #tpu.memory_space<vmem>>
      %dma_wait3A_302 = arith.constant 0 : i32
      %dma_wait3A_303 = arith.constant 0 : i32
      %dma_wait3A_304 = tpu.memref_slice %arg2[%arg0, %dma_wait3A_302, %dma_wait3A_303] : memref<2x10000x64xf32, #tpu.memory_space<hbm>> -> memref<1x10000x64xf32, #tpu.memory_space<hbm>>
      %dma_wait3A_305 = tpu.memref_squeeze %dma_wait3A_304 : memref<1x10000x64xf32, #tpu.memory_space<hbm>> -> memref<10000x64xf32, #tpu.memory_space<hbm>>
      %dma_wait3A_306 = arith.constant 0 : i32
      %dma_wait3A_307 = arith.constant 0 : i32
      %dma_wait3A_308 = tpu.memref_slice %dma_wait3A_305[%dma_wait3A_306, %dma_wait3A_307] : memref<10000x64xf32, #tpu.memory_space<hbm>> -> memref<10000x64xf32, #tpu.memory_space<hbm>>
      tpu.wait_indirect_dma semaphore(%arg13 : memref<!tpu.dma_semaphore, #tpu.memory_space<semaphore_mem>>) src(%dma_wait3A_308 : memref<10000x64xf32, #tpu.memory_space<hbm>>) dst(%arg10 : memref<200x64xf32, #tpu.memory_space<vmem>>)
      "tpu.region"() ({
        %run_scoped3A = tpu.sem_alloc : memref<!tpu.dma_semaphore, #tpu.memory_space<semaphore_mem>>
        %dma_start3A_444 = arith.constant 200 : i32
        %dma_start3A_445 = tpu.memref_slice %arg8[%dma_start3A_444] : memref<2000xi32, #tpu.memory_space<vmem>> -> memref<200xi32, #tpu.memory_space<vmem>>
        %dma_start3A_446 = arith.constant 0 : i32
        %dma_start3A_447 = arith.constant 0 : i32
        %dma_start3A_448 = tpu.memref_slice %arg11[%dma_start3A_446, %dma_start3A_447] : memref<10240x64xf32, #tpu.memory_space<vmem_shared>> -> memref<10240x64xf32, #tpu.memory_space<vmem_shared>>
        tpu.enqueue_indirect_dma source(%arg10 : memref<200x64xf32, #tpu.memory_space<vmem>>) target(%dma_start3A_448 : memref<10240x64xf32, #tpu.memory_space<vmem_shared>>) offsets(%dma_start3A_445 : memref<200xi32, #tpu.memory_space<vmem>>) semaphore(%run_scoped3A : memref<!tpu.dma_semaphore, #tpu.memory_space<semaphore_mem>>) {add = true}
        %dma_wait3A_449 = arith.constant 200 : i32
        %dma_wait3A_450 = tpu.memref_slice %arg8[%dma_wait3A_449] : memref<2000xi32, #tpu.memory_space<vmem>> -> memref<200xi32, #tpu.memory_space<vmem>>
        %dma_wait3A_451 = arith.constant 0 : i32
        %dma_wait3A_452 = arith.constant 0 : i32
        %dma_wait3A_453 = tpu.memref_slice %arg11[%dma_wait3A_451, %dma_wait3A_452] : memref<10240x64xf32, #tpu.memory_space<vmem_shared>> -> memref<10240x64xf32, #tpu.memory_space<vmem_shared>>
        tpu.wait_indirect_dma semaphore(%run_scoped3A : memref<!tpu.dma_semaphore, #tpu.memory_space<semaphore_mem>>) src(%arg10 : memref<200x64xf32, #tpu.memory_space<vmem>>) dst(%dma_wait3A_453 : memref<10240x64xf32, #tpu.memory_space<vmem_shared>>)
        tpu.yield
      }) : () -> ()
      %dma_start3A_309 = arith.constant 600 : i32
      %dma_start3A_310 = tpu.memref_slice %arg7[%dma_start3A_309] : memref<2000xi32, #tpu.memory_space<vmem>> -> memref<200xi32, #tpu.memory_space<vmem>>
      %dma_start3A_311 = arith.constant 0 : i32
      %dma_start3A_312 = arith.constant 0 : i32
      %dma_start3A_313 = tpu.memref_slice %arg2[%arg0, %dma_start3A_311, %dma_start3A_312] : memref<2x10000x64xf32, #tpu.memory_space<hbm>> -> memref<1x10000x64xf32, #tpu.memory_space<hbm>>
      %dma_start3A_314 = tpu.memref_squeeze %dma_start3A_313 : memref<1x10000x64xf32, #tpu.memory_space<hbm>> -> memref<10000x64xf32, #tpu.memory_space<hbm>>
      %dma_start3A_315 = arith.constant 0 : i32
      %dma_start3A_316 = arith.constant 0 : i32
      %dma_start3A_317 = tpu.memref_slice %dma_start3A_314[%dma_start3A_315, %dma_start3A_316] : memref<10000x64xf32, #tpu.memory_space<hbm>> -> memref<10000x64xf32, #tpu.memory_space<hbm>>
      tpu.enqueue_indirect_dma source(%dma_start3A_317 : memref<10000x64xf32, #tpu.memory_space<hbm>>) target(%arg10 : memref<200x64xf32, #tpu.memory_space<vmem>>) offsets(%dma_start3A_310 : memref<200xi32, #tpu.memory_space<vmem>>) semaphore(%arg13 : memref<!tpu.dma_semaphore, #tpu.memory_space<semaphore_mem>>)
      %dma_wait3A_318 = arith.constant 400 : i32
      %dma_wait3A_319 = tpu.memref_slice %arg7[%dma_wait3A_318] : memref<2000xi32, #tpu.memory_space<vmem>> -> memref<200xi32, #tpu.memory_space<vmem>>
      %dma_wait3A_320 = arith.constant 0 : i32
      %dma_wait3A_321 = arith.constant 0 : i32
      %dma_wait3A_322 = tpu.memref_slice %arg2[%arg0, %dma_wait3A_320, %dma_wait3A_321] : memref<2x10000x64xf32, #tpu.memory_space<hbm>> -> memref<1x10000x64xf32, #tpu.memory_space<hbm>>
      %dma_wait3A_323 = tpu.memref_squeeze %dma_wait3A_322 : memref<1x10000x64xf32, #tpu.memory_space<hbm>> -> memref<10000x64xf32, #tpu.memory_space<hbm>>
      %dma_wait3A_324 = arith.constant 0 : i32
      %dma_wait3A_325 = arith.constant 0 : i32
      %dma_wait3A_326 = tpu.memref_slice %dma_wait3A_323[%dma_wait3A_324, %dma_wait3A_325] : memref<10000x64xf32, #tpu.memory_space<hbm>> -> memref<10000x64xf32, #tpu.memory_space<hbm>>
      tpu.wait_indirect_dma semaphore(%arg12 : memref<!tpu.dma_semaphore, #tpu.memory_space<semaphore_mem>>) src(%dma_wait3A_326 : memref<10000x64xf32, #tpu.memory_space<hbm>>) dst(%arg9 : memref<200x64xf32, #tpu.memory_space<vmem>>)
      "tpu.region"() ({
        %run_scoped3A = tpu.sem_alloc : memref<!tpu.dma_semaphore, #tpu.memory_space<semaphore_mem>>
        %dma_start3A_444 = arith.constant 400 : i32
        %dma_start3A_445 = tpu.memref_slice %arg8[%dma_start3A_444] : memref<2000xi32, #tpu.memory_space<vmem>> -> memref<200xi32, #tpu.memory_space<vmem>>
        %dma_start3A_446 = arith.constant 0 : i32
        %dma_start3A_447 = arith.constant 0 : i32
        %dma_start3A_448 = tpu.memref_slice %arg11[%dma_start3A_446, %dma_start3A_447] : memref<10240x64xf32, #tpu.memory_space<vmem_shared>> -> memref<10240x64xf32, #tpu.memory_space<vmem_shared>>
        tpu.enqueue_indirect_dma source(%arg9 : memref<200x64xf32, #tpu.memory_space<vmem>>) target(%dma_start3A_448 : memref<10240x64xf32, #tpu.memory_space<vmem_shared>>) offsets(%dma_start3A_445 : memref<200xi32, #tpu.memory_space<vmem>>) semaphore(%run_scoped3A : memref<!tpu.dma_semaphore, #tpu.memory_space<semaphore_mem>>) {add = true}
        %dma_wait3A_449 = arith.constant 400 : i32
        %dma_wait3A_450 = tpu.memref_slice %arg8[%dma_wait3A_449] : memref<2000xi32, #tpu.memory_space<vmem>> -> memref<200xi32, #tpu.memory_space<vmem>>
        %dma_wait3A_451 = arith.constant 0 : i32
        %dma_wait3A_452 = arith.constant 0 : i32
        %dma_wait3A_453 = tpu.memref_slice %arg11[%dma_wait3A_451, %dma_wait3A_452] : memref<10240x64xf32, #tpu.memory_space<vmem_shared>> -> memref<10240x64xf32, #tpu.memory_space<vmem_shared>>
        tpu.wait_indirect_dma semaphore(%run_scoped3A : memref<!tpu.dma_semaphore, #tpu.memory_space<semaphore_mem>>) src(%arg9 : memref<200x64xf32, #tpu.memory_space<vmem>>) dst(%dma_wait3A_453 : memref<10240x64xf32, #tpu.memory_space<vmem_shared>>)
        tpu.yield
      }) : () -> ()
      %dma_start3A_327 = arith.constant 800 : i32
      %dma_start3A_328 = tpu.memref_slice %arg7[%dma_start3A_327] : memref<2000xi32, #tpu.memory_space<vmem>> -> memref<200xi32, #tpu.memory_space<vmem>>
      %dma_start3A_329 = arith.constant 0 : i32
      %dma_start3A_330 = arith.constant 0 : i32
      %dma_start3A_331 = tpu.memref_slice %arg2[%arg0, %dma_start3A_329, %dma_start3A_330] : memref<2x10000x64xf32, #tpu.memory_space<hbm>> -> memref<1x10000x64xf32, #tpu.memory_space<hbm>>
      %dma_start3A_332 = tpu.memref_squeeze %dma_start3A_331 : memref<1x10000x64xf32, #tpu.memory_space<hbm>> -> memref<10000x64xf32, #tpu.memory_space<hbm>>
      %dma_start3A_333 = arith.constant 0 : i32
      %dma_start3A_334 = arith.constant 0 : i32
      %dma_start3A_335 = tpu.memref_slice %dma_start3A_332[%dma_start3A_333, %dma_start3A_334] : memref<10000x64xf32, #tpu.memory_space<hbm>> -> memref<10000x64xf32, #tpu.memory_space<hbm>>
      tpu.enqueue_indirect_dma source(%dma_start3A_335 : memref<10000x64xf32, #tpu.memory_space<hbm>>) target(%arg9 : memref<200x64xf32, #tpu.memory_space<vmem>>) offsets(%dma_start3A_328 : memref<200xi32, #tpu.memory_space<vmem>>) semaphore(%arg12 : memref<!tpu.dma_semaphore, #tpu.memory_space<semaphore_mem>>)
      %dma_wait3A_336 = arith.constant 600 : i32
      %dma_wait3A_337 = tpu.memref_slice %arg7[%dma_wait3A_336] : memref<2000xi32, #tpu.memory_space<vmem>> -> memref<200xi32, #tpu.memory_space<vmem>>
      %dma_wait3A_338 = arith.constant 0 : i32
      %dma_wait3A_339 = arith.constant 0 : i32
      %dma_wait3A_340 = tpu.memref_slice %arg2[%arg0, %dma_wait3A_338, %dma_wait3A_339] : memref<2x10000x64xf32, #tpu.memory_space<hbm>> -> memref<1x10000x64xf32, #tpu.memory_space<hbm>>
      %dma_wait3A_341 = tpu.memref_squeeze %dma_wait3A_340 : memref<1x10000x64xf32, #tpu.memory_space<hbm>> -> memref<10000x64xf32, #tpu.memory_space<hbm>>
      %dma_wait3A_342 = arith.constant 0 : i32
      %dma_wait3A_343 = arith.constant 0 : i32
      %dma_wait3A_344 = tpu.memref_slice %dma_wait3A_341[%dma_wait3A_342, %dma_wait3A_343] : memref<10000x64xf32, #tpu.memory_space<hbm>> -> memref<10000x64xf32, #tpu.memory_space<hbm>>
      tpu.wait_indirect_dma semaphore(%arg13 : memref<!tpu.dma_semaphore, #tpu.memory_space<semaphore_mem>>) src(%dma_wait3A_344 : memref<10000x64xf32, #tpu.memory_space<hbm>>) dst(%arg10 : memref<200x64xf32, #tpu.memory_space<vmem>>)
      "tpu.region"() ({
        %run_scoped3A = tpu.sem_alloc : memref<!tpu.dma_semaphore, #tpu.memory_space<semaphore_mem>>
        %dma_start3A_444 = arith.constant 600 : i32
        %dma_start3A_445 = tpu.memref_slice %arg8[%dma_start3A_444] : memref<2000xi32, #tpu.memory_space<vmem>> -> memref<200xi32, #tpu.memory_space<vmem>>
        %dma_start3A_446 = arith.constant 0 : i32
        %dma_start3A_447 = arith.constant 0 : i32
        %dma_start3A_448 = tpu.memref_slice %arg11[%dma_start3A_446, %dma_start3A_447] : memref<10240x64xf32, #tpu.memory_space<vmem_shared>> -> memref<10240x64xf32, #tpu.memory_space<vmem_shared>>
        tpu.enqueue_indirect_dma source(%arg10 : memref<200x64xf32, #tpu.memory_space<vmem>>) target(%dma_start3A_448 : memref<10240x64xf32, #tpu.memory_space<vmem_shared>>) offsets(%dma_start3A_445 : memref<200xi32, #tpu.memory_space<vmem>>) semaphore(%run_scoped3A : memref<!tpu.dma_semaphore, #tpu.memory_space<semaphore_mem>>) {add = true}
        %dma_wait3A_449 = arith.constant 600 : i32
        %dma_wait3A_450 = tpu.memref_slice %arg8[%dma_wait3A_449] : memref<2000xi32, #tpu.memory_space<vmem>> -> memref<200xi32, #tpu.memory_space<vmem>>
        %dma_wait3A_451 = arith.constant 0 : i32
        %dma_wait3A_452 = arith.constant 0 : i32
        %dma_wait3A_453 = tpu.memref_slice %arg11[%dma_wait3A_451, %dma_wait3A_452] : memref<10240x64xf32, #tpu.memory_space<vmem_shared>> -> memref<10240x64xf32, #tpu.memory_space<vmem_shared>>
        tpu.wait_indirect_dma semaphore(%run_scoped3A : memref<!tpu.dma_semaphore, #tpu.memory_space<semaphore_mem>>) src(%arg10 : memref<200x64xf32, #tpu.memory_space<vmem>>) dst(%dma_wait3A_453 : memref<10240x64xf32, #tpu.memory_space<vmem_shared>>)
        tpu.yield
      }) : () -> ()
      %dma_start3A_345 = arith.constant 1000 : i32
      %dma_start3A_346 = tpu.memref_slice %arg7[%dma_start3A_345] : memref<2000xi32, #tpu.memory_space<vmem>> -> memref<200xi32, #tpu.memory_space<vmem>>
      %dma_start3A_347 = arith.constant 0 : i32
      %dma_start3A_348 = arith.constant 0 : i32
      %dma_start3A_349 = tpu.memref_slice %arg2[%arg0, %dma_start3A_347, %dma_start3A_348] : memref<2x10000x64xf32, #tpu.memory_space<hbm>> -> memref<1x10000x64xf32, #tpu.memory_space<hbm>>
      %dma_start3A_350 = tpu.memref_squeeze %dma_start3A_349 : memref<1x10000x64xf32, #tpu.memory_space<hbm>> -> memref<10000x64xf32, #tpu.memory_space<hbm>>
      %dma_start3A_351 = arith.constant 0 : i32
      %dma_start3A_352 = arith.constant 0 : i32
      %dma_start3A_353 = tpu.memref_slice %dma_start3A_350[%dma_start3A_351, %dma_start3A_352] : memref<10000x64xf32, #tpu.memory_space<hbm>> -> memref<10000x64xf32, #tpu.memory_space<hbm>>
      tpu.enqueue_indirect_dma source(%dma_start3A_353 : memref<10000x64xf32, #tpu.memory_space<hbm>>) target(%arg10 : memref<200x64xf32, #tpu.memory_space<vmem>>) offsets(%dma_start3A_346 : memref<200xi32, #tpu.memory_space<vmem>>) semaphore(%arg13 : memref<!tpu.dma_semaphore, #tpu.memory_space<semaphore_mem>>)
      %dma_wait3A_354 = arith.constant 800 : i32
      %dma_wait3A_355 = tpu.memref_slice %arg7[%dma_wait3A_354] : memref<2000xi32, #tpu.memory_space<vmem>> -> memref<200xi32, #tpu.memory_space<vmem>>
      %dma_wait3A_356 = arith.constant 0 : i32
      %dma_wait3A_357 = arith.constant 0 : i32
      %dma_wait3A_358 = tpu.memref_slice %arg2[%arg0, %dma_wait3A_356, %dma_wait3A_357] : memref<2x10000x64xf32, #tpu.memory_space<hbm>> -> memref<1x10000x64xf32, #tpu.memory_space<hbm>>
      %dma_wait3A_359 = tpu.memref_squeeze %dma_wait3A_358 : memref<1x10000x64xf32, #tpu.memory_space<hbm>> -> memref<10000x64xf32, #tpu.memory_space<hbm>>
      %dma_wait3A_360 = arith.constant 0 : i32
      %dma_wait3A_361 = arith.constant 0 : i32
      %dma_wait3A_362 = tpu.memref_slice %dma_wait3A_359[%dma_wait3A_360, %dma_wait3A_361] : memref<10000x64xf32, #tpu.memory_space<hbm>> -> memref<10000x64xf32, #tpu.memory_space<hbm>>
      tpu.wait_indirect_dma semaphore(%arg12 : memref<!tpu.dma_semaphore, #tpu.memory_space<semaphore_mem>>) src(%dma_wait3A_362 : memref<10000x64xf32, #tpu.memory_space<hbm>>) dst(%arg9 : memref<200x64xf32, #tpu.memory_space<vmem>>)
      "tpu.region"() ({
        %run_scoped3A = tpu.sem_alloc : memref<!tpu.dma_semaphore, #tpu.memory_space<semaphore_mem>>
        %dma_start3A_444 = arith.constant 800 : i32
        %dma_start3A_445 = tpu.memref_slice %arg8[%dma_start3A_444] : memref<2000xi32, #tpu.memory_space<vmem>> -> memref<200xi32, #tpu.memory_space<vmem>>
        %dma_start3A_446 = arith.constant 0 : i32
        %dma_start3A_447 = arith.constant 0 : i32
        %dma_start3A_448 = tpu.memref_slice %arg11[%dma_start3A_446, %dma_start3A_447] : memref<10240x64xf32, #tpu.memory_space<vmem_shared>> -> memref<10240x64xf32, #tpu.memory_space<vmem_shared>>
        tpu.enqueue_indirect_dma source(%arg9 : memref<200x64xf32, #tpu.memory_space<vmem>>) target(%dma_start3A_448 : memref<10240x64xf32, #tpu.memory_space<vmem_shared>>) offsets(%dma_start3A_445 : memref<200xi32, #tpu.memory_space<vmem>>) semaphore(%run_scoped3A : memref<!tpu.dma_semaphore, #tpu.memory_space<semaphore_mem>>) {add = true}
        %dma_wait3A_449 = arith.constant 800 : i32
        %dma_wait3A_450 = tpu.memref_slice %arg8[%dma_wait3A_449] : memref<2000xi32, #tpu.memory_space<vmem>> -> memref<200xi32, #tpu.memory_space<vmem>>
        %dma_wait3A_451 = arith.constant 0 : i32
        %dma_wait3A_452 = arith.constant 0 : i32
        %dma_wait3A_453 = tpu.memref_slice %arg11[%dma_wait3A_451, %dma_wait3A_452] : memref<10240x64xf32, #tpu.memory_space<vmem_shared>> -> memref<10240x64xf32, #tpu.memory_space<vmem_shared>>
        tpu.wait_indirect_dma semaphore(%run_scoped3A : memref<!tpu.dma_semaphore, #tpu.memory_space<semaphore_mem>>) src(%arg9 : memref<200x64xf32, #tpu.memory_space<vmem>>) dst(%dma_wait3A_453 : memref<10240x64xf32, #tpu.memory_space<vmem_shared>>)
        tpu.yield
      }) : () -> ()
      %dma_start3A_363 = arith.constant 1200 : i32
      %dma_start3A_364 = tpu.memref_slice %arg7[%dma_start3A_363] : memref<2000xi32, #tpu.memory_space<vmem>> -> memref<200xi32, #tpu.memory_space<vmem>>
      %dma_start3A_365 = arith.constant 0 : i32
      %dma_start3A_366 = arith.constant 0 : i32
      %dma_start3A_367 = tpu.memref_slice %arg2[%arg0, %dma_start3A_365, %dma_start3A_366] : memref<2x10000x64xf32, #tpu.memory_space<hbm>> -> memref<1x10000x64xf32, #tpu.memory_space<hbm>>
      %dma_start3A_368 = tpu.memref_squeeze %dma_start3A_367 : memref<1x10000x64xf32, #tpu.memory_space<hbm>> -> memref<10000x64xf32, #tpu.memory_space<hbm>>
      %dma_start3A_369 = arith.constant 0 : i32
      %dma_start3A_370 = arith.constant 0 : i32
      %dma_start3A_371 = tpu.memref_slice %dma_start3A_368[%dma_start3A_369, %dma_start3A_370] : memref<10000x64xf32, #tpu.memory_space<hbm>> -> memref<10000x64xf32, #tpu.memory_space<hbm>>
      tpu.enqueue_indirect_dma source(%dma_start3A_371 : memref<10000x64xf32, #tpu.memory_space<hbm>>) target(%arg9 : memref<200x64xf32, #tpu.memory_space<vmem>>) offsets(%dma_start3A_364 : memref<200xi32, #tpu.memory_space<vmem>>) semaphore(%arg12 : memref<!tpu.dma_semaphore, #tpu.memory_space<semaphore_mem>>)
      %dma_wait3A_372 = arith.constant 1000 : i32
      %dma_wait3A_373 = tpu.memref_slice %arg7[%dma_wait3A_372] : memref<2000xi32, #tpu.memory_space<vmem>> -> memref<200xi32, #tpu.memory_space<vmem>>
      %dma_wait3A_374 = arith.constant 0 : i32
      %dma_wait3A_375 = arith.constant 0 : i32
      %dma_wait3A_376 = tpu.memref_slice %arg2[%arg0, %dma_wait3A_374, %dma_wait3A_375] : memref<2x10000x64xf32, #tpu.memory_space<hbm>> -> memref<1x10000x64xf32, #tpu.memory_space<hbm>>
      %dma_wait3A_377 = tpu.memref_squeeze %dma_wait3A_376 : memref<1x10000x64xf32, #tpu.memory_space<hbm>> -> memref<10000x64xf32, #tpu.memory_space<hbm>>
      %dma_wait3A_378 = arith.constant 0 : i32
      %dma_wait3A_379 = arith.constant 0 : i32
      %dma_wait3A_380 = tpu.memref_slice %dma_wait3A_377[%dma_wait3A_378, %dma_wait3A_379] : memref<10000x64xf32, #tpu.memory_space<hbm>> -> memref<10000x64xf32, #tpu.memory_space<hbm>>
      tpu.wait_indirect_dma semaphore(%arg13 : memref<!tpu.dma_semaphore, #tpu.memory_space<semaphore_mem>>) src(%dma_wait3A_380 : memref<10000x64xf32, #tpu.memory_space<hbm>>) dst(%arg10 : memref<200x64xf32, #tpu.memory_space<vmem>>)
      "tpu.region"() ({
        %run_scoped3A = tpu.sem_alloc : memref<!tpu.dma_semaphore, #tpu.memory_space<semaphore_mem>>
        %dma_start3A_444 = arith.constant 1000 : i32
        %dma_start3A_445 = tpu.memref_slice %arg8[%dma_start3A_444] : memref<2000xi32, #tpu.memory_space<vmem>> -> memref<200xi32, #tpu.memory_space<vmem>>
        %dma_start3A_446 = arith.constant 0 : i32
        %dma_start3A_447 = arith.constant 0 : i32
        %dma_start3A_448 = tpu.memref_slice %arg11[%dma_start3A_446, %dma_start3A_447] : memref<10240x64xf32, #tpu.memory_space<vmem_shared>> -> memref<10240x64xf32, #tpu.memory_space<vmem_shared>>
        tpu.enqueue_indirect_dma source(%arg10 : memref<200x64xf32, #tpu.memory_space<vmem>>) target(%dma_start3A_448 : memref<10240x64xf32, #tpu.memory_space<vmem_shared>>) offsets(%dma_start3A_445 : memref<200xi32, #tpu.memory_space<vmem>>) semaphore(%run_scoped3A : memref<!tpu.dma_semaphore, #tpu.memory_space<semaphore_mem>>) {add = true}
        %dma_wait3A_449 = arith.constant 1000 : i32
        %dma_wait3A_450 = tpu.memref_slice %arg8[%dma_wait3A_449] : memref<2000xi32, #tpu.memory_space<vmem>> -> memref<200xi32, #tpu.memory_space<vmem>>
        %dma_wait3A_451 = arith.constant 0 : i32
        %dma_wait3A_452 = arith.constant 0 : i32
        %dma_wait3A_453 = tpu.memref_slice %arg11[%dma_wait3A_451, %dma_wait3A_452] : memref<10240x64xf32, #tpu.memory_space<vmem_shared>> -> memref<10240x64xf32, #tpu.memory_space<vmem_shared>>
        tpu.wait_indirect_dma semaphore(%run_scoped3A : memref<!tpu.dma_semaphore, #tpu.memory_space<semaphore_mem>>) src(%arg10 : memref<200x64xf32, #tpu.memory_space<vmem>>) dst(%dma_wait3A_453 : memref<10240x64xf32, #tpu.memory_space<vmem_shared>>)
        tpu.yield
      }) : () -> ()
      %dma_start3A_381 = arith.constant 1400 : i32
      %dma_start3A_382 = tpu.memref_slice %arg7[%dma_start3A_381] : memref<2000xi32, #tpu.memory_space<vmem>> -> memref<200xi32, #tpu.memory_space<vmem>>
      %dma_start3A_383 = arith.constant 0 : i32
      %dma_start3A_384 = arith.constant 0 : i32
      %dma_start3A_385 = tpu.memref_slice %arg2[%arg0, %dma_start3A_383, %dma_start3A_384] : memref<2x10000x64xf32, #tpu.memory_space<hbm>> -> memref<1x10000x64xf32, #tpu.memory_space<hbm>>
      %dma_start3A_386 = tpu.memref_squeeze %dma_start3A_385 : memref<1x10000x64xf32, #tpu.memory_space<hbm>> -> memref<10000x64xf32, #tpu.memory_space<hbm>>
      %dma_start3A_387 = arith.constant 0 : i32
      %dma_start3A_388 = arith.constant 0 : i32
      %dma_start3A_389 = tpu.memref_slice %dma_start3A_386[%dma_start3A_387, %dma_start3A_388] : memref<10000x64xf32, #tpu.memory_space<hbm>> -> memref<10000x64xf32, #tpu.memory_space<hbm>>
      tpu.enqueue_indirect_dma source(%dma_start3A_389 : memref<10000x64xf32, #tpu.memory_space<hbm>>) target(%arg10 : memref<200x64xf32, #tpu.memory_space<vmem>>) offsets(%dma_start3A_382 : memref<200xi32, #tpu.memory_space<vmem>>) semaphore(%arg13 : memref<!tpu.dma_semaphore, #tpu.memory_space<semaphore_mem>>)
      %dma_wait3A_390 = arith.constant 1200 : i32
      %dma_wait3A_391 = tpu.memref_slice %arg7[%dma_wait3A_390] : memref<2000xi32, #tpu.memory_space<vmem>> -> memref<200xi32, #tpu.memory_space<vmem>>
      %dma_wait3A_392 = arith.constant 0 : i32
      %dma_wait3A_393 = arith.constant 0 : i32
      %dma_wait3A_394 = tpu.memref_slice %arg2[%arg0, %dma_wait3A_392, %dma_wait3A_393] : memref<2x10000x64xf32, #tpu.memory_space<hbm>> -> memref<1x10000x64xf32, #tpu.memory_space<hbm>>
      %dma_wait3A_395 = tpu.memref_squeeze %dma_wait3A_394 : memref<1x10000x64xf32, #tpu.memory_space<hbm>> -> memref<10000x64xf32, #tpu.memory_space<hbm>>
      %dma_wait3A_396 = arith.constant 0 : i32
      %dma_wait3A_397 = arith.constant 0 : i32
      %dma_wait3A_398 = tpu.memref_slice %dma_wait3A_395[%dma_wait3A_396, %dma_wait3A_397] : memref<10000x64xf32, #tpu.memory_space<hbm>> -> memref<10000x64xf32, #tpu.memory_space<hbm>>
      tpu.wait_indirect_dma semaphore(%arg12 : memref<!tpu.dma_semaphore, #tpu.memory_space<semaphore_mem>>) src(%dma_wait3A_398 : memref<10000x64xf32, #tpu.memory_space<hbm>>) dst(%arg9 : memref<200x64xf32, #tpu.memory_space<vmem>>)
      "tpu.region"() ({
        %run_scoped3A = tpu.sem_alloc : memref<!tpu.dma_semaphore, #tpu.memory_space<semaphore_mem>>
        %dma_start3A_444 = arith.constant 1200 : i32
        %dma_start3A_445 = tpu.memref_slice %arg8[%dma_start3A_444] : memref<2000xi32, #tpu.memory_space<vmem>> -> memref<200xi32, #tpu.memory_space<vmem>>
        %dma_start3A_446 = arith.constant 0 : i32
        %dma_start3A_447 = arith.constant 0 : i32
        %dma_start3A_448 = tpu.memref_slice %arg11[%dma_start3A_446, %dma_start3A_447] : memref<10240x64xf32, #tpu.memory_space<vmem_shared>> -> memref<10240x64xf32, #tpu.memory_space<vmem_shared>>
        tpu.enqueue_indirect_dma source(%arg9 : memref<200x64xf32, #tpu.memory_space<vmem>>) target(%dma_start3A_448 : memref<10240x64xf32, #tpu.memory_space<vmem_shared>>) offsets(%dma_start3A_445 : memref<200xi32, #tpu.memory_space<vmem>>) semaphore(%run_scoped3A : memref<!tpu.dma_semaphore, #tpu.memory_space<semaphore_mem>>) {add = true}
        %dma_wait3A_449 = arith.constant 1200 : i32
        %dma_wait3A_450 = tpu.memref_slice %arg8[%dma_wait3A_449] : memref<2000xi32, #tpu.memory_space<vmem>> -> memref<200xi32, #tpu.memory_space<vmem>>
        %dma_wait3A_451 = arith.constant 0 : i32
        %dma_wait3A_452 = arith.constant 0 : i32
        %dma_wait3A_453 = tpu.memref_slice %arg11[%dma_wait3A_451, %dma_wait3A_452] : memref<10240x64xf32, #tpu.memory_space<vmem_shared>> -> memref<10240x64xf32, #tpu.memory_space<vmem_shared>>
        tpu.wait_indirect_dma semaphore(%run_scoped3A : memref<!tpu.dma_semaphore, #tpu.memory_space<semaphore_mem>>) src(%arg9 : memref<200x64xf32, #tpu.memory_space<vmem>>) dst(%dma_wait3A_453 : memref<10240x64xf32, #tpu.memory_space<vmem_shared>>)
        tpu.yield
      }) : () -> ()
      %dma_start3A_399 = arith.constant 1600 : i32
      %dma_start3A_400 = tpu.memref_slice %arg7[%dma_start3A_399] : memref<2000xi32, #tpu.memory_space<vmem>> -> memref<200xi32, #tpu.memory_space<vmem>>
      %dma_start3A_401 = arith.constant 0 : i32
      %dma_start3A_402 = arith.constant 0 : i32
      %dma_start3A_403 = tpu.memref_slice %arg2[%arg0, %dma_start3A_401, %dma_start3A_402] : memref<2x10000x64xf32, #tpu.memory_space<hbm>> -> memref<1x10000x64xf32, #tpu.memory_space<hbm>>
      %dma_start3A_404 = tpu.memref_squeeze %dma_start3A_403 : memref<1x10000x64xf32, #tpu.memory_space<hbm>> -> memref<10000x64xf32, #tpu.memory_space<hbm>>
      %dma_start3A_405 = arith.constant 0 : i32
      %dma_start3A_406 = arith.constant 0 : i32
      %dma_start3A_407 = tpu.memref_slice %dma_start3A_404[%dma_start3A_405, %dma_start3A_406] : memref<10000x64xf32, #tpu.memory_space<hbm>> -> memref<10000x64xf32, #tpu.memory_space<hbm>>
      tpu.enqueue_indirect_dma source(%dma_start3A_407 : memref<10000x64xf32, #tpu.memory_space<hbm>>) target(%arg9 : memref<200x64xf32, #tpu.memory_space<vmem>>) offsets(%dma_start3A_400 : memref<200xi32, #tpu.memory_space<vmem>>) semaphore(%arg12 : memref<!tpu.dma_semaphore, #tpu.memory_space<semaphore_mem>>)
      %dma_wait3A_408 = arith.constant 1400 : i32
      %dma_wait3A_409 = tpu.memref_slice %arg7[%dma_wait3A_408] : memref<2000xi32, #tpu.memory_space<vmem>> -> memref<200xi32, #tpu.memory_space<vmem>>
      %dma_wait3A_410 = arith.constant 0 : i32
      %dma_wait3A_411 = arith.constant 0 : i32
      %dma_wait3A_412 = tpu.memref_slice %arg2[%arg0, %dma_wait3A_410, %dma_wait3A_411] : memref<2x10000x64xf32, #tpu.memory_space<hbm>> -> memref<1x10000x64xf32, #tpu.memory_space<hbm>>
      %dma_wait3A_413 = tpu.memref_squeeze %dma_wait3A_412 : memref<1x10000x64xf32, #tpu.memory_space<hbm>> -> memref<10000x64xf32, #tpu.memory_space<hbm>>
      %dma_wait3A_414 = arith.constant 0 : i32
      %dma_wait3A_415 = arith.constant 0 : i32
      %dma_wait3A_416 = tpu.memref_slice %dma_wait3A_413[%dma_wait3A_414, %dma_wait3A_415] : memref<10000x64xf32, #tpu.memory_space<hbm>> -> memref<10000x64xf32, #tpu.memory_space<hbm>>
      tpu.wait_indirect_dma semaphore(%arg13 : memref<!tpu.dma_semaphore, #tpu.memory_space<semaphore_mem>>) src(%dma_wait3A_416 : memref<10000x64xf32, #tpu.memory_space<hbm>>) dst(%arg10 : memref<200x64xf32, #tpu.memory_space<vmem>>)
      "tpu.region"() ({
        %run_scoped3A = tpu.sem_alloc : memref<!tpu.dma_semaphore, #tpu.memory_space<semaphore_mem>>
        %dma_start3A_444 = arith.constant 1400 : i32
        %dma_start3A_445 = tpu.memref_slice %arg8[%dma_start3A_444] : memref<2000xi32, #tpu.memory_space<vmem>> -> memref<200xi32, #tpu.memory_space<vmem>>
        %dma_start3A_446 = arith.constant 0 : i32
        %dma_start3A_447 = arith.constant 0 : i32
        %dma_start3A_448 = tpu.memref_slice %arg11[%dma_start3A_446, %dma_start3A_447] : memref<10240x64xf32, #tpu.memory_space<vmem_shared>> -> memref<10240x64xf32, #tpu.memory_space<vmem_shared>>
        tpu.enqueue_indirect_dma source(%arg10 : memref<200x64xf32, #tpu.memory_space<vmem>>) target(%dma_start3A_448 : memref<10240x64xf32, #tpu.memory_space<vmem_shared>>) offsets(%dma_start3A_445 : memref<200xi32, #tpu.memory_space<vmem>>) semaphore(%run_scoped3A : memref<!tpu.dma_semaphore, #tpu.memory_space<semaphore_mem>>) {add = true}
        %dma_wait3A_449 = arith.constant 1400 : i32
        %dma_wait3A_450 = tpu.memref_slice %arg8[%dma_wait3A_449] : memref<2000xi32, #tpu.memory_space<vmem>> -> memref<200xi32, #tpu.memory_space<vmem>>
        %dma_wait3A_451 = arith.constant 0 : i32
        %dma_wait3A_452 = arith.constant 0 : i32
        %dma_wait3A_453 = tpu.memref_slice %arg11[%dma_wait3A_451, %dma_wait3A_452] : memref<10240x64xf32, #tpu.memory_space<vmem_shared>> -> memref<10240x64xf32, #tpu.memory_space<vmem_shared>>
        tpu.wait_indirect_dma semaphore(%run_scoped3A : memref<!tpu.dma_semaphore, #tpu.memory_space<semaphore_mem>>) src(%arg10 : memref<200x64xf32, #tpu.memory_space<vmem>>) dst(%dma_wait3A_453 : memref<10240x64xf32, #tpu.memory_space<vmem_shared>>)
        tpu.yield
      }) : () -> ()
      %dma_start3A_417 = arith.constant 1800 : i32
      %dma_start3A_418 = tpu.memref_slice %arg7[%dma_start3A_417] : memref<2000xi32, #tpu.memory_space<vmem>> -> memref<200xi32, #tpu.memory_space<vmem>>
      %dma_start3A_419 = arith.constant 0 : i32
      %dma_start3A_420 = arith.constant 0 : i32
      %dma_start3A_421 = tpu.memref_slice %arg2[%arg0, %dma_start3A_419, %dma_start3A_420] : memref<2x10000x64xf32, #tpu.memory_space<hbm>> -> memref<1x10000x64xf32, #tpu.memory_space<hbm>>
      %dma_start3A_422 = tpu.memref_squeeze %dma_start3A_421 : memref<1x10000x64xf32, #tpu.memory_space<hbm>> -> memref<10000x64xf32, #tpu.memory_space<hbm>>
      %dma_start3A_423 = arith.constant 0 : i32
      %dma_start3A_424 = arith.constant 0 : i32
      %dma_start3A_425 = tpu.memref_slice %dma_start3A_422[%dma_start3A_423, %dma_start3A_424] : memref<10000x64xf32, #tpu.memory_space<hbm>> -> memref<10000x64xf32, #tpu.memory_space<hbm>>
      tpu.enqueue_indirect_dma source(%dma_start3A_425 : memref<10000x64xf32, #tpu.memory_space<hbm>>) target(%arg10 : memref<200x64xf32, #tpu.memory_space<vmem>>) offsets(%dma_start3A_418 : memref<200xi32, #tpu.memory_space<vmem>>) semaphore(%arg13 : memref<!tpu.dma_semaphore, #tpu.memory_space<semaphore_mem>>)
      %dma_wait3A_426 = arith.constant 1600 : i32
      %dma_wait3A_427 = tpu.memref_slice %arg7[%dma_wait3A_426] : memref<2000xi32, #tpu.memory_space<vmem>> -> memref<200xi32, #tpu.memory_space<vmem>>
      %dma_wait3A_428 = arith.constant 0 : i32
      %dma_wait3A_429 = arith.constant 0 : i32
      %dma_wait3A_430 = tpu.memref_slice %arg2[%arg0, %dma_wait3A_428, %dma_wait3A_429] : memref<2x10000x64xf32, #tpu.memory_space<hbm>> -> memref<1x10000x64xf32, #tpu.memory_space<hbm>>
      %dma_wait3A_431 = tpu.memref_squeeze %dma_wait3A_430 : memref<1x10000x64xf32, #tpu.memory_space<hbm>> -> memref<10000x64xf32, #tpu.memory_space<hbm>>
      %dma_wait3A_432 = arith.constant 0 : i32
      %dma_wait3A_433 = arith.constant 0 : i32
      %dma_wait3A_434 = tpu.memref_slice %dma_wait3A_431[%dma_wait3A_432, %dma_wait3A_433] : memref<10000x64xf32, #tpu.memory_space<hbm>> -> memref<10000x64xf32, #tpu.memory_space<hbm>>
      tpu.wait_indirect_dma semaphore(%arg12 : memref<!tpu.dma_semaphore, #tpu.memory_space<semaphore_mem>>) src(%dma_wait3A_434 : memref<10000x64xf32, #tpu.memory_space<hbm>>) dst(%arg9 : memref<200x64xf32, #tpu.memory_space<vmem>>)
      "tpu.region"() ({
        %run_scoped3A = tpu.sem_alloc : memref<!tpu.dma_semaphore, #tpu.memory_space<semaphore_mem>>
        %dma_start3A_444 = arith.constant 1600 : i32
        %dma_start3A_445 = tpu.memref_slice %arg8[%dma_start3A_444] : memref<2000xi32, #tpu.memory_space<vmem>> -> memref<200xi32, #tpu.memory_space<vmem>>
        %dma_start3A_446 = arith.constant 0 : i32
        %dma_start3A_447 = arith.constant 0 : i32
        %dma_start3A_448 = tpu.memref_slice %arg11[%dma_start3A_446, %dma_start3A_447] : memref<10240x64xf32, #tpu.memory_space<vmem_shared>> -> memref<10240x64xf32, #tpu.memory_space<vmem_shared>>
        tpu.enqueue_indirect_dma source(%arg9 : memref<200x64xf32, #tpu.memory_space<vmem>>) target(%dma_start3A_448 : memref<10240x64xf32, #tpu.memory_space<vmem_shared>>) offsets(%dma_start3A_445 : memref<200xi32, #tpu.memory_space<vmem>>) semaphore(%run_scoped3A : memref<!tpu.dma_semaphore, #tpu.memory_space<semaphore_mem>>) {add = true}
        %dma_wait3A_449 = arith.constant 1600 : i32
        %dma_wait3A_450 = tpu.memref_slice %arg8[%dma_wait3A_449] : memref<2000xi32, #tpu.memory_space<vmem>> -> memref<200xi32, #tpu.memory_space<vmem>>
        %dma_wait3A_451 = arith.constant 0 : i32
        %dma_wait3A_452 = arith.constant 0 : i32
        %dma_wait3A_453 = tpu.memref_slice %arg11[%dma_wait3A_451, %dma_wait3A_452] : memref<10240x64xf32, #tpu.memory_space<vmem_shared>> -> memref<10240x64xf32, #tpu.memory_space<vmem_shared>>
        tpu.wait_indirect_dma semaphore(%run_scoped3A : memref<!tpu.dma_semaphore, #tpu.memory_space<semaphore_mem>>) src(%arg9 : memref<200x64xf32, #tpu.memory_space<vmem>>) dst(%dma_wait3A_453 : memref<10240x64xf32, #tpu.memory_space<vmem_shared>>)
        tpu.yield
      }) : () -> ()
      %dma_wait3A_435 = arith.constant 1800 : i32
      %dma_wait3A_436 = tpu.memref_slice %arg7[%dma_wait3A_435] : memref<2000xi32, #tpu.memory_space<vmem>> -> memref<200xi32, #tpu.memory_space<vmem>>
      %dma_wait3A_437 = arith.constant 0 : i32
      %dma_wait3A_438 = arith.constant 0 : i32
      %dma_wait3A_439 = tpu.memref_slice %arg2[%arg0, %dma_wait3A_437, %dma_wait3A_438] : memref<2x10000x64xf32, #tpu.memory_space<hbm>> -> memref<1x10000x64xf32, #tpu.memory_space<hbm>>
      %dma_wait3A_440 = tpu.memref_squeeze %dma_wait3A_439 : memref<1x10000x64xf32, #tpu.memory_space<hbm>> -> memref<10000x64xf32, #tpu.memory_space<hbm>>
      %dma_wait3A_441 = arith.constant 0 : i32
      %dma_wait3A_442 = arith.constant 0 : i32
      %dma_wait3A_443 = tpu.memref_slice %dma_wait3A_440[%dma_wait3A_441, %dma_wait3A_442] : memref<10000x64xf32, #tpu.memory_space<hbm>> -> memref<10000x64xf32, #tpu.memory_space<hbm>>
      tpu.wait_indirect_dma semaphore(%arg13 : memref<!tpu.dma_semaphore, #tpu.memory_space<semaphore_mem>>) src(%dma_wait3A_443 : memref<10000x64xf32, #tpu.memory_space<hbm>>) dst(%arg10 : memref<200x64xf32, #tpu.memory_space<vmem>>)
      "tpu.region"() ({
        %run_scoped3A = tpu.sem_alloc : memref<!tpu.dma_semaphore, #tpu.memory_space<semaphore_mem>>
        %dma_start3A_444 = arith.constant 1800 : i32
        %dma_start3A_445 = tpu.memref_slice %arg8[%dma_start3A_444] : memref<2000xi32, #tpu.memory_space<vmem>> -> memref<200xi32, #tpu.memory_space<vmem>>
        %dma_start3A_446 = arith.constant 0 : i32
        %dma_start3A_447 = arith.constant 0 : i32
        %dma_start3A_448 = tpu.memref_slice %arg11[%dma_start3A_446, %dma_start3A_447] : memref<10240x64xf32, #tpu.memory_space<vmem_shared>> -> memref<10240x64xf32, #tpu.memory_space<vmem_shared>>
        tpu.enqueue_indirect_dma source(%arg10 : memref<200x64xf32, #tpu.memory_space<vmem>>) target(%dma_start3A_448 : memref<10240x64xf32, #tpu.memory_space<vmem_shared>>) offsets(%dma_start3A_445 : memref<200xi32, #tpu.memory_space<vmem>>) semaphore(%run_scoped3A : memref<!tpu.dma_semaphore, #tpu.memory_space<semaphore_mem>>) {add = true}
        %dma_wait3A_449 = arith.constant 1800 : i32
        %dma_wait3A_450 = tpu.memref_slice %arg8[%dma_wait3A_449] : memref<2000xi32, #tpu.memory_space<vmem>> -> memref<200xi32, #tpu.memory_space<vmem>>
        %dma_wait3A_451 = arith.constant 0 : i32
        %dma_wait3A_452 = arith.constant 0 : i32
        %dma_wait3A_453 = tpu.memref_slice %arg11[%dma_wait3A_451, %dma_wait3A_452] : memref<10240x64xf32, #tpu.memory_space<vmem_shared>> -> memref<10240x64xf32, #tpu.memory_space<vmem_shared>>
        tpu.wait_indirect_dma semaphore(%run_scoped3A : memref<!tpu.dma_semaphore, #tpu.memory_space<semaphore_mem>>) src(%arg10 : memref<200x64xf32, #tpu.memory_space<vmem>>) dst(%dma_wait3A_453 : memref<10240x64xf32, #tpu.memory_space<vmem_shared>>)
        tpu.yield
      }) : () -> ()
    }
    %scan3A_35 = arith.constant 5 : i32
    %barrier3A_36 = arith.constant 0 : index
    tpu.barrier barrier_id(%barrier3A_36)
    %mul3A_37 = arith.constant 640 : i32
    %mul3A_38 = arith.muli %arg1, %mul3A_37 : i32
    %mul3A_39 = arith.constant 640 : i32
    %mul3A_40 = arith.muli %arg1, %mul3A_39 : i32
    "tpu.region"() ({
      %run_scoped3A = tpu.sem_alloc : memref<!tpu.dma_semaphore, #tpu.memory_space<semaphore_mem>>
      %dma_start3A_41 = arith.constant 0 : i32
      %dma_start3A_42 = tpu.memref_slice %arg4[%arg0, %mul3A_40, %dma_start3A_41] : memref<2x10240x64xf32, #tpu.memory_space<hbm>> -> memref<1x640x64xf32, #tpu.memory_space<hbm>>
      %dma_start3A_43 = tpu.memref_squeeze %dma_start3A_42 : memref<1x640x64xf32, #tpu.memory_space<hbm>> -> memref<640x64xf32, #tpu.memory_space<hbm>>
      %dma_start3A_44 = arith.constant 0 : i32
      %dma_start3A_45 = tpu.memref_slice %arg11[%mul3A_38, %dma_start3A_44] : memref<10240x64xf32, #tpu.memory_space<vmem_shared>> -> memref<640x64xf32, #tpu.memory_space<vmem_shared>>
      tpu.enqueue_dma source(%dma_start3A_45 : memref<640x64xf32, #tpu.memory_space<vmem_shared>>) target(%dma_start3A_43 : memref<640x64xf32, #tpu.memory_space<hbm>>) target_semaphore(%run_scoped3A : memref<!tpu.dma_semaphore, #tpu.memory_space<semaphore_mem>>)
      %dma_wait3A = arith.constant 0 : i32
      %dma_wait3A_46 = tpu.memref_slice %arg4[%arg0, %mul3A_40, %dma_wait3A] : memref<2x10240x64xf32, #tpu.memory_space<hbm>> -> memref<1x640x64xf32, #tpu.memory_space<hbm>>
      %dma_wait3A_47 = tpu.memref_squeeze %dma_wait3A_46 : memref<1x640x64xf32, #tpu.memory_space<hbm>> -> memref<640x64xf32, #tpu.memory_space<hbm>>
      %dma_wait3A_48 = arith.constant 0 : i32
      %dma_wait3A_49 = tpu.memref_slice %arg11[%mul3A_38, %dma_wait3A_48] : memref<10240x64xf32, #tpu.memory_space<vmem_shared>> -> memref<640x64xf32, #tpu.memory_space<vmem_shared>>
      tpu.wait_dma2 semaphore(%run_scoped3A : memref<!tpu.dma_semaphore, #tpu.memory_space<semaphore_mem>>) src(%dma_wait3A_49 : memref<640x64xf32, #tpu.memory_space<vmem_shared>>) dst(%dma_wait3A_47 : memref<640x64xf32, #tpu.memory_space<hbm>>)
      tpu.yield
    }) : () -> ()
    return
  }
}

module attributes {stable_mosaic.version = 14 : i64} {
  func.func @_mm1_body(%arg0: i32, %arg1: memref<2000x128xf32, #tpu.memory_space<vmem>>, %arg2: memref<128x128xf32, #tpu.memory_space<vmem>>, %arg3: memref<1x128xf32, #tpu.memory_space<vmem>>, %arg4: memref<2000x64xf32, #tpu.memory_space<vmem>>, %arg5: memref<2x2000x64xf32, #tpu.memory_space<vmem>>) attributes {dimension_semantics = [#tpu.dimension_semantics<arbitrary>], iteration_bounds = array<i64: 5>, scalar_prefetch = 0 : i64, scratch_operands = 0 : i64, tpu.core_type = #tpu.core_type<tc>, window_params = [{transform_indices = @transform_0, window_bounds = array<i64: 2000, 128>}, {pipeline_mode = #tpu.pipeline_mode<synchronous>, transform_indices = @transform_1, window_bounds = array<i64: 128, 128>}, {pipeline_mode = #tpu.pipeline_mode<synchronous>, transform_indices = @transform_2, window_bounds = array<i64: 1, 128>}, {transform_indices = @transform_3, window_bounds = array<i64: 2000, 64>}, {transform_indices = @transform_4, window_bounds = array<i64: 2, 2000, 64>}]} {
    %get3A = arith.constant 0 : index
    %get3A_0 = arith.constant 0 : index
    %get3A_1 = vector.load %arg1[%get3A, %get3A_0] : memref<2000x128xf32, #tpu.memory_space<vmem>>, vector<2000x128xf32>
    %get3A_2 = arith.constant 0 : index
    %get3A_3 = arith.constant 0 : index
    %get3A_4 = vector.load %arg2[%get3A_2, %get3A_3] : memref<128x128xf32, #tpu.memory_space<vmem>>, vector<128x128xf32>
    %dot_general3A = arith.constant dense<0.000000e+00> : vector<2000x128xf32>
    %dot_general3A_5 = tpu.matmul %get3A_1, %get3A_4, %dot_general3A {dimension_numbers = #tpu.dot_dimension_numbers<[1], [0], [0], [1], [0, 0, 1, 1], [], []>, transpose_lhs_hint = false} : vector<2000x128xf32>, vector<128x128xf32>, vector<2000x128xf32> -> vector<2000x128xf32>
    %get3A_6 = arith.constant 0 : index
    %get3A_7 = arith.constant 0 : index
    %get3A_8 = vector.load %arg3[%get3A_6, %get3A_7] : memref<1x128xf32, #tpu.memory_space<vmem>>, vector<1x128xf32>
    %add3A = vector.broadcast %get3A_8 : vector<1x128xf32> to vector<2000x128xf32>
    %add3A_9 = arith.addf %dot_general3A_5, %add3A : vector<2000x128xf32>
    %slice3A = vector.extract_strided_slice %add3A_9 {offsets = [0, 0], sizes = [2000, 64], strides = [1, 1]} : vector<2000x128xf32> to vector<2000x64xf32>
    %get3A_10 = arith.constant 0 : index
    %get3A_11 = arith.constant 0 : index
    %get3A_12 = vector.load %arg4[%get3A_10, %get3A_11] : memref<2000x64xf32, #tpu.memory_space<vmem>>, vector<2000x64xf32>
    %mul3A = arith.mulf %slice3A, %get3A_12 : vector<2000x64xf32>
    %swap3A = arith.constant 0 : index
    %swap3A_13 = arith.constant 0 : index
    %swap3A_14 = arith.constant 0 : index
    %swap3A_15 = vector.load %arg5[%swap3A, %swap3A_13, %swap3A_14] : memref<2x2000x64xf32, #tpu.memory_space<vmem>>, vector<1x2000x64xf32>
    %swap3A_16 = vector.shape_cast %swap3A_15 : vector<1x2000x64xf32> to vector<2000x64xf32>
    %swap3A_17 = vector.shape_cast %mul3A : vector<2000x64xf32> to vector<1x2000x64xf32>
    tpu.vector_store %arg5[%swap3A, %swap3A_13, %swap3A_14], %swap3A_17 {strides = array<i32>} : memref<2x2000x64xf32, #tpu.memory_space<vmem>>, vector<1x2000x64xf32>,
    %slice3A_18 = vector.extract_strided_slice %add3A_9 {offsets = [0, 64], sizes = [2000, 64], strides = [1, 1]} : vector<2000x128xf32> to vector<2000x64xf32>
    %get3A_19 = arith.constant 0 : index
    %get3A_20 = arith.constant 0 : index
    %get3A_21 = vector.load %arg4[%get3A_19, %get3A_20] : memref<2000x64xf32, #tpu.memory_space<vmem>>, vector<2000x64xf32>
    %mul3A_22 = arith.mulf %slice3A_18, %get3A_21 : vector<2000x64xf32>
    %swap3A_23 = arith.constant 1 : index
    %swap3A_24 = arith.constant 0 : index
    %swap3A_25 = arith.constant 0 : index
    %swap3A_26 = vector.load %arg5[%swap3A_23, %swap3A_24, %swap3A_25] : memref<2x2000x64xf32, #tpu.memory_space<vmem>>, vector<1x2000x64xf32>
    %swap3A_27 = vector.shape_cast %swap3A_26 : vector<1x2000x64xf32> to vector<2000x64xf32>
    %swap3A_28 = vector.shape_cast %mul3A_22 : vector<2000x64xf32> to vector<1x2000x64xf32>
    tpu.vector_store %arg5[%swap3A_23, %swap3A_24, %swap3A_25], %swap3A_28 {strides = array<i32>} : memref<2x2000x64xf32, #tpu.memory_space<vmem>>, vector<1x2000x64xf32>,
    return
  }
  func.func @transform_0(%arg0: i32) -> (i32, i32) {
    %c0_i32 = arith.constant 0 : i32
    %c0_i32_0 = arith.constant 0 : i32
    return %arg0, %c0_i32 : i32, i32
  }
  func.func @transform_1(%arg0: i32) -> (i32, i32) {
    %c0_i32 = arith.constant 0 : i32
    %c0_i32_0 = arith.constant 0 : i32
    %c0_i32_1 = arith.constant 0 : i32
    return %c0_i32, %c0_i32_0 : i32, i32
  }
  func.func @transform_2(%arg0: i32) -> (i32, i32) {
    %c0_i32 = arith.constant 0 : i32
    %c0_i32_0 = arith.constant 0 : i32
    %c0_i32_1 = arith.constant 0 : i32
    return %c0_i32, %c0_i32_0 : i32, i32
  }
  func.func @transform_3(%arg0: i32) -> (i32, i32) {
    %c0_i32 = arith.constant 0 : i32
    %c0_i32_0 = arith.constant 0 : i32
    return %arg0, %c0_i32 : i32, i32
  }
  func.func @transform_4(%arg0: i32) -> (i32, i32, i32) {
    %c0_i32 = arith.constant 0 : i32
    %c0_i32_0 = arith.constant 0 : i32
    %c0_i32_1 = arith.constant 0 : i32
    return %c0_i32, %arg0, %c0_i32_0 : i32, i32, i32
  }
}

module attributes {stable_mosaic.version = 14 : i64} {
  func.func @_mm2_body(%arg0: i32, %arg1: memref<2x2000x64xf32, #tpu.memory_space<vmem>>, %arg2: memref<2x2000x64xf32, #tpu.memory_space<vmem>>, %arg3: memref<2000x64xf32, #tpu.memory_space<vmem>>, %arg4: memref<128x128xf32, #tpu.memory_space<vmem>>, %arg5: memref<1x128xf32, #tpu.memory_space<vmem>>, %arg6: memref<2x2000x64xf32, #tpu.memory_space<vmem>>) attributes {dimension_semantics = [#tpu.dimension_semantics<arbitrary>], iteration_bounds = array<i64: 5>, scalar_prefetch = 0 : i64, scratch_operands = 0 : i64, tpu.core_type = #tpu.core_type<tc>, window_params = [{transform_indices = @transform_0, window_bounds = array<i64: 2, 2000, 64>}, {transform_indices = @transform_1, window_bounds = array<i64: 2, 2000, 64>}, {transform_indices = @transform_2, window_bounds = array<i64: 2000, 64>}, {pipeline_mode = #tpu.pipeline_mode<synchronous>, transform_indices = @transform_3, window_bounds = array<i64: 128, 128>}, {pipeline_mode = #tpu.pipeline_mode<synchronous>, transform_indices = @transform_4, window_bounds = array<i64: 1, 128>}, {transform_indices = @transform_5, window_bounds = array<i64: 2, 2000, 64>}]} {
    %get3A = arith.constant 0 : index
    %get3A_0 = arith.constant 0 : index
    %get3A_1 = arith.constant 0 : index
    %get3A_2 = vector.load %arg1[%get3A, %get3A_0, %get3A_1] : memref<2x2000x64xf32, #tpu.memory_space<vmem>>, vector<1x2000x64xf32>
    %get3A_3 = vector.shape_cast %get3A_2 : vector<1x2000x64xf32> to vector<2000x64xf32>
    %get3A_4 = arith.constant 0 : index
    %get3A_5 = arith.constant 0 : index
    %get3A_6 = arith.constant 0 : index
    %get3A_7 = vector.load %arg2[%get3A_4, %get3A_5, %get3A_6] : memref<2x2000x64xf32, #tpu.memory_space<vmem>>, vector<1x2000x64xf32>
    %get3A_8 = vector.shape_cast %get3A_7 : vector<1x2000x64xf32> to vector<2000x64xf32>
    %add3A = arith.addf %get3A_3, %get3A_8 : vector<2000x64xf32>
    %get3A_9 = arith.constant 0 : index
    %get3A_10 = arith.constant 0 : index
    %get3A_11 = vector.load %arg3[%get3A_9, %get3A_10] : memref<2000x64xf32, #tpu.memory_space<vmem>>, vector<2000x64xf32>
    %mul3A = arith.mulf %add3A, %get3A_11 : vector<2000x64xf32>
    %max3A = arith.constant 0.000000e+00 : f32
    %max3A_12 = vector.broadcast %max3A : f32 to vector<2000x64xf32>
    %max3A_13 = arith.maximumf %mul3A, %max3A_12 : vector<2000x64xf32>
    %get3A_14 = arith.constant 1 : index
    %get3A_15 = arith.constant 0 : index
    %get3A_16 = arith.constant 0 : index
    %get3A_17 = vector.load %arg1[%get3A_14, %get3A_15, %get3A_16] : memref<2x2000x64xf32, #tpu.memory_space<vmem>>, vector<1x2000x64xf32>
    %get3A_18 = vector.shape_cast %get3A_17 : vector<1x2000x64xf32> to vector<2000x64xf32>
    %get3A_19 = arith.constant 1 : index
    %get3A_20 = arith.constant 0 : index
    %get3A_21 = arith.constant 0 : index
    %get3A_22 = vector.load %arg2[%get3A_19, %get3A_20, %get3A_21] : memref<2x2000x64xf32, #tpu.memory_space<vmem>>, vector<1x2000x64xf32>
    %get3A_23 = vector.shape_cast %get3A_22 : vector<1x2000x64xf32> to vector<2000x64xf32>
    %add3A_24 = arith.addf %get3A_18, %get3A_23 : vector<2000x64xf32>
    %get3A_25 = arith.constant 0 : index
    %get3A_26 = arith.constant 0 : index
    %get3A_27 = vector.load %arg3[%get3A_25, %get3A_26] : memref<2000x64xf32, #tpu.memory_space<vmem>>, vector<2000x64xf32>
    %mul3A_28 = arith.mulf %add3A_24, %get3A_27 : vector<2000x64xf32>
    %max3A_29 = arith.constant 0.000000e+00 : f32
    %max3A_30 = vector.broadcast %max3A_29 : f32 to vector<2000x64xf32>
    %max3A_31 = arith.maximumf %mul3A_28, %max3A_30 : vector<2000x64xf32>
    %get3A_32 = arith.constant 0 : index
    %get3A_33 = arith.constant 0 : index
    %get3A_34 = vector.load %arg4[%get3A_32, %get3A_33] : memref<128x128xf32, #tpu.memory_space<vmem>>, vector<64x128xf32>
    %dot_general3A = arith.constant dense<0.000000e+00> : vector<2000x128xf32>
    %dot_general3A_35 = tpu.matmul %max3A_13, %get3A_34, %dot_general3A {dimension_numbers = #tpu.dot_dimension_numbers<[1], [0], [0], [1], [0, 0, 1, 1], [], []>, transpose_lhs_hint = false} : vector<2000x64xf32>, vector<64x128xf32>, vector<2000x128xf32> -> vector<2000x128xf32>
    %get3A_36 = arith.constant 64 : index
    %get3A_37 = arith.constant 0 : index
    %get3A_38 = vector.load %arg4[%get3A_36, %get3A_37] : memref<128x128xf32, #tpu.memory_space<vmem>>, vector<64x128xf32>
    %dot_general3A_39 = arith.constant dense<0.000000e+00> : vector<2000x128xf32>
    %dot_general3A_40 = tpu.matmul %max3A_31, %get3A_38, %dot_general3A_39 {dimension_numbers = #tpu.dot_dimension_numbers<[1], [0], [0], [1], [0, 0, 1, 1], [], []>, transpose_lhs_hint = false} : vector<2000x64xf32>, vector<64x128xf32>, vector<2000x128xf32> -> vector<2000x128xf32>
    %add3A_41 = arith.addf %dot_general3A_35, %dot_general3A_40 : vector<2000x128xf32>
    %get3A_42 = arith.constant 0 : index
    %get3A_43 = arith.constant 0 : index
    %get3A_44 = vector.load %arg5[%get3A_42, %get3A_43] : memref<1x128xf32, #tpu.memory_space<vmem>>, vector<1x128xf32>
    %add3A_45 = vector.broadcast %get3A_44 : vector<1x128xf32> to vector<2000x128xf32>
    %add3A_46 = arith.addf %add3A_41, %add3A_45 : vector<2000x128xf32>
    %slice3A = vector.extract_strided_slice %add3A_46 {offsets = [0, 0], sizes = [2000, 64], strides = [1, 1]} : vector<2000x128xf32> to vector<2000x64xf32>
    %get3A_47 = arith.constant 0 : index
    %get3A_48 = arith.constant 0 : index
    %get3A_49 = vector.load %arg3[%get3A_47, %get3A_48] : memref<2000x64xf32, #tpu.memory_space<vmem>>, vector<2000x64xf32>
    %mul3A_50 = arith.mulf %slice3A, %get3A_49 : vector<2000x64xf32>
    %swap3A = arith.constant 0 : index
    %swap3A_51 = arith.constant 0 : index
    %swap3A_52 = arith.constant 0 : index
    %swap3A_53 = vector.load %arg6[%swap3A, %swap3A_51, %swap3A_52] : memref<2x2000x64xf32, #tpu.memory_space<vmem>>, vector<1x2000x64xf32>
    %swap3A_54 = vector.shape_cast %swap3A_53 : vector<1x2000x64xf32> to vector<2000x64xf32>
    %swap3A_55 = vector.shape_cast %mul3A_50 : vector<2000x64xf32> to vector<1x2000x64xf32>
    tpu.vector_store %arg6[%swap3A, %swap3A_51, %swap3A_52], %swap3A_55 {strides = array<i32>} : memref<2x2000x64xf32, #tpu.memory_space<vmem>>, vector<1x2000x64xf32>,
    %slice3A_56 = vector.extract_strided_slice %add3A_46 {offsets = [0, 64], sizes = [2000, 64], strides = [1, 1]} : vector<2000x128xf32> to vector<2000x64xf32>
    %get3A_57 = arith.constant 0 : index
    %get3A_58 = arith.constant 0 : index
    %get3A_59 = vector.load %arg3[%get3A_57, %get3A_58] : memref<2000x64xf32, #tpu.memory_space<vmem>>, vector<2000x64xf32>
    %mul3A_60 = arith.mulf %slice3A_56, %get3A_59 : vector<2000x64xf32>
    %swap3A_61 = arith.constant 1 : index
    %swap3A_62 = arith.constant 0 : index
    %swap3A_63 = arith.constant 0 : index
    %swap3A_64 = vector.load %arg6[%swap3A_61, %swap3A_62, %swap3A_63] : memref<2x2000x64xf32, #tpu.memory_space<vmem>>, vector<1x2000x64xf32>
    %swap3A_65 = vector.shape_cast %swap3A_64 : vector<1x2000x64xf32> to vector<2000x64xf32>
    %swap3A_66 = vector.shape_cast %mul3A_60 : vector<2000x64xf32> to vector<1x2000x64xf32>
    tpu.vector_store %arg6[%swap3A_61, %swap3A_62, %swap3A_63], %swap3A_66 {strides = array<i32>} : memref<2x2000x64xf32, #tpu.memory_space<vmem>>, vector<1x2000x64xf32>,
    return
  }
  func.func @transform_0(%arg0: i32) -> (i32, i32, i32) {
    %c0_i32 = arith.constant 0 : i32
    %c0_i32_0 = arith.constant 0 : i32
    %c0_i32_1 = arith.constant 0 : i32
    return %c0_i32, %arg0, %c0_i32_0 : i32, i32, i32
  }
  func.func @transform_1(%arg0: i32) -> (i32, i32, i32) {
    %c0_i32 = arith.constant 0 : i32
    %c0_i32_0 = arith.constant 0 : i32
    %c0_i32_1 = arith.constant 0 : i32
    return %c0_i32, %arg0, %c0_i32_0 : i32, i32, i32
  }
  func.func @transform_2(%arg0: i32) -> (i32, i32) {
    %c0_i32 = arith.constant 0 : i32
    %c0_i32_0 = arith.constant 0 : i32
    return %arg0, %c0_i32 : i32, i32
  }
  func.func @transform_3(%arg0: i32) -> (i32, i32) {
    %c0_i32 = arith.constant 0 : i32
    %c0_i32_0 = arith.constant 0 : i32
    %c0_i32_1 = arith.constant 0 : i32
    return %c0_i32, %c0_i32_0 : i32, i32
  }
  func.func @transform_4(%arg0: i32) -> (i32, i32) {
    %c0_i32 = arith.constant 0 : i32
    %c0_i32_0 = arith.constant 0 : i32
    %c0_i32_1 = arith.constant 0 : i32
    return %c0_i32, %c0_i32_0 : i32, i32
  }
  func.func @transform_5(%arg0: i32) -> (i32, i32, i32) {
    %c0_i32 = arith.constant 0 : i32
    %c0_i32_0 = arith.constant 0 : i32
    %c0_i32_1 = arith.constant 0 : i32
    return %c0_i32, %arg0, %c0_i32_0 : i32, i32, i32
  }
}

module attributes {stable_mosaic.version = 14 : i64} {
  func.func @_finlog_body(%arg0: i32, %arg1: memref<2x2000x64xf32, #tpu.memory_space<vmem>>, %arg2: memref<2x2000x64xf32, #tpu.memory_space<vmem>>, %arg3: memref<2000x64xf32, #tpu.memory_space<vmem>>, %arg4: memref<128x1xf32, #tpu.memory_space<vmem>>, %arg5: memref<1x1xf32, #tpu.memory_space<vmem>>, %arg6: memref<2000x1xf32, #tpu.memory_space<vmem>>) attributes {dimension_semantics = [#tpu.dimension_semantics<arbitrary>], iteration_bounds = array<i64: 5>, scalar_prefetch = 0 : i64, scratch_operands = 0 : i64, tpu.core_type = #tpu.core_type<tc>, window_params = [{transform_indices = @transform_0, window_bounds = array<i64: 2, 2000, 64>}, {transform_indices = @transform_1, window_bounds = array<i64: 2, 2000, 64>}, {transform_indices = @transform_2, window_bounds = array<i64: 2000, 64>}, {pipeline_mode = #tpu.pipeline_mode<synchronous>, transform_indices = @transform_3, window_bounds = array<i64: 128, 1>}, {pipeline_mode = #tpu.pipeline_mode<synchronous>, transform_indices = @transform_4, window_bounds = array<i64: 1, 1>}, {transform_indices = @transform_5, window_bounds = array<i64: 2000, 1>}]} {
    %get3A = arith.constant 0 : index
    %get3A_0 = arith.constant 0 : index
    %get3A_1 = arith.constant 0 : index
    %get3A_2 = vector.load %arg1[%get3A, %get3A_0, %get3A_1] : memref<2x2000x64xf32, #tpu.memory_space<vmem>>, vector<1x2000x64xf32>
    %get3A_3 = vector.shape_cast %get3A_2 : vector<1x2000x64xf32> to vector<2000x64xf32>
    %get3A_4 = arith.constant 0 : index
    %get3A_5 = arith.constant 0 : index
    %get3A_6 = arith.constant 0 : index
    %get3A_7 = vector.load %arg2[%get3A_4, %get3A_5, %get3A_6] : memref<2x2000x64xf32, #tpu.memory_space<vmem>>, vector<1x2000x64xf32>
    %get3A_8 = vector.shape_cast %get3A_7 : vector<1x2000x64xf32> to vector<2000x64xf32>
    %add3A = arith.addf %get3A_3, %get3A_8 : vector<2000x64xf32>
    %get3A_9 = arith.constant 0 : index
    %get3A_10 = arith.constant 0 : index
    %get3A_11 = vector.load %arg3[%get3A_9, %get3A_10] : memref<2000x64xf32, #tpu.memory_space<vmem>>, vector<2000x64xf32>
    %mul3A = arith.mulf %add3A, %get3A_11 : vector<2000x64xf32>
    %max3A = arith.constant 0.000000e+00 : f32
    %max3A_12 = vector.broadcast %max3A : f32 to vector<2000x64xf32>
    %max3A_13 = arith.maximumf %mul3A, %max3A_12 : vector<2000x64xf32>
    %get3A_14 = arith.constant 1 : index
    %get3A_15 = arith.constant 0 : index
    %get3A_16 = arith.constant 0 : index
    %get3A_17 = vector.load %arg1[%get3A_14, %get3A_15, %get3A_16] : memref<2x2000x64xf32, #tpu.memory_space<vmem>>, vector<1x2000x64xf32>
    %get3A_18 = vector.shape_cast %get3A_17 : vector<1x2000x64xf32> to vector<2000x64xf32>
    %get3A_19 = arith.constant 1 : index
    %get3A_20 = arith.constant 0 : index
    %get3A_21 = arith.constant 0 : index
    %get3A_22 = vector.load %arg2[%get3A_19, %get3A_20, %get3A_21] : memref<2x2000x64xf32, #tpu.memory_space<vmem>>, vector<1x2000x64xf32>
    %get3A_23 = vector.shape_cast %get3A_22 : vector<1x2000x64xf32> to vector<2000x64xf32>
    %add3A_24 = arith.addf %get3A_18, %get3A_23 : vector<2000x64xf32>
    %get3A_25 = arith.constant 0 : index
    %get3A_26 = arith.constant 0 : index
    %get3A_27 = vector.load %arg3[%get3A_25, %get3A_26] : memref<2000x64xf32, #tpu.memory_space<vmem>>, vector<2000x64xf32>
    %mul3A_28 = arith.mulf %add3A_24, %get3A_27 : vector<2000x64xf32>
    %max3A_29 = arith.constant 0.000000e+00 : f32
    %max3A_30 = vector.broadcast %max3A_29 : f32 to vector<2000x64xf32>
    %max3A_31 = arith.maximumf %mul3A_28, %max3A_30 : vector<2000x64xf32>
    %get3A_32 = arith.constant 0 : index
    %get3A_33 = arith.constant 0 : index
    %get3A_34 = vector.load %arg4[%get3A_32, %get3A_33] : memref<128x1xf32, #tpu.memory_space<vmem>>, vector<64x1xf32>
    %dot_general3A = arith.constant dense<0.000000e+00> : vector<2000x1xf32>
    %dot_general3A_35 = tpu.matmul %max3A_13, %get3A_34, %dot_general3A {dimension_numbers = #tpu.dot_dimension_numbers<[1], [0], [0], [1], [0, 0, 1, 1], [], []>, transpose_lhs_hint = false} : vector<2000x64xf32>, vector<64x1xf32>, vector<2000x1xf32> -> vector<2000x1xf32>
    %get3A_36 = arith.constant 64 : index
    %get3A_37 = arith.constant 0 : index
    %get3A_38 = vector.load %arg4[%get3A_36, %get3A_37] : memref<128x1xf32, #tpu.memory_space<vmem>>, vector<64x1xf32>
    %dot_general3A_39 = arith.constant dense<0.000000e+00> : vector<2000x1xf32>
    %dot_general3A_40 = tpu.matmul %max3A_31, %get3A_38, %dot_general3A_39 {dimension_numbers = #tpu.dot_dimension_numbers<[1], [0], [0], [1], [0, 0, 1, 1], [], []>, transpose_lhs_hint = false} : vector<2000x64xf32>, vector<64x1xf32>, vector<2000x1xf32> -> vector<2000x1xf32>
    %add3A_41 = arith.addf %dot_general3A_35, %dot_general3A_40 : vector<2000x1xf32>
    %get3A_42 = arith.constant 0 : index
    %get3A_43 = arith.constant 0 : index
    %get3A_44 = vector.load %arg5[%get3A_42, %get3A_43] : memref<1x1xf32, #tpu.memory_space<vmem>>, vector<1x1xf32>
    %add3A_45 = vector.broadcast %get3A_44 : vector<1x1xf32> to vector<2000x1xf32>
    %add3A_46 = arith.addf %add3A_41, %add3A_45 : vector<2000x1xf32>
    %swap3A = arith.constant 0 : index
    %swap3A_47 = arith.constant 0 : index
    %swap3A_48 = vector.load %arg6[%swap3A, %swap3A_47] : memref<2000x1xf32, #tpu.memory_space<vmem>>, vector<2000x1xf32>
    tpu.vector_store %arg6[%swap3A, %swap3A_47], %add3A_46 {strides = array<i32>} : memref<2000x1xf32, #tpu.memory_space<vmem>>, vector<2000x1xf32>,
    return
  }
  func.func @transform_0(%arg0: i32) -> (i32, i32, i32) {
    %c0_i32 = arith.constant 0 : i32
    %c0_i32_0 = arith.constant 0 : i32
    %c0_i32_1 = arith.constant 0 : i32
    return %c0_i32, %arg0, %c0_i32_0 : i32, i32, i32
  }
  func.func @transform_1(%arg0: i32) -> (i32, i32, i32) {
    %c0_i32 = arith.constant 0 : i32
    %c0_i32_0 = arith.constant 0 : i32
    %c0_i32_1 = arith.constant 0 : i32
    return %c0_i32, %arg0, %c0_i32_0 : i32, i32, i32
  }
  func.func @transform_2(%arg0: i32) -> (i32, i32) {
    %c0_i32 = arith.constant 0 : i32
    %c0_i32_0 = arith.constant 0 : i32
    return %arg0, %c0_i32 : i32, i32
  }
  func.func @transform_3(%arg0: i32) -> (i32, i32) {
    %c0_i32 = arith.constant 0 : i32
    %c0_i32_0 = arith.constant 0 : i32
    %c0_i32_1 = arith.constant 0 : i32
    return %c0_i32, %c0_i32_0 : i32, i32
  }
  func.func @transform_4(%arg0: i32) -> (i32, i32) {
    %c0_i32 = arith.constant 0 : i32
    %c0_i32_0 = arith.constant 0 : i32
    %c0_i32_1 = arith.constant 0 : i32
    return %c0_i32, %c0_i32_0 : i32, i32
  }
  func.func @transform_5(%arg0: i32) -> (i32, i32) {
    %c0_i32 = arith.constant 0 : i32
    %c0_i32_0 = arith.constant 0 : i32
    return %arg0, %c0_i32 : i32, i32
  }
}

module attributes {stable_mosaic.version = 14 : i64} {
  func.func @_smax_body(%arg0: memref<10000x1xf32, #tpu.memory_space<vmem>>, %arg1: memref<10000x1xf32, #tpu.memory_space<vmem>>) attributes {dimension_semantics = [], scalar_prefetch = 0 : i64, scratch_operands = 0 : i64, tpu.core_type = #tpu.core_type<tc>} {
    %get3A = arith.constant 0 : index
    %get3A_0 = arith.constant 0 : index
    %get3A_1 = vector.load %arg0[%get3A, %get3A_0] : memref<10000x1xf32, #tpu.memory_space<vmem>>, vector<10000x1xf32>
    %reduce_max3A = vector.shape_cast %get3A_1 : vector<10000x1xf32> to vector<1x10000x1xf32>
    %reduce_max3A_2 = arith.constant dense<0xFF800000> : vector<1xf32>
    %reduce_max3A_3 = vector.multi_reduction <maximumf>, %reduce_max3A, %reduce_max3A_2 [1, 2] : vector<1x10000x1xf32> to vector<1xf32>
    %reduce_max3A_4 = vector.shape_cast %reduce_max3A_3 : vector<1xf32> to vector<1x1x1xf32>
    %reduce_max3A_5 = vector.extract %reduce_max3A_4[0, 0, 0] : f32 from vector<1x1x1xf32>
    %sub3A = vector.broadcast %reduce_max3A_5 : f32 to vector<10000x1xf32>
    %sub3A_6 = arith.subf %get3A_1, %sub3A : vector<10000x1xf32>
    %exp3A = math.exp %sub3A_6 : vector<10000x1xf32>
    %reduce_sum3A = vector.shape_cast %exp3A : vector<10000x1xf32> to vector<1x10000x1xf32>
    %reduce_sum3A_7 = arith.constant dense<0.000000e+00> : vector<1xf32>
    %reduce_sum3A_8 = vector.multi_reduction <add>, %reduce_sum3A, %reduce_sum3A_7 [1, 2] : vector<1x10000x1xf32> to vector<1xf32>
    %reduce_sum3A_9 = vector.shape_cast %reduce_sum3A_8 : vector<1xf32> to vector<1x1x1xf32>
    %reduce_sum3A_10 = vector.extract %reduce_sum3A_9[0, 0, 0] : f32 from vector<1x1x1xf32>
    %div3A = vector.broadcast %reduce_sum3A_10 : f32 to vector<10000x1xf32>
    %div3A_11 = arith.divf %exp3A, %div3A : vector<10000x1xf32>
    %swap3A = arith.constant 0 : index
    %swap3A_12 = arith.constant 0 : index
    %swap3A_13 = vector.load %arg1[%swap3A, %swap3A_12] : memref<10000x1xf32, #tpu.memory_space<vmem>>, vector<10000x1xf32>
    tpu.vector_store %arg1[%swap3A, %swap3A_12], %div3A_11 {strides = array<i32>} : memref<10000x1xf32, #tpu.memory_space<vmem>>, vector<10000x1xf32>,
    return
  }
}

</mosaic_0001>

<sc_bundles>
// kernel: kernel.12.cloned.1.call-start
scs
__scs_entry_jumppad:
0x0: {  	(pc) =	sbr.rel $0x88, $3  }
0x1: {  	(tag) =	ssettag $0x0;
	lr =	simm.s32 $0x1  }
0x2: {  	[smem:$0x3F99] =	sst lr;
	_ =	strace $0xD0000000  }
0x3: {  	_ = 	snop  }
0x4: {  	_ = 	snop  }
0x5: {  	_ = 	snop  }
0x6: {  	_ = 	snop  }
0x7: {  	_ = 	snop  }
__scs_overlays_trampoline_lowered:
0x8: {  	[smem:$0x3FA8] =	sst s0  }
0x9: {  	[smem:$0x3FA9] =	sst s1  }
0xa: {  	[smem:$0x3FAA] =	sst s2  }
0xb: {  	[smem:$0x3FAB] =	sst s3  }
0xc: {  	[smem:$0x3FAC] =	sst s4  }
0xd: {  	[smem:$0x3FAD] =	sst s5  }
0xe: {  	[smem:$0x3FAE] =	sst s6  }
0xf: {  	[smem:$0x3FAF] =	sst s7  }
0x10: {  	[smem:$0x3FB0] =	sst s8  }
0x11: {  	[smem:$0x3FB1] =	sst s9;
	s0 =	simm.s32 @!p0 $0x0  }
0x12: {  	s1 =	sld [smem:$0x3F97];
	s0 =	simm.s32 @p0 $0x1  }
0x13: {  	[smem:$0x3FB2] =	sst s0;
	s0 =	simm.s32 @!p1 $0x0  }
0x14: {  	s2 =	sld [smem:$0x3F96];
	s0 =	simm.s32 @p1 $0x1  }
0x15: {  	[smem:$0x3FB3] =	sst s0;
	s0 =	simm.s32 @!p2 $0x0  }
0x16: {  	s3 =	sld [smem:$0x3FDB];
	s0 =	simm.s32 @p2 $0x1  }
0x17: {  	s4 =	simm.s32 $0x1BF5;
	[smem:$0x3FB5] =	sst s0  }
0x18: {  	s0 =	sld [smem:$0x3F98];
	_ =	swait.ge [sflag:s4], $0x0  }
0x19: {  	s7 =	sld [smem:$0x3F99]  }
0x1a: {  	s8 =	sadd.s32 $0xFFFFE003, lr  }
0x1b: {  	s9 =	sadd.s32 $0xFFFFFEF7, lr;
	s5 =	simm.s32 $0xFFFFFFFF;
	p2 =	slt.u32 s8, $0xFFFFF086  }
0x1c: {  	p1 =	slt.u32 s9, $0xF7A;
	s5 =	simm.s32 @!p2 $0x0  }
0x1d: {  	s5 =	simm.s32 @p1 $0x1;
	p0 =	seq.s32 s7, s2  }
0x1e: {  	s7 =	smul.u32 @!p0 $0xF7A, s2;
	p2 =	seq.s32 @!p0 s5, $0x0  }
0x1f: {  	s9 =	smul.u32 $0xF7A, s1;
	s8 =	simm.s32 @!p0 $0x1BF5;
	p2 =	por !p2, p0  }
0x20: {  	[sflag:s8] =	ssyncset.s32 @!p0 $0xFFFFF086;
	s6 =	sadd.s32 @!p0 s3, s7;
	s7 =	simm.s32 @!p0 $0x108  }
0x21: {  	s3 =	sadd.s32 s3, s9;
	s6 =	sadd.s32 @!p0 $0x88, s6;
	s7 =	simm.s32 @p2 $0x1082  }
0x22: {  	[simem:s7], [sflag:s8] =	dma.local @!p0 [hbm:s6], $0xF7A  }
0x23: {  	s9 =	sor.u32 $0xD0000000, s2;
	s6 =	simm.s32 $0x108;
	_ =	swait.ge @!p0 [sflag:s8], $0x0  }
0x24: {  	s3 =	sadd.s32 $0x88, s3;
	s6 =	simm.s32 @!p1 $0x1082;
	[sflag:s4] =	ssyncset.s32 $0xFFFFF086  }
0x25: {  	[simem:s6], [sflag:s4] =	dma.local [hbm:s3], $0xF7A  }
0x26: {  	[smem:$0x3F99] =	sst s1;
	(tag) =	ssettag s2;
	_ =	strace s9  }
0x27: {  	s1 =	sld [smem:$0x3FA9]  }
0x28: {  	s2 =	sld [smem:$0x3FAA]  }
0x29: {  	s4 =	sld [smem:$0x3FAC]  }
0x2a: {  	p0 =	seq.s32 s5, $0x0;
	s5 =	sld [smem:$0x3FAD]  }
0x2b: {  	s6 =	sld [smem:$0x3FAE]  }
0x2c: {  	s7 =	sld [smem:$0x3FAF]  }
0x2d: {  	s3 =	simm.s32 $0x108;
	s8 =	sld [smem:$0x3FB0]  }
0x2e: {  	s3 =	simm.s32 @!p0 $0x1082;
	s9 =	sld [smem:$0x3FB1]  }
0x2f: {  	lr =	sadd.s32 s0, s3;
	s0 =	sld [smem:$0x3FA8]  }
0x30: {  	s3 =	sld [smem:$0x3FAB]  }
0x31: {  	[smem:$0x3FB4] =	sst s10  }
0x32: {  	s10 =	sld [smem:$0x3FB2];
	_ =	sdelay $0x3  }
0x33: {  	p0 =	seq.s32 s10, $0x1;
	s10 =	sld [smem:$0x3FB4];
	_ =	sdelay $0x3  }
0x34: {  	[smem:$0x3FB4] =	sst s10  }
0x35: {  	s10 =	sld [smem:$0x3FB3];
	_ =	sdelay $0x3  }
0x36: {  	p1 =	seq.s32 s10, $0x1;
	s10 =	sld [smem:$0x3FB4];
	_ =	sdelay $0x3  }
0x37: {  	[smem:$0x3FB4] =	sst s10  }
0x38: {  	s10 =	sld [smem:$0x3FB5]  }
0x39: {  	_ = 	snop;
	(pc) =	sbr.ind lr, $3  }
0x3a: {  	_ = 	snop  }
0x3b: {  	_ = 	snop  }
0x3c: {  	p2 =	seq.s32 s10, $0x1;
	s10 =	sld [smem:$0x3FB4]  }
0x3d: {  	_ =	shalt  }
0x3e: {  	_ =	shalt  }
0x3f: {  	_ =	shalt  }
0x40: {  	_ =	shalt  }
0x41: {  	_ =	shalt  }
0x42: {  	_ =	shalt  }
0x43: {  	_ =	shalt  }
0x44: {  	_ =	shalt  }
0x45: {  	_ =	shalt  }
0x46: {  	_ =	shalt  }
0x47: {  	_ =	shalt  }
0x48: {  	_ =	shalt  }
0x49: {  	_ =	shalt  }
0x4a: {  	_ =	shalt  }
0x4b: {  	_ =	shalt  }
0x4c: {  	_ =	shalt  }
0x4d: {  	_ =	shalt  }
0x4e: {  	_ =	shalt  }
0x4f: {  	_ =	shalt  }
0x50: {  	_ =	shalt  }
0x51: {  	_ =	shalt  }
0x52: {  	_ =	shalt  }
0x53: {  	_ =	shalt  }
0x54: {  	_ =	shalt  }
0x55: {  	_ =	shalt  }
0x56: {  	_ =	shalt  }
0x57: {  	_ =	shalt  }
0x58: {  	_ =	shalt  }
0x59: {  	_ =	shalt  }
0x5a: {  	_ =	shalt  }
0x5b: {  	_ =	shalt  }
0x5c: {  	_ =	shalt  }
0x5d: {  	_ =	shalt  }
0x5e: {  	_ =	shalt  }
0x5f: {  	_ =	shalt  }
0x60: {  	_ =	shalt  }
0x61: {  	_ =	shalt  }
0x62: {  	_ =	shalt  }
0x63: {  	_ =	shalt  }
0x64: {  	_ =	shalt  }
0x65: {  	_ =	shalt  }
0x66: {  	_ =	shalt  }
0x67: {  	_ =	shalt  }
0x68: {  	_ =	shalt  }
0x69: {  	_ =	shalt  }
0x6a: {  	_ =	shalt  }
0x6b: {  	_ =	shalt  }
0x6c: {  	_ =	shalt  }
0x6d: {  	_ =	shalt  }
0x6e: {  	_ =	shalt  }
0x6f: {  	_ =	shalt  }
0x70: {  	_ =	shalt  }
0x71: {  	_ =	shalt  }
0x72: {  	_ =	shalt  }
0x73: {  	_ =	shalt  }
0x74: {  	_ =	shalt  }
0x75: {  	_ =	shalt  }
0x76: {  	_ =	shalt  }
0x77: {  	_ =	shalt  }
0x78: {  	_ =	shalt  }
0x79: {  	_ =	shalt  }
0x7a: {  	_ =	shalt  }
0x7b: {  	_ =	shalt  }
0x7c: {  	_ =	shalt  }
0x7d: {  	_ =	shalt  }
0x7e: {  	_ =	shalt  }
0x7f: {  	_ =	shalt  }
0x80: {  	_ =	shalt  }
0x81: {  	_ =	shalt  }
0x82: {  	_ =	shalt  }
0x83: {  	_ =	shalt  }
0x84: {  	_ =	shalt  }
0x85: {  	_ =	shalt  }
0x86: {  	_ =	shalt  }
0x87: {  	_ =	shalt  }
.Lfunc_end0:
.L_simem_size_0:
called_computation.1_lowered:
.L_overlay_start_0:
0x88: {  	s2 =	sld [smem:$0x3FD9]  }
0x89: {  	s3 =	sld [smem:$0x3FFE];
	_ =	sdelay $0x1  }
0x8a: {  	s1 =	srdreg.scid  }
0x8b: {  	s0 =	sand.u32 $0x1, s1  }
0x8c: {  	s16 =	sshll.u32 s0, $0xA;
	s2 =	sadd.s32 s3, s2  }
0x8d: {  	s2 =	sadd.s32 s2, s16  }
0x8e: {  	[smem:$0x3FC0] =	sst s2  }
0x8f: {  	_ = 	snop  }
0x90: {  	(tm) =	ssettm $0x1  }
0x91: {  	s17 =	sld [smem:$0x3FFB];
	_ =	sdelay $0x3  }
0x92: {  	_ =	strace s17  }
0x93: {  	s2 =	sld [smem:$0x3FFC];
	_ =	sdelay $0x3  }
0x94: {  	_ =	strace s2  }
0x95: {  	s2 =	sld [smem:$0x3FFD];
	_ =	sdelay $0x3  }
0x96: {  	_ =	strace s2  }
0x97: {  	_ =	strace $0x8FFFFFFF  }
0x98: {  	s18 =	sld [smem:$0x3FDB];
	_ =	sdelay $0x1  }
0x99: {  	s19 =	simm.s32 $_scs_section_size  }
0x9a: {  	s4 =	simm.s32 $_size__tile_overlayer_lowered;
	s5 =	simm.s32 $_tile_overlayer_lowered  }
0x9b: {  	s22 =	simm.s32 $0x1BFF;
	s21 =	sshll.u32 s5, $0x1;
	s2 =	sadd.s32 s19, s18  }
0x9c: {  	s6 =	simm.s32 $0x0;
	s20 =	sshll.u32 s4, $0x1;
	s4 =	sadd.s32 s21, s2  }
0x9d: {  	[timem:s6], [sflag:s22] =	dma.local [hbm:s4], s20  }
0x9e: {  	_ =	swait.ge [sflag:s22], s20  }
0x9f: {  	s3 =	ssub.s32 $0x0, s20;
	[sflag:s22] =	ssyncset.done $0x0  }
0xa0: {  	[sflag:s22] =	ssyncadd.s32 s3;
	_ =	sdelay $0x1  }
0xa1: {  	s23 =	simm.s32 $0x1B8B  }
0xa2: {  	_ =	swait.ge [sflag:s23], $0x1  }
0xa3: {  	[sflag:s23] =	ssyncset.done $0x0  }
0xa4: {  	s25 =	simm.s32 $0x1B8E;
	s24 =	sld [smem:$0x3FFE];
	[sflag:s23] =	ssyncadd.s32 $0xFFFFFFFF  }
0xa5: {  	s26 =	simm.s32 $execute0_lowered;
	[smem:$0x3FD2] =	sst s25  }
0xa6: {  	s4 =	sshll.u32 s26, $0x1;
	_ =	strace $0x80000049;
	[dreg:$0x1] =	wrdreg $0xFFFFFFFF  }
0xa7: {  	s28 =	simm.s32 $_size_execute0_lowered;
	s2 =	sadd.s32 s2, s4;
	[dreg:$0x0] =	wrdreg $0x0  }
0xa8: {  	s4 =	sshll.u32 s28, $0x1;
	[dreg:$0x2] =	wrdreg s2  }
0xa9: {  	[dreg:$0x3] =	wrdreg s4  }
0xaa: {  	[dreg:$0x4] =	wrdreg $0xC0  }
0xab: {  	_ =	task [dreg:s6], $0x5FFFF  }
0xac: {  	[dreg:$0x1] =	wrdreg $0xFFFFFFFF  }
0xad: {  	[dreg:$0x0] =	wrdreg $0x60  }
0xae: {  	[dreg:$0x2] =	wrdreg s24  }
0xaf: {  	[dreg:$0x3] =	wrdreg $0x83400  }
0xb0: {  	[dreg:$0x4] =	wrdreg $0x9  }
0xb1: {  	_ =	task.clear_ibuf [dreg:s6], $0x5FFFF;
	_ =	strace $0x90000049  }
0xb2: {  	s29 =	simm.s32 $0x9;
	_ =	strace $0x8000004B  }
0xb3: {  	_ =	swait.ge [sflag:s29], $0x1  }
0xb4: {  	[sflag:s29] =	ssyncadd.s32 $0xFFFFFFFF  }
0xb5: {  	_ =	strace $0x9000004B  }
0xb6: {  	_ =	sfence  }
0xb7: {  	s30 =	sld [smem:$0x0];
	_ =	sdelay $0x2  }
0xb8: {  	s31 =	sshll.u32 s1, $0xD;
	s1 =	sshrl.u32 s1, $0x2  }
0xb9: {  	s3 =	sand.u32 $0x4000, s31;
	s1 =	sadd.s32 s1, s30  }
0xba: {  	s0 =	sor.u32 s3, s0;
	s1 =	sshll.u32 s1, $0x11  }
0xbb: {  	s0 =	sor.u32 s1, s0  }
0xbc: {  	s0 =	sadd.s32 $0x8F2B, s0  }
0xbd: {  	[sflag:s0] =	ssyncadd.remote.s32 $0x1  }
0xbe: {  	_ =	sfence.sel $0xFFFF  }
0xbf: {  	[dreg:$0x0] =	wrdreg $0xFFFFFFFF;
	(pc) =	sbr.abs _section_cstart, $3  }
0xc0: {  	[dreg:$0x1] =	wrdreg $0xFFFFFFFF  }
0xc1: {  	_ =	task.clear_ibuf [dreg:s6], $0x2FFFF;
	_ =	strace $0x9FFFFFFF  }
0xc2: {  	(tm) =	ssettm $0x7FFFFFFF  }
0xc3: {  	_ =	shalt  }
tec
execute0_lowered:
.L_overlay_start_1:
0x0: {  	(tag) =	ssettag $0x1  }
0x1: {  	s0 =	rddreg [dreg:$0x0]  }
0x2: {  	s2 =	rddreg [dreg:$0x1];
	s3 =	simm.s32 $0x0  }
0x3: {  	s1 =	srdreg.scid;
	s8 =	simm.s32 $0x190;
	[smem:$0x7FF] =	sst s3  }
0x4: {  	s12 =	simm.s32 $0x258;
	_ =	strace $0x8000004A;
	[dreg:$0x3] =	wrdreg s8  }
0x5: {  	s9 =	stileid.u32;
	s13 =	simm.s32 $0x960;
	[dreg:$0x5] =	wrdreg s12  }
0x6: {  	s14 =	simm.s32 $0x320;
	s16 =	simm.s32 $0xA28;
	[dreg:$0x6] =	wrdreg s13  }
0x7: {  	s18 =	simm.s32 $0x3E8;
	s20 =	simm.s32 $0xAF0;
	[dreg:$0x7] =	wrdreg s14  }
0x8: {  	s21 =	simm.s32 $0x4B0;
	s22 =	simm.s32 $0xBB8;
	[dreg:$0x8] =	wrdreg s16  }
0x9: {  	s23 =	simm.s32 $0x578;
	s25 =	simm.s32 $0xC80;
	[dreg:$0x9] =	wrdreg s18  }
0xa: {  	s26 =	simm.s32 $0x640;
	s28 =	simm.s32 $0x15E0;
	[dreg:$0xa] =	wrdreg s20  }
0xb: {  	s29 =	simm.s32 $0x1CE8;
	s5 =	smul.u32 $0xA000, s9;
	[dreg:$0xb] =	wrdreg s21  }
0xc: {  	s30 =	simm.s32 $0x16A8;
	s11 =	smul.u32 $0x28000, s9;
	[dreg:$0xc] =	wrdreg s22  }
0xd: {  	s31 =	simm.s32 $0x1DB0;
	s19 =	smul.u32 $0x4E20, s9;
	[dreg:$0xd] =	wrdreg s23  }
0xe: {  	s1 =	sand.u32 $0x1, s1;
	s9 =	smul.u32 $0x9C4, s9;
	[dreg:$0xe] =	wrdreg s25  }
0xf: {  	s4 =	smul.u32 $0x13880, s1;
	s8 =	simm.s32 $0x898;
	[dreg:$0xf] =	wrdreg s26  }
0x10: {  	s6 =	smul.u32 $0xA0000, s1;
	s13 =	simm.s32 $0x708;
	[dreg:$0x4] =	wrdreg s8  }
0x11: {  	s1 =	ssub.s32 $0x2, s1;
	s14 =	simm.s32 $0xE10;
	[dreg:$0x11] =	wrdreg s13  }
0x12: {  	s16 =	simm.s32 $0x1068;
	s18 =	simm.s32 $0x1838;
	[dreg:$0x12] =	wrdreg s14  }
0x13: {  	s20 =	simm.s32 $0x1900;
	s21 =	simm.s32 $0x12C0;
	[dreg:$0x14] =	wrdreg s16  }
0x14: {  	s22 =	simm.s32 $0x19C8;
	s23 =	simm.s32 $0x1388;
	[dreg:$0x16] =	wrdreg s18  }
0x15: {  	s25 =	simm.s32 $0x1450;
	s26 =	simm.s32 $0x1B58;
	[dreg:$0x18] =	wrdreg s20  }
0x16: {  	s8 =	sshrl.u32 s19, $0x3;
	s14 =	simm.s32 $0x1F40;
	[dreg:$0x19] =	wrdreg s21  }
0x17: {  	s16 =	simm.s32 $0x7D0;
	s19 =	simm.s32 $0x11F8;
	[dreg:$0x1a] =	wrdreg s22  }
0x18: {  	s18 =	simm.s32 $0xFA0;
	s20 =	simm.s32 $0xC8;
	[dreg:$0x1b] =	wrdreg s23  }
0x19: {  	s21 =	simm.s32 $0x5140;
	s22 =	simm.s32 $0x1;
	[dreg:$0x1d] =	wrdreg s25  }
0x1a: {  	s23 =	simm.s32 $0x2;
	[dreg:$0x1e] =	wrdreg s26;
	s25 =	simm.s32 $0x1518  }
0x1b: {  	s26 =	simm.s32 $0x1C20;
	s10 =	sadd.s32 s4, s0;
	s7 =	sadd.s32 s5, s6  }
0x1c: {  	s6 =	sadd.s32 $0x16800, s0;
	[dreg:$0x17] =	wrdreg s19;
	s19 =	simm.s32 $0x1770  }
0x1d: {  	s4 =	sshrl.u32 s7, $0x3;
	s7 =	sshrl.u32 s1, $0x1;
	s8 =	sadd.s32 s6, s8  }
0x1e: {  	s10 =	sadd.s32 $0x78400, s10;
	s13 =	sadd.s32 s9, s6;
	s0 =	sadd.s32 s4, s0  }
0x1f: {  	s1 =	ssub.s32 s1, s7;
	s7 =	sshrl.u32 s11, $0x2;
	s24 =	sadd.s32 $0x9C40, s8  }
0x20: {  	s7 =	sadd.s32 s7, s2;
	[smem:$0x7FD] =	sst s24;
	s24 =	simm.s32 $0x1A90  }
0x21: {  	s4 =	sadd.s32 s5, s2;
	s15 =	sadd.s32 $0x3200, s7;
	[dreg:$0x1c] =	wrdreg s24  }
0x22: {  	s11 =	sadd.s32 $0x9F600, s0;
	s17 =	sadd.s32 $0x6400, s7;
	[dreg:$0x1f] =	wrdreg s15  }
0x23: {  	s12 =	smax.u32 s1, $0x1;
	s7 =	sadd.s32 $0x9600, s7;
	[smem:$0x7FB] =	sst s17  }
0x24: {  	s0 =	simm.s32 $0x1E78;
	[smem:$0x7FC] =	sst s7;
	s7 =	simm.s32 $0xD48  }
0x25: {  	s1 =	simm.s32 $0x0;
	s15 =	simm.s32 $0xED8;
	[dreg:$0x10] =	wrdreg s7  }
0x26: {  	s24 =	simm.s32 $0x4;
	s17 =	simm.s32 $0x1130;
	[dreg:$0x13] =	wrdreg s15  }
0x27: {  	v0 =	vimm.f32 $0.0e+00;
	s15 =	simm.s32 $0x5;
	[dreg:$0x15] =	wrdreg s17;
	s17 =	simm.s32 $0x3  }
.LBB2_1:
0x28: {  	s6 =	simm.s32 $0x100;
	s5 =	simm.s32 $0x0  }
.LBB2_2:
0x29: {  	p0 =	sne.s32 s6, $0xC700;
	[tilespmem:s5+$0x1F70] =	vst v0;
	s7 =	smov.u32 s6;
	s6 =	sadd.s32 $0x100, s6  }
.Ltmp0:
0x2a: {  	[tilespmem:s5+$0x1F60] =	vst v0;
	(pc) =	sbr.rel @p0 .LBB2_2-.Ltmp0, $3  }
0x2b: {  	[tilespmem:s5+$0x1F40] =	vst v0  }
0x2c: {  	[tilespmem:s5+$0x1F50] =	vst v0;
	_ =	sdelay $0x1  }
0x2d: {  	s5 =	sshra.s32 s7, $0x2  }
0x2e: {  	[tilespmem:s5+$0x1F70] =	vst v0  }
0x2f: {  	[tilespmem:s5+$0x1F60] =	vst v0  }
0x30: {  	[tilespmem:s5+$0x1F40] =	vst v0  }
0x31: {  	[tilespmem:s5+$0x1F50] =	vst v0  }
0x32: {  	[spmem:s4] =	stream.linear.scatter [tilespmem:s14], [sflag:$0x5], $0x3200, $0x38;
	[tilespmem:$0x12340] =	vst v63  }
0x33: {  	_ =	swait.ge [sflag:s15], $0x3200  }
0x34: {  	[sflag:s15] =	ssyncset.done $0x0  }
0x35: {  	s7 =	rddreg [dreg:$0x1f];
	[sflag:s15] =	ssyncadd.s32 $0xFFFFCE00  }
0x36: {  	[spmem:s7] =	stream.linear.scatter [tilespmem:s14], [sflag:$0x5], $0x3200, $0x38;
	[tilespmem:$0x12340] =	vst v63  }
0x37: {  	_ =	swait.ge [sflag:s15], $0x3200  }
0x38: {  	s9 =	sld [smem:$0x7FB]  }
0x39: {  	[sflag:s15] =	ssyncset.done $0x0  }
0x3a: {  	[sflag:s15] =	ssyncadd.s32 $0xFFFFCE00  }
0x3b: {  	[spmem:s9] =	stream.linear.scatter [tilespmem:s14], [sflag:$0x5], $0x3200, $0x38;
	[tilespmem:$0x12340] =	vst v63  }
0x3c: {  	_ =	swait.ge [sflag:s15], $0x3200  }
0x3d: {  	s6 =	sld [smem:$0x7FC]  }
0x3e: {  	[sflag:s15] =	ssyncset.done $0x0  }
0x3f: {  	[sflag:s15] =	ssyncadd.s32 $0xFFFFCE00  }
0x40: {  	[spmem:s6] =	stream.linear.scatter [tilespmem:s14], [sflag:$0x5], $0xA00, $0x38;
	[tilespmem:$0x12340] =	vst v63  }
0x41: {  	_ =	swait.ge [sflag:s15], $0xA00  }
0x42: {  	[sflag:s15] =	ssyncset.done $0x0  }
0x43: {  	[sflag:s15] =	ssyncadd.s32 $0xFFFFF600  }
0x44: {  	[bflag:$0x0] =	sbarrier.arrive $0xFFFF  }
0x45: {  	s7 =	simm.s32 $0x0;
	s6 =	sld [smem:$0x7FD]  }
0x46: {  	[tilespmem:s7], [sflag:$0x3] =	stream.linear.gather [hbm4b:s8+s7], $0x7D0, $0x38;
	[tilespmem:$0x12340] =	vst v63  }
0x47: {  	_ = 	snop  }
0x48: {  	[tilespmem:s16], [sflag:$0x3] =	stream.linear.gather [hbm4b:s6+s7], $0x7D0, $0x38;
	[tilespmem:$0x12340] =	vst v63  }
0x49: {  	_ =	swait.ge [sflag:s17], $0x7D0  }
0x4a: {  	[sflag:s17] =	ssyncset.done $0x0  }
0x4b: {  	[sflag:s17] =	ssyncadd.s32 $0xFFFFF830  }
0x4c: {  	_ =	swait.ge [sflag:s17], $0x7D0  }
0x4d: {  	s9 =	sadd.s32 $0x0, s13;
	[sflag:s17] =	ssyncset.done $0x0  }
0x4e: {  	s7 =	sadd.s32 $0xFA, s9;
	[sflag:s17] =	ssyncadd.s32 $0xFFFFF830  }
0x4f: {  	[tilespmem:s18], [sflag:$0x4] =	stream.linear.gather [hbm4b:s7+s3], $0x7D0, $0x38;
	[tilespmem:$0x12340] =	vst v63  }
0x50: {  	s5 =	sadd.s32 $0x9D3A, s9  }
0x51: {  	[tilespmem:s19], [sflag:$0x4] =	stream.linear.gather [hbm4b:s5+s3], $0x7D0, $0x38;
	[tilespmem:$0x12340] =	vst v63  }
0x52: {  	_ = 	snop  }
0x53: {  	[tilespmem:s14], [sflag:$0x1] =	stream.indirect.gather [hbm4b:s10+s20], $0x40, s3, s20, $0xb8;
	[tilespmem:$0x12340] =	vst v63  }
0x54: {  	_ = 	snop  }
0x55: {  	[tilespmem:s21], [sflag:$0x2] =	stream.indirect.gather [hbm4b:s10+s20], $0x40, s20, s20, $0xb8;
	[tilespmem:$0x12340] =	vst v63  }
0x56: {  	_ =	swait.ge [sflag:s22], $0x3200  }
0x57: {  	[sflag:s22] =	ssyncset.done $0x0  }
0x58: {  	[sflag:s22] =	ssyncadd.s32 $0xFFFFCE00  }
0x59: {  	[spmem:s2] =	stream.indirect.scatter.add.f32 [tilespmem:s14], [sflag:$0x5], $0x40, s16, s20, $0xb8;
	[tilespmem:$0x12340] =	vst v63  }
0x5a: {  	_ =	swait.ge [sflag:s15], $0x3200  }
0x5b: {  	[sflag:s15] =	ssyncset.done $0x0  }
0x5c: {  	s9 =	rddreg [dreg:$0x3];
	[sflag:s15] =	ssyncadd.s32 $0xFFFFCE00  }
0x5d: {  	[tilespmem:s14], [sflag:$0x1] =	stream.indirect.gather [hbm4b:s10+s20], $0x40, s9, s20, $0xb8;
	[tilespmem:$0x12340] =	vst v63  }
0x5e: {  	_ =	swait.ge [sflag:s23], $0x3200  }
0x5f: {  	[sflag:s23] =	ssyncset.done $0x0  }
0x60: {  	s6 =	rddreg [dreg:$0x4];
	[sflag:s23] =	ssyncadd.s32 $0xFFFFCE00  }
0x61: {  	[spmem:s2] =	stream.indirect.scatter.add.f32 [tilespmem:s21], [sflag:$0x5], $0x40, s6, s20, $0xb8;
	[tilespmem:$0x12340] =	vst v63  }
0x62: {  	_ =	swait.ge [sflag:s15], $0x3200  }
0x63: {  	[sflag:s15] =	ssyncset.done $0x0  }
0x64: {  	s7 =	rddreg [dreg:$0x5];
	[sflag:s15] =	ssyncadd.s32 $0xFFFFCE00  }
0x65: {  	[tilespmem:s21], [sflag:$0x2] =	stream.indirect.gather [hbm4b:s10+s20], $0x40, s7, s20, $0xb8;
	[tilespmem:$0x12340] =	vst v63  }
0x66: {  	_ =	swait.ge [sflag:s22], $0x3200  }
0x67: {  	[sflag:s22] =	ssyncset.done $0x0  }
0x68: {  	s9 =	rddreg [dreg:$0x6];
	[sflag:s22] =	ssyncadd.s32 $0xFFFFCE00  }
0x69: {  	[spmem:s2] =	stream.indirect.scatter.add.f32 [tilespmem:s14], [sflag:$0x5], $0x40, s9, s20, $0xb8;
	[tilespmem:$0x12340] =	vst v63  }
0x6a: {  	_ =	swait.ge [sflag:s15], $0x3200  }
0x6b: {  	[sflag:s15] =	ssyncset.done $0x0  }
0x6c: {  	s6 =	rddreg [dreg:$0x7];
	[sflag:s15] =	ssyncadd.s32 $0xFFFFCE00  }
0x6d: {  	[tilespmem:s14], [sflag:$0x1] =	stream.indirect.gather [hbm4b:s10+s20], $0x40, s6, s20, $0xb8;
	[tilespmem:$0x12340] =	vst v63  }
0x6e: {  	_ =	swait.ge [sflag:s23], $0x3200  }
0x6f: {  	[sflag:s23] =	ssyncset.done $0x0  }
0x70: {  	s7 =	rddreg [dreg:$0x8];
	[sflag:s23] =	ssyncadd.s32 $0xFFFFCE00  }
0x71: {  	[spmem:s2] =	stream.indirect.scatter.add.f32 [tilespmem:s21], [sflag:$0x5], $0x40, s7, s20, $0xb8;
	[tilespmem:$0x12340] =	vst v63  }
0x72: {  	_ =	swait.ge [sflag:s15], $0x3200  }
0x73: {  	[sflag:s15] =	ssyncset.done $0x0  }
0x74: {  	s9 =	rddreg [dreg:$0x9];
	[sflag:s15] =	ssyncadd.s32 $0xFFFFCE00  }
0x75: {  	[tilespmem:s21], [sflag:$0x2] =	stream.indirect.gather [hbm4b:s10+s20], $0x40, s9, s20, $0xb8;
	[tilespmem:$0x12340] =	vst v63  }
0x76: {  	_ =	swait.ge [sflag:s22], $0x3200  }
0x77: {  	[sflag:s22] =	ssyncset.done $0x0  }
0x78: {  	s6 =	rddreg [dreg:$0xa];
	[sflag:s22] =	ssyncadd.s32 $0xFFFFCE00  }
0x79: {  	[spmem:s2] =	stream.indirect.scatter.add.f32 [tilespmem:s14], [sflag:$0x5], $0x40, s6, s20, $0xb8;
	[tilespmem:$0x12340] =	vst v63  }
0x7a: {  	_ =	swait.ge [sflag:s15], $0x3200  }
0x7b: {  	[sflag:s15] =	ssyncset.done $0x0  }
0x7c: {  	s7 =	rddreg [dreg:$0xb];
	[sflag:s15] =	ssyncadd.s32 $0xFFFFCE00  }
0x7d: {  	[tilespmem:s14], [sflag:$0x1] =	stream.indirect.gather [hbm4b:s10+s20], $0x40, s7, s20, $0xb8;
	[tilespmem:$0x12340] =	vst v63  }
0x7e: {  	_ =	swait.ge [sflag:s23], $0x3200  }
0x7f: {  	[sflag:s23] =	ssyncset.done $0x0  }
0x80: {  	s9 =	rddreg [dreg:$0xc];
	[sflag:s23] =	ssyncadd.s32 $0xFFFFCE00  }
0x81: {  	[spmem:s2] =	stream.indirect.scatter.add.f32 [tilespmem:s21], [sflag:$0x5], $0x40, s9, s20, $0xb8;
	[tilespmem:$0x12340] =	vst v63  }
0x82: {  	_ =	swait.ge [sflag:s15], $0x3200  }
0x83: {  	[sflag:s15] =	ssyncset.done $0x0  }
0x84: {  	s6 =	rddreg [dreg:$0xd];
	[sflag:s15] =	ssyncadd.s32 $0xFFFFCE00  }
0x85: {  	[tilespmem:s21], [sflag:$0x2] =	stream.indirect.gather [hbm4b:s10+s20], $0x40, s6, s20, $0xb8;
	[tilespmem:$0x12340] =	vst v63  }
0x86: {  	_ =	swait.ge [sflag:s22], $0x3200  }
0x87: {  	[sflag:s22] =	ssyncset.done $0x0  }
0x88: {  	s7 =	rddreg [dreg:$0xe];
	[sflag:s22] =	ssyncadd.s32 $0xFFFFCE00  }
0x89: {  	[spmem:s2] =	stream.indirect.scatter.add.f32 [tilespmem:s14], [sflag:$0x5], $0x40, s7, s20, $0xb8;
	[tilespmem:$0x12340] =	vst v63  }
0x8a: {  	_ =	swait.ge [sflag:s15], $0x3200  }
0x8b: {  	[sflag:s15] =	ssyncset.done $0x0  }
0x8c: {  	s9 =	rddreg [dreg:$0xf];
	[sflag:s15] =	ssyncadd.s32 $0xFFFFCE00  }
0x8d: {  	[tilespmem:s14], [sflag:$0x1] =	stream.indirect.gather [hbm4b:s10+s20], $0x40, s9, s20, $0xb8;
	[tilespmem:$0x12340] =	vst v63  }
0x8e: {  	_ =	swait.ge [sflag:s23], $0x3200  }
0x8f: {  	[sflag:s23] =	ssyncset.done $0x0  }
0x90: {  	s6 =	rddreg [dreg:$0x10];
	[sflag:s23] =	ssyncadd.s32 $0xFFFFCE00  }
0x91: {  	[spmem:s2] =	stream.indirect.scatter.add.f32 [tilespmem:s21], [sflag:$0x5], $0x40, s6, s20, $0xb8;
	[tilespmem:$0x12340] =	vst v63  }
0x92: {  	_ =	swait.ge [sflag:s15], $0x3200  }
0x93: {  	[sflag:s15] =	ssyncset.done $0x0  }
0x94: {  	s7 =	rddreg [dreg:$0x11];
	[sflag:s15] =	ssyncadd.s32 $0xFFFFCE00  }
0x95: {  	[tilespmem:s21], [sflag:$0x2] =	stream.indirect.gather [hbm4b:s10+s20], $0x40, s7, s20, $0xb8;
	[tilespmem:$0x12340] =	vst v63  }
0x96: {  	_ =	swait.ge [sflag:s22], $0x3200  }
0x97: {  	[sflag:s22] =	ssyncset.done $0x0  }
0x98: {  	s9 =	rddreg [dreg:$0x12];
	[sflag:s22] =	ssyncadd.s32 $0xFFFFCE00  }
0x99: {  	[spmem:s2] =	stream.indirect.scatter.add.f32 [tilespmem:s14], [sflag:$0x5], $0x40, s9, s20, $0xb8;
	[tilespmem:$0x12340] =	vst v63  }
0x9a: {  	_ =	swait.ge [sflag:s15], $0x3200  }
0x9b: {  	[sflag:s15] =	ssyncset.done $0x0  }
0x9c: {  	[sflag:s15] =	ssyncadd.s32 $0xFFFFCE00  }
0x9d: {  	_ =	swait.ge [sflag:s23], $0x3200  }
0x9e: {  	[sflag:s23] =	ssyncset.done $0x0  }
0x9f: {  	s6 =	rddreg [dreg:$0x13];
	[sflag:s23] =	ssyncadd.s32 $0xFFFFCE00  }
0xa0: {  	[spmem:s2] =	stream.indirect.scatter.add.f32 [tilespmem:s21], [sflag:$0x5], $0x40, s6, s20, $0xb8;
	[tilespmem:$0x12340] =	vst v63  }
0xa1: {  	_ =	swait.ge [sflag:s15], $0x3200  }
0xa2: {  	[sflag:s15] =	ssyncset.done $0x0  }
0xa3: {  	[sflag:s15] =	ssyncadd.s32 $0xFFFFCE00  }
0xa4: {  	_ =	swait.ge [sflag:s24], $0x7D0  }
0xa5: {  	[sflag:s24] =	ssyncset.done $0x0  }
0xa6: {  	[sflag:s24] =	ssyncadd.s32 $0xFFFFF830  }
0xa7: {  	p0 =	por $0x0, $0x0;
	_ =	swait.ge [sflag:s24], $0x7D0  }
0xa8: {  	s5 =	sadd.s32 @!p0 $0x0, s13;
	[sflag:s24] =	ssyncset.done $0x0  }
0xa9: {  	s7 =	simm.s32 @!p0 $0x0;
	s6 =	sadd.s32 @!p0 $0x1F4, s5;
	[sflag:s24] =	ssyncadd.s32 $0xFFFFF830  }
0xaa: {  	[tilespmem:s7], [sflag:$0x3] =	stream.linear.gather @!p0 [hbm4b:s6+s7], $0x7D0, $0x38;
	[tilespmem:$0x12340] =	vst v63  }
0xab: {  	s5 =	sadd.s32 @!p0 $0x9E34, s5;
	s6 =	simm.s32 @!p0 $0x7D0  }
0xac: {  	[tilespmem:s6], [sflag:$0x3] =	stream.linear.gather @!p0 [hbm4b:s5+s7], $0x7D0, $0x38;
	[tilespmem:$0x12340] =	vst v63  }
0xad: {  	_ = 	snop  }
0xae: {  	[tilespmem:s14], [sflag:$0x1] =	stream.indirect.gather [hbm4b:s10+s20], $0x40, s18, s20, $0xb8;
	[tilespmem:$0x12340] =	vst v63  }
0xaf: {  	s7 =	rddreg [dreg:$0x14]  }
0xb0: {  	[tilespmem:s21], [sflag:$0x2] =	stream.indirect.gather [hbm4b:s10+s20], $0x40, s7, s20, $0xb8;
	[tilespmem:$0x12340] =	vst v63  }
0xb1: {  	_ =	swait.ge [sflag:s22], $0x3200  }
0xb2: {  	[sflag:s22] =	ssyncset.done $0x0  }
0xb3: {  	[sflag:s22] =	ssyncadd.s32 $0xFFFFCE00  }
0xb4: {  	[spmem:s2] =	stream.indirect.scatter.add.f32 [tilespmem:s14], [sflag:$0x5], $0x40, s19, s20, $0xb8;
	[tilespmem:$0x12340] =	vst v63  }
0xb5: {  	_ =	swait.ge [sflag:s15], $0x3200  }
0xb6: {  	[sflag:s15] =	ssyncset.done $0x0  }
0xb7: {  	s9 =	rddreg [dreg:$0x15];
	[sflag:s15] =	ssyncadd.s32 $0xFFFFCE00  }
0xb8: {  	[tilespmem:s14], [sflag:$0x1] =	stream.indirect.gather [hbm4b:s10+s20], $0x40, s9, s20, $0xb8;
	[tilespmem:$0x12340] =	vst v63  }
0xb9: {  	_ =	swait.ge [sflag:s23], $0x3200  }
0xba: {  	[sflag:s23] =	ssyncset.done $0x0  }
0xbb: {  	s6 =	rddreg [dreg:$0x16];
	[sflag:s23] =	ssyncadd.s32 $0xFFFFCE00  }
0xbc: {  	[spmem:s2] =	stream.indirect.scatter.add.f32 [tilespmem:s21], [sflag:$0x5], $0x40, s6, s20, $0xb8;
	[tilespmem:$0x12340] =	vst v63  }
0xbd: {  	_ =	swait.ge [sflag:s15], $0x3200  }
0xbe: {  	[sflag:s15] =	ssyncset.done $0x0  }
0xbf: {  	s7 =	rddreg [dreg:$0x17];
	[sflag:s15] =	ssyncadd.s32 $0xFFFFCE00  }
0xc0: {  	[tilespmem:s21], [sflag:$0x2] =	stream.indirect.gather [hbm4b:s10+s20], $0x40, s7, s20, $0xb8;
	[tilespmem:$0x12340] =	vst v63  }
0xc1: {  	_ =	swait.ge [sflag:s22], $0x3200  }
0xc2: {  	[sflag:s22] =	ssyncset.done $0x0  }
0xc3: {  	s9 =	rddreg [dreg:$0x18];
	[sflag:s22] =	ssyncadd.s32 $0xFFFFCE00  }
0xc4: {  	[spmem:s2] =	stream.indirect.scatter.add.f32 [tilespmem:s14], [sflag:$0x5], $0x40, s9, s20, $0xb8;
	[tilespmem:$0x12340] =	vst v63  }
0xc5: {  	_ =	swait.ge [sflag:s15], $0x3200  }
0xc6: {  	[sflag:s15] =	ssyncset.done $0x0  }
0xc7: {  	s6 =	rddreg [dreg:$0x19];
	[sflag:s15] =	ssyncadd.s32 $0xFFFFCE00  }
0xc8: {  	[tilespmem:s14], [sflag:$0x1] =	stream.indirect.gather [hbm4b:s10+s20], $0x40, s6, s20, $0xb8;
	[tilespmem:$0x12340] =	vst v63  }
0xc9: {  	_ =	swait.ge [sflag:s23], $0x3200  }
0xca: {  	[sflag:s23] =	ssyncset.done $0x0  }
0xcb: {  	s7 =	rddreg [dreg:$0x1a];
	[sflag:s23] =	ssyncadd.s32 $0xFFFFCE00  }
0xcc: {  	[spmem:s2] =	stream.indirect.scatter.add.f32 [tilespmem:s21], [sflag:$0x5], $0x40, s7, s20, $0xb8;
	[tilespmem:$0x12340] =	vst v63  }
0xcd: {  	_ =	swait.ge [sflag:s15], $0x3200  }
0xce: {  	[sflag:s15] =	ssyncset.done $0x0  }
0xcf: {  	s9 =	rddreg [dreg:$0x1b];
	[sflag:s15] =	ssyncadd.s32 $0xFFFFCE00  }
0xd0: {  	[tilespmem:s21], [sflag:$0x2] =	stream.indirect.gather [hbm4b:s10+s20], $0x40, s9, s20, $0xb8;
	[tilespmem:$0x12340] =	vst v63  }
0xd1: {  	_ =	swait.ge [sflag:s22], $0x3200  }
0xd2: {  	[sflag:s22] =	ssyncset.done $0x0  }
0xd3: {  	s6 =	rddreg [dreg:$0x1c];
	[sflag:s22] =	ssyncadd.s32 $0xFFFFCE00  }
0xd4: {  	[spmem:s2] =	stream.indirect.scatter.add.f32 [tilespmem:s14], [sflag:$0x5], $0x40, s6, s20, $0xb8;
	[tilespmem:$0x12340] =	vst v63  }
0xd5: {  	_ =	swait.ge [sflag:s15], $0x3200  }
0xd6: {  	[sflag:s15] =	ssyncset.done $0x0  }
0xd7: {  	s7 =	rddreg [dreg:$0x1d];
	[sflag:s15] =	ssyncadd.s32 $0xFFFFCE00  }
0xd8: {  	[tilespmem:s14], [sflag:$0x1] =	stream.indirect.gather [hbm4b:s10+s20], $0x40, s7, s20, $0xb8;
	[tilespmem:$0x12340] =	vst v63  }
0xd9: {  	_ =	swait.ge [sflag:s23], $0x3200  }
0xda: {  	[sflag:s23] =	ssyncset.done $0x0  }
0xdb: {  	s9 =	rddreg [dreg:$0x1e];
	[sflag:s23] =	ssyncadd.s32 $0xFFFFCE00  }
0xdc: {  	[spmem:s2] =	stream.indirect.scatter.add.f32 [tilespmem:s21], [sflag:$0x5], $0x40, s9, s20, $0xb8;
	[tilespmem:$0x12340] =	vst v63  }
0xdd: {  	_ =	swait.ge [sflag:s15], $0x3200  }
0xde: {  	[sflag:s15] =	ssyncset.done $0x0  }
0xdf: {  	[sflag:s15] =	ssyncadd.s32 $0xFFFFCE00  }
0xe0: {  	[tilespmem:s21], [sflag:$0x2] =	stream.indirect.gather [hbm4b:s10+s20], $0x40, s25, s20, $0xb8;
	[tilespmem:$0x12340] =	vst v63  }
0xe1: {  	_ =	swait.ge [sflag:s22], $0x3200  }
0xe2: {  	[sflag:s22] =	ssyncset.done $0x0  }
0xe3: {  	[sflag:s22] =	ssyncadd.s32 $0xFFFFCE00  }
0xe4: {  	[spmem:s2] =	stream.indirect.scatter.add.f32 [tilespmem:s14], [sflag:$0x5], $0x40, s26, s20, $0xb8;
	[tilespmem:$0x12340] =	vst v63  }
0xe5: {  	_ =	swait.ge [sflag:s15], $0x3200  }
0xe6: {  	[sflag:s15] =	ssyncset.done $0x0  }
0xe7: {  	[sflag:s15] =	ssyncadd.s32 $0xFFFFCE00  }
0xe8: {  	[tilespmem:s14], [sflag:$0x1] =	stream.indirect.gather [hbm4b:s10+s20], $0x40, s28, s20, $0xb8;
	[tilespmem:$0x12340] =	vst v63  }
0xe9: {  	_ =	swait.ge [sflag:s23], $0x3200  }
0xea: {  	[sflag:s23] =	ssyncset.done $0x0  }
0xeb: {  	[sflag:s23] =	ssyncadd.s32 $0xFFFFCE00  }
0xec: {  	[spmem:s2] =	stream.indirect.scatter.add.f32 [tilespmem:s21], [sflag:$0x5], $0x40, s29, s20, $0xb8;
	[tilespmem:$0x12340] =	vst v63  }
0xed: {  	_ =	swait.ge [sflag:s15], $0x3200  }
0xee: {  	[sflag:s15] =	ssyncset.done $0x0  }
0xef: {  	[sflag:s15] =	ssyncadd.s32 $0xFFFFCE00  }
0xf0: {  	[tilespmem:s21], [sflag:$0x2] =	stream.indirect.gather [hbm4b:s10+s20], $0x40, s30, s20, $0xb8;
	[tilespmem:$0x12340] =	vst v63  }
0xf1: {  	_ =	swait.ge [sflag:s22], $0x3200  }
0xf2: {  	[sflag:s22] =	ssyncset.done $0x0  }
0xf3: {  	[sflag:s22] =	ssyncadd.s32 $0xFFFFCE00  }
0xf4: {  	[spmem:s2] =	stream.indirect.scatter.add.f32 [tilespmem:s14], [sflag:$0x5], $0x40, s31, s20, $0xb8;
	[tilespmem:$0x12340] =	vst v63  }
0xf5: {  	_ =	swait.ge [sflag:s15], $0x3200  }
0xf6: {  	[sflag:s15] =	ssyncset.done $0x0  }
0xf7: {  	[sflag:s15] =	ssyncadd.s32 $0xFFFFCE00  }
0xf8: {  	_ =	swait.ge [sflag:s23], $0x3200  }
0xf9: {  	[sflag:s23] =	ssyncset.done $0x0  }
0xfa: {  	[sflag:s23] =	ssyncadd.s32 $0xFFFFCE00  }
0xfb: {  	[spmem:s2] =	stream.indirect.scatter.add.f32 [tilespmem:s21], [sflag:$0x5], $0x40, s0, s20, $0xb8;
	[tilespmem:$0x12340] =	vst v63  }
0xfc: {  	_ =	swait.ge [sflag:s15], $0x3200  }
0xfd: {  	s5 =	simm.s32 $0x1F4;
	[sflag:s15] =	ssyncset.done $0x0  }
.LBB2_4:
0xfe: {  	[sflag:s15] =	ssyncadd.s32 $0xFFFFCE00  }
0xff: {  	_ =	swait.ge [sflag:s17], $0x7D0  }
0x100: {  	[sflag:s17] =	ssyncset.done $0x0  }
0x101: {  	[sflag:s17] =	ssyncadd.s32 $0xFFFFF830  }
0x102: {  	s6 =	smov.u32 s5;
	_ =	swait.ge [sflag:s17], $0x7D0  }
0x103: {  	s7 =	sadd.s32 s6, s13;
	[sflag:s17] =	ssyncset.done $0x0  }
0x104: {  	s9 =	sadd.s32 $0xFA, s7;
	[sflag:s17] =	ssyncadd.s32 $0xFFFFF830  }
0x105: {  	[tilespmem:s18], [sflag:$0x4] =	stream.linear.gather [hbm4b:s9+s3], $0x7D0, $0x38;
	[tilespmem:$0x12340] =	vst v63  }
0x106: {  	s7 =	sadd.s32 $0x9D3A, s7  }
0x107: {  	[tilespmem:s19], [sflag:$0x4] =	stream.linear.gather [hbm4b:s7+s3], $0x7D0, $0x38;
	[tilespmem:$0x12340] =	vst v63  }
0x108: {  	_ = 	snop  }
0x109: {  	[tilespmem:s14], [sflag:$0x1] =	stream.indirect.gather [hbm4b:s10+s20], $0x40, s3, s20, $0xb8;
	[tilespmem:$0x12340] =	vst v63  }
0x10a: {  	_ = 	snop  }
0x10b: {  	[tilespmem:s21], [sflag:$0x2] =	stream.indirect.gather [hbm4b:s10+s20], $0x40, s20, s20, $0xb8;
	[tilespmem:$0x12340] =	vst v63  }
0x10c: {  	_ =	swait.ge [sflag:s22], $0x3200  }
0x10d: {  	[sflag:s22] =	ssyncset.done $0x0  }
0x10e: {  	[sflag:s22] =	ssyncadd.s32 $0xFFFFCE00  }
0x10f: {  	[spmem:s2] =	stream.indirect.scatter.add.f32 [tilespmem:s14], [sflag:$0x5], $0x40, s16, s20, $0xb8;
	[tilespmem:$0x12340] =	vst v63  }
0x110: {  	_ =	swait.ge [sflag:s15], $0x3200  }
0x111: {  	[sflag:s15] =	ssyncset.done $0x0  }
0x112: {  	s9 =	rddreg [dreg:$0x3];
	[sflag:s15] =	ssyncadd.s32 $0xFFFFCE00  }
0x113: {  	[tilespmem:s14], [sflag:$0x1] =	stream.indirect.gather [hbm4b:s10+s20], $0x40, s9, s20, $0xb8;
	[tilespmem:$0x12340] =	vst v63  }
0x114: {  	_ =	swait.ge [sflag:s23], $0x3200  }
0x115: {  	[sflag:s23] =	ssyncset.done $0x0  }
0x116: {  	s9 =	rddreg [dreg:$0x4];
	[sflag:s23] =	ssyncadd.s32 $0xFFFFCE00  }
0x117: {  	[spmem:s2] =	stream.indirect.scatter.add.f32 [tilespmem:s21], [sflag:$0x5], $0x40, s9, s20, $0xb8;
	[tilespmem:$0x12340] =	vst v63  }
0x118: {  	_ =	swait.ge [sflag:s15], $0x3200  }
0x119: {  	[sflag:s15] =	ssyncset.done $0x0  }
0x11a: {  	s9 =	rddreg [dreg:$0x5];
	[sflag:s15] =	ssyncadd.s32 $0xFFFFCE00  }
0x11b: {  	[tilespmem:s21], [sflag:$0x2] =	stream.indirect.gather [hbm4b:s10+s20], $0x40, s9, s20, $0xb8;
	[tilespmem:$0x12340] =	vst v63  }
0x11c: {  	_ =	swait.ge [sflag:s22], $0x3200  }
0x11d: {  	[sflag:s22] =	ssyncset.done $0x0  }
0x11e: {  	s9 =	rddreg [dreg:$0x6];
	[sflag:s22] =	ssyncadd.s32 $0xFFFFCE00  }
0x11f: {  	[spmem:s2] =	stream.indirect.scatter.add.f32 [tilespmem:s14], [sflag:$0x5], $0x40, s9, s20, $0xb8;
	[tilespmem:$0x12340] =	vst v63  }
0x120: {  	_ =	swait.ge [sflag:s15], $0x3200  }
0x121: {  	[sflag:s15] =	ssyncset.done $0x0  }
0x122: {  	s9 =	rddreg [dreg:$0x7];
	[sflag:s15] =	ssyncadd.s32 $0xFFFFCE00  }
0x123: {  	[tilespmem:s14], [sflag:$0x1] =	stream.indirect.gather [hbm4b:s10+s20], $0x40, s9, s20, $0xb8;
	[tilespmem:$0x12340] =	vst v63  }
0x124: {  	_ =	swait.ge [sflag:s23], $0x3200  }
0x125: {  	[sflag:s23] =	ssyncset.done $0x0  }
0x126: {  	s9 =	rddreg [dreg:$0x8];
	[sflag:s23] =	ssyncadd.s32 $0xFFFFCE00  }
0x127: {  	[spmem:s2] =	stream.indirect.scatter.add.f32 [tilespmem:s21], [sflag:$0x5], $0x40, s9, s20, $0xb8;
	[tilespmem:$0x12340] =	vst v63  }
0x128: {  	_ =	swait.ge [sflag:s15], $0x3200  }
0x129: {  	[sflag:s15] =	ssyncset.done $0x0  }
0x12a: {  	s9 =	rddreg [dreg:$0x9];
	[sflag:s15] =	ssyncadd.s32 $0xFFFFCE00  }
0x12b: {  	[tilespmem:s21], [sflag:$0x2] =	stream.indirect.gather [hbm4b:s10+s20], $0x40, s9, s20, $0xb8;
	[tilespmem:$0x12340] =	vst v63  }
0x12c: {  	_ =	swait.ge [sflag:s22], $0x3200  }
0x12d: {  	[sflag:s22] =	ssyncset.done $0x0  }
0x12e: {  	s9 =	rddreg [dreg:$0xa];
	[sflag:s22] =	ssyncadd.s32 $0xFFFFCE00  }
0x12f: {  	[spmem:s2] =	stream.indirect.scatter.add.f32 [tilespmem:s14], [sflag:$0x5], $0x40, s9, s20, $0xb8;
	[tilespmem:$0x12340] =	vst v63  }
0x130: {  	_ =	swait.ge [sflag:s15], $0x3200  }
0x131: {  	[sflag:s15] =	ssyncset.done $0x0  }
0x132: {  	s9 =	rddreg [dreg:$0xb];
	[sflag:s15] =	ssyncadd.s32 $0xFFFFCE00  }
0x133: {  	[tilespmem:s14], [sflag:$0x1] =	stream.indirect.gather [hbm4b:s10+s20], $0x40, s9, s20, $0xb8;
	[tilespmem:$0x12340] =	vst v63  }
0x134: {  	_ =	swait.ge [sflag:s23], $0x3200  }
0x135: {  	[sflag:s23] =	ssyncset.done $0x0  }
0x136: {  	s9 =	rddreg [dreg:$0xc];
	[sflag:s23] =	ssyncadd.s32 $0xFFFFCE00  }
0x137: {  	[spmem:s2] =	stream.indirect.scatter.add.f32 [tilespmem:s21], [sflag:$0x5], $0x40, s9, s20, $0xb8;
	[tilespmem:$0x12340] =	vst v63  }
0x138: {  	_ =	swait.ge [sflag:s15], $0x3200  }
0x139: {  	[sflag:s15] =	ssyncset.done $0x0  }
0x13a: {  	s9 =	rddreg [dreg:$0xd];
	[sflag:s15] =	ssyncadd.s32 $0xFFFFCE00  }
0x13b: {  	[tilespmem:s21], [sflag:$0x2] =	stream.indirect.gather [hbm4b:s10+s20], $0x40, s9, s20, $0xb8;
	[tilespmem:$0x12340] =	vst v63  }
0x13c: {  	_ =	swait.ge [sflag:s22], $0x3200  }
0x13d: {  	[sflag:s22] =	ssyncset.done $0x0  }
0x13e: {  	s9 =	rddreg [dreg:$0xe];
	[sflag:s22] =	ssyncadd.s32 $0xFFFFCE00  }
0x13f: {  	[spmem:s2] =	stream.indirect.scatter.add.f32 [tilespmem:s14], [sflag:$0x5], $0x40, s9, s20, $0xb8;
	[tilespmem:$0x12340] =	vst v63  }
0x140: {  	_ =	swait.ge [sflag:s15], $0x3200  }
0x141: {  	[sflag:s15] =	ssyncset.done $0x0  }
0x142: {  	s9 =	rddreg [dreg:$0xf];
	[sflag:s15] =	ssyncadd.s32 $0xFFFFCE00  }
0x143: {  	[tilespmem:s14], [sflag:$0x1] =	stream.indirect.gather [hbm4b:s10+s20], $0x40, s9, s20, $0xb8;
	[tilespmem:$0x12340] =	vst v63  }
0x144: {  	_ =	swait.ge [sflag:s23], $0x3200  }
0x145: {  	[sflag:s23] =	ssyncset.done $0x0  }
0x146: {  	s9 =	rddreg [dreg:$0x10];
	[sflag:s23] =	ssyncadd.s32 $0xFFFFCE00  }
0x147: {  	[spmem:s2] =	stream.indirect.scatter.add.f32 [tilespmem:s21], [sflag:$0x5], $0x40, s9, s20, $0xb8;
	[tilespmem:$0x12340] =	vst v63  }
0x148: {  	_ =	swait.ge [sflag:s15], $0x3200  }
0x149: {  	[sflag:s15] =	ssyncset.done $0x0  }
0x14a: {  	s9 =	rddreg [dreg:$0x11];
	[sflag:s15] =	ssyncadd.s32 $0xFFFFCE00  }
0x14b: {  	[tilespmem:s21], [sflag:$0x2] =	stream.indirect.gather [hbm4b:s10+s20], $0x40, s9, s20, $0xb8;
	[tilespmem:$0x12340] =	vst v63  }
0x14c: {  	_ =	swait.ge [sflag:s22], $0x3200  }
0x14d: {  	[sflag:s22] =	ssyncset.done $0x0  }
0x14e: {  	s9 =	rddreg [dreg:$0x12];
	[sflag:s22] =	ssyncadd.s32 $0xFFFFCE00  }
0x14f: {  	[spmem:s2] =	stream.indirect.scatter.add.f32 [tilespmem:s14], [sflag:$0x5], $0x40, s9, s20, $0xb8;
	[tilespmem:$0x12340] =	vst v63  }
0x150: {  	_ =	swait.ge [sflag:s15], $0x3200  }
0x151: {  	[sflag:s15] =	ssyncset.done $0x0  }
0x152: {  	[sflag:s15] =	ssyncadd.s32 $0xFFFFCE00  }
0x153: {  	_ =	swait.ge [sflag:s23], $0x3200  }
0x154: {  	[sflag:s23] =	ssyncset.done $0x0  }
0x155: {  	s9 =	rddreg [dreg:$0x13];
	[sflag:s23] =	ssyncadd.s32 $0xFFFFCE00  }
0x156: {  	[spmem:s2] =	stream.indirect.scatter.add.f32 [tilespmem:s21], [sflag:$0x5], $0x40, s9, s20, $0xb8;
	[tilespmem:$0x12340] =	vst v63  }
0x157: {  	_ =	swait.ge [sflag:s15], $0x3200  }
0x158: {  	[sflag:s15] =	ssyncset.done $0x0  }
0x159: {  	[sflag:s15] =	ssyncadd.s32 $0xFFFFCE00  }
0x15a: {  	_ =	swait.ge [sflag:s24], $0x7D0  }
0x15b: {  	[sflag:s24] =	ssyncset.done $0x0  }
0x15c: {  	[sflag:s24] =	ssyncadd.s32 $0xFFFFF830  }
0x15d: {  	p1 =	seq.s32 s6, $0x7D0;
	_ =	swait.ge [sflag:s24], $0x7D0  }
0x15e: {  	s6 =	sadd.s32 @!p1 s6, s13;
	[sflag:s24] =	ssyncset.done $0x0  }
0x15f: {  	s7 =	sadd.s32 @!p1 $0x1F4, s6;
	s9 =	simm.s32 @!p1 $0x0;
	[sflag:s24] =	ssyncadd.s32 $0xFFFFF830  }
0x160: {  	[tilespmem:s9], [sflag:$0x3] =	stream.linear.gather @!p1 [hbm4b:s7+s9], $0x7D0, $0x38;
	[tilespmem:$0x12340] =	vst v63  }
0x161: {  	s6 =	sadd.s32 @!p1 $0x9E34, s6;
	s7 =	simm.s32 @!p1 $0x7D0  }
0x162: {  	[tilespmem:s7], [sflag:$0x3] =	stream.linear.gather @!p1 [hbm4b:s6+s9], $0x7D0, $0x38;
	[tilespmem:$0x12340] =	vst v63  }
0x163: {  	_ = 	snop  }
0x164: {  	[tilespmem:s14], [sflag:$0x1] =	stream.indirect.gather [hbm4b:s10+s20], $0x40, s18, s20, $0xb8;
	[tilespmem:$0x12340] =	vst v63  }
0x165: {  	s9 =	rddreg [dreg:$0x14]  }
0x166: {  	[tilespmem:s21], [sflag:$0x2] =	stream.indirect.gather [hbm4b:s10+s20], $0x40, s9, s20, $0xb8;
	[tilespmem:$0x12340] =	vst v63  }
0x167: {  	_ =	swait.ge [sflag:s22], $0x3200  }
0x168: {  	[sflag:s22] =	ssyncset.done $0x0  }
0x169: {  	[sflag:s22] =	ssyncadd.s32 $0xFFFFCE00  }
0x16a: {  	[spmem:s2] =	stream.indirect.scatter.add.f32 [tilespmem:s14], [sflag:$0x5], $0x40, s19, s20, $0xb8;
	[tilespmem:$0x12340] =	vst v63  }
0x16b: {  	_ =	swait.ge [sflag:s15], $0x3200  }
0x16c: {  	[sflag:s15] =	ssyncset.done $0x0  }
0x16d: {  	s7 =	rddreg [dreg:$0x15];
	[sflag:s15] =	ssyncadd.s32 $0xFFFFCE00  }
0x16e: {  	[tilespmem:s14], [sflag:$0x1] =	stream.indirect.gather [hbm4b:s10+s20], $0x40, s7, s20, $0xb8;
	[tilespmem:$0x12340] =	vst v63  }
0x16f: {  	_ =	swait.ge [sflag:s23], $0x3200  }
0x170: {  	[sflag:s23] =	ssyncset.done $0x0  }
0x171: {  	s9 =	rddreg [dreg:$0x16];
	[sflag:s23] =	ssyncadd.s32 $0xFFFFCE00  }
0x172: {  	[spmem:s2] =	stream.indirect.scatter.add.f32 [tilespmem:s21], [sflag:$0x5], $0x40, s9, s20, $0xb8;
	[tilespmem:$0x12340] =	vst v63  }
0x173: {  	_ =	swait.ge [sflag:s15], $0x3200  }
0x174: {  	[sflag:s15] =	ssyncset.done $0x0  }
0x175: {  	s7 =	rddreg [dreg:$0x17];
	[sflag:s15] =	ssyncadd.s32 $0xFFFFCE00  }
0x176: {  	[tilespmem:s21], [sflag:$0x2] =	stream.indirect.gather [hbm4b:s10+s20], $0x40, s7, s20, $0xb8;
	[tilespmem:$0x12340] =	vst v63  }
0x177: {  	_ =	swait.ge [sflag:s22], $0x3200  }
0x178: {  	[sflag:s22] =	ssyncset.done $0x0  }
0x179: {  	s9 =	rddreg [dreg:$0x18];
	[sflag:s22] =	ssyncadd.s32 $0xFFFFCE00  }
0x17a: {  	[spmem:s2] =	stream.indirect.scatter.add.f32 [tilespmem:s14], [sflag:$0x5], $0x40, s9, s20, $0xb8;
	[tilespmem:$0x12340] =	vst v63  }
0x17b: {  	_ =	swait.ge [sflag:s15], $0x3200  }
0x17c: {  	[sflag:s15] =	ssyncset.done $0x0  }
0x17d: {  	s7 =	rddreg [dreg:$0x19];
	[sflag:s15] =	ssyncadd.s32 $0xFFFFCE00  }
0x17e: {  	[tilespmem:s14], [sflag:$0x1] =	stream.indirect.gather [hbm4b:s10+s20], $0x40, s7, s20, $0xb8;
	[tilespmem:$0x12340] =	vst v63  }
0x17f: {  	_ =	swait.ge [sflag:s23], $0x3200  }
0x180: {  	[sflag:s23] =	ssyncset.done $0x0  }
0x181: {  	s9 =	rddreg [dreg:$0x1a];
	[sflag:s23] =	ssyncadd.s32 $0xFFFFCE00  }
0x182: {  	[spmem:s2] =	stream.indirect.scatter.add.f32 [tilespmem:s21], [sflag:$0x5], $0x40, s9, s20, $0xb8;
	[tilespmem:$0x12340] =	vst v63  }
0x183: {  	_ =	swait.ge [sflag:s15], $0x3200  }
0x184: {  	[sflag:s15] =	ssyncset.done $0x0  }
0x185: {  	s7 =	rddreg [dreg:$0x1b];
	[sflag:s15] =	ssyncadd.s32 $0xFFFFCE00  }
0x186: {  	[tilespmem:s21], [sflag:$0x2] =	stream.indirect.gather [hbm4b:s10+s20], $0x40, s7, s20, $0xb8;
	[tilespmem:$0x12340] =	vst v63  }
0x187: {  	_ =	swait.ge [sflag:s22], $0x3200  }
0x188: {  	[sflag:s22] =	ssyncset.done $0x0  }
0x189: {  	s9 =	rddreg [dreg:$0x1c];
	[sflag:s22] =	ssyncadd.s32 $0xFFFFCE00  }
0x18a: {  	[spmem:s2] =	stream.indirect.scatter.add.f32 [tilespmem:s14], [sflag:$0x5], $0x40, s9, s20, $0xb8;
	[tilespmem:$0x12340] =	vst v63  }
0x18b: {  	_ =	swait.ge [sflag:s15], $0x3200  }
0x18c: {  	[sflag:s15] =	ssyncset.done $0x0  }
0x18d: {  	s7 =	rddreg [dreg:$0x1d];
	[sflag:s15] =	ssyncadd.s32 $0xFFFFCE00  }
0x18e: {  	[tilespmem:s14], [sflag:$0x1] =	stream.indirect.gather [hbm4b:s10+s20], $0x40, s7, s20, $0xb8;
	[tilespmem:$0x12340] =	vst v63  }
0x18f: {  	_ =	swait.ge [sflag:s23], $0x3200  }
0x190: {  	[sflag:s23] =	ssyncset.done $0x0  }
0x191: {  	s9 =	rddreg [dreg:$0x1e];
	[sflag:s23] =	ssyncadd.s32 $0xFFFFCE00  }
0x192: {  	[spmem:s2] =	stream.indirect.scatter.add.f32 [tilespmem:s21], [sflag:$0x5], $0x40, s9, s20, $0xb8;
	[tilespmem:$0x12340] =	vst v63  }
0x193: {  	_ =	swait.ge [sflag:s15], $0x3200  }
0x194: {  	[sflag:s15] =	ssyncset.done $0x0  }
0x195: {  	[sflag:s15] =	ssyncadd.s32 $0xFFFFCE00  }
0x196: {  	[tilespmem:s21], [sflag:$0x2] =	stream.indirect.gather [hbm4b:s10+s20], $0x40, s25, s20, $0xb8;
	[tilespmem:$0x12340] =	vst v63  }
0x197: {  	_ =	swait.ge [sflag:s22], $0x3200  }
0x198: {  	[sflag:s22] =	ssyncset.done $0x0  }
0x199: {  	[sflag:s22] =	ssyncadd.s32 $0xFFFFCE00  }
0x19a: {  	[spmem:s2] =	stream.indirect.scatter.add.f32 [tilespmem:s14], [sflag:$0x5], $0x40, s26, s20, $0xb8;
	[tilespmem:$0x12340] =	vst v63  }
0x19b: {  	_ =	swait.ge [sflag:s15], $0x3200  }
0x19c: {  	[sflag:s15] =	ssyncset.done $0x0  }
0x19d: {  	[sflag:s15] =	ssyncadd.s32 $0xFFFFCE00  }
0x19e: {  	[tilespmem:s14], [sflag:$0x1] =	stream.indirect.gather [hbm4b:s10+s20], $0x40, s28, s20, $0xb8;
	[tilespmem:$0x12340] =	vst v63  }
0x19f: {  	_ =	swait.ge [sflag:s23], $0x3200  }
0x1a0: {  	[sflag:s23] =	ssyncset.done $0x0  }
0x1a1: {  	[sflag:s23] =	ssyncadd.s32 $0xFFFFCE00  }
0x1a2: {  	[spmem:s2] =	stream.indirect.scatter.add.f32 [tilespmem:s21], [sflag:$0x5], $0x40, s29, s20, $0xb8;
	[tilespmem:$0x12340] =	vst v63  }
0x1a3: {  	_ =	swait.ge [sflag:s15], $0x3200  }
0x1a4: {  	[sflag:s15] =	ssyncset.done $0x0  }
0x1a5: {  	[sflag:s15] =	ssyncadd.s32 $0xFFFFCE00  }
0x1a6: {  	[tilespmem:s21], [sflag:$0x2] =	stream.indirect.gather [hbm4b:s10+s20], $0x40, s30, s20, $0xb8;
	[tilespmem:$0x12340] =	vst v63  }
0x1a7: {  	_ =	swait.ge [sflag:s22], $0x3200  }
0x1a8: {  	[sflag:s22] =	ssyncset.done $0x0  }
0x1a9: {  	[sflag:s22] =	ssyncadd.s32 $0xFFFFCE00  }
0x1aa: {  	[spmem:s2] =	stream.indirect.scatter.add.f32 [tilespmem:s14], [sflag:$0x5], $0x40, s31, s20, $0xb8;
	[tilespmem:$0x12340] =	vst v63  }
0x1ab: {  	_ =	swait.ge [sflag:s15], $0x3200  }
0x1ac: {  	[sflag:s15] =	ssyncset.done $0x0  }
0x1ad: {  	s5 =	sadd.s32 $0x1F4, s5;
	[sflag:s15] =	ssyncadd.s32 $0xFFFFCE00  }
0x1ae: {  	p0 =	sne.s32 s5, $0x9C4;
	_ =	swait.ge [sflag:s23], $0x3200  }
.Ltmp1:
0x1af: {  	[sflag:s23] =	ssyncset.done $0x0;
	(pc) =	sbr.rel @p0 .LBB2_4-.Ltmp1, $4  }
0x1b0: {  	[sflag:s23] =	ssyncadd.s32 $0xFFFFCE00  }
0x1b1: {  	[spmem:s2] =	stream.indirect.scatter.add.f32 [tilespmem:s21], [sflag:$0x5], $0x40, s0, s20, $0xb8;
	[tilespmem:$0x12340] =	vst v63  }
0x1b2: {  	_ =	swait.ge [sflag:s15], $0x3200  }
0x1b3: {  	[sflag:s15] =	ssyncset.done $0x0  }
0x1b4: {  	[sflag:s15] =	ssyncadd.s32 $0xFFFFCE00;
	s5 =	stileid.u32;
	s1 =	sadd.s32 $0x1, s1  }
0x1b5: {  	s6 =	sshrl.u32 s4, $0x3;
	s5 =	sshll.u32 s5, $0x6;
	p0 =	sne.s32 s1, s12  }
.Ltmp2:
0x1b6: {  	[bflag:$0x0] =	sbarrier.arrive $0xFFFF;
	s5 =	sor.u32 $0x1C05, s5;
	(pc) =	sbr.rel @p0 .LBB2_1-.Ltmp2, $4  }
0x1b7: {  	[hbm:s11], [sflag:s5] =	dma.local [spmem:s6], $0x1400  }
0x1b8: {  	_ =	swait.ge [sflag:s15], $0x1400  }
0x1b9: {  	[sflag:s15] =	ssyncset.done $0x0  }
0x1ba: {  	[sflag:s15] =	ssyncadd.s32 $0xFFFFEC00  }
0x1bb: {  	_ =	sfence.sel $0x180000  }
0x1bc: {  	[bflag:$0x0] =	sbarrier.arrive $0xFFFF  }
0x1bd: {  	_ =	strace $0x9000004A  }
0x1be: {  	s0 =	stileid.u32;
	[bflag:$0x2] =	sbarrier.arrive $0xFFFF  }
0x1bf: {  	p0 =	sne.s32 s0, $0x0;
	s0 =	rddreg [dreg:$0x2]  }
0x1c0: {  	s0 =	sadd.s32 @!p0 $0x100000, s0  }
0x1c1: {  	[sflag:s0] =	ssyncadd.tile.s32 @!p0 $0x1;
	_ =	shalt  }
.Lfunc_end2:
_tile_overlayer_lowered:
.L_overlay_start_2:
0x1c2: {  	(tag) =	ssettag $0x2  }
0x1c3: {  	s0 =	rddreg [dreg:$0x0];
	s2 =	stileid.u32  }
0x1c4: {  	s1 =	rddreg [dreg:$0x1];
	p0 =	sne.s32 s2, $0x0  }
0x1c5: {  	s3 =	rddreg [dreg:$0x2];
	[bflag:$0x3] =	sbarrier.arrive $0xFFFF;
	s2 =	simm.s32 @!p0 $0x1C05  }
0x1c6: {  	[timem:s3], [sflag:s2] =	dma.local @!p0 [hbm:s0], s1  }
0x1c7: {  	s0 =	simm.s32 @!p0 $0x5  }
0x1c8: {  	_ =	swait.ge @!p0 [sflag:s0], s1  }
0x1c9: {  	s1 =	ssub.s32 @!p0 $0x0, s1;
	[sflag:s0] =	ssyncset.done @!p0 $0x0  }
0x1ca: {  	[sflag:s0] =	ssyncadd.s32 @!p0 s1  }
0x1cb: {  	[bflag:$0x3] =	sbarrier.arrive $0xFFFF  }
0x1cc: {  	_ =	shalt  }

// kernel: kernel.15.cloned.1.call-start
scs
__scs_entry_jumppad:
0x0: {  	(pc) =	sbr.rel $0x88, $3  }
0x1: {  	(tag) =	ssettag $0x0;
	lr =	simm.s32 $0x1  }
0x2: {  	[smem:$0x3F99] =	sst lr;
	_ =	strace $0xD0000000  }
0x3: {  	_ = 	snop  }
0x4: {  	_ = 	snop  }
0x5: {  	_ = 	snop  }
0x6: {  	_ = 	snop  }
0x7: {  	_ = 	snop  }
__scs_overlays_trampoline_lowered:
0x8: {  	[smem:$0x3FA8] =	sst s0  }
0x9: {  	[smem:$0x3FA9] =	sst s1  }
0xa: {  	[smem:$0x3FAA] =	sst s2  }
0xb: {  	[smem:$0x3FAB] =	sst s3  }
0xc: {  	[smem:$0x3FAC] =	sst s4  }
0xd: {  	[smem:$0x3FAD] =	sst s5  }
0xe: {  	[smem:$0x3FAE] =	sst s6  }
0xf: {  	[smem:$0x3FAF] =	sst s7  }
0x10: {  	[smem:$0x3FB0] =	sst s8  }
0x11: {  	[smem:$0x3FB1] =	sst s9;
	s0 =	simm.s32 @!p0 $0x0  }
0x12: {  	s1 =	sld [smem:$0x3F97];
	s0 =	simm.s32 @p0 $0x1  }
0x13: {  	[smem:$0x3FB2] =	sst s0;
	s0 =	simm.s32 @!p1 $0x0  }
0x14: {  	s2 =	sld [smem:$0x3F96];
	s0 =	simm.s32 @p1 $0x1  }
0x15: {  	[smem:$0x3FB3] =	sst s0;
	s0 =	simm.s32 @!p2 $0x0  }
0x16: {  	s3 =	sld [smem:$0x3FDB];
	s0 =	simm.s32 @p2 $0x1  }
0x17: {  	s4 =	simm.s32 $0x1BF5;
	[smem:$0x3FB5] =	sst s0  }
0x18: {  	s0 =	sld [smem:$0x3F98];
	_ =	swait.ge [sflag:s4], $0x0  }
0x19: {  	s7 =	sld [smem:$0x3F99]  }
0x1a: {  	s8 =	sadd.s32 $0xFFFFE003, lr  }
0x1b: {  	s9 =	sadd.s32 $0xFFFFFEF7, lr;
	s5 =	simm.s32 $0xFFFFFFFF;
	p2 =	slt.u32 s8, $0xFFFFF086  }
0x1c: {  	p1 =	slt.u32 s9, $0xF7A;
	s5 =	simm.s32 @!p2 $0x0  }
0x1d: {  	s5 =	simm.s32 @p1 $0x1;
	p0 =	seq.s32 s7, s2  }
0x1e: {  	s7 =	smul.u32 @!p0 $0xF7A, s2;
	p2 =	seq.s32 @!p0 s5, $0x0  }
0x1f: {  	s9 =	smul.u32 $0xF7A, s1;
	s8 =	simm.s32 @!p0 $0x1BF5;
	p2 =	por !p2, p0  }
0x20: {  	[sflag:s8] =	ssyncset.s32 @!p0 $0xFFFFF086;
	s6 =	sadd.s32 @!p0 s3, s7;
	s7 =	simm.s32 @!p0 $0x108  }
0x21: {  	s3 =	sadd.s32 s3, s9;
	s6 =	sadd.s32 @!p0 $0x88, s6;
	s7 =	simm.s32 @p2 $0x1082  }
0x22: {  	[simem:s7], [sflag:s8] =	dma.local @!p0 [hbm:s6], $0xF7A  }
0x23: {  	s9 =	sor.u32 $0xD0000000, s2;
	s6 =	simm.s32 $0x108;
	_ =	swait.ge @!p0 [sflag:s8], $0x0  }
0x24: {  	s3 =	sadd.s32 $0x88, s3;
	s6 =	simm.s32 @!p1 $0x1082;
	[sflag:s4] =	ssyncset.s32 $0xFFFFF086  }
0x25: {  	[simem:s6], [sflag:s4] =	dma.local [hbm:s3], $0xF7A  }
0x26: {  	[smem:$0x3F99] =	sst s1;
	(tag) =	ssettag s2;
	_ =	strace s9  }
0x27: {  	s1 =	sld [smem:$0x3FA9]  }
0x28: {  	s2 =	sld [smem:$0x3FAA]  }
0x29: {  	s4 =	sld [smem:$0x3FAC]  }
0x2a: {  	p0 =	seq.s32 s5, $0x0;
	s5 =	sld [smem:$0x3FAD]  }
0x2b: {  	s6 =	sld [smem:$0x3FAE]  }
0x2c: {  	s7 =	sld [smem:$0x3FAF]  }
0x2d: {  	s3 =	simm.s32 $0x108;
	s8 =	sld [smem:$0x3FB0]  }
0x2e: {  	s3 =	simm.s32 @!p0 $0x1082;
	s9 =	sld [smem:$0x3FB1]  }
0x2f: {  	lr =	sadd.s32 s0, s3;
	s0 =	sld [smem:$0x3FA8]  }
0x30: {  	s3 =	sld [smem:$0x3FAB]  }
0x31: {  	[smem:$0x3FB4] =	sst s10  }
0x32: {  	s10 =	sld [smem:$0x3FB2];
	_ =	sdelay $0x3  }
0x33: {  	p0 =	seq.s32 s10, $0x1;
	s10 =	sld [smem:$0x3FB4];
	_ =	sdelay $0x3  }
0x34: {  	[smem:$0x3FB4] =	sst s10  }
0x35: {  	s10 =	sld [smem:$0x3FB3];
	_ =	sdelay $0x3  }
0x36: {  	p1 =	seq.s32 s10, $0x1;
	s10 =	sld [smem:$0x3FB4];
	_ =	sdelay $0x3  }
0x37: {  	[smem:$0x3FB4] =	sst s10  }
0x38: {  	s10 =	sld [smem:$0x3FB5]  }
0x39: {  	_ = 	snop;
	(pc) =	sbr.ind lr, $3  }
0x3a: {  	_ = 	snop  }
0x3b: {  	_ = 	snop  }
0x3c: {  	p2 =	seq.s32 s10, $0x1;
	s10 =	sld [smem:$0x3FB4]  }
0x3d: {  	_ =	shalt  }
0x3e: {  	_ =	shalt  }
0x3f: {  	_ =	shalt  }
0x40: {  	_ =	shalt  }
0x41: {  	_ =	shalt  }
0x42: {  	_ =	shalt  }
0x43: {  	_ =	shalt  }
0x44: {  	_ =	shalt  }
0x45: {  	_ =	shalt  }
0x46: {  	_ =	shalt  }
0x47: {  	_ =	shalt  }
0x48: {  	_ =	shalt  }
0x49: {  	_ =	shalt  }
0x4a: {  	_ =	shalt  }
0x4b: {  	_ =	shalt  }
0x4c: {  	_ =	shalt  }
0x4d: {  	_ =	shalt  }
0x4e: {  	_ =	shalt  }
0x4f: {  	_ =	shalt  }
0x50: {  	_ =	shalt  }
0x51: {  	_ =	shalt  }
0x52: {  	_ =	shalt  }
0x53: {  	_ =	shalt  }
0x54: {  	_ =	shalt  }
0x55: {  	_ =	shalt  }
0x56: {  	_ =	shalt  }
0x57: {  	_ =	shalt  }
0x58: {  	_ =	shalt  }
0x59: {  	_ =	shalt  }
0x5a: {  	_ =	shalt  }
0x5b: {  	_ =	shalt  }
0x5c: {  	_ =	shalt  }
0x5d: {  	_ =	shalt  }
0x5e: {  	_ =	shalt  }
0x5f: {  	_ =	shalt  }
0x60: {  	_ =	shalt  }
0x61: {  	_ =	shalt  }
0x62: {  	_ =	shalt  }
0x63: {  	_ =	shalt  }
0x64: {  	_ =	shalt  }
0x65: {  	_ =	shalt  }
0x66: {  	_ =	shalt  }
0x67: {  	_ =	shalt  }
0x68: {  	_ =	shalt  }
0x69: {  	_ =	shalt  }
0x6a: {  	_ =	shalt  }
0x6b: {  	_ =	shalt  }
0x6c: {  	_ =	shalt  }
0x6d: {  	_ =	shalt  }
0x6e: {  	_ =	shalt  }
0x6f: {  	_ =	shalt  }
0x70: {  	_ =	shalt  }
0x71: {  	_ =	shalt  }
0x72: {  	_ =	shalt  }
0x73: {  	_ =	shalt  }
0x74: {  	_ =	shalt  }
0x75: {  	_ =	shalt  }
0x76: {  	_ =	shalt  }
0x77: {  	_ =	shalt  }
0x78: {  	_ =	shalt  }
0x79: {  	_ =	shalt  }
0x7a: {  	_ =	shalt  }
0x7b: {  	_ =	shalt  }
0x7c: {  	_ =	shalt  }
0x7d: {  	_ =	shalt  }
0x7e: {  	_ =	shalt  }
0x7f: {  	_ =	shalt  }
0x80: {  	_ =	shalt  }
0x81: {  	_ =	shalt  }
0x82: {  	_ =	shalt  }
0x83: {  	_ =	shalt  }
0x84: {  	_ =	shalt  }
0x85: {  	_ =	shalt  }
0x86: {  	_ =	shalt  }
0x87: {  	_ =	shalt  }
.Lfunc_end0:
.L_simem_size_0:
called_computation.2_lowered:
.L_overlay_start_0:
0x88: {  	s2 =	sld [smem:$0x3FD9]  }
0x89: {  	s3 =	sld [smem:$0x3FFE];
	_ =	sdelay $0x1  }
0x8a: {  	s1 =	srdreg.scid  }
0x8b: {  	s0 =	sand.u32 $0x1, s1  }
0x8c: {  	s16 =	sshll.u32 s0, $0xA;
	s2 =	sadd.s32 s3, s2  }
0x8d: {  	s2 =	sadd.s32 s2, s16  }
0x8e: {  	[smem:$0x3FC0] =	sst s2  }
0x8f: {  	_ = 	snop  }
0x90: {  	(tm) =	ssettm $0x1  }
0x91: {  	s17 =	sld [smem:$0x3FFB];
	_ =	sdelay $0x3  }
0x92: {  	_ =	strace s17  }
0x93: {  	s2 =	sld [smem:$0x3FFC];
	_ =	sdelay $0x3  }
0x94: {  	_ =	strace s2  }
0x95: {  	s2 =	sld [smem:$0x3FFD];
	_ =	sdelay $0x3  }
0x96: {  	_ =	strace s2  }
0x97: {  	_ =	strace $0x8FFFFFFF  }
0x98: {  	s18 =	sld [smem:$0x3FDB];
	_ =	sdelay $0x1  }
0x99: {  	s19 =	simm.s32 $_scs_section_size  }
0x9a: {  	s4 =	simm.s32 $_size__tile_overlayer_lowered;
	s5 =	simm.s32 $_tile_overlayer_lowered  }
0x9b: {  	s22 =	simm.s32 $0x1BFF;
	s21 =	sshll.u32 s5, $0x1;
	s2 =	sadd.s32 s19, s18  }
0x9c: {  	s6 =	simm.s32 $0x0;
	s20 =	sshll.u32 s4, $0x1;
	s4 =	sadd.s32 s21, s2  }
0x9d: {  	[timem:s6], [sflag:s22] =	dma.local [hbm:s4], s20  }
0x9e: {  	_ =	swait.ge [sflag:s22], s20  }
0x9f: {  	s3 =	ssub.s32 $0x0, s20;
	[sflag:s22] =	ssyncset.done $0x0  }
0xa0: {  	[sflag:s22] =	ssyncadd.s32 s3;
	_ =	sdelay $0x1  }
0xa1: {  	s23 =	simm.s32 $0x1B8B  }
0xa2: {  	_ =	swait.ge [sflag:s23], $0x1  }
0xa3: {  	[sflag:s23] =	ssyncset.done $0x0  }
0xa4: {  	s25 =	simm.s32 $0x1B8E;
	s24 =	sld [smem:$0x3FFE];
	[sflag:s23] =	ssyncadd.s32 $0xFFFFFFFF  }
0xa5: {  	s26 =	simm.s32 $execute0_lowered;
	[smem:$0x3FD2] =	sst s25  }
0xa6: {  	s4 =	sshll.u32 s26, $0x1;
	_ =	strace $0x8000004C;
	[dreg:$0x1] =	wrdreg $0xFFFFFFFF  }
0xa7: {  	s28 =	simm.s32 $_size_execute0_lowered;
	s2 =	sadd.s32 s2, s4;
	[dreg:$0x0] =	wrdreg $0x0  }
0xa8: {  	s4 =	sshll.u32 s28, $0x1;
	[dreg:$0x2] =	wrdreg s2  }
0xa9: {  	[dreg:$0x3] =	wrdreg s4  }
0xaa: {  	[dreg:$0x4] =	wrdreg $0xC0  }
0xab: {  	_ =	task [dreg:s6], $0x5FFFF  }
0xac: {  	[dreg:$0x1] =	wrdreg $0xFFFFFFFF  }
0xad: {  	[dreg:$0x0] =	wrdreg $0x60  }
0xae: {  	[dreg:$0x2] =	wrdreg s24  }
0xaf: {  	[dreg:$0x3] =	wrdreg $0x83400  }
0xb0: {  	[dreg:$0x4] =	wrdreg $0x9  }
0xb1: {  	_ =	task.clear_ibuf [dreg:s6], $0x5FFFF;
	_ =	strace $0x9000004C  }
0xb2: {  	s29 =	simm.s32 $0x9;
	_ =	strace $0x8000004E  }
0xb3: {  	_ =	swait.ge [sflag:s29], $0x1  }
0xb4: {  	[sflag:s29] =	ssyncadd.s32 $0xFFFFFFFF  }
0xb5: {  	_ =	strace $0x9000004E  }
0xb6: {  	_ =	sfence  }
0xb7: {  	s30 =	sld [smem:$0x0];
	_ =	sdelay $0x2  }
0xb8: {  	s31 =	sshll.u32 s1, $0xD;
	s1 =	sshrl.u32 s1, $0x2  }
0xb9: {  	s3 =	sand.u32 $0x4000, s31;
	s1 =	sadd.s32 s1, s30  }
0xba: {  	s0 =	sor.u32 s3, s0;
	s1 =	sshll.u32 s1, $0x11  }
0xbb: {  	s0 =	sor.u32 s1, s0  }
0xbc: {  	s0 =	sadd.s32 $0x8F2B, s0  }
0xbd: {  	[sflag:s0] =	ssyncadd.remote.s32 $0x1  }
0xbe: {  	_ =	sfence.sel $0xFFFF  }
0xbf: {  	[dreg:$0x0] =	wrdreg $0xFFFFFFFF;
	(pc) =	sbr.abs _section_cstart, $3  }
0xc0: {  	[dreg:$0x1] =	wrdreg $0xFFFFFFFF  }
0xc1: {  	_ =	task.clear_ibuf [dreg:s6], $0x2FFFF;
	_ =	strace $0x9FFFFFFF  }
0xc2: {  	(tm) =	ssettm $0x7FFFFFFF  }
0xc3: {  	_ =	shalt  }
tec
execute0_lowered:
.L_overlay_start_1:
0x0: {  	(tag) =	ssettag $0x1  }
0x1: {  	s0 =	rddreg [dreg:$0x0]  }
0x2: {  	s2 =	rddreg [dreg:$0x1];
	s3 =	simm.s32 $0x0  }
0x3: {  	s1 =	srdreg.scid;
	s8 =	simm.s32 $0x190;
	[smem:$0x7FF] =	sst s3  }
0x4: {  	s12 =	simm.s32 $0x258;
	_ =	strace $0x8000004D;
	[dreg:$0x3] =	wrdreg s8  }
0x5: {  	s9 =	stileid.u32;
	s13 =	simm.s32 $0x960;
	[dreg:$0x5] =	wrdreg s12  }
0x6: {  	s14 =	simm.s32 $0x320;
	s16 =	simm.s32 $0xA28;
	[dreg:$0x6] =	wrdreg s13  }
0x7: {  	s18 =	simm.s32 $0x3E8;
	s20 =	simm.s32 $0xAF0;
	[dreg:$0x7] =	wrdreg s14  }
0x8: {  	s21 =	simm.s32 $0x4B0;
	s22 =	simm.s32 $0xBB8;
	[dreg:$0x8] =	wrdreg s16  }
0x9: {  	s23 =	simm.s32 $0x578;
	s25 =	simm.s32 $0xC80;
	[dreg:$0x9] =	wrdreg s18  }
0xa: {  	s26 =	simm.s32 $0x640;
	s28 =	simm.s32 $0x15E0;
	[dreg:$0xa] =	wrdreg s20  }
0xb: {  	s29 =	simm.s32 $0x1CE8;
	s5 =	smul.u32 $0xA000, s9;
	[dreg:$0xb] =	wrdreg s21  }
0xc: {  	s30 =	simm.s32 $0x16A8;
	s11 =	smul.u32 $0x28000, s9;
	[dreg:$0xc] =	wrdreg s22  }
0xd: {  	s31 =	simm.s32 $0x1DB0;
	s19 =	smul.u32 $0x4E20, s9;
	[dreg:$0xd] =	wrdreg s23  }
0xe: {  	s1 =	sand.u32 $0x1, s1;
	s9 =	smul.u32 $0x9C4, s9;
	[dreg:$0xe] =	wrdreg s25  }
0xf: {  	s4 =	smul.u32 $0x13880, s1;
	s8 =	simm.s32 $0x898;
	[dreg:$0xf] =	wrdreg s26  }
0x10: {  	s6 =	smul.u32 $0xA0000, s1;
	s13 =	simm.s32 $0x708;
	[dreg:$0x4] =	wrdreg s8  }
0x11: {  	s1 =	ssub.s32 $0x2, s1;
	s14 =	simm.s32 $0xE10;
	[dreg:$0x11] =	wrdreg s13  }
0x12: {  	s16 =	simm.s32 $0x1068;
	s18 =	simm.s32 $0x1838;
	[dreg:$0x12] =	wrdreg s14  }
0x13: {  	s20 =	simm.s32 $0x1900;
	s21 =	simm.s32 $0x12C0;
	[dreg:$0x14] =	wrdreg s16  }
0x14: {  	s22 =	simm.s32 $0x19C8;
	s23 =	simm.s32 $0x1388;
	[dreg:$0x16] =	wrdreg s18  }
0x15: {  	s25 =	simm.s32 $0x1450;
	s26 =	simm.s32 $0x1B58;
	[dreg:$0x18] =	wrdreg s20  }
0x16: {  	s8 =	sshrl.u32 s19, $0x3;
	s14 =	simm.s32 $0x1F40;
	[dreg:$0x19] =	wrdreg s21  }
0x17: {  	s16 =	simm.s32 $0x7D0;
	s19 =	simm.s32 $0x11F8;
	[dreg:$0x1a] =	wrdreg s22  }
0x18: {  	s18 =	simm.s32 $0xFA0;
	s20 =	simm.s32 $0xC8;
	[dreg:$0x1b] =	wrdreg s23  }
0x19: {  	s21 =	simm.s32 $0x5140;
	s22 =	simm.s32 $0x1;
	[dreg:$0x1d] =	wrdreg s25  }
0x1a: {  	s23 =	simm.s32 $0x2;
	[dreg:$0x1e] =	wrdreg s26;
	s25 =	simm.s32 $0x1518  }
0x1b: {  	s26 =	simm.s32 $0x1C20;
	s10 =	sadd.s32 s4, s0;
	s7 =	sadd.s32 s5, s6  }
0x1c: {  	s6 =	sadd.s32 $0x16800, s0;
	[dreg:$0x17] =	wrdreg s19;
	s19 =	simm.s32 $0x1770  }
0x1d: {  	s4 =	sshrl.u32 s7, $0x3;
	s7 =	sshrl.u32 s1, $0x1;
	s8 =	sadd.s32 s6, s8  }
0x1e: {  	s10 =	sadd.s32 $0x2A200, s10;
	s13 =	sadd.s32 s9, s6;
	s0 =	sadd.s32 s4, s0  }
0x1f: {  	s1 =	ssub.s32 s1, s7;
	s7 =	sshrl.u32 s11, $0x2;
	s24 =	sadd.s32 $0x9C40, s8  }
0x20: {  	s7 =	sadd.s32 s7, s2;
	[smem:$0x7FD] =	sst s24;
	s24 =	simm.s32 $0x1A90  }
0x21: {  	s4 =	sadd.s32 s5, s2;
	s15 =	sadd.s32 $0x3200, s7;
	[dreg:$0x1c] =	wrdreg s24  }
0x22: {  	s11 =	sadd.s32 $0x51400, s0;
	s17 =	sadd.s32 $0x6400, s7;
	[dreg:$0x1f] =	wrdreg s15  }
0x23: {  	s12 =	smax.u32 s1, $0x1;
	s7 =	sadd.s32 $0x9600, s7;
	[smem:$0x7FB] =	sst s17  }
0x24: {  	s0 =	simm.s32 $0x1E78;
	[smem:$0x7FC] =	sst s7;
	s7 =	simm.s32 $0xD48  }
0x25: {  	s1 =	simm.s32 $0x0;
	s15 =	simm.s32 $0xED8;
	[dreg:$0x10] =	wrdreg s7  }
0x26: {  	s24 =	simm.s32 $0x4;
	s17 =	simm.s32 $0x1130;
	[dreg:$0x13] =	wrdreg s15  }
0x27: {  	v0 =	vimm.f32 $0.0e+00;
	s15 =	simm.s32 $0x5;
	[dreg:$0x15] =	wrdreg s17;
	s17 =	simm.s32 $0x3  }
.LBB2_1:
0x28: {  	s6 =	simm.s32 $0x100;
	s5 =	simm.s32 $0x0  }
.LBB2_2:
0x29: {  	p0 =	sne.s32 s6, $0xC700;
	[tilespmem:s5+$0x1F70] =	vst v0;
	s7 =	smov.u32 s6;
	s6 =	sadd.s32 $0x100, s6  }
.Ltmp0:
0x2a: {  	[tilespmem:s5+$0x1F60] =	vst v0;
	(pc) =	sbr.rel @p0 .LBB2_2-.Ltmp0, $3  }
0x2b: {  	[tilespmem:s5+$0x1F40] =	vst v0  }
0x2c: {  	[tilespmem:s5+$0x1F50] =	vst v0;
	_ =	sdelay $0x1  }
0x2d: {  	s5 =	sshra.s32 s7, $0x2  }
0x2e: {  	[tilespmem:s5+$0x1F70] =	vst v0  }
0x2f: {  	[tilespmem:s5+$0x1F60] =	vst v0  }
0x30: {  	[tilespmem:s5+$0x1F40] =	vst v0  }
0x31: {  	[tilespmem:s5+$0x1F50] =	vst v0  }
0x32: {  	[spmem:s4] =	stream.linear.scatter [tilespmem:s14], [sflag:$0x5], $0x3200, $0x38;
	[tilespmem:$0x12340] =	vst v63  }
0x33: {  	_ =	swait.ge [sflag:s15], $0x3200  }
0x34: {  	[sflag:s15] =	ssyncset.done $0x0  }
0x35: {  	s7 =	rddreg [dreg:$0x1f];
	[sflag:s15] =	ssyncadd.s32 $0xFFFFCE00  }
0x36: {  	[spmem:s7] =	stream.linear.scatter [tilespmem:s14], [sflag:$0x5], $0x3200, $0x38;
	[tilespmem:$0x12340] =	vst v63  }
0x37: {  	_ =	swait.ge [sflag:s15], $0x3200  }
0x38: {  	s9 =	sld [smem:$0x7FB]  }
0x39: {  	[sflag:s15] =	ssyncset.done $0x0  }
0x3a: {  	[sflag:s15] =	ssyncadd.s32 $0xFFFFCE00  }
0x3b: {  	[spmem:s9] =	stream.linear.scatter [tilespmem:s14], [sflag:$0x5], $0x3200, $0x38;
	[tilespmem:$0x12340] =	vst v63  }
0x3c: {  	_ =	swait.ge [sflag:s15], $0x3200  }
0x3d: {  	s6 =	sld [smem:$0x7FC]  }
0x3e: {  	[sflag:s15] =	ssyncset.done $0x0  }
0x3f: {  	[sflag:s15] =	ssyncadd.s32 $0xFFFFCE00  }
0x40: {  	[spmem:s6] =	stream.linear.scatter [tilespmem:s14], [sflag:$0x5], $0xA00, $0x38;
	[tilespmem:$0x12340] =	vst v63  }
0x41: {  	_ =	swait.ge [sflag:s15], $0xA00  }
0x42: {  	[sflag:s15] =	ssyncset.done $0x0  }
0x43: {  	[sflag:s15] =	ssyncadd.s32 $0xFFFFF600  }
0x44: {  	[bflag:$0x0] =	sbarrier.arrive $0xFFFF  }
0x45: {  	s7 =	simm.s32 $0x0;
	s6 =	sld [smem:$0x7FD]  }
0x46: {  	[tilespmem:s7], [sflag:$0x3] =	stream.linear.gather [hbm4b:s8+s7], $0x7D0, $0x38;
	[tilespmem:$0x12340] =	vst v63  }
0x47: {  	_ = 	snop  }
0x48: {  	[tilespmem:s16], [sflag:$0x3] =	stream.linear.gather [hbm4b:s6+s7], $0x7D0, $0x38;
	[tilespmem:$0x12340] =	vst v63  }
0x49: {  	_ =	swait.ge [sflag:s17], $0x7D0  }
0x4a: {  	[sflag:s17] =	ssyncset.done $0x0  }
0x4b: {  	[sflag:s17] =	ssyncadd.s32 $0xFFFFF830  }
0x4c: {  	_ =	swait.ge [sflag:s17], $0x7D0  }
0x4d: {  	s9 =	sadd.s32 $0x0, s13;
	[sflag:s17] =	ssyncset.done $0x0  }
0x4e: {  	s7 =	sadd.s32 $0xFA, s9;
	[sflag:s17] =	ssyncadd.s32 $0xFFFFF830  }
0x4f: {  	[tilespmem:s18], [sflag:$0x4] =	stream.linear.gather [hbm4b:s7+s3], $0x7D0, $0x38;
	[tilespmem:$0x12340] =	vst v63  }
0x50: {  	s5 =	sadd.s32 $0x9D3A, s9  }
0x51: {  	[tilespmem:s19], [sflag:$0x4] =	stream.linear.gather [hbm4b:s5+s3], $0x7D0, $0x38;
	[tilespmem:$0x12340] =	vst v63  }
0x52: {  	_ = 	snop  }
0x53: {  	[tilespmem:s14], [sflag:$0x1] =	stream.indirect.gather [hbm4b:s10+s20], $0x40, s3, s20, $0xb8;
	[tilespmem:$0x12340] =	vst v63  }
0x54: {  	_ = 	snop  }
0x55: {  	[tilespmem:s21], [sflag:$0x2] =	stream.indirect.gather [hbm4b:s10+s20], $0x40, s20, s20, $0xb8;
	[tilespmem:$0x12340] =	vst v63  }
0x56: {  	_ =	swait.ge [sflag:s22], $0x3200  }
0x57: {  	[sflag:s22] =	ssyncset.done $0x0  }
0x58: {  	[sflag:s22] =	ssyncadd.s32 $0xFFFFCE00  }
0x59: {  	[spmem:s2] =	stream.indirect.scatter.add.f32 [tilespmem:s14], [sflag:$0x5], $0x40, s16, s20, $0xb8;
	[tilespmem:$0x12340] =	vst v63  }
0x5a: {  	_ =	swait.ge [sflag:s15], $0x3200  }
0x5b: {  	[sflag:s15] =	ssyncset.done $0x0  }
0x5c: {  	s9 =	rddreg [dreg:$0x3];
	[sflag:s15] =	ssyncadd.s32 $0xFFFFCE00  }
0x5d: {  	[tilespmem:s14], [sflag:$0x1] =	stream.indirect.gather [hbm4b:s10+s20], $0x40, s9, s20, $0xb8;
	[tilespmem:$0x12340] =	vst v63  }
0x5e: {  	_ =	swait.ge [sflag:s23], $0x3200  }
0x5f: {  	[sflag:s23] =	ssyncset.done $0x0  }
0x60: {  	s6 =	rddreg [dreg:$0x4];
	[sflag:s23] =	ssyncadd.s32 $0xFFFFCE00  }
0x61: {  	[spmem:s2] =	stream.indirect.scatter.add.f32 [tilespmem:s21], [sflag:$0x5], $0x40, s6, s20, $0xb8;
	[tilespmem:$0x12340] =	vst v63  }
0x62: {  	_ =	swait.ge [sflag:s15], $0x3200  }
0x63: {  	[sflag:s15] =	ssyncset.done $0x0  }
0x64: {  	s7 =	rddreg [dreg:$0x5];
	[sflag:s15] =	ssyncadd.s32 $0xFFFFCE00  }
0x65: {  	[tilespmem:s21], [sflag:$0x2] =	stream.indirect.gather [hbm4b:s10+s20], $0x40, s7, s20, $0xb8;
	[tilespmem:$0x12340] =	vst v63  }
0x66: {  	_ =	swait.ge [sflag:s22], $0x3200  }
0x67: {  	[sflag:s22] =	ssyncset.done $0x0  }
0x68: {  	s9 =	rddreg [dreg:$0x6];
	[sflag:s22] =	ssyncadd.s32 $0xFFFFCE00  }
0x69: {  	[spmem:s2] =	stream.indirect.scatter.add.f32 [tilespmem:s14], [sflag:$0x5], $0x40, s9, s20, $0xb8;
	[tilespmem:$0x12340] =	vst v63  }
0x6a: {  	_ =	swait.ge [sflag:s15], $0x3200  }
0x6b: {  	[sflag:s15] =	ssyncset.done $0x0  }
0x6c: {  	s6 =	rddreg [dreg:$0x7];
	[sflag:s15] =	ssyncadd.s32 $0xFFFFCE00  }
0x6d: {  	[tilespmem:s14], [sflag:$0x1] =	stream.indirect.gather [hbm4b:s10+s20], $0x40, s6, s20, $0xb8;
	[tilespmem:$0x12340] =	vst v63  }
0x6e: {  	_ =	swait.ge [sflag:s23], $0x3200  }
0x6f: {  	[sflag:s23] =	ssyncset.done $0x0  }
0x70: {  	s7 =	rddreg [dreg:$0x8];
	[sflag:s23] =	ssyncadd.s32 $0xFFFFCE00  }
0x71: {  	[spmem:s2] =	stream.indirect.scatter.add.f32 [tilespmem:s21], [sflag:$0x5], $0x40, s7, s20, $0xb8;
	[tilespmem:$0x12340] =	vst v63  }
0x72: {  	_ =	swait.ge [sflag:s15], $0x3200  }
0x73: {  	[sflag:s15] =	ssyncset.done $0x0  }
0x74: {  	s9 =	rddreg [dreg:$0x9];
	[sflag:s15] =	ssyncadd.s32 $0xFFFFCE00  }
0x75: {  	[tilespmem:s21], [sflag:$0x2] =	stream.indirect.gather [hbm4b:s10+s20], $0x40, s9, s20, $0xb8;
	[tilespmem:$0x12340] =	vst v63  }
0x76: {  	_ =	swait.ge [sflag:s22], $0x3200  }
0x77: {  	[sflag:s22] =	ssyncset.done $0x0  }
0x78: {  	s6 =	rddreg [dreg:$0xa];
	[sflag:s22] =	ssyncadd.s32 $0xFFFFCE00  }
0x79: {  	[spmem:s2] =	stream.indirect.scatter.add.f32 [tilespmem:s14], [sflag:$0x5], $0x40, s6, s20, $0xb8;
	[tilespmem:$0x12340] =	vst v63  }
0x7a: {  	_ =	swait.ge [sflag:s15], $0x3200  }
0x7b: {  	[sflag:s15] =	ssyncset.done $0x0  }
0x7c: {  	s7 =	rddreg [dreg:$0xb];
	[sflag:s15] =	ssyncadd.s32 $0xFFFFCE00  }
0x7d: {  	[tilespmem:s14], [sflag:$0x1] =	stream.indirect.gather [hbm4b:s10+s20], $0x40, s7, s20, $0xb8;
	[tilespmem:$0x12340] =	vst v63  }
0x7e: {  	_ =	swait.ge [sflag:s23], $0x3200  }
0x7f: {  	[sflag:s23] =	ssyncset.done $0x0  }
0x80: {  	s9 =	rddreg [dreg:$0xc];
	[sflag:s23] =	ssyncadd.s32 $0xFFFFCE00  }
0x81: {  	[spmem:s2] =	stream.indirect.scatter.add.f32 [tilespmem:s21], [sflag:$0x5], $0x40, s9, s20, $0xb8;
	[tilespmem:$0x12340] =	vst v63  }
0x82: {  	_ =	swait.ge [sflag:s15], $0x3200  }
0x83: {  	[sflag:s15] =	ssyncset.done $0x0  }
0x84: {  	s6 =	rddreg [dreg:$0xd];
	[sflag:s15] =	ssyncadd.s32 $0xFFFFCE00  }
0x85: {  	[tilespmem:s21], [sflag:$0x2] =	stream.indirect.gather [hbm4b:s10+s20], $0x40, s6, s20, $0xb8;
	[tilespmem:$0x12340] =	vst v63  }
0x86: {  	_ =	swait.ge [sflag:s22], $0x3200  }
0x87: {  	[sflag:s22] =	ssyncset.done $0x0  }
0x88: {  	s7 =	rddreg [dreg:$0xe];
	[sflag:s22] =	ssyncadd.s32 $0xFFFFCE00  }
0x89: {  	[spmem:s2] =	stream.indirect.scatter.add.f32 [tilespmem:s14], [sflag:$0x5], $0x40, s7, s20, $0xb8;
	[tilespmem:$0x12340] =	vst v63  }
0x8a: {  	_ =	swait.ge [sflag:s15], $0x3200  }
0x8b: {  	[sflag:s15] =	ssyncset.done $0x0  }
0x8c: {  	s9 =	rddreg [dreg:$0xf];
	[sflag:s15] =	ssyncadd.s32 $0xFFFFCE00  }
0x8d: {  	[tilespmem:s14], [sflag:$0x1] =	stream.indirect.gather [hbm4b:s10+s20], $0x40, s9, s20, $0xb8;
	[tilespmem:$0x12340] =	vst v63  }
0x8e: {  	_ =	swait.ge [sflag:s23], $0x3200  }
0x8f: {  	[sflag:s23] =	ssyncset.done $0x0  }
0x90: {  	s6 =	rddreg [dreg:$0x10];
	[sflag:s23] =	ssyncadd.s32 $0xFFFFCE00  }
0x91: {  	[spmem:s2] =	stream.indirect.scatter.add.f32 [tilespmem:s21], [sflag:$0x5], $0x40, s6, s20, $0xb8;
	[tilespmem:$0x12340] =	vst v63  }
0x92: {  	_ =	swait.ge [sflag:s15], $0x3200  }
0x93: {  	[sflag:s15] =	ssyncset.done $0x0  }
0x94: {  	s7 =	rddreg [dreg:$0x11];
	[sflag:s15] =	ssyncadd.s32 $0xFFFFCE00  }
0x95: {  	[tilespmem:s21], [sflag:$0x2] =	stream.indirect.gather [hbm4b:s10+s20], $0x40, s7, s20, $0xb8;
	[tilespmem:$0x12340] =	vst v63  }
0x96: {  	_ =	swait.ge [sflag:s22], $0x3200  }
0x97: {  	[sflag:s22] =	ssyncset.done $0x0  }
0x98: {  	s9 =	rddreg [dreg:$0x12];
	[sflag:s22] =	ssyncadd.s32 $0xFFFFCE00  }
0x99: {  	[spmem:s2] =	stream.indirect.scatter.add.f32 [tilespmem:s14], [sflag:$0x5], $0x40, s9, s20, $0xb8;
	[tilespmem:$0x12340] =	vst v63  }
0x9a: {  	_ =	swait.ge [sflag:s15], $0x3200  }
0x9b: {  	[sflag:s15] =	ssyncset.done $0x0  }
0x9c: {  	[sflag:s15] =	ssyncadd.s32 $0xFFFFCE00  }
0x9d: {  	_ =	swait.ge [sflag:s23], $0x3200  }
0x9e: {  	[sflag:s23] =	ssyncset.done $0x0  }
0x9f: {  	s6 =	rddreg [dreg:$0x13];
	[sflag:s23] =	ssyncadd.s32 $0xFFFFCE00  }
0xa0: {  	[spmem:s2] =	stream.indirect.scatter.add.f32 [tilespmem:s21], [sflag:$0x5], $0x40, s6, s20, $0xb8;
	[tilespmem:$0x12340] =	vst v63  }
0xa1: {  	_ =	swait.ge [sflag:s15], $0x3200  }
0xa2: {  	[sflag:s15] =	ssyncset.done $0x0  }
0xa3: {  	[sflag:s15] =	ssyncadd.s32 $0xFFFFCE00  }
0xa4: {  	_ =	swait.ge [sflag:s24], $0x7D0  }
0xa5: {  	[sflag:s24] =	ssyncset.done $0x0  }
0xa6: {  	[sflag:s24] =	ssyncadd.s32 $0xFFFFF830  }
0xa7: {  	p0 =	por $0x0, $0x0;
	_ =	swait.ge [sflag:s24], $0x7D0  }
0xa8: {  	s5 =	sadd.s32 @!p0 $0x0, s13;
	[sflag:s24] =	ssyncset.done $0x0  }
0xa9: {  	s7 =	simm.s32 @!p0 $0x0;
	s6 =	sadd.s32 @!p0 $0x1F4, s5;
	[sflag:s24] =	ssyncadd.s32 $0xFFFFF830  }
0xaa: {  	[tilespmem:s7], [sflag:$0x3] =	stream.linear.gather @!p0 [hbm4b:s6+s7], $0x7D0, $0x38;
	[tilespmem:$0x12340] =	vst v63  }
0xab: {  	s5 =	sadd.s32 @!p0 $0x9E34, s5;
	s6 =	simm.s32 @!p0 $0x7D0  }
0xac: {  	[tilespmem:s6], [sflag:$0x3] =	stream.linear.gather @!p0 [hbm4b:s5+s7], $0x7D0, $0x38;
	[tilespmem:$0x12340] =	vst v63  }
0xad: {  	_ = 	snop  }
0xae: {  	[tilespmem:s14], [sflag:$0x1] =	stream.indirect.gather [hbm4b:s10+s20], $0x40, s18, s20, $0xb8;
	[tilespmem:$0x12340] =	vst v63  }
0xaf: {  	s7 =	rddreg [dreg:$0x14]  }
0xb0: {  	[tilespmem:s21], [sflag:$0x2] =	stream.indirect.gather [hbm4b:s10+s20], $0x40, s7, s20, $0xb8;
	[tilespmem:$0x12340] =	vst v63  }
0xb1: {  	_ =	swait.ge [sflag:s22], $0x3200  }
0xb2: {  	[sflag:s22] =	ssyncset.done $0x0  }
0xb3: {  	[sflag:s22] =	ssyncadd.s32 $0xFFFFCE00  }
0xb4: {  	[spmem:s2] =	stream.indirect.scatter.add.f32 [tilespmem:s14], [sflag:$0x5], $0x40, s19, s20, $0xb8;
	[tilespmem:$0x12340] =	vst v63  }
0xb5: {  	_ =	swait.ge [sflag:s15], $0x3200  }
0xb6: {  	[sflag:s15] =	ssyncset.done $0x0  }
0xb7: {  	s9 =	rddreg [dreg:$0x15];
	[sflag:s15] =	ssyncadd.s32 $0xFFFFCE00  }
0xb8: {  	[tilespmem:s14], [sflag:$0x1] =	stream.indirect.gather [hbm4b:s10+s20], $0x40, s9, s20, $0xb8;
	[tilespmem:$0x12340] =	vst v63  }
0xb9: {  	_ =	swait.ge [sflag:s23], $0x3200  }
0xba: {  	[sflag:s23] =	ssyncset.done $0x0  }
0xbb: {  	s6 =	rddreg [dreg:$0x16];
	[sflag:s23] =	ssyncadd.s32 $0xFFFFCE00  }
0xbc: {  	[spmem:s2] =	stream.indirect.scatter.add.f32 [tilespmem:s21], [sflag:$0x5], $0x40, s6, s20, $0xb8;
	[tilespmem:$0x12340] =	vst v63  }
0xbd: {  	_ =	swait.ge [sflag:s15], $0x3200  }
0xbe: {  	[sflag:s15] =	ssyncset.done $0x0  }
0xbf: {  	s7 =	rddreg [dreg:$0x17];
	[sflag:s15] =	ssyncadd.s32 $0xFFFFCE00  }
0xc0: {  	[tilespmem:s21], [sflag:$0x2] =	stream.indirect.gather [hbm4b:s10+s20], $0x40, s7, s20, $0xb8;
	[tilespmem:$0x12340] =	vst v63  }
0xc1: {  	_ =	swait.ge [sflag:s22], $0x3200  }
0xc2: {  	[sflag:s22] =	ssyncset.done $0x0  }
0xc3: {  	s9 =	rddreg [dreg:$0x18];
	[sflag:s22] =	ssyncadd.s32 $0xFFFFCE00  }
0xc4: {  	[spmem:s2] =	stream.indirect.scatter.add.f32 [tilespmem:s14], [sflag:$0x5], $0x40, s9, s20, $0xb8;
	[tilespmem:$0x12340] =	vst v63  }
0xc5: {  	_ =	swait.ge [sflag:s15], $0x3200  }
0xc6: {  	[sflag:s15] =	ssyncset.done $0x0  }
0xc7: {  	s6 =	rddreg [dreg:$0x19];
	[sflag:s15] =	ssyncadd.s32 $0xFFFFCE00  }
0xc8: {  	[tilespmem:s14], [sflag:$0x1] =	stream.indirect.gather [hbm4b:s10+s20], $0x40, s6, s20, $0xb8;
	[tilespmem:$0x12340] =	vst v63  }
0xc9: {  	_ =	swait.ge [sflag:s23], $0x3200  }
0xca: {  	[sflag:s23] =	ssyncset.done $0x0  }
0xcb: {  	s7 =	rddreg [dreg:$0x1a];
	[sflag:s23] =	ssyncadd.s32 $0xFFFFCE00  }
0xcc: {  	[spmem:s2] =	stream.indirect.scatter.add.f32 [tilespmem:s21], [sflag:$0x5], $0x40, s7, s20, $0xb8;
	[tilespmem:$0x12340] =	vst v63  }
0xcd: {  	_ =	swait.ge [sflag:s15], $0x3200  }
0xce: {  	[sflag:s15] =	ssyncset.done $0x0  }
0xcf: {  	s9 =	rddreg [dreg:$0x1b];
	[sflag:s15] =	ssyncadd.s32 $0xFFFFCE00  }
0xd0: {  	[tilespmem:s21], [sflag:$0x2] =	stream.indirect.gather [hbm4b:s10+s20], $0x40, s9, s20, $0xb8;
	[tilespmem:$0x12340] =	vst v63  }
0xd1: {  	_ =	swait.ge [sflag:s22], $0x3200  }
0xd2: {  	[sflag:s22] =	ssyncset.done $0x0  }
0xd3: {  	s6 =	rddreg [dreg:$0x1c];
	[sflag:s22] =	ssyncadd.s32 $0xFFFFCE00  }
0xd4: {  	[spmem:s2] =	stream.indirect.scatter.add.f32 [tilespmem:s14], [sflag:$0x5], $0x40, s6, s20, $0xb8;
	[tilespmem:$0x12340] =	vst v63  }
0xd5: {  	_ =	swait.ge [sflag:s15], $0x3200  }
0xd6: {  	[sflag:s15] =	ssyncset.done $0x0  }
0xd7: {  	s7 =	rddreg [dreg:$0x1d];
	[sflag:s15] =	ssyncadd.s32 $0xFFFFCE00  }
0xd8: {  	[tilespmem:s14], [sflag:$0x1] =	stream.indirect.gather [hbm4b:s10+s20], $0x40, s7, s20, $0xb8;
	[tilespmem:$0x12340] =	vst v63  }
0xd9: {  	_ =	swait.ge [sflag:s23], $0x3200  }
0xda: {  	[sflag:s23] =	ssyncset.done $0x0  }
0xdb: {  	s9 =	rddreg [dreg:$0x1e];
	[sflag:s23] =	ssyncadd.s32 $0xFFFFCE00  }
0xdc: {  	[spmem:s2] =	stream.indirect.scatter.add.f32 [tilespmem:s21], [sflag:$0x5], $0x40, s9, s20, $0xb8;
	[tilespmem:$0x12340] =	vst v63  }
0xdd: {  	_ =	swait.ge [sflag:s15], $0x3200  }
0xde: {  	[sflag:s15] =	ssyncset.done $0x0  }
0xdf: {  	[sflag:s15] =	ssyncadd.s32 $0xFFFFCE00  }
0xe0: {  	[tilespmem:s21], [sflag:$0x2] =	stream.indirect.gather [hbm4b:s10+s20], $0x40, s25, s20, $0xb8;
	[tilespmem:$0x12340] =	vst v63  }
0xe1: {  	_ =	swait.ge [sflag:s22], $0x3200  }
0xe2: {  	[sflag:s22] =	ssyncset.done $0x0  }
0xe3: {  	[sflag:s22] =	ssyncadd.s32 $0xFFFFCE00  }
0xe4: {  	[spmem:s2] =	stream.indirect.scatter.add.f32 [tilespmem:s14], [sflag:$0x5], $0x40, s26, s20, $0xb8;
	[tilespmem:$0x12340] =	vst v63  }
0xe5: {  	_ =	swait.ge [sflag:s15], $0x3200  }
0xe6: {  	[sflag:s15] =	ssyncset.done $0x0  }
0xe7: {  	[sflag:s15] =	ssyncadd.s32 $0xFFFFCE00  }
0xe8: {  	[tilespmem:s14], [sflag:$0x1] =	stream.indirect.gather [hbm4b:s10+s20], $0x40, s28, s20, $0xb8;
	[tilespmem:$0x12340] =	vst v63  }
0xe9: {  	_ =	swait.ge [sflag:s23], $0x3200  }
0xea: {  	[sflag:s23] =	ssyncset.done $0x0  }
0xeb: {  	[sflag:s23] =	ssyncadd.s32 $0xFFFFCE00  }
0xec: {  	[spmem:s2] =	stream.indirect.scatter.add.f32 [tilespmem:s21], [sflag:$0x5], $0x40, s29, s20, $0xb8;
	[tilespmem:$0x12340] =	vst v63  }
0xed: {  	_ =	swait.ge [sflag:s15], $0x3200  }
0xee: {  	[sflag:s15] =	ssyncset.done $0x0  }
0xef: {  	[sflag:s15] =	ssyncadd.s32 $0xFFFFCE00  }
0xf0: {  	[tilespmem:s21], [sflag:$0x2] =	stream.indirect.gather [hbm4b:s10+s20], $0x40, s30, s20, $0xb8;
	[tilespmem:$0x12340] =	vst v63  }
0xf1: {  	_ =	swait.ge [sflag:s22], $0x3200  }
0xf2: {  	[sflag:s22] =	ssyncset.done $0x0  }
0xf3: {  	[sflag:s22] =	ssyncadd.s32 $0xFFFFCE00  }
0xf4: {  	[spmem:s2] =	stream.indirect.scatter.add.f32 [tilespmem:s14], [sflag:$0x5], $0x40, s31, s20, $0xb8;
	[tilespmem:$0x12340] =	vst v63  }
0xf5: {  	_ =	swait.ge [sflag:s15], $0x3200  }
0xf6: {  	[sflag:s15] =	ssyncset.done $0x0  }
0xf7: {  	[sflag:s15] =	ssyncadd.s32 $0xFFFFCE00  }
0xf8: {  	_ =	swait.ge [sflag:s23], $0x3200  }
0xf9: {  	[sflag:s23] =	ssyncset.done $0x0  }
0xfa: {  	[sflag:s23] =	ssyncadd.s32 $0xFFFFCE00  }
0xfb: {  	[spmem:s2] =	stream.indirect.scatter.add.f32 [tilespmem:s21], [sflag:$0x5], $0x40, s0, s20, $0xb8;
	[tilespmem:$0x12340] =	vst v63  }
0xfc: {  	_ =	swait.ge [sflag:s15], $0x3200  }
0xfd: {  	s5 =	simm.s32 $0x1F4;
	[sflag:s15] =	ssyncset.done $0x0  }
.LBB2_4:
0xfe: {  	[sflag:s15] =	ssyncadd.s32 $0xFFFFCE00  }
0xff: {  	_ =	swait.ge [sflag:s17], $0x7D0  }
0x100: {  	[sflag:s17] =	ssyncset.done $0x0  }
0x101: {  	[sflag:s17] =	ssyncadd.s32 $0xFFFFF830  }
0x102: {  	s6 =	smov.u32 s5;
	_ =	swait.ge [sflag:s17], $0x7D0  }
0x103: {  	s7 =	sadd.s32 s6, s13;
	[sflag:s17] =	ssyncset.done $0x0  }
0x104: {  	s9 =	sadd.s32 $0xFA, s7;
	[sflag:s17] =	ssyncadd.s32 $0xFFFFF830  }
0x105: {  	[tilespmem:s18], [sflag:$0x4] =	stream.linear.gather [hbm4b:s9+s3], $0x7D0, $0x38;
	[tilespmem:$0x12340] =	vst v63  }
0x106: {  	s7 =	sadd.s32 $0x9D3A, s7  }
0x107: {  	[tilespmem:s19], [sflag:$0x4] =	stream.linear.gather [hbm4b:s7+s3], $0x7D0, $0x38;
	[tilespmem:$0x12340] =	vst v63  }
0x108: {  	_ = 	snop  }
0x109: {  	[tilespmem:s14], [sflag:$0x1] =	stream.indirect.gather [hbm4b:s10+s20], $0x40, s3, s20, $0xb8;
	[tilespmem:$0x12340] =	vst v63  }
0x10a: {  	_ = 	snop  }
0x10b: {  	[tilespmem:s21], [sflag:$0x2] =	stream.indirect.gather [hbm4b:s10+s20], $0x40, s20, s20, $0xb8;
	[tilespmem:$0x12340] =	vst v63  }
0x10c: {  	_ =	swait.ge [sflag:s22], $0x3200  }
0x10d: {  	[sflag:s22] =	ssyncset.done $0x0  }
0x10e: {  	[sflag:s22] =	ssyncadd.s32 $0xFFFFCE00  }
0x10f: {  	[spmem:s2] =	stream.indirect.scatter.add.f32 [tilespmem:s14], [sflag:$0x5], $0x40, s16, s20, $0xb8;
	[tilespmem:$0x12340] =	vst v63  }
0x110: {  	_ =	swait.ge [sflag:s15], $0x3200  }
0x111: {  	[sflag:s15] =	ssyncset.done $0x0  }
0x112: {  	s9 =	rddreg [dreg:$0x3];
	[sflag:s15] =	ssyncadd.s32 $0xFFFFCE00  }
0x113: {  	[tilespmem:s14], [sflag:$0x1] =	stream.indirect.gather [hbm4b:s10+s20], $0x40, s9, s20, $0xb8;
	[tilespmem:$0x12340] =	vst v63  }
0x114: {  	_ =	swait.ge [sflag:s23], $0x3200  }
0x115: {  	[sflag:s23] =	ssyncset.done $0x0  }
0x116: {  	s9 =	rddreg [dreg:$0x4];
	[sflag:s23] =	ssyncadd.s32 $0xFFFFCE00  }
0x117: {  	[spmem:s2] =	stream.indirect.scatter.add.f32 [tilespmem:s21], [sflag:$0x5], $0x40, s9, s20, $0xb8;
	[tilespmem:$0x12340] =	vst v63  }
0x118: {  	_ =	swait.ge [sflag:s15], $0x3200  }
0x119: {  	[sflag:s15] =	ssyncset.done $0x0  }
0x11a: {  	s9 =	rddreg [dreg:$0x5];
	[sflag:s15] =	ssyncadd.s32 $0xFFFFCE00  }
0x11b: {  	[tilespmem:s21], [sflag:$0x2] =	stream.indirect.gather [hbm4b:s10+s20], $0x40, s9, s20, $0xb8;
	[tilespmem:$0x12340] =	vst v63  }
0x11c: {  	_ =	swait.ge [sflag:s22], $0x3200  }
0x11d: {  	[sflag:s22] =	ssyncset.done $0x0  }
0x11e: {  	s9 =	rddreg [dreg:$0x6];
	[sflag:s22] =	ssyncadd.s32 $0xFFFFCE00  }
0x11f: {  	[spmem:s2] =	stream.indirect.scatter.add.f32 [tilespmem:s14], [sflag:$0x5], $0x40, s9, s20, $0xb8;
	[tilespmem:$0x12340] =	vst v63  }
0x120: {  	_ =	swait.ge [sflag:s15], $0x3200  }
0x121: {  	[sflag:s15] =	ssyncset.done $0x0  }
0x122: {  	s9 =	rddreg [dreg:$0x7];
	[sflag:s15] =	ssyncadd.s32 $0xFFFFCE00  }
0x123: {  	[tilespmem:s14], [sflag:$0x1] =	stream.indirect.gather [hbm4b:s10+s20], $0x40, s9, s20, $0xb8;
	[tilespmem:$0x12340] =	vst v63  }
0x124: {  	_ =	swait.ge [sflag:s23], $0x3200  }
0x125: {  	[sflag:s23] =	ssyncset.done $0x0  }
0x126: {  	s9 =	rddreg [dreg:$0x8];
	[sflag:s23] =	ssyncadd.s32 $0xFFFFCE00  }
0x127: {  	[spmem:s2] =	stream.indirect.scatter.add.f32 [tilespmem:s21], [sflag:$0x5], $0x40, s9, s20, $0xb8;
	[tilespmem:$0x12340] =	vst v63  }
0x128: {  	_ =	swait.ge [sflag:s15], $0x3200  }
0x129: {  	[sflag:s15] =	ssyncset.done $0x0  }
0x12a: {  	s9 =	rddreg [dreg:$0x9];
	[sflag:s15] =	ssyncadd.s32 $0xFFFFCE00  }
0x12b: {  	[tilespmem:s21], [sflag:$0x2] =	stream.indirect.gather [hbm4b:s10+s20], $0x40, s9, s20, $0xb8;
	[tilespmem:$0x12340] =	vst v63  }
0x12c: {  	_ =	swait.ge [sflag:s22], $0x3200  }
0x12d: {  	[sflag:s22] =	ssyncset.done $0x0  }
0x12e: {  	s9 =	rddreg [dreg:$0xa];
	[sflag:s22] =	ssyncadd.s32 $0xFFFFCE00  }
0x12f: {  	[spmem:s2] =	stream.indirect.scatter.add.f32 [tilespmem:s14], [sflag:$0x5], $0x40, s9, s20, $0xb8;
	[tilespmem:$0x12340] =	vst v63  }
0x130: {  	_ =	swait.ge [sflag:s15], $0x3200  }
0x131: {  	[sflag:s15] =	ssyncset.done $0x0  }
0x132: {  	s9 =	rddreg [dreg:$0xb];
	[sflag:s15] =	ssyncadd.s32 $0xFFFFCE00  }
0x133: {  	[tilespmem:s14], [sflag:$0x1] =	stream.indirect.gather [hbm4b:s10+s20], $0x40, s9, s20, $0xb8;
	[tilespmem:$0x12340] =	vst v63  }
0x134: {  	_ =	swait.ge [sflag:s23], $0x3200  }
0x135: {  	[sflag:s23] =	ssyncset.done $0x0  }
0x136: {  	s9 =	rddreg [dreg:$0xc];
	[sflag:s23] =	ssyncadd.s32 $0xFFFFCE00  }
0x137: {  	[spmem:s2] =	stream.indirect.scatter.add.f32 [tilespmem:s21], [sflag:$0x5], $0x40, s9, s20, $0xb8;
	[tilespmem:$0x12340] =	vst v63  }
0x138: {  	_ =	swait.ge [sflag:s15], $0x3200  }
0x139: {  	[sflag:s15] =	ssyncset.done $0x0  }
0x13a: {  	s9 =	rddreg [dreg:$0xd];
	[sflag:s15] =	ssyncadd.s32 $0xFFFFCE00  }
0x13b: {  	[tilespmem:s21], [sflag:$0x2] =	stream.indirect.gather [hbm4b:s10+s20], $0x40, s9, s20, $0xb8;
	[tilespmem:$0x12340] =	vst v63  }
0x13c: {  	_ =	swait.ge [sflag:s22], $0x3200  }
0x13d: {  	[sflag:s22] =	ssyncset.done $0x0  }
0x13e: {  	s9 =	rddreg [dreg:$0xe];
	[sflag:s22] =	ssyncadd.s32 $0xFFFFCE00  }
0x13f: {  	[spmem:s2] =	stream.indirect.scatter.add.f32 [tilespmem:s14], [sflag:$0x5], $0x40, s9, s20, $0xb8;
	[tilespmem:$0x12340] =	vst v63  }
0x140: {  	_ =	swait.ge [sflag:s15], $0x3200  }
0x141: {  	[sflag:s15] =	ssyncset.done $0x0  }
0x142: {  	s9 =	rddreg [dreg:$0xf];
	[sflag:s15] =	ssyncadd.s32 $0xFFFFCE00  }
0x143: {  	[tilespmem:s14], [sflag:$0x1] =	stream.indirect.gather [hbm4b:s10+s20], $0x40, s9, s20, $0xb8;
	[tilespmem:$0x12340] =	vst v63  }
0x144: {  	_ =	swait.ge [sflag:s23], $0x3200  }
0x145: {  	[sflag:s23] =	ssyncset.done $0x0  }
0x146: {  	s9 =	rddreg [dreg:$0x10];
	[sflag:s23] =	ssyncadd.s32 $0xFFFFCE00  }
0x147: {  	[spmem:s2] =	stream.indirect.scatter.add.f32 [tilespmem:s21], [sflag:$0x5], $0x40, s9, s20, $0xb8;
	[tilespmem:$0x12340] =	vst v63  }
0x148: {  	_ =	swait.ge [sflag:s15], $0x3200  }
0x149: {  	[sflag:s15] =	ssyncset.done $0x0  }
0x14a: {  	s9 =	rddreg [dreg:$0x11];
	[sflag:s15] =	ssyncadd.s32 $0xFFFFCE00  }
0x14b: {  	[tilespmem:s21], [sflag:$0x2] =	stream.indirect.gather [hbm4b:s10+s20], $0x40, s9, s20, $0xb8;
	[tilespmem:$0x12340] =	vst v63  }
0x14c: {  	_ =	swait.ge [sflag:s22], $0x3200  }
0x14d: {  	[sflag:s22] =	ssyncset.done $0x0  }
0x14e: {  	s9 =	rddreg [dreg:$0x12];
	[sflag:s22] =	ssyncadd.s32 $0xFFFFCE00  }
0x14f: {  	[spmem:s2] =	stream.indirect.scatter.add.f32 [tilespmem:s14], [sflag:$0x5], $0x40, s9, s20, $0xb8;
	[tilespmem:$0x12340] =	vst v63  }
0x150: {  	_ =	swait.ge [sflag:s15], $0x3200  }
0x151: {  	[sflag:s15] =	ssyncset.done $0x0  }
0x152: {  	[sflag:s15] =	ssyncadd.s32 $0xFFFFCE00  }
0x153: {  	_ =	swait.ge [sflag:s23], $0x3200  }
0x154: {  	[sflag:s23] =	ssyncset.done $0x0  }
0x155: {  	s9 =	rddreg [dreg:$0x13];
	[sflag:s23] =	ssyncadd.s32 $0xFFFFCE00  }
0x156: {  	[spmem:s2] =	stream.indirect.scatter.add.f32 [tilespmem:s21], [sflag:$0x5], $0x40, s9, s20, $0xb8;
	[tilespmem:$0x12340] =	vst v63  }
0x157: {  	_ =	swait.ge [sflag:s15], $0x3200  }
0x158: {  	[sflag:s15] =	ssyncset.done $0x0  }
0x159: {  	[sflag:s15] =	ssyncadd.s32 $0xFFFFCE00  }
0x15a: {  	_ =	swait.ge [sflag:s24], $0x7D0  }
0x15b: {  	[sflag:s24] =	ssyncset.done $0x0  }
0x15c: {  	[sflag:s24] =	ssyncadd.s32 $0xFFFFF830  }
0x15d: {  	p1 =	seq.s32 s6, $0x7D0;
	_ =	swait.ge [sflag:s24], $0x7D0  }
0x15e: {  	s6 =	sadd.s32 @!p1 s6, s13;
	[sflag:s24] =	ssyncset.done $0x0  }
0x15f: {  	s7 =	sadd.s32 @!p1 $0x1F4, s6;
	s9 =	simm.s32 @!p1 $0x0;
	[sflag:s24] =	ssyncadd.s32 $0xFFFFF830  }
0x160: {  	[tilespmem:s9], [sflag:$0x3] =	stream.linear.gather @!p1 [hbm4b:s7+s9], $0x7D0, $0x38;
	[tilespmem:$0x12340] =	vst v63  }
0x161: {  	s6 =	sadd.s32 @!p1 $0x9E34, s6;
	s7 =	simm.s32 @!p1 $0x7D0  }
0x162: {  	[tilespmem:s7], [sflag:$0x3] =	stream.linear.gather @!p1 [hbm4b:s6+s9], $0x7D0, $0x38;
	[tilespmem:$0x12340] =	vst v63  }
0x163: {  	_ = 	snop  }
0x164: {  	[tilespmem:s14], [sflag:$0x1] =	stream.indirect.gather [hbm4b:s10+s20], $0x40, s18, s20, $0xb8;
	[tilespmem:$0x12340] =	vst v63  }
0x165: {  	s9 =	rddreg [dreg:$0x14]  }
0x166: {  	[tilespmem:s21], [sflag:$0x2] =	stream.indirect.gather [hbm4b:s10+s20], $0x40, s9, s20, $0xb8;
	[tilespmem:$0x12340] =	vst v63  }
0x167: {  	_ =	swait.ge [sflag:s22], $0x3200  }
0x168: {  	[sflag:s22] =	ssyncset.done $0x0  }
0x169: {  	[sflag:s22] =	ssyncadd.s32 $0xFFFFCE00  }
0x16a: {  	[spmem:s2] =	stream.indirect.scatter.add.f32 [tilespmem:s14], [sflag:$0x5], $0x40, s19, s20, $0xb8;
	[tilespmem:$0x12340] =	vst v63  }
0x16b: {  	_ =	swait.ge [sflag:s15], $0x3200  }
0x16c: {  	[sflag:s15] =	ssyncset.done $0x0  }
0x16d: {  	s7 =	rddreg [dreg:$0x15];
	[sflag:s15] =	ssyncadd.s32 $0xFFFFCE00  }
0x16e: {  	[tilespmem:s14], [sflag:$0x1] =	stream.indirect.gather [hbm4b:s10+s20], $0x40, s7, s20, $0xb8;
	[tilespmem:$0x12340] =	vst v63  }
0x16f: {  	_ =	swait.ge [sflag:s23], $0x3200  }
0x170: {  	[sflag:s23] =	ssyncset.done $0x0  }
0x171: {  	s9 =	rddreg [dreg:$0x16];
	[sflag:s23] =	ssyncadd.s32 $0xFFFFCE00  }
0x172: {  	[spmem:s2] =	stream.indirect.scatter.add.f32 [tilespmem:s21], [sflag:$0x5], $0x40, s9, s20, $0xb8;
	[tilespmem:$0x12340] =	vst v63  }
0x173: {  	_ =	swait.ge [sflag:s15], $0x3200  }
0x174: {  	[sflag:s15] =	ssyncset.done $0x0  }
0x175: {  	s7 =	rddreg [dreg:$0x17];
	[sflag:s15] =	ssyncadd.s32 $0xFFFFCE00  }
0x176: {  	[tilespmem:s21], [sflag:$0x2] =	stream.indirect.gather [hbm4b:s10+s20], $0x40, s7, s20, $0xb8;
	[tilespmem:$0x12340] =	vst v63  }
0x177: {  	_ =	swait.ge [sflag:s22], $0x3200  }
0x178: {  	[sflag:s22] =	ssyncset.done $0x0  }
0x179: {  	s9 =	rddreg [dreg:$0x18];
	[sflag:s22] =	ssyncadd.s32 $0xFFFFCE00  }
0x17a: {  	[spmem:s2] =	stream.indirect.scatter.add.f32 [tilespmem:s14], [sflag:$0x5], $0x40, s9, s20, $0xb8;
	[tilespmem:$0x12340] =	vst v63  }
0x17b: {  	_ =	swait.ge [sflag:s15], $0x3200  }
0x17c: {  	[sflag:s15] =	ssyncset.done $0x0  }
0x17d: {  	s7 =	rddreg [dreg:$0x19];
	[sflag:s15] =	ssyncadd.s32 $0xFFFFCE00  }
0x17e: {  	[tilespmem:s14], [sflag:$0x1] =	stream.indirect.gather [hbm4b:s10+s20], $0x40, s7, s20, $0xb8;
	[tilespmem:$0x12340] =	vst v63  }
0x17f: {  	_ =	swait.ge [sflag:s23], $0x3200  }
0x180: {  	[sflag:s23] =	ssyncset.done $0x0  }
0x181: {  	s9 =	rddreg [dreg:$0x1a];
	[sflag:s23] =	ssyncadd.s32 $0xFFFFCE00  }
0x182: {  	[spmem:s2] =	stream.indirect.scatter.add.f32 [tilespmem:s21], [sflag:$0x5], $0x40, s9, s20, $0xb8;
	[tilespmem:$0x12340] =	vst v63  }
0x183: {  	_ =	swait.ge [sflag:s15], $0x3200  }
0x184: {  	[sflag:s15] =	ssyncset.done $0x0  }
0x185: {  	s7 =	rddreg [dreg:$0x1b];
	[sflag:s15] =	ssyncadd.s32 $0xFFFFCE00  }
0x186: {  	[tilespmem:s21], [sflag:$0x2] =	stream.indirect.gather [hbm4b:s10+s20], $0x40, s7, s20, $0xb8;
	[tilespmem:$0x12340] =	vst v63  }
0x187: {  	_ =	swait.ge [sflag:s22], $0x3200  }
0x188: {  	[sflag:s22] =	ssyncset.done $0x0  }
0x189: {  	s9 =	rddreg [dreg:$0x1c];
	[sflag:s22] =	ssyncadd.s32 $0xFFFFCE00  }
0x18a: {  	[spmem:s2] =	stream.indirect.scatter.add.f32 [tilespmem:s14], [sflag:$0x5], $0x40, s9, s20, $0xb8;
	[tilespmem:$0x12340] =	vst v63  }
0x18b: {  	_ =	swait.ge [sflag:s15], $0x3200  }
0x18c: {  	[sflag:s15] =	ssyncset.done $0x0  }
0x18d: {  	s7 =	rddreg [dreg:$0x1d];
	[sflag:s15] =	ssyncadd.s32 $0xFFFFCE00  }
0x18e: {  	[tilespmem:s14], [sflag:$0x1] =	stream.indirect.gather [hbm4b:s10+s20], $0x40, s7, s20, $0xb8;
	[tilespmem:$0x12340] =	vst v63  }
0x18f: {  	_ =	swait.ge [sflag:s23], $0x3200  }
0x190: {  	[sflag:s23] =	ssyncset.done $0x0  }
0x191: {  	s9 =	rddreg [dreg:$0x1e];
	[sflag:s23] =	ssyncadd.s32 $0xFFFFCE00  }
0x192: {  	[spmem:s2] =	stream.indirect.scatter.add.f32 [tilespmem:s21], [sflag:$0x5], $0x40, s9, s20, $0xb8;
	[tilespmem:$0x12340] =	vst v63  }
0x193: {  	_ =	swait.ge [sflag:s15], $0x3200  }
0x194: {  	[sflag:s15] =	ssyncset.done $0x0  }
0x195: {  	[sflag:s15] =	ssyncadd.s32 $0xFFFFCE00  }
0x196: {  	[tilespmem:s21], [sflag:$0x2] =	stream.indirect.gather [hbm4b:s10+s20], $0x40, s25, s20, $0xb8;
	[tilespmem:$0x12340] =	vst v63  }
0x197: {  	_ =	swait.ge [sflag:s22], $0x3200  }
0x198: {  	[sflag:s22] =	ssyncset.done $0x0  }
0x199: {  	[sflag:s22] =	ssyncadd.s32 $0xFFFFCE00  }
0x19a: {  	[spmem:s2] =	stream.indirect.scatter.add.f32 [tilespmem:s14], [sflag:$0x5], $0x40, s26, s20, $0xb8;
	[tilespmem:$0x12340] =	vst v63  }
0x19b: {  	_ =	swait.ge [sflag:s15], $0x3200  }
0x19c: {  	[sflag:s15] =	ssyncset.done $0x0  }
0x19d: {  	[sflag:s15] =	ssyncadd.s32 $0xFFFFCE00  }
0x19e: {  	[tilespmem:s14], [sflag:$0x1] =	stream.indirect.gather [hbm4b:s10+s20], $0x40, s28, s20, $0xb8;
	[tilespmem:$0x12340] =	vst v63  }
0x19f: {  	_ =	swait.ge [sflag:s23], $0x3200  }
0x1a0: {  	[sflag:s23] =	ssyncset.done $0x0  }
0x1a1: {  	[sflag:s23] =	ssyncadd.s32 $0xFFFFCE00  }
0x1a2: {  	[spmem:s2] =	stream.indirect.scatter.add.f32 [tilespmem:s21], [sflag:$0x5], $0x40, s29, s20, $0xb8;
	[tilespmem:$0x12340] =	vst v63  }
0x1a3: {  	_ =	swait.ge [sflag:s15], $0x3200  }
0x1a4: {  	[sflag:s15] =	ssyncset.done $0x0  }
0x1a5: {  	[sflag:s15] =	ssyncadd.s32 $0xFFFFCE00  }
0x1a6: {  	[tilespmem:s21], [sflag:$0x2] =	stream.indirect.gather [hbm4b:s10+s20], $0x40, s30, s20, $0xb8;
	[tilespmem:$0x12340] =	vst v63  }
0x1a7: {  	_ =	swait.ge [sflag:s22], $0x3200  }
0x1a8: {  	[sflag:s22] =	ssyncset.done $0x0  }
0x1a9: {  	[sflag:s22] =	ssyncadd.s32 $0xFFFFCE00  }
0x1aa: {  	[spmem:s2] =	stream.indirect.scatter.add.f32 [tilespmem:s14], [sflag:$0x5], $0x40, s31, s20, $0xb8;
	[tilespmem:$0x12340] =	vst v63  }
0x1ab: {  	_ =	swait.ge [sflag:s15], $0x3200  }
0x1ac: {  	[sflag:s15] =	ssyncset.done $0x0  }
0x1ad: {  	s5 =	sadd.s32 $0x1F4, s5;
	[sflag:s15] =	ssyncadd.s32 $0xFFFFCE00  }
0x1ae: {  	p0 =	sne.s32 s5, $0x9C4;
	_ =	swait.ge [sflag:s23], $0x3200  }
.Ltmp1:
0x1af: {  	[sflag:s23] =	ssyncset.done $0x0;
	(pc) =	sbr.rel @p0 .LBB2_4-.Ltmp1, $4  }
0x1b0: {  	[sflag:s23] =	ssyncadd.s32 $0xFFFFCE00  }
0x1b1: {  	[spmem:s2] =	stream.indirect.scatter.add.f32 [tilespmem:s21], [sflag:$0x5], $0x40, s0, s20, $0xb8;
	[tilespmem:$0x12340] =	vst v63  }
0x1b2: {  	_ =	swait.ge [sflag:s15], $0x3200  }
0x1b3: {  	[sflag:s15] =	ssyncset.done $0x0  }
0x1b4: {  	[sflag:s15] =	ssyncadd.s32 $0xFFFFCE00;
	s5 =	stileid.u32;
	s1 =	sadd.s32 $0x1, s1  }
0x1b5: {  	s6 =	sshrl.u32 s4, $0x3;
	s5 =	sshll.u32 s5, $0x6;
	p0 =	sne.s32 s1, s12  }
.Ltmp2:
0x1b6: {  	[bflag:$0x0] =	sbarrier.arrive $0xFFFF;
	s5 =	sor.u32 $0x1C05, s5;
	(pc) =	sbr.rel @p0 .LBB2_1-.Ltmp2, $4  }
0x1b7: {  	[hbm:s11], [sflag:s5] =	dma.local [spmem:s6], $0x1400  }
0x1b8: {  	_ =	swait.ge [sflag:s15], $0x1400  }
0x1b9: {  	[sflag:s15] =	ssyncset.done $0x0  }
0x1ba: {  	[sflag:s15] =	ssyncadd.s32 $0xFFFFEC00  }
0x1bb: {  	_ =	sfence.sel $0x180000  }
0x1bc: {  	[bflag:$0x0] =	sbarrier.arrive $0xFFFF  }
0x1bd: {  	_ =	strace $0x9000004D  }
0x1be: {  	s0 =	stileid.u32;
	[bflag:$0x2] =	sbarrier.arrive $0xFFFF  }
0x1bf: {  	p0 =	sne.s32 s0, $0x0;
	s0 =	rddreg [dreg:$0x2]  }
0x1c0: {  	s0 =	sadd.s32 @!p0 $0x100000, s0  }
0x1c1: {  	[sflag:s0] =	ssyncadd.tile.s32 @!p0 $0x1;
	_ =	shalt  }
.Lfunc_end2:
_tile_overlayer_lowered:
.L_overlay_start_2:
0x1c2: {  	(tag) =	ssettag $0x2  }
0x1c3: {  	s0 =	rddreg [dreg:$0x0];
	s2 =	stileid.u32  }
0x1c4: {  	s1 =	rddreg [dreg:$0x1];
	p0 =	sne.s32 s2, $0x0  }
0x1c5: {  	s3 =	rddreg [dreg:$0x2];
	[bflag:$0x3] =	sbarrier.arrive $0xFFFF;
	s2 =	simm.s32 @!p0 $0x1C05  }
0x1c6: {  	[timem:s3], [sflag:s2] =	dma.local @!p0 [hbm:s0], s1  }
0x1c7: {  	s0 =	simm.s32 @!p0 $0x5  }
0x1c8: {  	_ =	swait.ge @!p0 [sflag:s0], s1  }
0x1c9: {  	s1 =	ssub.s32 @!p0 $0x0, s1;
	[sflag:s0] =	ssyncset.done @!p0 $0x0  }
0x1ca: {  	[sflag:s0] =	ssyncadd.s32 @!p0 s1  }
0x1cb: {  	[bflag:$0x3] =	sbarrier.arrive $0xFFFF  }
0x1cc: {  	_ =	shalt  }

// kernel: kernel.9.cloned.1.call-start
scs
__scs_entry_jumppad:
0x0: {  	(pc) =	sbr.rel $0x88, $3  }
0x1: {  	(tag) =	ssettag $0x0;
	lr =	simm.s32 $0x1  }
0x2: {  	[smem:$0x3F99] =	sst lr;
	_ =	strace $0xD0000000  }
0x3: {  	_ = 	snop  }
0x4: {  	_ = 	snop  }
0x5: {  	_ = 	snop  }
0x6: {  	_ = 	snop  }
0x7: {  	_ = 	snop  }
__scs_overlays_trampoline_lowered:
0x8: {  	[smem:$0x3FA8] =	sst s0  }
0x9: {  	[smem:$0x3FA9] =	sst s1  }
0xa: {  	[smem:$0x3FAA] =	sst s2  }
0xb: {  	[smem:$0x3FAB] =	sst s3  }
0xc: {  	[smem:$0x3FAC] =	sst s4  }
0xd: {  	[smem:$0x3FAD] =	sst s5  }
0xe: {  	[smem:$0x3FAE] =	sst s6  }
0xf: {  	[smem:$0x3FAF] =	sst s7  }
0x10: {  	[smem:$0x3FB0] =	sst s8  }
0x11: {  	[smem:$0x3FB1] =	sst s9;
	s0 =	simm.s32 @!p0 $0x0  }
0x12: {  	s1 =	sld [smem:$0x3F97];
	s0 =	simm.s32 @p0 $0x1  }
0x13: {  	[smem:$0x3FB2] =	sst s0;
	s0 =	simm.s32 @!p1 $0x0  }
0x14: {  	s2 =	sld [smem:$0x3F96];
	s0 =	simm.s32 @p1 $0x1  }
0x15: {  	[smem:$0x3FB3] =	sst s0;
	s0 =	simm.s32 @!p2 $0x0  }
0x16: {  	s3 =	sld [smem:$0x3FDB];
	s0 =	simm.s32 @p2 $0x1  }
0x17: {  	s4 =	simm.s32 $0x1BF5;
	[smem:$0x3FB5] =	sst s0  }
0x18: {  	s0 =	sld [smem:$0x3F98];
	_ =	swait.ge [sflag:s4], $0x0  }
0x19: {  	s7 =	sld [smem:$0x3F99]  }
0x1a: {  	s8 =	sadd.s32 $0xFFFFE003, lr  }
0x1b: {  	s9 =	sadd.s32 $0xFFFFFEF7, lr;
	s5 =	simm.s32 $0xFFFFFFFF;
	p2 =	slt.u32 s8, $0xFFFFF086  }
0x1c: {  	p1 =	slt.u32 s9, $0xF7A;
	s5 =	simm.s32 @!p2 $0x0  }
0x1d: {  	s5 =	simm.s32 @p1 $0x1;
	p0 =	seq.s32 s7, s2  }
0x1e: {  	s7 =	smul.u32 @!p0 $0xF7A, s2;
	p2 =	seq.s32 @!p0 s5, $0x0  }
0x1f: {  	s9 =	smul.u32 $0xF7A, s1;
	s8 =	simm.s32 @!p0 $0x1BF5;
	p2 =	por !p2, p0  }
0x20: {  	[sflag:s8] =	ssyncset.s32 @!p0 $0xFFFFF086;
	s6 =	sadd.s32 @!p0 s3, s7;
	s7 =	simm.s32 @!p0 $0x108  }
0x21: {  	s3 =	sadd.s32 s3, s9;
	s6 =	sadd.s32 @!p0 $0x88, s6;
	s7 =	simm.s32 @p2 $0x1082  }
0x22: {  	[simem:s7], [sflag:s8] =	dma.local @!p0 [hbm:s6], $0xF7A  }
0x23: {  	s9 =	sor.u32 $0xD0000000, s2;
	s6 =	simm.s32 $0x108;
	_ =	swait.ge @!p0 [sflag:s8], $0x0  }
0x24: {  	s3 =	sadd.s32 $0x88, s3;
	s6 =	simm.s32 @!p1 $0x1082;
	[sflag:s4] =	ssyncset.s32 $0xFFFFF086  }
0x25: {  	[simem:s6], [sflag:s4] =	dma.local [hbm:s3], $0xF7A  }
0x26: {  	[smem:$0x3F99] =	sst s1;
	(tag) =	ssettag s2;
	_ =	strace s9  }
0x27: {  	s1 =	sld [smem:$0x3FA9]  }
0x28: {  	s2 =	sld [smem:$0x3FAA]  }
0x29: {  	s4 =	sld [smem:$0x3FAC]  }
0x2a: {  	p0 =	seq.s32 s5, $0x0;
	s5 =	sld [smem:$0x3FAD]  }
0x2b: {  	s6 =	sld [smem:$0x3FAE]  }
0x2c: {  	s7 =	sld [smem:$0x3FAF]  }
0x2d: {  	s3 =	simm.s32 $0x108;
	s8 =	sld [smem:$0x3FB0]  }
0x2e: {  	s3 =	simm.s32 @!p0 $0x1082;
	s9 =	sld [smem:$0x3FB1]  }
0x2f: {  	lr =	sadd.s32 s0, s3;
	s0 =	sld [smem:$0x3FA8]  }
0x30: {  	s3 =	sld [smem:$0x3FAB]  }
0x31: {  	[smem:$0x3FB4] =	sst s10  }
0x32: {  	s10 =	sld [smem:$0x3FB2];
	_ =	sdelay $0x3  }
0x33: {  	p0 =	seq.s32 s10, $0x1;
	s10 =	sld [smem:$0x3FB4];
	_ =	sdelay $0x3  }
0x34: {  	[smem:$0x3FB4] =	sst s10  }
0x35: {  	s10 =	sld [smem:$0x3FB3];
	_ =	sdelay $0x3  }
0x36: {  	p1 =	seq.s32 s10, $0x1;
	s10 =	sld [smem:$0x3FB4];
	_ =	sdelay $0x3  }
0x37: {  	[smem:$0x3FB4] =	sst s10  }
0x38: {  	s10 =	sld [smem:$0x3FB5]  }
0x39: {  	_ = 	snop;
	(pc) =	sbr.ind lr, $3  }
0x3a: {  	_ = 	snop  }
0x3b: {  	_ = 	snop  }
0x3c: {  	p2 =	seq.s32 s10, $0x1;
	s10 =	sld [smem:$0x3FB4]  }
0x3d: {  	_ =	shalt  }
0x3e: {  	_ =	shalt  }
0x3f: {  	_ =	shalt  }
0x40: {  	_ =	shalt  }
0x41: {  	_ =	shalt  }
0x42: {  	_ =	shalt  }
0x43: {  	_ =	shalt  }
0x44: {  	_ =	shalt  }
0x45: {  	_ =	shalt  }
0x46: {  	_ =	shalt  }
0x47: {  	_ =	shalt  }
0x48: {  	_ =	shalt  }
0x49: {  	_ =	shalt  }
0x4a: {  	_ =	shalt  }
0x4b: {  	_ =	shalt  }
0x4c: {  	_ =	shalt  }
0x4d: {  	_ =	shalt  }
0x4e: {  	_ =	shalt  }
0x4f: {  	_ =	shalt  }
0x50: {  	_ =	shalt  }
0x51: {  	_ =	shalt  }
0x52: {  	_ =	shalt  }
0x53: {  	_ =	shalt  }
0x54: {  	_ =	shalt  }
0x55: {  	_ =	shalt  }
0x56: {  	_ =	shalt  }
0x57: {  	_ =	shalt  }
0x58: {  	_ =	shalt  }
0x59: {  	_ =	shalt  }
0x5a: {  	_ =	shalt  }
0x5b: {  	_ =	shalt  }
0x5c: {  	_ =	shalt  }
0x5d: {  	_ =	shalt  }
0x5e: {  	_ =	shalt  }
0x5f: {  	_ =	shalt  }
0x60: {  	_ =	shalt  }
0x61: {  	_ =	shalt  }
0x62: {  	_ =	shalt  }
0x63: {  	_ =	shalt  }
0x64: {  	_ =	shalt  }
0x65: {  	_ =	shalt  }
0x66: {  	_ =	shalt  }
0x67: {  	_ =	shalt  }
0x68: {  	_ =	shalt  }
0x69: {  	_ =	shalt  }
0x6a: {  	_ =	shalt  }
0x6b: {  	_ =	shalt  }
0x6c: {  	_ =	shalt  }
0x6d: {  	_ =	shalt  }
0x6e: {  	_ =	shalt  }
0x6f: {  	_ =	shalt  }
0x70: {  	_ =	shalt  }
0x71: {  	_ =	shalt  }
0x72: {  	_ =	shalt  }
0x73: {  	_ =	shalt  }
0x74: {  	_ =	shalt  }
0x75: {  	_ =	shalt  }
0x76: {  	_ =	shalt  }
0x77: {  	_ =	shalt  }
0x78: {  	_ =	shalt  }
0x79: {  	_ =	shalt  }
0x7a: {  	_ =	shalt  }
0x7b: {  	_ =	shalt  }
0x7c: {  	_ =	shalt  }
0x7d: {  	_ =	shalt  }
0x7e: {  	_ =	shalt  }
0x7f: {  	_ =	shalt  }
0x80: {  	_ =	shalt  }
0x81: {  	_ =	shalt  }
0x82: {  	_ =	shalt  }
0x83: {  	_ =	shalt  }
0x84: {  	_ =	shalt  }
0x85: {  	_ =	shalt  }
0x86: {  	_ =	shalt  }
0x87: {  	_ =	shalt  }
.Lfunc_end0:
.L_simem_size_0:
called_computation_lowered:
.L_overlay_start_0:
0x88: {  	s2 =	sld [smem:$0x3FD9]  }
0x89: {  	s3 =	sld [smem:$0x3FFE];
	_ =	sdelay $0x1  }
0x8a: {  	s1 =	srdreg.scid  }
0x8b: {  	s0 =	sand.u32 $0x1, s1  }
0x8c: {  	s16 =	sshll.u32 s0, $0xA;
	s2 =	sadd.s32 s3, s2  }
0x8d: {  	s2 =	sadd.s32 s2, s16  }
0x8e: {  	[smem:$0x3FC0] =	sst s2  }
0x8f: {  	_ = 	snop  }
0x90: {  	(tm) =	ssettm $0x1  }
0x91: {  	s17 =	sld [smem:$0x3FFB];
	_ =	sdelay $0x3  }
0x92: {  	_ =	strace s17  }
0x93: {  	s2 =	sld [smem:$0x3FFC];
	_ =	sdelay $0x3  }
0x94: {  	_ =	strace s2  }
0x95: {  	s2 =	sld [smem:$0x3FFD];
	_ =	sdelay $0x3  }
0x96: {  	_ =	strace s2  }
0x97: {  	_ =	strace $0x8FFFFFFF  }
0x98: {  	s18 =	sld [smem:$0x3FDB];
	_ =	sdelay $0x1  }
0x99: {  	s19 =	simm.s32 $_scs_section_size  }
0x9a: {  	s4 =	simm.s32 $_size__tile_overlayer_lowered;
	s5 =	simm.s32 $_tile_overlayer_lowered  }
0x9b: {  	s22 =	simm.s32 $0x1BFF;
	s21 =	sshll.u32 s5, $0x1;
	s2 =	sadd.s32 s19, s18  }
0x9c: {  	s6 =	simm.s32 $0x0;
	s20 =	sshll.u32 s4, $0x1;
	s4 =	sadd.s32 s21, s2  }
0x9d: {  	[timem:s6], [sflag:s22] =	dma.local [hbm:s4], s20  }
0x9e: {  	_ =	swait.ge [sflag:s22], s20  }
0x9f: {  	s3 =	ssub.s32 $0x0, s20;
	[sflag:s22] =	ssyncset.done $0x0  }
0xa0: {  	[sflag:s22] =	ssyncadd.s32 s3;
	_ =	sdelay $0x1  }
0xa1: {  	s23 =	simm.s32 $0x1B8B  }
0xa2: {  	_ =	swait.ge [sflag:s23], $0x1  }
0xa3: {  	[sflag:s23] =	ssyncset.done $0x0  }
0xa4: {  	s25 =	simm.s32 $0x1B8E;
	s24 =	sld [smem:$0x3FFE];
	[sflag:s23] =	ssyncadd.s32 $0xFFFFFFFF  }
0xa5: {  	s26 =	simm.s32 $execute0_lowered;
	[smem:$0x3FD2] =	sst s25  }
0xa6: {  	s4 =	sshll.u32 s26, $0x1;
	_ =	strace $0x80000046;
	[dreg:$0x1] =	wrdreg $0xFFFFFFFF  }
0xa7: {  	s28 =	simm.s32 $_size_execute0_lowered;
	s2 =	sadd.s32 s2, s4;
	[dreg:$0x0] =	wrdreg $0x0  }
0xa8: {  	s4 =	sshll.u32 s28, $0x1;
	[dreg:$0x2] =	wrdreg s2  }
0xa9: {  	[dreg:$0x3] =	wrdreg s4  }
0xaa: {  	[dreg:$0x4] =	wrdreg $0xC0  }
0xab: {  	_ =	task [dreg:s6], $0x5FFFF  }
0xac: {  	[dreg:$0x1] =	wrdreg $0xFFFFFFFF  }
0xad: {  	[dreg:$0x0] =	wrdreg $0x60  }
0xae: {  	[dreg:$0x2] =	wrdreg s24  }
0xaf: {  	[dreg:$0x3] =	wrdreg $0x2BA00  }
0xb0: {  	[dreg:$0x4] =	wrdreg $0x9  }
0xb1: {  	_ =	task.clear_ibuf [dreg:s6], $0x5FFFF;
	_ =	strace $0x90000046  }
0xb2: {  	s29 =	simm.s32 $0x9;
	_ =	strace $0x80000048  }
0xb3: {  	_ =	swait.ge [sflag:s29], $0x1  }
0xb4: {  	[sflag:s29] =	ssyncadd.s32 $0xFFFFFFFF  }
0xb5: {  	_ =	strace $0x90000048  }
0xb6: {  	_ =	sfence  }
0xb7: {  	s30 =	sld [smem:$0x0];
	_ =	sdelay $0x2  }
0xb8: {  	s31 =	sshll.u32 s1, $0xD;
	s1 =	sshrl.u32 s1, $0x2  }
0xb9: {  	s3 =	sand.u32 $0x4000, s31;
	s1 =	sadd.s32 s1, s30  }
0xba: {  	s0 =	sor.u32 s3, s0;
	s1 =	sshll.u32 s1, $0x11  }
0xbb: {  	s0 =	sor.u32 s1, s0  }
0xbc: {  	s0 =	sadd.s32 $0x8F2B, s0  }
0xbd: {  	[sflag:s0] =	ssyncadd.remote.s32 $0x1  }
0xbe: {  	_ =	sfence.sel $0xFFFF  }
0xbf: {  	[dreg:$0x0] =	wrdreg $0xFFFFFFFF;
	(pc) =	sbr.abs _section_cstart, $3  }
0xc0: {  	[dreg:$0x1] =	wrdreg $0xFFFFFFFF  }
0xc1: {  	_ =	task.clear_ibuf [dreg:s6], $0x2FFFF;
	_ =	strace $0x9FFFFFFF  }
0xc2: {  	(tm) =	ssettm $0x7FFFFFFF  }
0xc3: {  	_ =	shalt  }
tec
execute0_lowered:
.L_overlay_start_1:
0x0: {  	(tag) =	ssettag $0x1  }
0x1: {  	s4 =	rddreg [dreg:$0x0]  }
0x2: {  	s2 =	rddreg [dreg:$0x1];
	s3 =	srdreg.scid  }
0x3: {  	s1 =	stileid.u32;
	s0 =	rddreg [dreg:$0x2];
	s10 =	simm.s32 $0x64  }
0x4: {  	s11 =	simm.s32 $0x28A0;
	s14 =	simm.s32 $0x0;
	s5 =	sand.u32 $0x1, s3  }
0x5: {  	s6 =	smul.u32 $0x280, s1;
	s3 =	simm.s32 $0x0;
	s7 =	sshll.u32 s1, $0x1  }
0x6: {  	s12 =	sshll.u32 s1, $0x6;
	s8 =	smul.u32 $0x2800, s5;
	[smem:$0x7FF] =	sst s3  }
0x7: {  	s7 =	sor.u32 s5, s7;
	s5 =	ssub.s32 $0x2, s5;
	s12 =	sor.u32 $0x1C01, s12  }
0x8: {  	s7 =	smul.u32 $0x514, s7;
	s9 =	sshrl.u32 s5, $0x1;
	s8 =	sadd.s32 s6, s8  }
0x9: {  	_ =	strace $0x80000047;
	s9 =	ssub.s32 s5, s9;
	s8 =	sshrl.u32 s8, $0x3  }
0xa: {  	s7 =	sadd.s32 s7, s4;
	s8 =	sadd.s32 s8, s4;
	s4 =	sadd.s32 s6, s2  }
0xb: {  	s5 =	sadd.s32 $0xBA80, s7;
	s7 =	smax.u32 s9, $0x1;
	s9 =	simm.s32 $0x1  }
0xc: {  	v0 =	vimm.f32 $1.000000000e+00;
	v1 =	vimm.f32 $0.0e+00;
	s6 =	sadd.s32 $0x15E00, s8;
	s8 =	simm.s32 $0x2920;
	s13 =	sshrl.u32 s4, $0x3  }
.LBB2_1:
0xd: {  	[tilespmem:$0x28A0] =	vst v0  }
0xe: {  	[tilespmem:$0x28B0] =	vst v0  }
0xf: {  	[tilespmem:$0x28C0] =	vst v0  }
0x10: {  	[tilespmem:$0x28D0] =	vst v0  }
0x11: {  	[tilespmem:$0x28E0] =	vst v0  }
0x12: {  	[tilespmem:$0x28F0] =	vst v0  }
0x13: {  	[tilespmem:$0x2900] =	vst v0  }
0x14: {  	[tilespmem:$0x2910] =	vst v0  }
0x15: {  	[tilespmem:$0x2920] =	vst v1  }
0x16: {  	[tilespmem:$0x2930] =	vst v1  }
0x17: {  	[tilespmem:$0x2940] =	vst v1  }
0x18: {  	[tilespmem:$0x2950] =	vst v1  }
0x19: {  	[tilespmem:$0x2960] =	vst v1  }
0x1a: {  	[tilespmem:$0x2970] =	vst v1  }
0x1b: {  	[tilespmem:$0x2980] =	vst v1  }
0x1c: {  	[tilespmem:$0x2990] =	vst v1  }
0x1d: {  	[tilespmem:$0x29A0] =	vst v1  }
0x1e: {  	[tilespmem:$0x29B0] =	vst v1  }
0x1f: {  	[tilespmem:$0x29C0] =	vst v1  }
0x20: {  	[tilespmem:$0x29D0] =	vst v1  }
0x21: {  	[tilespmem:$0x29E0] =	vst v1  }
0x22: {  	[tilespmem:$0x29F0] =	vst v1  }
0x23: {  	[tilespmem:$0x2A00] =	vst v1  }
0x24: {  	[tilespmem:$0x2A10] =	vst v1  }
0x25: {  	[tilespmem:$0x2A20] =	vst v1  }
0x26: {  	[tilespmem:$0x2A30] =	vst v1  }
0x27: {  	[tilespmem:$0x2A40] =	vst v1  }
0x28: {  	[tilespmem:$0x2A50] =	vst v1  }
0x29: {  	[tilespmem:$0x2A60] =	vst v1  }
0x2a: {  	[tilespmem:$0x2A70] =	vst v1  }
0x2b: {  	[tilespmem:$0x2A80] =	vst v1  }
0x2c: {  	[tilespmem:$0x2A90] =	vst v1  }
0x2d: {  	[tilespmem:$0x2AA0] =	vst v1  }
0x2e: {  	[tilespmem:$0x2AB0] =	vst v1  }
0x2f: {  	[tilespmem:$0x2AC0] =	vst v1  }
0x30: {  	[tilespmem:$0x2AD0] =	vst v1  }
0x31: {  	[tilespmem:$0x2AE0] =	vst v1  }
0x32: {  	[tilespmem:$0x2AF0] =	vst v1  }
0x33: {  	[tilespmem:$0x2B00] =	vst v1  }
0x34: {  	[tilespmem:$0x2B10] =	vst v1  }
0x35: {  	[tilespmem:$0x2B20] =	vst v1  }
0x36: {  	[tilespmem:$0x2B30] =	vst v1  }
0x37: {  	[tilespmem:$0x2B40] =	vst v1  }
0x38: {  	[tilespmem:$0x2B50] =	vst v1  }
0x39: {  	[tilespmem:$0x2B60] =	vst v1  }
0x3a: {  	[tilespmem:$0x2B70] =	vst v1  }
0x3b: {  	[tilespmem:$0x2B80] =	vst v1  }
0x3c: {  	[tilespmem:$0x2B90] =	vst v1  }
0x3d: {  	[spmem:s4] =	stream.linear.scatter [tilespmem:s8], [sflag:$0x1], $0x280, $0x38;
	[tilespmem:$0x2E20] =	vst v63  }
0x3e: {  	_ =	swait.ge [sflag:s9], $0x280  }
0x3f: {  	[sflag:s9] =	ssyncset.done $0x0  }
0x40: {  	[sflag:s9] =	ssyncadd.s32 $0xFFFFFD80  }
0x41: {  	[bflag:$0x0] =	sbarrier.arrive $0xFFFF  }
0x42: {  	[tilespmem:s3], [sflag:$0x1] =	stream.linear.gather [hbm4b:s5+s3], $0x28A0, $0x38;
	[tilespmem:$0x2E20] =	vst v63  }
0x43: {  	_ =	swait.ge [sflag:s9], $0x28A0  }
0x44: {  	[sflag:s9] =	ssyncset.done $0x0  }
0x45: {  	s15 =	simm.s32 $0x0;
	[sflag:s9] =	ssyncadd.s32 $0xFFFFD760  }
0x46: {  	[spmem:s2] =	stream.indirect.scatter.add.f32 [tilespmem:s11], [sflag:$0x1], $0x1, s15, s10, $0xb8;
	[tilespmem:$0x2E20] =	vst v63  }
0x47: {  	_ =	swait.ge [sflag:s9], $0x64  }
0x48: {  	s15 =	simm.s32 $0x1A0;
	[sflag:s9] =	ssyncset.done $0x0  }
.LBB2_2:
0x49: {  	s16 =	sshra.s32 s15, $0x2;
	[sflag:s9] =	ssyncadd.s32 $0xFFFFFF9C;
	p0 =	sne.s32 s15, $0xA0E0  }
0x4a: {  	[spmem:s2] =	stream.indirect.scatter.add.f32 [tilespmem:s11], [sflag:$0x1], $0x1, s16, s10, $0xb8;
	[tilespmem:$0x2E20] =	vst v63  }
.Ltmp0:
0x4b: {  	_ = 	snop;
	(pc) =	sbr.rel @p0 .LBB2_2-.Ltmp0, $4  }
0x4c: {  	_ = 	snop  }
0x4d: {  	s15 =	sadd.s32 $0x1A0, s15  }
0x4e: {  	_ =	swait.ge [sflag:s9], $0x64  }
0x4f: {  	[sflag:s9] =	ssyncset.done $0x0  }
0x50: {  	s14 =	sadd.s32 $0x1, s14  }
0x51: {  	[sflag:s9] =	ssyncadd.s32 $0xFFFFFF9C;
	p0 =	sne.s32 s14, s7  }
.Ltmp1:
0x52: {  	[bflag:$0x0] =	sbarrier.arrive $0xFFFF;
	(pc) =	sbr.rel @p0 .LBB2_1-.Ltmp1, $4  }
0x53: {  	[hbm:s6], [sflag:s12] =	dma.local [spmem:s13], $0x50  }
0x54: {  	_ =	swait.ge [sflag:s9], $0x50  }
0x55: {  	[sflag:s9] =	ssyncset.done $0x0  }
0x56: {  	[sflag:s9] =	ssyncadd.s32 $0xFFFFFFB0  }
0x57: {  	_ =	sfence.sel $0x180000  }
0x58: {  	[bflag:$0x0] =	sbarrier.arrive $0xFFFF  }
0x59: {  	p0 =	sne.s32 s1, $0x0;
	_ =	strace $0x90000047  }
0x5a: {  	s0 =	sadd.s32 @!p0 $0x100000, s0;
	[bflag:$0x2] =	sbarrier.arrive $0xFFFF  }
0x5b: {  	[sflag:s0] =	ssyncadd.tile.s32 @!p0 $0x1;
	_ =	shalt  }
.Lfunc_end2:
_tile_overlayer_lowered:
.L_overlay_start_2:
0x5c: {  	(tag) =	ssettag $0x2  }
0x5d: {  	s0 =	rddreg [dreg:$0x0];
	s2 =	stileid.u32  }
0x5e: {  	s1 =	rddreg [dreg:$0x1];
	p0 =	sne.s32 s2, $0x0  }
0x5f: {  	s3 =	rddreg [dreg:$0x2];
	[bflag:$0x3] =	sbarrier.arrive $0xFFFF;
	s2 =	simm.s32 @!p0 $0x1C01  }
0x60: {  	[timem:s3], [sflag:s2] =	dma.local @!p0 [hbm:s0], s1  }
0x61: {  	s0 =	simm.s32 @!p0 $0x1  }
0x62: {  	_ =	swait.ge @!p0 [sflag:s0], s1  }
0x63: {  	s1 =	ssub.s32 @!p0 $0x0, s1;
	[sflag:s0] =	ssyncset.done @!p0 $0x0  }
0x64: {  	[sflag:s0] =	ssyncadd.s32 @!p0 s1  }
0x65: {  	[bflag:$0x3] =	sbarrier.arrive $0xFFFF  }
0x66: {  	_ =	shalt  }

</sc_bundles>
